<compile_context>
chip_gen: v7x
topology: tpu7x:2x2x1
jax: 0.10.2.dev20260603
libtpu: 0.0.44.dev20260713+nightly
codegen_flags: <defaults>
</compile_context>

<pallas_src>
import functools

import jax
import jax.numpy as jnp
from jax import lax
from jax.experimental import pallas as pl
from jax.experimental.pallas import tpu as pltpu
from jax.experimental.pallas import tpu_sc as plsc

_LANES = 128
_BLK = 256
_KG = 4


def _make_sc_deg(n_pad, n_chunks):
    mesh = plsc.VectorSubcoreMesh(core_axis_name="c", subcore_axis_name="s")
    rows_per_tile = n_pad // 16
    assert n_chunks % _KG == 0

    @functools.partial(
        pl.kernel,
        out_type=jax.ShapeDtypeStruct((2, n_pad, _LANES), jnp.float32),
        mesh=mesh,
        scratch_types=(
            [pltpu.VMEM_SHARED((n_pad, _LANES), jnp.float32)]
            + [pltpu.VMEM((_LANES,), jnp.int32) for _ in range(4)]
            + [pltpu.VMEM((_LANES, _LANES), jnp.float32)]
            + [pltpu.SemaphoreType.DMA for _ in range(4)]
        ),
    )
    def deg(dst_hbm, zeros_hbm, ones_hbm, out_hbm, acc,
            db0, db1, db2, db3, ones_v, is0, is1, is2, is3):
        c = lax.axis_index("c")
        s = lax.axis_index("s")
        row0 = s * rows_per_tile
        my_dst = dst_hbm.at[c, s]
        dstbs = (db0, db1, db2, db3)
        isems = (is0, is1, is2, is3)

        def issue_idx(j, q):
            pltpu.async_copy(my_dst.at[j], dstbs[q], isems[q])

        def wait_idx(q):
            pltpu.make_async_copy(my_dst.at[0], dstbs[q], isems[q]).wait()

        for q in range(4):
            issue_idx(q, q)
        pltpu.sync_copy(zeros_hbm.at[pl.ds(row0, rows_per_tile)],
                        acc.at[pl.ds(row0, rows_per_tile)])
        pltpu.sync_copy(ones_hbm, ones_v)
        plsc.subcore_barrier()

        def body(b, carry):
            for q in range(4):
                j = 4 * b + q
                wait_idx(q)
                pltpu.sync_copy(ones_v, acc.at[dstbs[q]], add=True)
                issue_idx(j + 4, q)
            return carry

        lax.fori_loop(0, n_chunks // 4, body, 0)
        for q in range(4):
            wait_idx(q)
        plsc.subcore_barrier()
        pltpu.sync_copy(acc.at[pl.ds(row0, rows_per_tile)],
                        out_hbm.at[c, pl.ds(row0, rows_per_tile)])

    return deg


def _make_sc_agg(n_pad, width, n_chunks, edge_split):
    mesh = plsc.VectorSubcoreMesh(core_axis_name="c", subcore_axis_name="s")
    rows_per_tile = n_pad // 16
    assert n_chunks % _KG == 0 and n_chunks >= 8

    @functools.partial(
        pl.kernel,
        out_type=jax.ShapeDtypeStruct((2, n_pad, width), jnp.float32),
        mesh=mesh,
        scratch_types=(
            [pltpu.VMEM_SHARED((n_pad, width), jnp.float32)]
            + [pltpu.VMEM((_LANES,), jnp.int32) for _ in range(8)]
            + [pltpu.VMEM((2, _LANES, width), jnp.float32)]
            + [pltpu.SemaphoreType.DMA for _ in range(6)]
        ),
    )
    def agg(g_hbm, src_hbm, dst_hbm, out_hbm, acc,
            sb0, sb1, sb2, sb3, db0, db1, db2, db3, rows_v,
            gs0, gs1, is0, is1, is2, is3):
        c = lax.axis_index("c")
        s = lax.axis_index("s")
        row0 = s * rows_per_tile
        gather_src = g_hbm if edge_split else g_hbm.at[c]
        init_src = (g_hbm.at[pl.ds(row0, rows_per_tile)] if edge_split
                    else g_hbm.at[c, pl.ds(row0, rows_per_tile)])
        my_src = src_hbm.at[c, s] if edge_split else src_hbm.at[s]
        my_dst = dst_hbm.at[c, s] if edge_split else dst_hbm.at[s]
        srcbs = (sb0, sb1, sb2, sb3)
        dstbs = (db0, db1, db2, db3)
        gsems = (gs0, gs1)
        isems = (is0, is1, is2, is3)

        def issue_idx(j, q):
            pltpu.async_copy(my_src.at[j], srcbs[q], isems[q])
            pltpu.async_copy(my_dst.at[j], dstbs[q], isems[q])

        def wait_idx(q):
            pltpu.make_async_copy(my_src.at[0], srcbs[q], isems[q]).wait()
            pltpu.make_async_copy(my_dst.at[0], dstbs[q], isems[q]).wait()

        def issue_gather(q, p):
            pltpu.async_copy(gather_src.at[srcbs[q]], rows_v.at[p], gsems[p])

        def wait_gather(q, p):
            pltpu.make_async_copy(gather_src.at[srcbs[q]], rows_v.at[p],
                                  gsems[p]).wait()

        for q in range(4):
            issue_idx(q, q)
        pltpu.sync_copy(init_src, acc.at[pl.ds(row0, rows_per_tile)])
        plsc.subcore_barrier()
        for j in range(2):
            wait_idx(j)
            issue_gather(j, j)

        def body(b, carry):
            for q in range(4):
                j = 4 * b + q
                p = q % 2
                wait_gather(q, p)
                pltpu.sync_copy(rows_v.at[p], acc.at[dstbs[q]], add=True)
                issue_idx(j + 4, q)
                wait_idx((q + 2) % 4)
                issue_gather((q + 2) % 4, p)
            return carry

        lax.fori_loop(0, n_chunks // 4 - 1, body, 0)
        for q in range(4):
            p = q % 2
            wait_gather(q, p)
            pltpu.sync_copy(rows_v.at[p], acc.at[dstbs[q]], add=True)
            if q < 2:
                wait_idx(q + 2)
                issue_gather(q + 2, p)
        plsc.subcore_barrier()
        pltpu.sync_copy(acc.at[pl.ds(row0, rows_per_tile)],
                        out_hbm.at[c, pl.ds(row0, rows_per_tile)])

    return agg


def _tc_first(x_p, w1, cnt):
    n_pad, din = x_p.shape
    h = w1.shape[1]
    hh = h // 2
    grid = (n_pad // _BLK,)

    def body(x_ref, w_ref, cnt_ref, g_ref, dis_ref):
        cb = cnt_ref[0] + cnt_ref[1]
        disb = lax.rsqrt(cb + 1.0)
        hm = jnp.dot(x_ref[...], w_ref[...], preferred_element_type=jnp.float32)
        g_ref[0] = hm[:, :hh] * disb
        g_ref[1] = hm[:, hh:] * disb
        dis_ref[...] = disb

    return pl.pallas_call(
        body,
        grid=grid,
        in_specs=[
            pl.BlockSpec((_BLK, din), lambda i: (i, 0)),
            pl.BlockSpec((din, h), lambda i: (0, 0)),
            pl.BlockSpec((2, _BLK, _LANES), lambda i: (0, i, 0)),
        ],
        out_specs=[
            pl.BlockSpec((2, _BLK, hh), lambda i: (0, i, 0)),
            pl.BlockSpec((_BLK, _LANES), lambda i: (i, 0)),
        ],
        out_shape=[
            jax.ShapeDtypeStruct((2, n_pad, hh), jnp.float32),
            jax.ShapeDtypeStruct((n_pad, _LANES), jnp.float32),
        ],
    )(x_p, w1, cnt)


def _tc_mid(q1, dis, b1r, w2r):
    n_pad = q1.shape[1]
    hh = q1.shape[2]
    dout = w2r.shape[2]
    grid = (n_pad // _BLK,)

    def body(q_ref, dis_ref, b_ref, w_ref, g_ref):
        disb = dis_ref[...]
        z0 = jnp.maximum(q_ref[0] * disb + b_ref[0:1, :hh], 0.0)
        z1 = jnp.maximum(q_ref[1] * disb + b_ref[0:1, hh:], 0.0)
        g_ref[...] = (
            jnp.dot(z0 * disb, w_ref[0], preferred_element_type=jnp.float32)
            + jnp.dot(z1 * disb, w_ref[1], preferred_element_type=jnp.float32))

    return pl.pallas_call(
        body,
        grid=grid,
        in_specs=[
            pl.BlockSpec((2, _BLK, hh), lambda i: (0, i, 0)),
            pl.BlockSpec((_BLK, _LANES), lambda i: (i, 0)),
            pl.BlockSpec((8, 2 * hh), lambda i: (0, 0)),
            pl.BlockSpec((2, hh, dout), lambda i: (0, 0, 0)),
        ],
        out_specs=pl.BlockSpec((_BLK, dout), lambda i: (i, 0)),
        out_shape=jax.ShapeDtypeStruct((n_pad, dout), jnp.float32),
    )(q1, dis, b1r, w2r)


def _tc_last(q2, g2, dis, b2r):
    n_pad = q2.shape[1]
    dout = q2.shape[2]
    grid = (n_pad // _BLK,)

    def body(q_ref, g_ref, dis_ref, b_ref, o_ref):
        z = q_ref[0] + q_ref[1] - g_ref[...]
        z = z * dis_ref[...] + b_ref[0:1, :]
        n2 = jnp.sum(z * z, axis=1, keepdims=True)
        o_ref[...] = z / jnp.maximum(jnp.sqrt(n2), 1e-12)

    return pl.pallas_call(
        body,
        grid=grid,
        in_specs=[
            pl.BlockSpec((2, _BLK, dout), lambda i: (0, i, 0)),
            pl.BlockSpec((_BLK, dout), lambda i: (i, 0)),
            pl.BlockSpec((_BLK, _LANES), lambda i: (i, 0)),
            pl.BlockSpec((8, dout), lambda i: (0, 0)),
        ],
        out_specs=pl.BlockSpec((_BLK, dout), lambda i: (i, 0)),
        out_shape=jax.ShapeDtypeStruct((n_pad, dout), jnp.float32),
    )(q2, g2, dis, b2r)


def _chunk_edges(idx, n_parts, pad_val):
    e = idx.shape[0]
    chunks_pp = -(-e // (n_parts * _LANES))
    chunks_pp = ((chunks_pp + _KG - 1) // _KG) * _KG
    ep = n_parts * chunks_pp * _LANES
    arr = jnp.concatenate(
        [idx, jnp.full((ep - e,), pad_val, jnp.int32)]
    ).reshape(n_parts, chunks_pp, _LANES)
    dummy = jnp.zeros((n_parts, _KG, _LANES), jnp.int32)
    return jnp.concatenate([arr, dummy], axis=1), chunks_pp


def kernel(x, edge_index, W1, b1, W2, b2):
    n, din = x.shape
    e = edge_index.shape[1]
    h = W1.shape[1]
    dout = W2.shape[1]
    n_pad = ((n + _BLK - 1) // _BLK) * _BLK

    src, dst = edge_index[0], edge_index[1]

    src1, c1n = _chunk_edges(src, 16, 0)
    dst1, _ = _chunk_edges(dst, 16, n)
    src2, c2n = _chunk_edges(src, 32, 0)
    dst2, _ = _chunk_edges(dst, 32, n)
    src2 = src2.reshape(2, 16, -1, _LANES)
    dst2 = dst2.reshape(2, 16, -1, _LANES)

    x_p = jnp.pad(x, ((0, n_pad - n), (0, 0)))
    zeros_w = jnp.zeros((n_pad, _LANES), jnp.float32)
    ones_w = jnp.ones((_LANES, _LANES), jnp.float32)

    cnt = _make_sc_deg(n_pad, c2n)(dst2, zeros_w, ones_w)
    g1, dis = _tc_first(x_p, W1, cnt)
    q1 = _make_sc_agg(n_pad, h // 2, c1n, False)(g1, src1, dst1)
    g2 = _tc_mid(q1, dis,
                 jnp.broadcast_to(b1.reshape(1, h), (8, h)),
                 W2.reshape(2, h // 2, dout))
    q2 = _make_sc_agg(n_pad, dout, c2n, True)(g2, src2, dst2)
    out = _tc_last(q2, g2, dis, jnp.broadcast_to(b2.reshape(1, dout), (8, dout)))
    return out[:n]

# --- scband reference (transcript-rebuilt; emitter-appended) ---
"""Pipeline reference for scband-few-shot-gnn-4784593568171 (READ-ONLY COPY).

The authoritative reference and input builder live on the scoring server;
editing this copy changes nothing except your own understanding.
"""

import jax, jax.numpy as jnp
import numpy as np


def gcn_conv(x, src, dst, W, b, num_nodes):
    # symmetric normalization with self-loops already appended in (src, dst)
    ew = jnp.ones(src.shape[0], dtype=x.dtype)
    deg = jnp.zeros((num_nodes,), dtype=x.dtype).at[dst].add(ew)
    deg_inv_sqrt = jnp.where(deg > 0, jax.lax.rsqrt(jnp.maximum(deg, 1e-12)), 0.0)
    norm = deg_inv_sqrt[src] * ew * deg_inv_sqrt[dst]
    h = x @ W
    msg = h[src] * norm[:, None]
    out = jnp.zeros((num_nodes, h.shape[1]), dtype=x.dtype).at[dst].add(msg)
    return out + b


def setup_inputs(seed: int = 0) -> dict:
    key = jax.random.key(seed)
    ks = jax.random.split(key, 6)
    N, E, Din, H, Dout = 10000, 320000, 128, 256, 128
    x = jax.random.normal(ks[0], (N, Din), dtype=jnp.float32)
    edge_index = jax.random.randint(ks[1], (2, E), 0, N, dtype=jnp.int32)
    # glorot-style init for GCN linear layers
    W1 = jax.random.normal(ks[2], (Din, H), dtype=jnp.float32) * (1.0 / np.sqrt(Din))
    b1 = jnp.zeros((H,), dtype=jnp.float32)
    W2 = jax.random.normal(ks[3], (H, Dout), dtype=jnp.float32) * (1.0 / np.sqrt(H))
    b2 = jnp.zeros((Dout,), dtype=jnp.float32)
    return {"x": x, "edge_index": edge_index, "W1": W1, "b1": b1, "W2": W2, "b2": b2}


def reference(x, edge_index, W1, b1, W2, b2):
    N = x.shape[0]
    loop = jnp.arange(N, dtype=edge_index.dtype)
    src = jnp.concatenate([edge_index[0], loop])
    dst = jnp.concatenate([edge_index[1], loop])
    h = gcn_conv(x, src, dst, W1, b1, N)
    h = jax.nn.relu(h)
    # dropout is identity in eval mode
    h = gcn_conv(h, src, dst, W2, b2, N)
    # F.normalize(p=2, dim=1)
    nrm = jnp.sqrt(jnp.sum(h * h, axis=1, keepdims=True))
    h = h / jnp.maximum(nrm, 1e-12)
    return h

if __name__ == "__main__":
    import jax
    _d = setup_inputs()
    print(jax.jit(kernel)(*tuple(_d.values())))

</pallas_src>

<mosaic_0001>
#map = affine_map<(d0, d1) -> (0, 0, 0, 0)>
#map1 = affine_map<(d0, d1) -> (0, 0)>
#map2 = affine_map<(d0, d1) -> (0, 0, 0)>
module attributes {stable_mosaic.version = 14 : i64} {
  func.func @deg(%arg0: i32, %arg1: i32, %arg2: memref<2x16x84x128xi32, #tpu.memory_space<hbm>>, %arg3: memref<10240x128xf32, #tpu.memory_space<hbm>>, %arg4: memref<128x128xf32, #tpu.memory_space<hbm>>, %arg5: memref<2x10240x128xf32, #tpu.memory_space<hbm>>, %arg6: memref<10240x128xf32, #tpu.memory_space<vmem_shared>>, %arg7: memref<128xi32, #tpu.memory_space<vmem>>, %arg8: memref<128xi32, #tpu.memory_space<vmem>>, %arg9: memref<128xi32, #tpu.memory_space<vmem>>, %arg10: memref<128xi32, #tpu.memory_space<vmem>>, %arg11: memref<128x128xf32, #tpu.memory_space<vmem>>, %arg12: memref<!tpu.dma_semaphore, #tpu.memory_space<semaphore_mem>>, %arg13: memref<!tpu.dma_semaphore, #tpu.memory_space<semaphore_mem>>, %arg14: memref<!tpu.dma_semaphore, #tpu.memory_space<semaphore_mem>>, %arg15: memref<!tpu.dma_semaphore, #tpu.memory_space<semaphore_mem>>) attributes {dimension_semantics = [#tpu.dimension_semantics<core_parallel>, #tpu.dimension_semantics<subcore_parallel>], iteration_bounds = array<i64: 2, 16>, scalar_prefetch = 0 : i64, scratch_operands = 10 : i64, tpu.core_type = #tpu.core_type<sc_vector_subcore>, window_params = [{transform_indices = #map}, {transform_indices = #map1}, {transform_indices = #map1}, {transform_indices = #map2}]} {
    %mul3A = arith.constant 640 : i32
    %mul3A_0 = arith.muli %arg1, %mul3A : i32
    %dma_start3A = arith.constant 0 : i32
    %dma_start3A_1 = arith.constant 0 : i32
    %dma_start3A_2 = arith.constant 0 : i32
    %dma_start3A_3 = tpu.memref_slice %arg2[%arg0, %arg1, %dma_start3A_1, %dma_start3A_2] : memref<2x16x84x128xi32, #tpu.memory_space<hbm>> -> memref<1x1x84x128xi32, #tpu.memory_space<hbm>>
    %dma_start3A_4 = tpu.memref_squeeze %dma_start3A_3 : memref<1x1x84x128xi32, #tpu.memory_space<hbm>> -> memref<84x128xi32, #tpu.memory_space<hbm>>
    %dma_start3A_5 = arith.constant 0 : i32
    %dma_start3A_6 = tpu.memref_slice %dma_start3A_4[%dma_start3A, %dma_start3A_5] : memref<84x128xi32, #tpu.memory_space<hbm>> -> memref<1x128xi32, #tpu.memory_space<hbm>>
    %dma_start3A_7 = tpu.memref_squeeze %dma_start3A_6 : memref<1x128xi32, #tpu.memory_space<hbm>> -> memref<128xi32, #tpu.memory_space<hbm>>
    %dma_start3A_8 = arith.constant 0 : i32
    %dma_start3A_9 = arith.constant 0 : i32
    %dma_start3A_10 = tpu.memref_slice %arg2[%arg0, %arg1, %dma_start3A_8, %dma_start3A_9] : memref<2x16x84x128xi32, #tpu.memory_space<hbm>> -> memref<1x1x84x128xi32, #tpu.memory_space<hbm>>
    %dma_start3A_11 = tpu.memref_squeeze %dma_start3A_10 : memref<1x1x84x128xi32, #tpu.memory_space<hbm>> -> memref<84x128xi32, #tpu.memory_space<hbm>>
    %dma_start3A_12 = arith.constant 0 : i32
    %dma_start3A_13 = tpu.memref_slice %dma_start3A_11[%dma_start3A, %dma_start3A_12] : memref<84x128xi32, #tpu.memory_space<hbm>> -> memref<1x128xi32, #tpu.memory_space<hbm>>
    %dma_start3A_14 = tpu.memref_squeeze %dma_start3A_13 : memref<1x128xi32, #tpu.memory_space<hbm>> -> memref<128xi32, #tpu.memory_space<hbm>>
    tpu.enqueue_dma source(%dma_start3A_14 : memref<128xi32, #tpu.memory_space<hbm>>) target(%arg7 : memref<128xi32, #tpu.memory_space<vmem>>) target_semaphore(%arg12 : memref<!tpu.dma_semaphore, #tpu.memory_space<semaphore_mem>>)
    %dma_start3A_15 = arith.constant 1 : i32
    %dma_start3A_16 = arith.constant 0 : i32
    %dma_start3A_17 = arith.constant 0 : i32
    %dma_start3A_18 = tpu.memref_slice %arg2[%arg0, %arg1, %dma_start3A_16, %dma_start3A_17] : memref<2x16x84x128xi32, #tpu.memory_space<hbm>> -> memref<1x1x84x128xi32, #tpu.memory_space<hbm>>
    %dma_start3A_19 = tpu.memref_squeeze %dma_start3A_18 : memref<1x1x84x128xi32, #tpu.memory_space<hbm>> -> memref<84x128xi32, #tpu.memory_space<hbm>>
    %dma_start3A_20 = arith.constant 0 : i32
    %dma_start3A_21 = tpu.memref_slice %dma_start3A_19[%dma_start3A_15, %dma_start3A_20] : memref<84x128xi32, #tpu.memory_space<hbm>> -> memref<1x128xi32, #tpu.memory_space<hbm>>
    %dma_start3A_22 = tpu.memref_squeeze %dma_start3A_21 : memref<1x128xi32, #tpu.memory_space<hbm>> -> memref<128xi32, #tpu.memory_space<hbm>>
    %dma_start3A_23 = arith.constant 0 : i32
    %dma_start3A_24 = arith.constant 0 : i32
    %dma_start3A_25 = tpu.memref_slice %arg2[%arg0, %arg1, %dma_start3A_23, %dma_start3A_24] : memref<2x16x84x128xi32, #tpu.memory_space<hbm>> -> memref<1x1x84x128xi32, #tpu.memory_space<hbm>>
    %dma_start3A_26 = tpu.memref_squeeze %dma_start3A_25 : memref<1x1x84x128xi32, #tpu.memory_space<hbm>> -> memref<84x128xi32, #tpu.memory_space<hbm>>
    %dma_start3A_27 = arith.constant 0 : i32
    %dma_start3A_28 = tpu.memref_slice %dma_start3A_26[%dma_start3A_15, %dma_start3A_27] : memref<84x128xi32, #tpu.memory_space<hbm>> -> memref<1x128xi32, #tpu.memory_space<hbm>>
    %dma_start3A_29 = tpu.memref_squeeze %dma_start3A_28 : memref<1x128xi32, #tpu.memory_space<hbm>> -> memref<128xi32, #tpu.memory_space<hbm>>
    tpu.enqueue_dma source(%dma_start3A_29 : memref<128xi32, #tpu.memory_space<hbm>>) target(%arg8 : memref<128xi32, #tpu.memory_space<vmem>>) target_semaphore(%arg13 : memref<!tpu.dma_semaphore, #tpu.memory_space<semaphore_mem>>)
    %dma_start3A_30 = arith.constant 2 : i32
    %dma_start3A_31 = arith.constant 0 : i32
    %dma_start3A_32 = arith.constant 0 : i32
    %dma_start3A_33 = tpu.memref_slice %arg2[%arg0, %arg1, %dma_start3A_31, %dma_start3A_32] : memref<2x16x84x128xi32, #tpu.memory_space<hbm>> -> memref<1x1x84x128xi32, #tpu.memory_space<hbm>>
    %dma_start3A_34 = tpu.memref_squeeze %dma_start3A_33 : memref<1x1x84x128xi32, #tpu.memory_space<hbm>> -> memref<84x128xi32, #tpu.memory_space<hbm>>
    %dma_start3A_35 = arith.constant 0 : i32
    %dma_start3A_36 = tpu.memref_slice %dma_start3A_34[%dma_start3A_30, %dma_start3A_35] : memref<84x128xi32, #tpu.memory_space<hbm>> -> memref<1x128xi32, #tpu.memory_space<hbm>>
    %dma_start3A_37 = tpu.memref_squeeze %dma_start3A_36 : memref<1x128xi32, #tpu.memory_space<hbm>> -> memref<128xi32, #tpu.memory_space<hbm>>
    %dma_start3A_38 = arith.constant 0 : i32
    %dma_start3A_39 = arith.constant 0 : i32
    %dma_start3A_40 = tpu.memref_slice %arg2[%arg0, %arg1, %dma_start3A_38, %dma_start3A_39] : memref<2x16x84x128xi32, #tpu.memory_space<hbm>> -> memref<1x1x84x128xi32, #tpu.memory_space<hbm>>
    %dma_start3A_41 = tpu.memref_squeeze %dma_start3A_40 : memref<1x1x84x128xi32, #tpu.memory_space<hbm>> -> memref<84x128xi32, #tpu.memory_space<hbm>>
    %dma_start3A_42 = arith.constant 0 : i32
    %dma_start3A_43 = tpu.memref_slice %dma_start3A_41[%dma_start3A_30, %dma_start3A_42] : memref<84x128xi32, #tpu.memory_space<hbm>> -> memref<1x128xi32, #tpu.memory_space<hbm>>
    %dma_start3A_44 = tpu.memref_squeeze %dma_start3A_43 : memref<1x128xi32, #tpu.memory_space<hbm>> -> memref<128xi32, #tpu.memory_space<hbm>>
    tpu.enqueue_dma source(%dma_start3A_44 : memref<128xi32, #tpu.memory_space<hbm>>) target(%arg9 : memref<128xi32, #tpu.memory_space<vmem>>) target_semaphore(%arg14 : memref<!tpu.dma_semaphore, #tpu.memory_space<semaphore_mem>>)
    %dma_start3A_45 = arith.constant 3 : i32
    %dma_start3A_46 = arith.constant 0 : i32
    %dma_start3A_47 = arith.constant 0 : i32
    %dma_start3A_48 = tpu.memref_slice %arg2[%arg0, %arg1, %dma_start3A_46, %dma_start3A_47] : memref<2x16x84x128xi32, #tpu.memory_space<hbm>> -> memref<1x1x84x128xi32, #tpu.memory_space<hbm>>
    %dma_start3A_49 = tpu.memref_squeeze %dma_start3A_48 : memref<1x1x84x128xi32, #tpu.memory_space<hbm>> -> memref<84x128xi32, #tpu.memory_space<hbm>>
    %dma_start3A_50 = arith.constant 0 : i32
    %dma_start3A_51 = tpu.memref_slice %dma_start3A_49[%dma_start3A_45, %dma_start3A_50] : memref<84x128xi32, #tpu.memory_space<hbm>> -> memref<1x128xi32, #tpu.memory_space<hbm>>
    %dma_start3A_52 = tpu.memref_squeeze %dma_start3A_51 : memref<1x128xi32, #tpu.memory_space<hbm>> -> memref<128xi32, #tpu.memory_space<hbm>>
    %dma_start3A_53 = arith.constant 0 : i32
    %dma_start3A_54 = arith.constant 0 : i32
    %dma_start3A_55 = tpu.memref_slice %arg2[%arg0, %arg1, %dma_start3A_53, %dma_start3A_54] : memref<2x16x84x128xi32, #tpu.memory_space<hbm>> -> memref<1x1x84x128xi32, #tpu.memory_space<hbm>>
    %dma_start3A_56 = tpu.memref_squeeze %dma_start3A_55 : memref<1x1x84x128xi32, #tpu.memory_space<hbm>> -> memref<84x128xi32, #tpu.memory_space<hbm>>
    %dma_start3A_57 = arith.constant 0 : i32
    %dma_start3A_58 = tpu.memref_slice %dma_start3A_56[%dma_start3A_45, %dma_start3A_57] : memref<84x128xi32, #tpu.memory_space<hbm>> -> memref<1x128xi32, #tpu.memory_space<hbm>>
    %dma_start3A_59 = tpu.memref_squeeze %dma_start3A_58 : memref<1x128xi32, #tpu.memory_space<hbm>> -> memref<128xi32, #tpu.memory_space<hbm>>
    tpu.enqueue_dma source(%dma_start3A_59 : memref<128xi32, #tpu.memory_space<hbm>>) target(%arg10 : memref<128xi32, #tpu.memory_space<vmem>>) target_semaphore(%arg15 : memref<!tpu.dma_semaphore, #tpu.memory_space<semaphore_mem>>)
    "tpu.region"() ({
      %run_scoped3A = tpu.sem_alloc : memref<!tpu.dma_semaphore, #tpu.memory_space<semaphore_mem>>
      %dma_start3A_125 = arith.constant 0 : i32
      %dma_start3A_126 = tpu.memref_slice %arg6[%mul3A_0, %dma_start3A_125] : memref<10240x128xf32, #tpu.memory_space<vmem_shared>> -> memref<640x128xf32, #tpu.memory_space<vmem_shared>>
      %dma_start3A_127 = arith.constant 0 : i32
      %dma_start3A_128 = tpu.memref_slice %arg3[%mul3A_0, %dma_start3A_127] : memref<10240x128xf32, #tpu.memory_space<hbm>> -> memref<640x128xf32, #tpu.memory_space<hbm>>
      tpu.enqueue_dma source(%dma_start3A_128 : memref<640x128xf32, #tpu.memory_space<hbm>>) target(%dma_start3A_126 : memref<640x128xf32, #tpu.memory_space<vmem_shared>>) target_semaphore(%run_scoped3A : memref<!tpu.dma_semaphore, #tpu.memory_space<semaphore_mem>>)
      %dma_wait3A_129 = arith.constant 0 : i32
      %dma_wait3A_130 = tpu.memref_slice %arg6[%mul3A_0, %dma_wait3A_129] : memref<10240x128xf32, #tpu.memory_space<vmem_shared>> -> memref<640x128xf32, #tpu.memory_space<vmem_shared>>
      %dma_wait3A_131 = arith.constant 0 : i32
      %dma_wait3A_132 = tpu.memref_slice %arg3[%mul3A_0, %dma_wait3A_131] : memref<10240x128xf32, #tpu.memory_space<hbm>> -> memref<640x128xf32, #tpu.memory_space<hbm>>
      tpu.wait_dma2 semaphore(%run_scoped3A : memref<!tpu.dma_semaphore, #tpu.memory_space<semaphore_mem>>) src(%dma_wait3A_132 : memref<640x128xf32, #tpu.memory_space<hbm>>) dst(%dma_wait3A_130 : memref<640x128xf32, #tpu.memory_space<vmem_shared>>)
      tpu.yield
    }) : () -> ()
    "tpu.region"() ({
      %run_scoped3A = tpu.sem_alloc : memref<!tpu.dma_semaphore, #tpu.memory_space<semaphore_mem>>
      tpu.enqueue_dma source(%arg4 : memref<128x128xf32, #tpu.memory_space<hbm>>) target(%arg11 : memref<128x128xf32, #tpu.memory_space<vmem>>) target_semaphore(%run_scoped3A : memref<!tpu.dma_semaphore, #tpu.memory_space<semaphore_mem>>)
      tpu.wait_dma2 semaphore(%run_scoped3A : memref<!tpu.dma_semaphore, #tpu.memory_space<semaphore_mem>>) src(%arg4 : memref<128x128xf32, #tpu.memory_space<hbm>>) dst(%arg11 : memref<128x128xf32, #tpu.memory_space<vmem>>)
      tpu.yield
    }) : () -> ()
    %barrier3A = arith.constant 0 : index
    tpu.barrier barrier_id(%barrier3A)
    %scan3A = arith.constant 0 : i32
    %scan3A_60 = arith.constant 0 : i32
    %scan3A_61 = arith.constant 20 : i32
    %scan3A_62 = arith.addi %scan3A_60, %scan3A_61 : i32
    %scan3A_63 = arith.constant 1 : i32
    scf.for %scan3A_125 = %scan3A_60 to %scan3A_62 step %scan3A_63  : i32 {
      %mul3A_126 = arith.constant 4 : i32
      %mul3A_127 = arith.muli %mul3A_126, %scan3A_125 : i32
      %add3A = arith.constant 0 : i32
      %add3A_128 = arith.addi %mul3A_127, %add3A : i32
      %dma_wait3A_129 = arith.constant 0 : i32
      %dma_wait3A_130 = arith.constant 0 : i32
      %dma_wait3A_131 = arith.constant 0 : i32
      %dma_wait3A_132 = tpu.memref_slice %arg2[%arg0, %arg1, %dma_wait3A_130, %dma_wait3A_131] : memref<2x16x84x128xi32, #tpu.memory_space<hbm>> -> memref<1x1x84x128xi32, #tpu.memory_space<hbm>>
      %dma_wait3A_133 = tpu.memref_squeeze %dma_wait3A_132 : memref<1x1x84x128xi32, #tpu.memory_space<hbm>> -> memref<84x128xi32, #tpu.memory_space<hbm>>
      %dma_wait3A_134 = arith.constant 0 : i32
      %dma_wait3A_135 = tpu.memref_slice %dma_wait3A_133[%dma_wait3A_129, %dma_wait3A_134] : memref<84x128xi32, #tpu.memory_space<hbm>> -> memref<1x128xi32, #tpu.memory_space<hbm>>
      %dma_wait3A_136 = tpu.memref_squeeze %dma_wait3A_135 : memref<1x128xi32, #tpu.memory_space<hbm>> -> memref<128xi32, #tpu.memory_space<hbm>>
      %dma_wait3A_137 = arith.constant 0 : i32
      %dma_wait3A_138 = arith.constant 0 : i32
      %dma_wait3A_139 = tpu.memref_slice %arg2[%arg0, %arg1, %dma_wait3A_137, %dma_wait3A_138] : memref<2x16x84x128xi32, #tpu.memory_space<hbm>> -> memref<1x1x84x128xi32, #tpu.memory_space<hbm>>
      %dma_wait3A_140 = tpu.memref_squeeze %dma_wait3A_139 : memref<1x1x84x128xi32, #tpu.memory_space<hbm>> -> memref<84x128xi32, #tpu.memory_space<hbm>>
      %dma_wait3A_141 = arith.constant 0 : i32
      %dma_wait3A_142 = tpu.memref_slice %dma_wait3A_140[%dma_wait3A_129, %dma_wait3A_141] : memref<84x128xi32, #tpu.memory_space<hbm>> -> memref<1x128xi32, #tpu.memory_space<hbm>>
      %dma_wait3A_143 = tpu.memref_squeeze %dma_wait3A_142 : memref<1x128xi32, #tpu.memory_space<hbm>> -> memref<128xi32, #tpu.memory_space<hbm>>
      tpu.wait_dma2 semaphore(%arg12 : memref<!tpu.dma_semaphore, #tpu.memory_space<semaphore_mem>>) src(%dma_wait3A_143 : memref<128xi32, #tpu.memory_space<hbm>>) dst(%arg7 : memref<128xi32, #tpu.memory_space<vmem>>)
      "tpu.region"() ({
        %run_scoped3A = tpu.sem_alloc : memref<!tpu.dma_semaphore, #tpu.memory_space<semaphore_mem>>
        %dma_start3A_265 = arith.constant 0 : i32
        %dma_start3A_266 = arith.constant 0 : i32
        %dma_start3A_267 = tpu.memref_slice %arg6[%dma_start3A_265, %dma_start3A_266] : memref<10240x128xf32, #tpu.memory_space<vmem_shared>> -> memref<10240x128xf32, #tpu.memory_space<vmem_shared>>
        tpu.enqueue_indirect_dma source(%arg11 : memref<128x128xf32, #tpu.memory_space<vmem>>) target(%dma_start3A_267 : memref<10240x128xf32, #tpu.memory_space<vmem_shared>>) offsets(%arg7 : memref<128xi32, #tpu.memory_space<vmem>>) semaphore(%run_scoped3A : memref<!tpu.dma_semaphore, #tpu.memory_space<semaphore_mem>>) {add = true}
        %dma_wait3A_268 = arith.constant 0 : i32
        %dma_wait3A_269 = arith.constant 0 : i32
        %dma_wait3A_270 = tpu.memref_slice %arg6[%dma_wait3A_268, %dma_wait3A_269] : memref<10240x128xf32, #tpu.memory_space<vmem_shared>> -> memref<10240x128xf32, #tpu.memory_space<vmem_shared>>
        tpu.wait_indirect_dma semaphore(%run_scoped3A : memref<!tpu.dma_semaphore, #tpu.memory_space<semaphore_mem>>) src(%arg11 : memref<128x128xf32, #tpu.memory_space<vmem>>) dst(%dma_wait3A_270 : memref<10240x128xf32, #tpu.memory_space<vmem_shared>>)
        tpu.yield
      }) : () -> ()
      %add3A_144 = arith.constant 4 : i32
      %add3A_145 = arith.addi %add3A_128, %add3A_144 : i32
      %dma_start3A_146 = arith.constant 0 : i32
      %dma_start3A_147 = arith.constant 0 : i32
      %dma_start3A_148 = tpu.memref_slice %arg2[%arg0, %arg1, %dma_start3A_146, %dma_start3A_147] : memref<2x16x84x128xi32, #tpu.memory_space<hbm>> -> memref<1x1x84x128xi32, #tpu.memory_space<hbm>>
      %dma_start3A_149 = tpu.memref_squeeze %dma_start3A_148 : memref<1x1x84x128xi32, #tpu.memory_space<hbm>> -> memref<84x128xi32, #tpu.memory_space<hbm>>
      %dma_start3A_150 = arith.constant 0 : i32
      %dma_start3A_151 = tpu.memref_slice %dma_start3A_149[%add3A_145, %dma_start3A_150] : memref<84x128xi32, #tpu.memory_space<hbm>> -> memref<1x128xi32, #tpu.memory_space<hbm>>
      %dma_start3A_152 = tpu.memref_squeeze %dma_start3A_151 : memref<1x128xi32, #tpu.memory_space<hbm>> -> memref<128xi32, #tpu.memory_space<hbm>>
      %dma_start3A_153 = arith.constant 0 : i32
      %dma_start3A_154 = arith.constant 0 : i32
      %dma_start3A_155 = tpu.memref_slice %arg2[%arg0, %arg1, %dma_start3A_153, %dma_start3A_154] : memref<2x16x84x128xi32, #tpu.memory_space<hbm>> -> memref<1x1x84x128xi32, #tpu.memory_space<hbm>>
      %dma_start3A_156 = tpu.memref_squeeze %dma_start3A_155 : memref<1x1x84x128xi32, #tpu.memory_space<hbm>> -> memref<84x128xi32, #tpu.memory_space<hbm>>
      %dma_start3A_157 = arith.constant 0 : i32
      %dma_start3A_158 = tpu.memref_slice %dma_start3A_156[%add3A_145, %dma_start3A_157] : memref<84x128xi32, #tpu.memory_space<hbm>> -> memref<1x128xi32, #tpu.memory_space<hbm>>
      %dma_start3A_159 = tpu.memref_squeeze %dma_start3A_158 : memref<1x128xi32, #tpu.memory_space<hbm>> -> memref<128xi32, #tpu.memory_space<hbm>>
      tpu.enqueue_dma source(%dma_start3A_159 : memref<128xi32, #tpu.memory_space<hbm>>) target(%arg7 : memref<128xi32, #tpu.memory_space<vmem>>) target_semaphore(%arg12 : memref<!tpu.dma_semaphore, #tpu.memory_space<semaphore_mem>>)
      %mul3A_160 = arith.constant 4 : i32
      %mul3A_161 = arith.muli %mul3A_160, %scan3A_125 : i32
      %add3A_162 = arith.constant 1 : i32
      %add3A_163 = arith.addi %mul3A_161, %add3A_162 : i32
      %dma_wait3A_164 = arith.constant 0 : i32
      %dma_wait3A_165 = arith.constant 0 : i32
      %dma_wait3A_166 = arith.constant 0 : i32
      %dma_wait3A_167 = tpu.memref_slice %arg2[%arg0, %arg1, %dma_wait3A_165, %dma_wait3A_166] : memref<2x16x84x128xi32, #tpu.memory_space<hbm>> -> memref<1x1x84x128xi32, #tpu.memory_space<hbm>>
      %dma_wait3A_168 = tpu.memref_squeeze %dma_wait3A_167 : memref<1x1x84x128xi32, #tpu.memory_space<hbm>> -> memref<84x128xi32, #tpu.memory_space<hbm>>
      %dma_wait3A_169 = arith.constant 0 : i32
      %dma_wait3A_170 = tpu.memref_slice %dma_wait3A_168[%dma_wait3A_164, %dma_wait3A_169] : memref<84x128xi32, #tpu.memory_space<hbm>> -> memref<1x128xi32, #tpu.memory_space<hbm>>
      %dma_wait3A_171 = tpu.memref_squeeze %dma_wait3A_170 : memref<1x128xi32, #tpu.memory_space<hbm>> -> memref<128xi32, #tpu.memory_space<hbm>>
      %dma_wait3A_172 = arith.constant 0 : i32
      %dma_wait3A_173 = arith.constant 0 : i32
      %dma_wait3A_174 = tpu.memref_slice %arg2[%arg0, %arg1, %dma_wait3A_172, %dma_wait3A_173] : memref<2x16x84x128xi32, #tpu.memory_space<hbm>> -> memref<1x1x84x128xi32, #tpu.memory_space<hbm>>
      %dma_wait3A_175 = tpu.memref_squeeze %dma_wait3A_174 : memref<1x1x84x128xi32, #tpu.memory_space<hbm>> -> memref<84x128xi32, #tpu.memory_space<hbm>>
      %dma_wait3A_176 = arith.constant 0 : i32
      %dma_wait3A_177 = tpu.memref_slice %dma_wait3A_175[%dma_wait3A_164, %dma_wait3A_176] : memref<84x128xi32, #tpu.memory_space<hbm>> -> memref<1x128xi32, #tpu.memory_space<hbm>>
      %dma_wait3A_178 = tpu.memref_squeeze %dma_wait3A_177 : memref<1x128xi32, #tpu.memory_space<hbm>> -> memref<128xi32, #tpu.memory_space<hbm>>
      tpu.wait_dma2 semaphore(%arg13 : memref<!tpu.dma_semaphore, #tpu.memory_space<semaphore_mem>>) src(%dma_wait3A_178 : memref<128xi32, #tpu.memory_space<hbm>>) dst(%arg8 : memref<128xi32, #tpu.memory_space<vmem>>)
      "tpu.region"() ({
        %run_scoped3A = tpu.sem_alloc : memref<!tpu.dma_semaphore, #tpu.memory_space<semaphore_mem>>
        %dma_start3A_265 = arith.constant 0 : i32
        %dma_start3A_266 = arith.constant 0 : i32
        %dma_start3A_267 = tpu.memref_slice %arg6[%dma_start3A_265, %dma_start3A_266] : memref<10240x128xf32, #tpu.memory_space<vmem_shared>> -> memref<10240x128xf32, #tpu.memory_space<vmem_shared>>
        tpu.enqueue_indirect_dma source(%arg11 : memref<128x128xf32, #tpu.memory_space<vmem>>) target(%dma_start3A_267 : memref<10240x128xf32, #tpu.memory_space<vmem_shared>>) offsets(%arg8 : memref<128xi32, #tpu.memory_space<vmem>>) semaphore(%run_scoped3A : memref<!tpu.dma_semaphore, #tpu.memory_space<semaphore_mem>>) {add = true}
        %dma_wait3A_268 = arith.constant 0 : i32
        %dma_wait3A_269 = arith.constant 0 : i32
        %dma_wait3A_270 = tpu.memref_slice %arg6[%dma_wait3A_268, %dma_wait3A_269] : memref<10240x128xf32, #tpu.memory_space<vmem_shared>> -> memref<10240x128xf32, #tpu.memory_space<vmem_shared>>
        tpu.wait_indirect_dma semaphore(%run_scoped3A : memref<!tpu.dma_semaphore, #tpu.memory_space<semaphore_mem>>) src(%arg11 : memref<128x128xf32, #tpu.memory_space<vmem>>) dst(%dma_wait3A_270 : memref<10240x128xf32, #tpu.memory_space<vmem_shared>>)
        tpu.yield
      }) : () -> ()
      %add3A_179 = arith.constant 4 : i32
      %add3A_180 = arith.addi %add3A_163, %add3A_179 : i32
      %dma_start3A_181 = arith.constant 0 : i32
      %dma_start3A_182 = arith.constant 0 : i32
      %dma_start3A_183 = tpu.memref_slice %arg2[%arg0, %arg1, %dma_start3A_181, %dma_start3A_182] : memref<2x16x84x128xi32, #tpu.memory_space<hbm>> -> memref<1x1x84x128xi32, #tpu.memory_space<hbm>>
      %dma_start3A_184 = tpu.memref_squeeze %dma_start3A_183 : memref<1x1x84x128xi32, #tpu.memory_space<hbm>> -> memref<84x128xi32, #tpu.memory_space<hbm>>
      %dma_start3A_185 = arith.constant 0 : i32
      %dma_start3A_186 = tpu.memref_slice %dma_start3A_184[%add3A_180, %dma_start3A_185] : memref<84x128xi32, #tpu.memory_space<hbm>> -> memref<1x128xi32, #tpu.memory_space<hbm>>
      %dma_start3A_187 = tpu.memref_squeeze %dma_start3A_186 : memref<1x128xi32, #tpu.memory_space<hbm>> -> memref<128xi32, #tpu.memory_space<hbm>>
      %dma_start3A_188 = arith.constant 0 : i32
      %dma_start3A_189 = arith.constant 0 : i32
      %dma_start3A_190 = tpu.memref_slice %arg2[%arg0, %arg1, %dma_start3A_188, %dma_start3A_189] : memref<2x16x84x128xi32, #tpu.memory_space<hbm>> -> memref<1x1x84x128xi32, #tpu.memory_space<hbm>>
      %dma_start3A_191 = tpu.memref_squeeze %dma_start3A_190 : memref<1x1x84x128xi32, #tpu.memory_space<hbm>> -> memref<84x128xi32, #tpu.memory_space<hbm>>
      %dma_start3A_192 = arith.constant 0 : i32
      %dma_start3A_193 = tpu.memref_slice %dma_start3A_191[%add3A_180, %dma_start3A_192] : memref<84x128xi32, #tpu.memory_space<hbm>> -> memref<1x128xi32, #tpu.memory_space<hbm>>
      %dma_start3A_194 = tpu.memref_squeeze %dma_start3A_193 : memref<1x128xi32, #tpu.memory_space<hbm>> -> memref<128xi32, #tpu.memory_space<hbm>>
      tpu.enqueue_dma source(%dma_start3A_194 : memref<128xi32, #tpu.memory_space<hbm>>) target(%arg8 : memref<128xi32, #tpu.memory_space<vmem>>) target_semaphore(%arg13 : memref<!tpu.dma_semaphore, #tpu.memory_space<semaphore_mem>>)
      %mul3A_195 = arith.constant 4 : i32
      %mul3A_196 = arith.muli %mul3A_195, %scan3A_125 : i32
      %add3A_197 = arith.constant 2 : i32
      %add3A_198 = arith.addi %mul3A_196, %add3A_197 : i32
      %dma_wait3A_199 = arith.constant 0 : i32
      %dma_wait3A_200 = arith.constant 0 : i32
      %dma_wait3A_201 = arith.constant 0 : i32
      %dma_wait3A_202 = tpu.memref_slice %arg2[%arg0, %arg1, %dma_wait3A_200, %dma_wait3A_201] : memref<2x16x84x128xi32, #tpu.memory_space<hbm>> -> memref<1x1x84x128xi32, #tpu.memory_space<hbm>>
      %dma_wait3A_203 = tpu.memref_squeeze %dma_wait3A_202 : memref<1x1x84x128xi32, #tpu.memory_space<hbm>> -> memref<84x128xi32, #tpu.memory_space<hbm>>
      %dma_wait3A_204 = arith.constant 0 : i32
      %dma_wait3A_205 = tpu.memref_slice %dma_wait3A_203[%dma_wait3A_199, %dma_wait3A_204] : memref<84x128xi32, #tpu.memory_space<hbm>> -> memref<1x128xi32, #tpu.memory_space<hbm>>
      %dma_wait3A_206 = tpu.memref_squeeze %dma_wait3A_205 : memref<1x128xi32, #tpu.memory_space<hbm>> -> memref<128xi32, #tpu.memory_space<hbm>>
      %dma_wait3A_207 = arith.constant 0 : i32
      %dma_wait3A_208 = arith.constant 0 : i32
      %dma_wait3A_209 = tpu.memref_slice %arg2[%arg0, %arg1, %dma_wait3A_207, %dma_wait3A_208] : memref<2x16x84x128xi32, #tpu.memory_space<hbm>> -> memref<1x1x84x128xi32, #tpu.memory_space<hbm>>
      %dma_wait3A_210 = tpu.memref_squeeze %dma_wait3A_209 : memref<1x1x84x128xi32, #tpu.memory_space<hbm>> -> memref<84x128xi32, #tpu.memory_space<hbm>>
      %dma_wait3A_211 = arith.constant 0 : i32
      %dma_wait3A_212 = tpu.memref_slice %dma_wait3A_210[%dma_wait3A_199, %dma_wait3A_211] : memref<84x128xi32, #tpu.memory_space<hbm>> -> memref<1x128xi32, #tpu.memory_space<hbm>>
      %dma_wait3A_213 = tpu.memref_squeeze %dma_wait3A_212 : memref<1x128xi32, #tpu.memory_space<hbm>> -> memref<128xi32, #tpu.memory_space<hbm>>
      tpu.wait_dma2 semaphore(%arg14 : memref<!tpu.dma_semaphore, #tpu.memory_space<semaphore_mem>>) src(%dma_wait3A_213 : memref<128xi32, #tpu.memory_space<hbm>>) dst(%arg9 : memref<128xi32, #tpu.memory_space<vmem>>)
      "tpu.region"() ({
        %run_scoped3A = tpu.sem_alloc : memref<!tpu.dma_semaphore, #tpu.memory_space<semaphore_mem>>
        %dma_start3A_265 = arith.constant 0 : i32
        %dma_start3A_266 = arith.constant 0 : i32
        %dma_start3A_267 = tpu.memref_slice %arg6[%dma_start3A_265, %dma_start3A_266] : memref<10240x128xf32, #tpu.memory_space<vmem_shared>> -> memref<10240x128xf32, #tpu.memory_space<vmem_shared>>
        tpu.enqueue_indirect_dma source(%arg11 : memref<128x128xf32, #tpu.memory_space<vmem>>) target(%dma_start3A_267 : memref<10240x128xf32, #tpu.memory_space<vmem_shared>>) offsets(%arg9 : memref<128xi32, #tpu.memory_space<vmem>>) semaphore(%run_scoped3A : memref<!tpu.dma_semaphore, #tpu.memory_space<semaphore_mem>>) {add = true}
        %dma_wait3A_268 = arith.constant 0 : i32
        %dma_wait3A_269 = arith.constant 0 : i32
        %dma_wait3A_270 = tpu.memref_slice %arg6[%dma_wait3A_268, %dma_wait3A_269] : memref<10240x128xf32, #tpu.memory_space<vmem_shared>> -> memref<10240x128xf32, #tpu.memory_space<vmem_shared>>
        tpu.wait_indirect_dma semaphore(%run_scoped3A : memref<!tpu.dma_semaphore, #tpu.memory_space<semaphore_mem>>) src(%arg11 : memref<128x128xf32, #tpu.memory_space<vmem>>) dst(%dma_wait3A_270 : memref<10240x128xf32, #tpu.memory_space<vmem_shared>>)
        tpu.yield
      }) : () -> ()
      %add3A_214 = arith.constant 4 : i32
      %add3A_215 = arith.addi %add3A_198, %add3A_214 : i32
      %dma_start3A_216 = arith.constant 0 : i32
      %dma_start3A_217 = arith.constant 0 : i32
      %dma_start3A_218 = tpu.memref_slice %arg2[%arg0, %arg1, %dma_start3A_216, %dma_start3A_217] : memref<2x16x84x128xi32, #tpu.memory_space<hbm>> -> memref<1x1x84x128xi32, #tpu.memory_space<hbm>>
      %dma_start3A_219 = tpu.memref_squeeze %dma_start3A_218 : memref<1x1x84x128xi32, #tpu.memory_space<hbm>> -> memref<84x128xi32, #tpu.memory_space<hbm>>
      %dma_start3A_220 = arith.constant 0 : i32
      %dma_start3A_221 = tpu.memref_slice %dma_start3A_219[%add3A_215, %dma_start3A_220] : memref<84x128xi32, #tpu.memory_space<hbm>> -> memref<1x128xi32, #tpu.memory_space<hbm>>
      %dma_start3A_222 = tpu.memref_squeeze %dma_start3A_221 : memref<1x128xi32, #tpu.memory_space<hbm>> -> memref<128xi32, #tpu.memory_space<hbm>>
      %dma_start3A_223 = arith.constant 0 : i32
      %dma_start3A_224 = arith.constant 0 : i32
      %dma_start3A_225 = tpu.memref_slice %arg2[%arg0, %arg1, %dma_start3A_223, %dma_start3A_224] : memref<2x16x84x128xi32, #tpu.memory_space<hbm>> -> memref<1x1x84x128xi32, #tpu.memory_space<hbm>>
      %dma_start3A_226 = tpu.memref_squeeze %dma_start3A_225 : memref<1x1x84x128xi32, #tpu.memory_space<hbm>> -> memref<84x128xi32, #tpu.memory_space<hbm>>
      %dma_start3A_227 = arith.constant 0 : i32
      %dma_start3A_228 = tpu.memref_slice %dma_start3A_226[%add3A_215, %dma_start3A_227] : memref<84x128xi32, #tpu.memory_space<hbm>> -> memref<1x128xi32, #tpu.memory_space<hbm>>
      %dma_start3A_229 = tpu.memref_squeeze %dma_start3A_228 : memref<1x128xi32, #tpu.memory_space<hbm>> -> memref<128xi32, #tpu.memory_space<hbm>>
      tpu.enqueue_dma source(%dma_start3A_229 : memref<128xi32, #tpu.memory_space<hbm>>) target(%arg9 : memref<128xi32, #tpu.memory_space<vmem>>) target_semaphore(%arg14 : memref<!tpu.dma_semaphore, #tpu.memory_space<semaphore_mem>>)
      %mul3A_230 = arith.constant 4 : i32
      %mul3A_231 = arith.muli %mul3A_230, %scan3A_125 : i32
      %add3A_232 = arith.constant 3 : i32
      %add3A_233 = arith.addi %mul3A_231, %add3A_232 : i32
      %dma_wait3A_234 = arith.constant 0 : i32
      %dma_wait3A_235 = arith.constant 0 : i32
      %dma_wait3A_236 = arith.constant 0 : i32
      %dma_wait3A_237 = tpu.memref_slice %arg2[%arg0, %arg1, %dma_wait3A_235, %dma_wait3A_236] : memref<2x16x84x128xi32, #tpu.memory_space<hbm>> -> memref<1x1x84x128xi32, #tpu.memory_space<hbm>>
      %dma_wait3A_238 = tpu.memref_squeeze %dma_wait3A_237 : memref<1x1x84x128xi32, #tpu.memory_space<hbm>> -> memref<84x128xi32, #tpu.memory_space<hbm>>
      %dma_wait3A_239 = arith.constant 0 : i32
      %dma_wait3A_240 = tpu.memref_slice %dma_wait3A_238[%dma_wait3A_234, %dma_wait3A_239] : memref<84x128xi32, #tpu.memory_space<hbm>> -> memref<1x128xi32, #tpu.memory_space<hbm>>
      %dma_wait3A_241 = tpu.memref_squeeze %dma_wait3A_240 : memref<1x128xi32, #tpu.memory_space<hbm>> -> memref<128xi32, #tpu.memory_space<hbm>>
      %dma_wait3A_242 = arith.constant 0 : i32
      %dma_wait3A_243 = arith.constant 0 : i32
      %dma_wait3A_244 = tpu.memref_slice %arg2[%arg0, %arg1, %dma_wait3A_242, %dma_wait3A_243] : memref<2x16x84x128xi32, #tpu.memory_space<hbm>> -> memref<1x1x84x128xi32, #tpu.memory_space<hbm>>
      %dma_wait3A_245 = tpu.memref_squeeze %dma_wait3A_244 : memref<1x1x84x128xi32, #tpu.memory_space<hbm>> -> memref<84x128xi32, #tpu.memory_space<hbm>>
      %dma_wait3A_246 = arith.constant 0 : i32
      %dma_wait3A_247 = tpu.memref_slice %dma_wait3A_245[%dma_wait3A_234, %dma_wait3A_246] : memref<84x128xi32, #tpu.memory_space<hbm>> -> memref<1x128xi32, #tpu.memory_space<hbm>>
      %dma_wait3A_248 = tpu.memref_squeeze %dma_wait3A_247 : memref<1x128xi32, #tpu.memory_space<hbm>> -> memref<128xi32, #tpu.memory_space<hbm>>
      tpu.wait_dma2 semaphore(%arg15 : memref<!tpu.dma_semaphore, #tpu.memory_space<semaphore_mem>>) src(%dma_wait3A_248 : memref<128xi32, #tpu.memory_space<hbm>>) dst(%arg10 : memref<128xi32, #tpu.memory_space<vmem>>)
      "tpu.region"() ({
        %run_scoped3A = tpu.sem_alloc : memref<!tpu.dma_semaphore, #tpu.memory_space<semaphore_mem>>
        %dma_start3A_265 = arith.constant 0 : i32
        %dma_start3A_266 = arith.constant 0 : i32
        %dma_start3A_267 = tpu.memref_slice %arg6[%dma_start3A_265, %dma_start3A_266] : memref<10240x128xf32, #tpu.memory_space<vmem_shared>> -> memref<10240x128xf32, #tpu.memory_space<vmem_shared>>
        tpu.enqueue_indirect_dma source(%arg11 : memref<128x128xf32, #tpu.memory_space<vmem>>) target(%dma_start3A_267 : memref<10240x128xf32, #tpu.memory_space<vmem_shared>>) offsets(%arg10 : memref<128xi32, #tpu.memory_space<vmem>>) semaphore(%run_scoped3A : memref<!tpu.dma_semaphore, #tpu.memory_space<semaphore_mem>>) {add = true}
        %dma_wait3A_268 = arith.constant 0 : i32
        %dma_wait3A_269 = arith.constant 0 : i32
        %dma_wait3A_270 = tpu.memref_slice %arg6[%dma_wait3A_268, %dma_wait3A_269] : memref<10240x128xf32, #tpu.memory_space<vmem_shared>> -> memref<10240x128xf32, #tpu.memory_space<vmem_shared>>
        tpu.wait_indirect_dma semaphore(%run_scoped3A : memref<!tpu.dma_semaphore, #tpu.memory_space<semaphore_mem>>) src(%arg11 : memref<128x128xf32, #tpu.memory_space<vmem>>) dst(%dma_wait3A_270 : memref<10240x128xf32, #tpu.memory_space<vmem_shared>>)
        tpu.yield
      }) : () -> ()
      %add3A_249 = arith.constant 4 : i32
      %add3A_250 = arith.addi %add3A_233, %add3A_249 : i32
      %dma_start3A_251 = arith.constant 0 : i32
      %dma_start3A_252 = arith.constant 0 : i32
      %dma_start3A_253 = tpu.memref_slice %arg2[%arg0, %arg1, %dma_start3A_251, %dma_start3A_252] : memref<2x16x84x128xi32, #tpu.memory_space<hbm>> -> memref<1x1x84x128xi32, #tpu.memory_space<hbm>>
      %dma_start3A_254 = tpu.memref_squeeze %dma_start3A_253 : memref<1x1x84x128xi32, #tpu.memory_space<hbm>> -> memref<84x128xi32, #tpu.memory_space<hbm>>
      %dma_start3A_255 = arith.constant 0 : i32
      %dma_start3A_256 = tpu.memref_slice %dma_start3A_254[%add3A_250, %dma_start3A_255] : memref<84x128xi32, #tpu.memory_space<hbm>> -> memref<1x128xi32, #tpu.memory_space<hbm>>
      %dma_start3A_257 = tpu.memref_squeeze %dma_start3A_256 : memref<1x128xi32, #tpu.memory_space<hbm>> -> memref<128xi32, #tpu.memory_space<hbm>>
      %dma_start3A_258 = arith.constant 0 : i32
      %dma_start3A_259 = arith.constant 0 : i32
      %dma_start3A_260 = tpu.memref_slice %arg2[%arg0, %arg1, %dma_start3A_258, %dma_start3A_259] : memref<2x16x84x128xi32, #tpu.memory_space<hbm>> -> memref<1x1x84x128xi32, #tpu.memory_space<hbm>>
      %dma_start3A_261 = tpu.memref_squeeze %dma_start3A_260 : memref<1x1x84x128xi32, #tpu.memory_space<hbm>> -> memref<84x128xi32, #tpu.memory_space<hbm>>
      %dma_start3A_262 = arith.constant 0 : i32
      %dma_start3A_263 = tpu.memref_slice %dma_start3A_261[%add3A_250, %dma_start3A_262] : memref<84x128xi32, #tpu.memory_space<hbm>> -> memref<1x128xi32, #tpu.memory_space<hbm>>
      %dma_start3A_264 = tpu.memref_squeeze %dma_start3A_263 : memref<1x128xi32, #tpu.memory_space<hbm>> -> memref<128xi32, #tpu.memory_space<hbm>>
      tpu.enqueue_dma source(%dma_start3A_264 : memref<128xi32, #tpu.memory_space<hbm>>) target(%arg10 : memref<128xi32, #tpu.memory_space<vmem>>) target_semaphore(%arg15 : memref<!tpu.dma_semaphore, #tpu.memory_space<semaphore_mem>>)
    }
    %scan3A_64 = arith.constant 20 : i32
    %dma_wait3A = arith.constant 0 : i32
    %dma_wait3A_65 = arith.constant 0 : i32
    %dma_wait3A_66 = arith.constant 0 : i32
    %dma_wait3A_67 = tpu.memref_slice %arg2[%arg0, %arg1, %dma_wait3A_65, %dma_wait3A_66] : memref<2x16x84x128xi32, #tpu.memory_space<hbm>> -> memref<1x1x84x128xi32, #tpu.memory_space<hbm>>
    %dma_wait3A_68 = tpu.memref_squeeze %dma_wait3A_67 : memref<1x1x84x128xi32, #tpu.memory_space<hbm>> -> memref<84x128xi32, #tpu.memory_space<hbm>>
    %dma_wait3A_69 = arith.constant 0 : i32
    %dma_wait3A_70 = tpu.memref_slice %dma_wait3A_68[%dma_wait3A, %dma_wait3A_69] : memref<84x128xi32, #tpu.memory_space<hbm>> -> memref<1x128xi32, #tpu.memory_space<hbm>>
    %dma_wait3A_71 = tpu.memref_squeeze %dma_wait3A_70 : memref<1x128xi32, #tpu.memory_space<hbm>> -> memref<128xi32, #tpu.memory_space<hbm>>
    %dma_wait3A_72 = arith.constant 0 : i32
    %dma_wait3A_73 = arith.constant 0 : i32
    %dma_wait3A_74 = tpu.memref_slice %arg2[%arg0, %arg1, %dma_wait3A_72, %dma_wait3A_73] : memref<2x16x84x128xi32, #tpu.memory_space<hbm>> -> memref<1x1x84x128xi32, #tpu.memory_space<hbm>>
    %dma_wait3A_75 = tpu.memref_squeeze %dma_wait3A_74 : memref<1x1x84x128xi32, #tpu.memory_space<hbm>> -> memref<84x128xi32, #tpu.memory_space<hbm>>
    %dma_wait3A_76 = arith.constant 0 : i32
    %dma_wait3A_77 = tpu.memref_slice %dma_wait3A_75[%dma_wait3A, %dma_wait3A_76] : memref<84x128xi32, #tpu.memory_space<hbm>> -> memref<1x128xi32, #tpu.memory_space<hbm>>
    %dma_wait3A_78 = tpu.memref_squeeze %dma_wait3A_77 : memref<1x128xi32, #tpu.memory_space<hbm>> -> memref<128xi32, #tpu.memory_space<hbm>>
    tpu.wait_dma2 semaphore(%arg12 : memref<!tpu.dma_semaphore, #tpu.memory_space<semaphore_mem>>) src(%dma_wait3A_78 : memref<128xi32, #tpu.memory_space<hbm>>) dst(%arg7 : memref<128xi32, #tpu.memory_space<vmem>>)
    %dma_wait3A_79 = arith.constant 0 : i32
    %dma_wait3A_80 = arith.constant 0 : i32
    %dma_wait3A_81 = arith.constant 0 : i32
    %dma_wait3A_82 = tpu.memref_slice %arg2[%arg0, %arg1, %dma_wait3A_80, %dma_wait3A_81] : memref<2x16x84x128xi32, #tpu.memory_space<hbm>> -> memref<1x1x84x128xi32, #tpu.memory_space<hbm>>
    %dma_wait3A_83 = tpu.memref_squeeze %dma_wait3A_82 : memref<1x1x84x128xi32, #tpu.memory_space<hbm>> -> memref<84x128xi32, #tpu.memory_space<hbm>>
    %dma_wait3A_84 = arith.constant 0 : i32
    %dma_wait3A_85 = tpu.memref_slice %dma_wait3A_83[%dma_wait3A_79, %dma_wait3A_84] : memref<84x128xi32, #tpu.memory_space<hbm>> -> memref<1x128xi32, #tpu.memory_space<hbm>>
    %dma_wait3A_86 = tpu.memref_squeeze %dma_wait3A_85 : memref<1x128xi32, #tpu.memory_space<hbm>> -> memref<128xi32, #tpu.memory_space<hbm>>
    %dma_wait3A_87 = arith.constant 0 : i32
    %dma_wait3A_88 = arith.constant 0 : i32
    %dma_wait3A_89 = tpu.memref_slice %arg2[%arg0, %arg1, %dma_wait3A_87, %dma_wait3A_88] : memref<2x16x84x128xi32, #tpu.memory_space<hbm>> -> memref<1x1x84x128xi32, #tpu.memory_space<hbm>>
    %dma_wait3A_90 = tpu.memref_squeeze %dma_wait3A_89 : memref<1x1x84x128xi32, #tpu.memory_space<hbm>> -> memref<84x128xi32, #tpu.memory_space<hbm>>
    %dma_wait3A_91 = arith.constant 0 : i32
    %dma_wait3A_92 = tpu.memref_slice %dma_wait3A_90[%dma_wait3A_79, %dma_wait3A_91] : memref<84x128xi32, #tpu.memory_space<hbm>> -> memref<1x128xi32, #tpu.memory_space<hbm>>
    %dma_wait3A_93 = tpu.memref_squeeze %dma_wait3A_92 : memref<1x128xi32, #tpu.memory_space<hbm>> -> memref<128xi32, #tpu.memory_space<hbm>>
    tpu.wait_dma2 semaphore(%arg13 : memref<!tpu.dma_semaphore, #tpu.memory_space<semaphore_mem>>) src(%dma_wait3A_93 : memref<128xi32, #tpu.memory_space<hbm>>) dst(%arg8 : memref<128xi32, #tpu.memory_space<vmem>>)
    %dma_wait3A_94 = arith.constant 0 : i32
    %dma_wait3A_95 = arith.constant 0 : i32
    %dma_wait3A_96 = arith.constant 0 : i32
    %dma_wait3A_97 = tpu.memref_slice %arg2[%arg0, %arg1, %dma_wait3A_95, %dma_wait3A_96] : memref<2x16x84x128xi32, #tpu.memory_space<hbm>> -> memref<1x1x84x128xi32, #tpu.memory_space<hbm>>
    %dma_wait3A_98 = tpu.memref_squeeze %dma_wait3A_97 : memref<1x1x84x128xi32, #tpu.memory_space<hbm>> -> memref<84x128xi32, #tpu.memory_space<hbm>>
    %dma_wait3A_99 = arith.constant 0 : i32
    %dma_wait3A_100 = tpu.memref_slice %dma_wait3A_98[%dma_wait3A_94, %dma_wait3A_99] : memref<84x128xi32, #tpu.memory_space<hbm>> -> memref<1x128xi32, #tpu.memory_space<hbm>>
    %dma_wait3A_101 = tpu.memref_squeeze %dma_wait3A_100 : memref<1x128xi32, #tpu.memory_space<hbm>> -> memref<128xi32, #tpu.memory_space<hbm>>
    %dma_wait3A_102 = arith.constant 0 : i32
    %dma_wait3A_103 = arith.constant 0 : i32
    %dma_wait3A_104 = tpu.memref_slice %arg2[%arg0, %arg1, %dma_wait3A_102, %dma_wait3A_103] : memref<2x16x84x128xi32, #tpu.memory_space<hbm>> -> memref<1x1x84x128xi32, #tpu.memory_space<hbm>>
    %dma_wait3A_105 = tpu.memref_squeeze %dma_wait3A_104 : memref<1x1x84x128xi32, #tpu.memory_space<hbm>> -> memref<84x128xi32, #tpu.memory_space<hbm>>
    %dma_wait3A_106 = arith.constant 0 : i32
    %dma_wait3A_107 = tpu.memref_slice %dma_wait3A_105[%dma_wait3A_94, %dma_wait3A_106] : memref<84x128xi32, #tpu.memory_space<hbm>> -> memref<1x128xi32, #tpu.memory_space<hbm>>
    %dma_wait3A_108 = tpu.memref_squeeze %dma_wait3A_107 : memref<1x128xi32, #tpu.memory_space<hbm>> -> memref<128xi32, #tpu.memory_space<hbm>>
    tpu.wait_dma2 semaphore(%arg14 : memref<!tpu.dma_semaphore, #tpu.memory_space<semaphore_mem>>) src(%dma_wait3A_108 : memref<128xi32, #tpu.memory_space<hbm>>) dst(%arg9 : memref<128xi32, #tpu.memory_space<vmem>>)
    %dma_wait3A_109 = arith.constant 0 : i32
    %dma_wait3A_110 = arith.constant 0 : i32
    %dma_wait3A_111 = arith.constant 0 : i32
    %dma_wait3A_112 = tpu.memref_slice %arg2[%arg0, %arg1, %dma_wait3A_110, %dma_wait3A_111] : memref<2x16x84x128xi32, #tpu.memory_space<hbm>> -> memref<1x1x84x128xi32, #tpu.memory_space<hbm>>
    %dma_wait3A_113 = tpu.memref_squeeze %dma_wait3A_112 : memref<1x1x84x128xi32, #tpu.memory_space<hbm>> -> memref<84x128xi32, #tpu.memory_space<hbm>>
    %dma_wait3A_114 = arith.constant 0 : i32
    %dma_wait3A_115 = tpu.memref_slice %dma_wait3A_113[%dma_wait3A_109, %dma_wait3A_114] : memref<84x128xi32, #tpu.memory_space<hbm>> -> memref<1x128xi32, #tpu.memory_space<hbm>>
    %dma_wait3A_116 = tpu.memref_squeeze %dma_wait3A_115 : memref<1x128xi32, #tpu.memory_space<hbm>> -> memref<128xi32, #tpu.memory_space<hbm>>
    %dma_wait3A_117 = arith.constant 0 : i32
    %dma_wait3A_118 = arith.constant 0 : i32
    %dma_wait3A_119 = tpu.memref_slice %arg2[%arg0, %arg1, %dma_wait3A_117, %dma_wait3A_118] : memref<2x16x84x128xi32, #tpu.memory_space<hbm>> -> memref<1x1x84x128xi32, #tpu.memory_space<hbm>>
    %dma_wait3A_120 = tpu.memref_squeeze %dma_wait3A_119 : memref<1x1x84x128xi32, #tpu.memory_space<hbm>> -> memref<84x128xi32, #tpu.memory_space<hbm>>
    %dma_wait3A_121 = arith.constant 0 : i32
    %dma_wait3A_122 = tpu.memref_slice %dma_wait3A_120[%dma_wait3A_109, %dma_wait3A_121] : memref<84x128xi32, #tpu.memory_space<hbm>> -> memref<1x128xi32, #tpu.memory_space<hbm>>
    %dma_wait3A_123 = tpu.memref_squeeze %dma_wait3A_122 : memref<1x128xi32, #tpu.memory_space<hbm>> -> memref<128xi32, #tpu.memory_space<hbm>>
    tpu.wait_dma2 semaphore(%arg15 : memref<!tpu.dma_semaphore, #tpu.memory_space<semaphore_mem>>) src(%dma_wait3A_123 : memref<128xi32, #tpu.memory_space<hbm>>) dst(%arg10 : memref<128xi32, #tpu.memory_space<vmem>>)
    %barrier3A_124 = arith.constant 0 : index
    tpu.barrier barrier_id(%barrier3A_124)
    "tpu.region"() ({
      %run_scoped3A = tpu.sem_alloc : memref<!tpu.dma_semaphore, #tpu.memory_space<semaphore_mem>>
      %dma_start3A_125 = arith.constant 0 : i32
      %dma_start3A_126 = tpu.memref_slice %arg5[%arg0, %mul3A_0, %dma_start3A_125] : memref<2x10240x128xf32, #tpu.memory_space<hbm>> -> memref<1x640x128xf32, #tpu.memory_space<hbm>>
      %dma_start3A_127 = tpu.memref_squeeze %dma_start3A_126 : memref<1x640x128xf32, #tpu.memory_space<hbm>> -> memref<640x128xf32, #tpu.memory_space<hbm>>
      %dma_start3A_128 = arith.constant 0 : i32
      %dma_start3A_129 = tpu.memref_slice %arg6[%mul3A_0, %dma_start3A_128] : memref<10240x128xf32, #tpu.memory_space<vmem_shared>> -> memref<640x128xf32, #tpu.memory_space<vmem_shared>>
      tpu.enqueue_dma source(%dma_start3A_129 : memref<640x128xf32, #tpu.memory_space<vmem_shared>>) target(%dma_start3A_127 : memref<640x128xf32, #tpu.memory_space<hbm>>) target_semaphore(%run_scoped3A : memref<!tpu.dma_semaphore, #tpu.memory_space<semaphore_mem>>)
      %dma_wait3A_130 = arith.constant 0 : i32
      %dma_wait3A_131 = tpu.memref_slice %arg5[%arg0, %mul3A_0, %dma_wait3A_130] : memref<2x10240x128xf32, #tpu.memory_space<hbm>> -> memref<1x640x128xf32, #tpu.memory_space<hbm>>
      %dma_wait3A_132 = tpu.memref_squeeze %dma_wait3A_131 : memref<1x640x128xf32, #tpu.memory_space<hbm>> -> memref<640x128xf32, #tpu.memory_space<hbm>>
      %dma_wait3A_133 = arith.constant 0 : i32
      %dma_wait3A_134 = tpu.memref_slice %arg6[%mul3A_0, %dma_wait3A_133] : memref<10240x128xf32, #tpu.memory_space<vmem_shared>> -> memref<640x128xf32, #tpu.memory_space<vmem_shared>>
      tpu.wait_dma2 semaphore(%run_scoped3A : memref<!tpu.dma_semaphore, #tpu.memory_space<semaphore_mem>>) src(%dma_wait3A_134 : memref<640x128xf32, #tpu.memory_space<vmem_shared>>) dst(%dma_wait3A_132 : memref<640x128xf32, #tpu.memory_space<hbm>>)
      tpu.yield
    }) : () -> ()
    return
  }
}

#map = affine_map<(d0, d1) -> (0, 0, 0)>
module attributes {stable_mosaic.version = 14 : i64} {
  func.func @agg(%arg0: i32, %arg1: i32, %arg2: memref<2x10240x128xf32, #tpu.memory_space<hbm>>, %arg3: memref<16x164x128xi32, #tpu.memory_space<hbm>>, %arg4: memref<16x164x128xi32, #tpu.memory_space<hbm>>, %arg5: memref<2x10240x128xf32, #tpu.memory_space<hbm>>, %arg6: memref<10240x128xf32, #tpu.memory_space<vmem_shared>>, %arg7: memref<128xi32, #tpu.memory_space<vmem>>, %arg8: memref<128xi32, #tpu.memory_space<vmem>>, %arg9: memref<128xi32, #tpu.memory_space<vmem>>, %arg10: memref<128xi32, #tpu.memory_space<vmem>>, %arg11: memref<128xi32, #tpu.memory_space<vmem>>, %arg12: memref<128xi32, #tpu.memory_space<vmem>>, %arg13: memref<128xi32, #tpu.memory_space<vmem>>, %arg14: memref<128xi32, #tpu.memory_space<vmem>>, %arg15: memref<2x128x128xf32, #tpu.memory_space<vmem>>, %arg16: memref<!tpu.dma_semaphore, #tpu.memory_space<semaphore_mem>>, %arg17: memref<!tpu.dma_semaphore, #tpu.memory_space<semaphore_mem>>, %arg18: memref<!tpu.dma_semaphore, #tpu.memory_space<semaphore_mem>>, %arg19: memref<!tpu.dma_semaphore, #tpu.memory_space<semaphore_mem>>, %arg20: memref<!tpu.dma_semaphore, #tpu.memory_space<semaphore_mem>>, %arg21: memref<!tpu.dma_semaphore, #tpu.memory_space<semaphore_mem>>) attributes {dimension_semantics = [#tpu.dimension_semantics<core_parallel>, #tpu.dimension_semantics<subcore_parallel>], iteration_bounds = array<i64: 2, 16>, scalar_prefetch = 0 : i64, scratch_operands = 16 : i64, tpu.core_type = #tpu.core_type<sc_vector_subcore>, window_params = [{transform_indices = #map}, {transform_indices = #map}, {transform_indices = #map}, {transform_indices = #map}]} {
    %mul3A = arith.constant 640 : i32
    %mul3A_0 = arith.muli %arg1, %mul3A : i32
    %dma_start3A = arith.constant 0 : i32
    %dma_start3A_1 = arith.constant 0 : i32
    %dma_start3A_2 = arith.constant 0 : i32
    %dma_start3A_3 = tpu.memref_slice %arg3[%arg1, %dma_start3A_1, %dma_start3A_2] : memref<16x164x128xi32, #tpu.memory_space<hbm>> -> memref<1x164x128xi32, #tpu.memory_space<hbm>>
    %dma_start3A_4 = tpu.memref_squeeze %dma_start3A_3 : memref<1x164x128xi32, #tpu.memory_space<hbm>> -> memref<164x128xi32, #tpu.memory_space<hbm>>
    %dma_start3A_5 = arith.constant 0 : i32
    %dma_start3A_6 = tpu.memref_slice %dma_start3A_4[%dma_start3A, %dma_start3A_5] : memref<164x128xi32, #tpu.memory_space<hbm>> -> memref<1x128xi32, #tpu.memory_space<hbm>>
    %dma_start3A_7 = tpu.memref_squeeze %dma_start3A_6 : memref<1x128xi32, #tpu.memory_space<hbm>> -> memref<128xi32, #tpu.memory_space<hbm>>
    %dma_start3A_8 = arith.constant 0 : i32
    %dma_start3A_9 = arith.constant 0 : i32
    %dma_start3A_10 = tpu.memref_slice %arg3[%arg1, %dma_start3A_8, %dma_start3A_9] : memref<16x164x128xi32, #tpu.memory_space<hbm>> -> memref<1x164x128xi32, #tpu.memory_space<hbm>>
    %dma_start3A_11 = tpu.memref_squeeze %dma_start3A_10 : memref<1x164x128xi32, #tpu.memory_space<hbm>> -> memref<164x128xi32, #tpu.memory_space<hbm>>
    %dma_start3A_12 = arith.constant 0 : i32
    %dma_start3A_13 = tpu.memref_slice %dma_start3A_11[%dma_start3A, %dma_start3A_12] : memref<164x128xi32, #tpu.memory_space<hbm>> -> memref<1x128xi32, #tpu.memory_space<hbm>>
    %dma_start3A_14 = tpu.memref_squeeze %dma_start3A_13 : memref<1x128xi32, #tpu.memory_space<hbm>> -> memref<128xi32, #tpu.memory_space<hbm>>
    tpu.enqueue_dma source(%dma_start3A_14 : memref<128xi32, #tpu.memory_space<hbm>>) target(%arg7 : memref<128xi32, #tpu.memory_space<vmem>>) target_semaphore(%arg18 : memref<!tpu.dma_semaphore, #tpu.memory_space<semaphore_mem>>)
    %dma_start3A_15 = arith.constant 0 : i32
    %dma_start3A_16 = arith.constant 0 : i32
    %dma_start3A_17 = arith.constant 0 : i32
    %dma_start3A_18 = tpu.memref_slice %arg4[%arg1, %dma_start3A_16, %dma_start3A_17] : memref<16x164x128xi32, #tpu.memory_space<hbm>> -> memref<1x164x128xi32, #tpu.memory_space<hbm>>
    %dma_start3A_19 = tpu.memref_squeeze %dma_start3A_18 : memref<1x164x128xi32, #tpu.memory_space<hbm>> -> memref<164x128xi32, #tpu.memory_space<hbm>>
    %dma_start3A_20 = arith.constant 0 : i32
    %dma_start3A_21 = tpu.memref_slice %dma_start3A_19[%dma_start3A_15, %dma_start3A_20] : memref<164x128xi32, #tpu.memory_space<hbm>> -> memref<1x128xi32, #tpu.memory_space<hbm>>
    %dma_start3A_22 = tpu.memref_squeeze %dma_start3A_21 : memref<1x128xi32, #tpu.memory_space<hbm>> -> memref<128xi32, #tpu.memory_space<hbm>>
    %dma_start3A_23 = arith.constant 0 : i32
    %dma_start3A_24 = arith.constant 0 : i32
    %dma_start3A_25 = tpu.memref_slice %arg4[%arg1, %dma_start3A_23, %dma_start3A_24] : memref<16x164x128xi32, #tpu.memory_space<hbm>> -> memref<1x164x128xi32, #tpu.memory_space<hbm>>
    %dma_start3A_26 = tpu.memref_squeeze %dma_start3A_25 : memref<1x164x128xi32, #tpu.memory_space<hbm>> -> memref<164x128xi32, #tpu.memory_space<hbm>>
    %dma_start3A_27 = arith.constant 0 : i32
    %dma_start3A_28 = tpu.memref_slice %dma_start3A_26[%dma_start3A_15, %dma_start3A_27] : memref<164x128xi32, #tpu.memory_space<hbm>> -> memref<1x128xi32, #tpu.memory_space<hbm>>
    %dma_start3A_29 = tpu.memref_squeeze %dma_start3A_28 : memref<1x128xi32, #tpu.memory_space<hbm>> -> memref<128xi32, #tpu.memory_space<hbm>>
    tpu.enqueue_dma source(%dma_start3A_29 : memref<128xi32, #tpu.memory_space<hbm>>) target(%arg11 : memref<128xi32, #tpu.memory_space<vmem>>) target_semaphore(%arg18 : memref<!tpu.dma_semaphore, #tpu.memory_space<semaphore_mem>>)
    %dma_start3A_30 = arith.constant 1 : i32
    %dma_start3A_31 = arith.constant 0 : i32
    %dma_start3A_32 = arith.constant 0 : i32
    %dma_start3A_33 = tpu.memref_slice %arg3[%arg1, %dma_start3A_31, %dma_start3A_32] : memref<16x164x128xi32, #tpu.memory_space<hbm>> -> memref<1x164x128xi32, #tpu.memory_space<hbm>>
    %dma_start3A_34 = tpu.memref_squeeze %dma_start3A_33 : memref<1x164x128xi32, #tpu.memory_space<hbm>> -> memref<164x128xi32, #tpu.memory_space<hbm>>
    %dma_start3A_35 = arith.constant 0 : i32
    %dma_start3A_36 = tpu.memref_slice %dma_start3A_34[%dma_start3A_30, %dma_start3A_35] : memref<164x128xi32, #tpu.memory_space<hbm>> -> memref<1x128xi32, #tpu.memory_space<hbm>>
    %dma_start3A_37 = tpu.memref_squeeze %dma_start3A_36 : memref<1x128xi32, #tpu.memory_space<hbm>> -> memref<128xi32, #tpu.memory_space<hbm>>
    %dma_start3A_38 = arith.constant 0 : i32
    %dma_start3A_39 = arith.constant 0 : i32
    %dma_start3A_40 = tpu.memref_slice %arg3[%arg1, %dma_start3A_38, %dma_start3A_39] : memref<16x164x128xi32, #tpu.memory_space<hbm>> -> memref<1x164x128xi32, #tpu.memory_space<hbm>>
    %dma_start3A_41 = tpu.memref_squeeze %dma_start3A_40 : memref<1x164x128xi32, #tpu.memory_space<hbm>> -> memref<164x128xi32, #tpu.memory_space<hbm>>
    %dma_start3A_42 = arith.constant 0 : i32
    %dma_start3A_43 = tpu.memref_slice %dma_start3A_41[%dma_start3A_30, %dma_start3A_42] : memref<164x128xi32, #tpu.memory_space<hbm>> -> memref<1x128xi32, #tpu.memory_space<hbm>>
    %dma_start3A_44 = tpu.memref_squeeze %dma_start3A_43 : memref<1x128xi32, #tpu.memory_space<hbm>> -> memref<128xi32, #tpu.memory_space<hbm>>
    tpu.enqueue_dma source(%dma_start3A_44 : memref<128xi32, #tpu.memory_space<hbm>>) target(%arg8 : memref<128xi32, #tpu.memory_space<vmem>>) target_semaphore(%arg19 : memref<!tpu.dma_semaphore, #tpu.memory_space<semaphore_mem>>)
    %dma_start3A_45 = arith.constant 1 : i32
    %dma_start3A_46 = arith.constant 0 : i32
    %dma_start3A_47 = arith.constant 0 : i32
    %dma_start3A_48 = tpu.memref_slice %arg4[%arg1, %dma_start3A_46, %dma_start3A_47] : memref<16x164x128xi32, #tpu.memory_space<hbm>> -> memref<1x164x128xi32, #tpu.memory_space<hbm>>
    %dma_start3A_49 = tpu.memref_squeeze %dma_start3A_48 : memref<1x164x128xi32, #tpu.memory_space<hbm>> -> memref<164x128xi32, #tpu.memory_space<hbm>>
    %dma_start3A_50 = arith.constant 0 : i32
    %dma_start3A_51 = tpu.memref_slice %dma_start3A_49[%dma_start3A_45, %dma_start3A_50] : memref<164x128xi32, #tpu.memory_space<hbm>> -> memref<1x128xi32, #tpu.memory_space<hbm>>
    %dma_start3A_52 = tpu.memref_squeeze %dma_start3A_51 : memref<1x128xi32, #tpu.memory_space<hbm>> -> memref<128xi32, #tpu.memory_space<hbm>>
    %dma_start3A_53 = arith.constant 0 : i32
    %dma_start3A_54 = arith.constant 0 : i32
    %dma_start3A_55 = tpu.memref_slice %arg4[%arg1, %dma_start3A_53, %dma_start3A_54] : memref<16x164x128xi32, #tpu.memory_space<hbm>> -> memref<1x164x128xi32, #tpu.memory_space<hbm>>
    %dma_start3A_56 = tpu.memref_squeeze %dma_start3A_55 : memref<1x164x128xi32, #tpu.memory_space<hbm>> -> memref<164x128xi32, #tpu.memory_space<hbm>>
    %dma_start3A_57 = arith.constant 0 : i32
    %dma_start3A_58 = tpu.memref_slice %dma_start3A_56[%dma_start3A_45, %dma_start3A_57] : memref<164x128xi32, #tpu.memory_space<hbm>> -> memref<1x128xi32, #tpu.memory_space<hbm>>
    %dma_start3A_59 = tpu.memref_squeeze %dma_start3A_58 : memref<1x128xi32, #tpu.memory_space<hbm>> -> memref<128xi32, #tpu.memory_space<hbm>>
    tpu.enqueue_dma source(%dma_start3A_59 : memref<128xi32, #tpu.memory_space<hbm>>) target(%arg12 : memref<128xi32, #tpu.memory_space<vmem>>) target_semaphore(%arg19 : memref<!tpu.dma_semaphore, #tpu.memory_space<semaphore_mem>>)
    %dma_start3A_60 = arith.constant 2 : i32
    %dma_start3A_61 = arith.constant 0 : i32
    %dma_start3A_62 = arith.constant 0 : i32
    %dma_start3A_63 = tpu.memref_slice %arg3[%arg1, %dma_start3A_61, %dma_start3A_62] : memref<16x164x128xi32, #tpu.memory_space<hbm>> -> memref<1x164x128xi32, #tpu.memory_space<hbm>>
    %dma_start3A_64 = tpu.memref_squeeze %dma_start3A_63 : memref<1x164x128xi32, #tpu.memory_space<hbm>> -> memref<164x128xi32, #tpu.memory_space<hbm>>
    %dma_start3A_65 = arith.constant 0 : i32
    %dma_start3A_66 = tpu.memref_slice %dma_start3A_64[%dma_start3A_60, %dma_start3A_65] : memref<164x128xi32, #tpu.memory_space<hbm>> -> memref<1x128xi32, #tpu.memory_space<hbm>>
    %dma_start3A_67 = tpu.memref_squeeze %dma_start3A_66 : memref<1x128xi32, #tpu.memory_space<hbm>> -> memref<128xi32, #tpu.memory_space<hbm>>
    %dma_start3A_68 = arith.constant 0 : i32
    %dma_start3A_69 = arith.constant 0 : i32
    %dma_start3A_70 = tpu.memref_slice %arg3[%arg1, %dma_start3A_68, %dma_start3A_69] : memref<16x164x128xi32, #tpu.memory_space<hbm>> -> memref<1x164x128xi32, #tpu.memory_space<hbm>>
    %dma_start3A_71 = tpu.memref_squeeze %dma_start3A_70 : memref<1x164x128xi32, #tpu.memory_space<hbm>> -> memref<164x128xi32, #tpu.memory_space<hbm>>
    %dma_start3A_72 = arith.constant 0 : i32
    %dma_start3A_73 = tpu.memref_slice %dma_start3A_71[%dma_start3A_60, %dma_start3A_72] : memref<164x128xi32, #tpu.memory_space<hbm>> -> memref<1x128xi32, #tpu.memory_space<hbm>>
    %dma_start3A_74 = tpu.memref_squeeze %dma_start3A_73 : memref<1x128xi32, #tpu.memory_space<hbm>> -> memref<128xi32, #tpu.memory_space<hbm>>
    tpu.enqueue_dma source(%dma_start3A_74 : memref<128xi32, #tpu.memory_space<hbm>>) target(%arg9 : memref<128xi32, #tpu.memory_space<vmem>>) target_semaphore(%arg20 : memref<!tpu.dma_semaphore, #tpu.memory_space<semaphore_mem>>)
    %dma_start3A_75 = arith.constant 2 : i32
    %dma_start3A_76 = arith.constant 0 : i32
    %dma_start3A_77 = arith.constant 0 : i32
    %dma_start3A_78 = tpu.memref_slice %arg4[%arg1, %dma_start3A_76, %dma_start3A_77] : memref<16x164x128xi32, #tpu.memory_space<hbm>> -> memref<1x164x128xi32, #tpu.memory_space<hbm>>
    %dma_start3A_79 = tpu.memref_squeeze %dma_start3A_78 : memref<1x164x128xi32, #tpu.memory_space<hbm>> -> memref<164x128xi32, #tpu.memory_space<hbm>>
    %dma_start3A_80 = arith.constant 0 : i32
    %dma_start3A_81 = tpu.memref_slice %dma_start3A_79[%dma_start3A_75, %dma_start3A_80] : memref<164x128xi32, #tpu.memory_space<hbm>> -> memref<1x128xi32, #tpu.memory_space<hbm>>
    %dma_start3A_82 = tpu.memref_squeeze %dma_start3A_81 : memref<1x128xi32, #tpu.memory_space<hbm>> -> memref<128xi32, #tpu.memory_space<hbm>>
    %dma_start3A_83 = arith.constant 0 : i32
    %dma_start3A_84 = arith.constant 0 : i32
    %dma_start3A_85 = tpu.memref_slice %arg4[%arg1, %dma_start3A_83, %dma_start3A_84] : memref<16x164x128xi32, #tpu.memory_space<hbm>> -> memref<1x164x128xi32, #tpu.memory_space<hbm>>
    %dma_start3A_86 = tpu.memref_squeeze %dma_start3A_85 : memref<1x164x128xi32, #tpu.memory_space<hbm>> -> memref<164x128xi32, #tpu.memory_space<hbm>>
    %dma_start3A_87 = arith.constant 0 : i32
    %dma_start3A_88 = tpu.memref_slice %dma_start3A_86[%dma_start3A_75, %dma_start3A_87] : memref<164x128xi32, #tpu.memory_space<hbm>> -> memref<1x128xi32, #tpu.memory_space<hbm>>
    %dma_start3A_89 = tpu.memref_squeeze %dma_start3A_88 : memref<1x128xi32, #tpu.memory_space<hbm>> -> memref<128xi32, #tpu.memory_space<hbm>>
    tpu.enqueue_dma source(%dma_start3A_89 : memref<128xi32, #tpu.memory_space<hbm>>) target(%arg13 : memref<128xi32, #tpu.memory_space<vmem>>) target_semaphore(%arg20 : memref<!tpu.dma_semaphore, #tpu.memory_space<semaphore_mem>>)
    %dma_start3A_90 = arith.constant 3 : i32
    %dma_start3A_91 = arith.constant 0 : i32
    %dma_start3A_92 = arith.constant 0 : i32
    %dma_start3A_93 = tpu.memref_slice %arg3[%arg1, %dma_start3A_91, %dma_start3A_92] : memref<16x164x128xi32, #tpu.memory_space<hbm>> -> memref<1x164x128xi32, #tpu.memory_space<hbm>>
    %dma_start3A_94 = tpu.memref_squeeze %dma_start3A_93 : memref<1x164x128xi32, #tpu.memory_space<hbm>> -> memref<164x128xi32, #tpu.memory_space<hbm>>
    %dma_start3A_95 = arith.constant 0 : i32
    %dma_start3A_96 = tpu.memref_slice %dma_start3A_94[%dma_start3A_90, %dma_start3A_95] : memref<164x128xi32, #tpu.memory_space<hbm>> -> memref<1x128xi32, #tpu.memory_space<hbm>>
    %dma_start3A_97 = tpu.memref_squeeze %dma_start3A_96 : memref<1x128xi32, #tpu.memory_space<hbm>> -> memref<128xi32, #tpu.memory_space<hbm>>
    %dma_start3A_98 = arith.constant 0 : i32
    %dma_start3A_99 = arith.constant 0 : i32
    %dma_start3A_100 = tpu.memref_slice %arg3[%arg1, %dma_start3A_98, %dma_start3A_99] : memref<16x164x128xi32, #tpu.memory_space<hbm>> -> memref<1x164x128xi32, #tpu.memory_space<hbm>>
    %dma_start3A_101 = tpu.memref_squeeze %dma_start3A_100 : memref<1x164x128xi32, #tpu.memory_space<hbm>> -> memref<164x128xi32, #tpu.memory_space<hbm>>
    %dma_start3A_102 = arith.constant 0 : i32
    %dma_start3A_103 = tpu.memref_slice %dma_start3A_101[%dma_start3A_90, %dma_start3A_102] : memref<164x128xi32, #tpu.memory_space<hbm>> -> memref<1x128xi32, #tpu.memory_space<hbm>>
    %dma_start3A_104 = tpu.memref_squeeze %dma_start3A_103 : memref<1x128xi32, #tpu.memory_space<hbm>> -> memref<128xi32, #tpu.memory_space<hbm>>
    tpu.enqueue_dma source(%dma_start3A_104 : memref<128xi32, #tpu.memory_space<hbm>>) target(%arg10 : memref<128xi32, #tpu.memory_space<vmem>>) target_semaphore(%arg21 : memref<!tpu.dma_semaphore, #tpu.memory_space<semaphore_mem>>)
    %dma_start3A_105 = arith.constant 3 : i32
    %dma_start3A_106 = arith.constant 0 : i32
    %dma_start3A_107 = arith.constant 0 : i32
    %dma_start3A_108 = tpu.memref_slice %arg4[%arg1, %dma_start3A_106, %dma_start3A_107] : memref<16x164x128xi32, #tpu.memory_space<hbm>> -> memref<1x164x128xi32, #tpu.memory_space<hbm>>
    %dma_start3A_109 = tpu.memref_squeeze %dma_start3A_108 : memref<1x164x128xi32, #tpu.memory_space<hbm>> -> memref<164x128xi32, #tpu.memory_space<hbm>>
    %dma_start3A_110 = arith.constant 0 : i32
    %dma_start3A_111 = tpu.memref_slice %dma_start3A_109[%dma_start3A_105, %dma_start3A_110] : memref<164x128xi32, #tpu.memory_space<hbm>> -> memref<1x128xi32, #tpu.memory_space<hbm>>
    %dma_start3A_112 = tpu.memref_squeeze %dma_start3A_111 : memref<1x128xi32, #tpu.memory_space<hbm>> -> memref<128xi32, #tpu.memory_space<hbm>>
    %dma_start3A_113 = arith.constant 0 : i32
    %dma_start3A_114 = arith.constant 0 : i32
    %dma_start3A_115 = tpu.memref_slice %arg4[%arg1, %dma_start3A_113, %dma_start3A_114] : memref<16x164x128xi32, #tpu.memory_space<hbm>> -> memref<1x164x128xi32, #tpu.memory_space<hbm>>
    %dma_start3A_116 = tpu.memref_squeeze %dma_start3A_115 : memref<1x164x128xi32, #tpu.memory_space<hbm>> -> memref<164x128xi32, #tpu.memory_space<hbm>>
    %dma_start3A_117 = arith.constant 0 : i32
    %dma_start3A_118 = tpu.memref_slice %dma_start3A_116[%dma_start3A_105, %dma_start3A_117] : memref<164x128xi32, #tpu.memory_space<hbm>> -> memref<1x128xi32, #tpu.memory_space<hbm>>
    %dma_start3A_119 = tpu.memref_squeeze %dma_start3A_118 : memref<1x128xi32, #tpu.memory_space<hbm>> -> memref<128xi32, #tpu.memory_space<hbm>>
    tpu.enqueue_dma source(%dma_start3A_119 : memref<128xi32, #tpu.memory_space<hbm>>) target(%arg14 : memref<128xi32, #tpu.memory_space<vmem>>) target_semaphore(%arg21 : memref<!tpu.dma_semaphore, #tpu.memory_space<semaphore_mem>>)
    "tpu.region"() ({
      %run_scoped3A_344 = tpu.sem_alloc : memref<!tpu.dma_semaphore, #tpu.memory_space<semaphore_mem>>
      %dma_start3A_345 = arith.constant 0 : i32
      %dma_start3A_346 = tpu.memref_slice %arg6[%mul3A_0, %dma_start3A_345] : memref<10240x128xf32, #tpu.memory_space<vmem_shared>> -> memref<640x128xf32, #tpu.memory_space<vmem_shared>>
      %dma_start3A_347 = arith.constant 0 : i32
      %dma_start3A_348 = tpu.memref_slice %arg2[%arg0, %mul3A_0, %dma_start3A_347] : memref<2x10240x128xf32, #tpu.memory_space<hbm>> -> memref<1x640x128xf32, #tpu.memory_space<hbm>>
      %dma_start3A_349 = tpu.memref_squeeze %dma_start3A_348 : memref<1x640x128xf32, #tpu.memory_space<hbm>> -> memref<640x128xf32, #tpu.memory_space<hbm>>
      tpu.enqueue_dma source(%dma_start3A_349 : memref<640x128xf32, #tpu.memory_space<hbm>>) target(%dma_start3A_346 : memref<640x128xf32, #tpu.memory_space<vmem_shared>>) target_semaphore(%run_scoped3A_344 : memref<!tpu.dma_semaphore, #tpu.memory_space<semaphore_mem>>)
      %dma_wait3A_350 = arith.constant 0 : i32
      %dma_wait3A_351 = tpu.memref_slice %arg6[%mul3A_0, %dma_wait3A_350] : memref<10240x128xf32, #tpu.memory_space<vmem_shared>> -> memref<640x128xf32, #tpu.memory_space<vmem_shared>>
      %dma_wait3A_352 = arith.constant 0 : i32
      %dma_wait3A_353 = tpu.memref_slice %arg2[%arg0, %mul3A_0, %dma_wait3A_352] : memref<2x10240x128xf32, #tpu.memory_space<hbm>> -> memref<1x640x128xf32, #tpu.memory_space<hbm>>
      %dma_wait3A_354 = tpu.memref_squeeze %dma_wait3A_353 : memref<1x640x128xf32, #tpu.memory_space<hbm>> -> memref<640x128xf32, #tpu.memory_space<hbm>>
      tpu.wait_dma2 semaphore(%run_scoped3A_344 : memref<!tpu.dma_semaphore, #tpu.memory_space<semaphore_mem>>) src(%dma_wait3A_354 : memref<640x128xf32, #tpu.memory_space<hbm>>) dst(%dma_wait3A_351 : memref<640x128xf32, #tpu.memory_space<vmem_shared>>)
      tpu.yield
    }) : () -> ()
    %barrier3A = arith.constant 0 : index
    tpu.barrier barrier_id(%barrier3A)
    %dma_wait3A = arith.constant 0 : i32
    %dma_wait3A_120 = arith.constant 0 : i32
    %dma_wait3A_121 = arith.constant 0 : i32
    %dma_wait3A_122 = tpu.memref_slice %arg3[%arg1, %dma_wait3A_120, %dma_wait3A_121] : memref<16x164x128xi32, #tpu.memory_space<hbm>> -> memref<1x164x128xi32, #tpu.memory_space<hbm>>
    %dma_wait3A_123 = tpu.memref_squeeze %dma_wait3A_122 : memref<1x164x128xi32, #tpu.memory_space<hbm>> -> memref<164x128xi32, #tpu.memory_space<hbm>>
    %dma_wait3A_124 = arith.constant 0 : i32
    %dma_wait3A_125 = tpu.memref_slice %dma_wait3A_123[%dma_wait3A, %dma_wait3A_124] : memref<164x128xi32, #tpu.memory_space<hbm>> -> memref<1x128xi32, #tpu.memory_space<hbm>>
    %dma_wait3A_126 = tpu.memref_squeeze %dma_wait3A_125 : memref<1x128xi32, #tpu.memory_space<hbm>> -> memref<128xi32, #tpu.memory_space<hbm>>
    %dma_wait3A_127 = arith.constant 0 : i32
    %dma_wait3A_128 = arith.constant 0 : i32
    %dma_wait3A_129 = tpu.memref_slice %arg3[%arg1, %dma_wait3A_127, %dma_wait3A_128] : memref<16x164x128xi32, #tpu.memory_space<hbm>> -> memref<1x164x128xi32, #tpu.memory_space<hbm>>
    %dma_wait3A_130 = tpu.memref_squeeze %dma_wait3A_129 : memref<1x164x128xi32, #tpu.memory_space<hbm>> -> memref<164x128xi32, #tpu.memory_space<hbm>>
    %dma_wait3A_131 = arith.constant 0 : i32
    %dma_wait3A_132 = tpu.memref_slice %dma_wait3A_130[%dma_wait3A, %dma_wait3A_131] : memref<164x128xi32, #tpu.memory_space<hbm>> -> memref<1x128xi32, #tpu.memory_space<hbm>>
    %dma_wait3A_133 = tpu.memref_squeeze %dma_wait3A_132 : memref<1x128xi32, #tpu.memory_space<hbm>> -> memref<128xi32, #tpu.memory_space<hbm>>
    tpu.wait_dma2 semaphore(%arg18 : memref<!tpu.dma_semaphore, #tpu.memory_space<semaphore_mem>>) src(%dma_wait3A_133 : memref<128xi32, #tpu.memory_space<hbm>>) dst(%arg7 : memref<128xi32, #tpu.memory_space<vmem>>)
    %dma_wait3A_134 = arith.constant 0 : i32
    %dma_wait3A_135 = arith.constant 0 : i32
    %dma_wait3A_136 = arith.constant 0 : i32
    %dma_wait3A_137 = tpu.memref_slice %arg4[%arg1, %dma_wait3A_135, %dma_wait3A_136] : memref<16x164x128xi32, #tpu.memory_space<hbm>> -> memref<1x164x128xi32, #tpu.memory_space<hbm>>
    %dma_wait3A_138 = tpu.memref_squeeze %dma_wait3A_137 : memref<1x164x128xi32, #tpu.memory_space<hbm>> -> memref<164x128xi32, #tpu.memory_space<hbm>>
    %dma_wait3A_139 = arith.constant 0 : i32
    %dma_wait3A_140 = tpu.memref_slice %dma_wait3A_138[%dma_wait3A_134, %dma_wait3A_139] : memref<164x128xi32, #tpu.memory_space<hbm>> -> memref<1x128xi32, #tpu.memory_space<hbm>>
    %dma_wait3A_141 = tpu.memref_squeeze %dma_wait3A_140 : memref<1x128xi32, #tpu.memory_space<hbm>> -> memref<128xi32, #tpu.memory_space<hbm>>
    %dma_wait3A_142 = arith.constant 0 : i32
    %dma_wait3A_143 = arith.constant 0 : i32
    %dma_wait3A_144 = tpu.memref_slice %arg4[%arg1, %dma_wait3A_142, %dma_wait3A_143] : memref<16x164x128xi32, #tpu.memory_space<hbm>> -> memref<1x164x128xi32, #tpu.memory_space<hbm>>
    %dma_wait3A_145 = tpu.memref_squeeze %dma_wait3A_144 : memref<1x164x128xi32, #tpu.memory_space<hbm>> -> memref<164x128xi32, #tpu.memory_space<hbm>>
    %dma_wait3A_146 = arith.constant 0 : i32
    %dma_wait3A_147 = tpu.memref_slice %dma_wait3A_145[%dma_wait3A_134, %dma_wait3A_146] : memref<164x128xi32, #tpu.memory_space<hbm>> -> memref<1x128xi32, #tpu.memory_space<hbm>>
    %dma_wait3A_148 = tpu.memref_squeeze %dma_wait3A_147 : memref<1x128xi32, #tpu.memory_space<hbm>> -> memref<128xi32, #tpu.memory_space<hbm>>
    tpu.wait_dma2 semaphore(%arg18 : memref<!tpu.dma_semaphore, #tpu.memory_space<semaphore_mem>>) src(%dma_wait3A_148 : memref<128xi32, #tpu.memory_space<hbm>>) dst(%arg11 : memref<128xi32, #tpu.memory_space<vmem>>)
    %dma_start3A_149 = arith.constant 0 : i32
    %dma_start3A_150 = arith.constant 0 : i32
    %dma_start3A_151 = arith.constant 0 : i32
    %dma_start3A_152 = tpu.memref_slice %arg15[%dma_start3A_149, %dma_start3A_150, %dma_start3A_151] : memref<2x128x128xf32, #tpu.memory_space<vmem>> -> memref<1x128x128xf32, #tpu.memory_space<vmem>>
    %dma_start3A_153 = tpu.memref_squeeze %dma_start3A_152 : memref<1x128x128xf32, #tpu.memory_space<vmem>> -> memref<128x128xf32, #tpu.memory_space<vmem>>
    %dma_start3A_154 = arith.constant 0 : i32
    %dma_start3A_155 = arith.constant 0 : i32
    %dma_start3A_156 = tpu.memref_slice %arg2[%arg0, %dma_start3A_154, %dma_start3A_155] : memref<2x10240x128xf32, #tpu.memory_space<hbm>> -> memref<1x10240x128xf32, #tpu.memory_space<hbm>>
    %dma_start3A_157 = tpu.memref_squeeze %dma_start3A_156 : memref<1x10240x128xf32, #tpu.memory_space<hbm>> -> memref<10240x128xf32, #tpu.memory_space<hbm>>
    %dma_start3A_158 = arith.constant 0 : i32
    %dma_start3A_159 = arith.constant 0 : i32
    %dma_start3A_160 = tpu.memref_slice %dma_start3A_157[%dma_start3A_158, %dma_start3A_159] : memref<10240x128xf32, #tpu.memory_space<hbm>> -> memref<10240x128xf32, #tpu.memory_space<hbm>>
    tpu.enqueue_indirect_dma source(%dma_start3A_160 : memref<10240x128xf32, #tpu.memory_space<hbm>>) target(%dma_start3A_153 : memref<128x128xf32, #tpu.memory_space<vmem>>) offsets(%arg7 : memref<128xi32, #tpu.memory_space<vmem>>) semaphore(%arg16 : memref<!tpu.dma_semaphore, #tpu.memory_space<semaphore_mem>>)
    %dma_wait3A_161 = arith.constant 0 : i32
    %dma_wait3A_162 = arith.constant 0 : i32
    %dma_wait3A_163 = arith.constant 0 : i32
    %dma_wait3A_164 = tpu.memref_slice %arg3[%arg1, %dma_wait3A_162, %dma_wait3A_163] : memref<16x164x128xi32, #tpu.memory_space<hbm>> -> memref<1x164x128xi32, #tpu.memory_space<hbm>>
    %dma_wait3A_165 = tpu.memref_squeeze %dma_wait3A_164 : memref<1x164x128xi32, #tpu.memory_space<hbm>> -> memref<164x128xi32, #tpu.memory_space<hbm>>
    %dma_wait3A_166 = arith.constant 0 : i32
    %dma_wait3A_167 = tpu.memref_slice %dma_wait3A_165[%dma_wait3A_161, %dma_wait3A_166] : memref<164x128xi32, #tpu.memory_space<hbm>> -> memref<1x128xi32, #tpu.memory_space<hbm>>
    %dma_wait3A_168 = tpu.memref_squeeze %dma_wait3A_167 : memref<1x128xi32, #tpu.memory_space<hbm>> -> memref<128xi32, #tpu.memory_space<hbm>>
    %dma_wait3A_169 = arith.constant 0 : i32
    %dma_wait3A_170 = arith.constant 0 : i32
    %dma_wait3A_171 = tpu.memref_slice %arg3[%arg1, %dma_wait3A_169, %dma_wait3A_170] : memref<16x164x128xi32, #tpu.memory_space<hbm>> -> memref<1x164x128xi32, #tpu.memory_space<hbm>>
    %dma_wait3A_172 = tpu.memref_squeeze %dma_wait3A_171 : memref<1x164x128xi32, #tpu.memory_space<hbm>> -> memref<164x128xi32, #tpu.memory_space<hbm>>
    %dma_wait3A_173 = arith.constant 0 : i32
    %dma_wait3A_174 = tpu.memref_slice %dma_wait3A_172[%dma_wait3A_161, %dma_wait3A_173] : memref<164x128xi32, #tpu.memory_space<hbm>> -> memref<1x128xi32, #tpu.memory_space<hbm>>
    %dma_wait3A_175 = tpu.memref_squeeze %dma_wait3A_174 : memref<1x128xi32, #tpu.memory_space<hbm>> -> memref<128xi32, #tpu.memory_space<hbm>>
    tpu.wait_dma2 semaphore(%arg19 : memref<!tpu.dma_semaphore, #tpu.memory_space<semaphore_mem>>) src(%dma_wait3A_175 : memref<128xi32, #tpu.memory_space<hbm>>) dst(%arg8 : memref<128xi32, #tpu.memory_space<vmem>>)
    %dma_wait3A_176 = arith.constant 0 : i32
    %dma_wait3A_177 = arith.constant 0 : i32
    %dma_wait3A_178 = arith.constant 0 : i32
    %dma_wait3A_179 = tpu.memref_slice %arg4[%arg1, %dma_wait3A_177, %dma_wait3A_178] : memref<16x164x128xi32, #tpu.memory_space<hbm>> -> memref<1x164x128xi32, #tpu.memory_space<hbm>>
    %dma_wait3A_180 = tpu.memref_squeeze %dma_wait3A_179 : memref<1x164x128xi32, #tpu.memory_space<hbm>> -> memref<164x128xi32, #tpu.memory_space<hbm>>
    %dma_wait3A_181 = arith.constant 0 : i32
    %dma_wait3A_182 = tpu.memref_slice %dma_wait3A_180[%dma_wait3A_176, %dma_wait3A_181] : memref<164x128xi32, #tpu.memory_space<hbm>> -> memref<1x128xi32, #tpu.memory_space<hbm>>
    %dma_wait3A_183 = tpu.memref_squeeze %dma_wait3A_182 : memref<1x128xi32, #tpu.memory_space<hbm>> -> memref<128xi32, #tpu.memory_space<hbm>>
    %dma_wait3A_184 = arith.constant 0 : i32
    %dma_wait3A_185 = arith.constant 0 : i32
    %dma_wait3A_186 = tpu.memref_slice %arg4[%arg1, %dma_wait3A_184, %dma_wait3A_185] : memref<16x164x128xi32, #tpu.memory_space<hbm>> -> memref<1x164x128xi32, #tpu.memory_space<hbm>>
    %dma_wait3A_187 = tpu.memref_squeeze %dma_wait3A_186 : memref<1x164x128xi32, #tpu.memory_space<hbm>> -> memref<164x128xi32, #tpu.memory_space<hbm>>
    %dma_wait3A_188 = arith.constant 0 : i32
    %dma_wait3A_189 = tpu.memref_slice %dma_wait3A_187[%dma_wait3A_176, %dma_wait3A_188] : memref<164x128xi32, #tpu.memory_space<hbm>> -> memref<1x128xi32, #tpu.memory_space<hbm>>
    %dma_wait3A_190 = tpu.memref_squeeze %dma_wait3A_189 : memref<1x128xi32, #tpu.memory_space<hbm>> -> memref<128xi32, #tpu.memory_space<hbm>>
    tpu.wait_dma2 semaphore(%arg19 : memref<!tpu.dma_semaphore, #tpu.memory_space<semaphore_mem>>) src(%dma_wait3A_190 : memref<128xi32, #tpu.memory_space<hbm>>) dst(%arg12 : memref<128xi32, #tpu.memory_space<vmem>>)
    %dma_start3A_191 = arith.constant 1 : i32
    %dma_start3A_192 = arith.constant 0 : i32
    %dma_start3A_193 = arith.constant 0 : i32
    %dma_start3A_194 = tpu.memref_slice %arg15[%dma_start3A_191, %dma_start3A_192, %dma_start3A_193] : memref<2x128x128xf32, #tpu.memory_space<vmem>> -> memref<1x128x128xf32, #tpu.memory_space<vmem>>
    %dma_start3A_195 = tpu.memref_squeeze %dma_start3A_194 : memref<1x128x128xf32, #tpu.memory_space<vmem>> -> memref<128x128xf32, #tpu.memory_space<vmem>>
    %dma_start3A_196 = arith.constant 0 : i32
    %dma_start3A_197 = arith.constant 0 : i32
    %dma_start3A_198 = tpu.memref_slice %arg2[%arg0, %dma_start3A_196, %dma_start3A_197] : memref<2x10240x128xf32, #tpu.memory_space<hbm>> -> memref<1x10240x128xf32, #tpu.memory_space<hbm>>
    %dma_start3A_199 = tpu.memref_squeeze %dma_start3A_198 : memref<1x10240x128xf32, #tpu.memory_space<hbm>> -> memref<10240x128xf32, #tpu.memory_space<hbm>>
    %dma_start3A_200 = arith.constant 0 : i32
    %dma_start3A_201 = arith.constant 0 : i32
    %dma_start3A_202 = tpu.memref_slice %dma_start3A_199[%dma_start3A_200, %dma_start3A_201] : memref<10240x128xf32, #tpu.memory_space<hbm>> -> memref<10240x128xf32, #tpu.memory_space<hbm>>
    tpu.enqueue_indirect_dma source(%dma_start3A_202 : memref<10240x128xf32, #tpu.memory_space<hbm>>) target(%dma_start3A_195 : memref<128x128xf32, #tpu.memory_space<vmem>>) offsets(%arg8 : memref<128xi32, #tpu.memory_space<vmem>>) semaphore(%arg17 : memref<!tpu.dma_semaphore, #tpu.memory_space<semaphore_mem>>)
    %scan3A = arith.constant 0 : i32
    %scan3A_203 = arith.constant 0 : i32
    %scan3A_204 = arith.constant 39 : i32
    %scan3A_205 = arith.addi %scan3A_203, %scan3A_204 : i32
    %scan3A_206 = arith.constant 1 : i32
    scf.for %scan3A_344 = %scan3A_203 to %scan3A_205 step %scan3A_206  : i32 {
      %mul3A_345 = arith.constant 4 : i32
      %mul3A_346 = arith.muli %mul3A_345, %scan3A_344 : i32
      %add3A = arith.constant 0 : i32
      %add3A_347 = arith.addi %mul3A_346, %add3A : i32
      %dma_wait3A_348 = arith.constant 0 : i32
      %dma_wait3A_349 = arith.constant 0 : i32
      %dma_wait3A_350 = arith.constant 0 : i32
      %dma_wait3A_351 = tpu.memref_slice %arg15[%dma_wait3A_348, %dma_wait3A_349, %dma_wait3A_350] : memref<2x128x128xf32, #tpu.memory_space<vmem>> -> memref<1x128x128xf32, #tpu.memory_space<vmem>>
      %dma_wait3A_352 = tpu.memref_squeeze %dma_wait3A_351 : memref<1x128x128xf32, #tpu.memory_space<vmem>> -> memref<128x128xf32, #tpu.memory_space<vmem>>
      %dma_wait3A_353 = arith.constant 0 : i32
      %dma_wait3A_354 = arith.constant 0 : i32
      %dma_wait3A_355 = tpu.memref_slice %arg2[%arg0, %dma_wait3A_353, %dma_wait3A_354] : memref<2x10240x128xf32, #tpu.memory_space<hbm>> -> memref<1x10240x128xf32, #tpu.memory_space<hbm>>
      %dma_wait3A_356 = tpu.memref_squeeze %dma_wait3A_355 : memref<1x10240x128xf32, #tpu.memory_space<hbm>> -> memref<10240x128xf32, #tpu.memory_space<hbm>>
      %dma_wait3A_357 = arith.constant 0 : i32
      %dma_wait3A_358 = arith.constant 0 : i32
      %dma_wait3A_359 = tpu.memref_slice %dma_wait3A_356[%dma_wait3A_357, %dma_wait3A_358] : memref<10240x128xf32, #tpu.memory_space<hbm>> -> memref<10240x128xf32, #tpu.memory_space<hbm>>
      tpu.wait_indirect_dma semaphore(%arg16 : memref<!tpu.dma_semaphore, #tpu.memory_space<semaphore_mem>>) src(%dma_wait3A_359 : memref<10240x128xf32, #tpu.memory_space<hbm>>) dst(%dma_wait3A_352 : memref<128x128xf32, #tpu.memory_space<vmem>>)
      %run_scoped3A_360 = arith.constant 0 : i32
      "tpu.region"() ({
        %run_scoped3A_700 = tpu.sem_alloc : memref<!tpu.dma_semaphore, #tpu.memory_space<semaphore_mem>>
        %dma_start3A_701 = arith.constant 0 : i32
        %dma_start3A_702 = arith.constant 0 : i32
        %dma_start3A_703 = tpu.memref_slice %arg15[%run_scoped3A_360, %dma_start3A_701, %dma_start3A_702] : memref<2x128x128xf32, #tpu.memory_space<vmem>> -> memref<1x128x128xf32, #tpu.memory_space<vmem>>
        %dma_start3A_704 = tpu.memref_squeeze %dma_start3A_703 : memref<1x128x128xf32, #tpu.memory_space<vmem>> -> memref<128x128xf32, #tpu.memory_space<vmem>>
        %dma_start3A_705 = arith.constant 0 : i32
        %dma_start3A_706 = arith.constant 0 : i32
        %dma_start3A_707 = tpu.memref_slice %arg6[%dma_start3A_705, %dma_start3A_706] : memref<10240x128xf32, #tpu.memory_space<vmem_shared>> -> memref<10240x128xf32, #tpu.memory_space<vmem_shared>>
        tpu.enqueue_indirect_dma source(%dma_start3A_704 : memref<128x128xf32, #tpu.memory_space<vmem>>) target(%dma_start3A_707 : memref<10240x128xf32, #tpu.memory_space<vmem_shared>>) offsets(%arg11 : memref<128xi32, #tpu.memory_space<vmem>>) semaphore(%run_scoped3A_700 : memref<!tpu.dma_semaphore, #tpu.memory_space<semaphore_mem>>) {add = true}
        %dma_wait3A_708 = arith.constant 0 : i32
        %dma_wait3A_709 = arith.constant 0 : i32
        %dma_wait3A_710 = tpu.memref_slice %arg15[%run_scoped3A_360, %dma_wait3A_708, %dma_wait3A_709] : memref<2x128x128xf32, #tpu.memory_space<vmem>> -> memref<1x128x128xf32, #tpu.memory_space<vmem>>
        %dma_wait3A_711 = tpu.memref_squeeze %dma_wait3A_710 : memref<1x128x128xf32, #tpu.memory_space<vmem>> -> memref<128x128xf32, #tpu.memory_space<vmem>>
        %dma_wait3A_712 = arith.constant 0 : i32
        %dma_wait3A_713 = arith.constant 0 : i32
        %dma_wait3A_714 = tpu.memref_slice %arg6[%dma_wait3A_712, %dma_wait3A_713] : memref<10240x128xf32, #tpu.memory_space<vmem_shared>> -> memref<10240x128xf32, #tpu.memory_space<vmem_shared>>
        tpu.wait_indirect_dma semaphore(%run_scoped3A_700 : memref<!tpu.dma_semaphore, #tpu.memory_space<semaphore_mem>>) src(%dma_wait3A_711 : memref<128x128xf32, #tpu.memory_space<vmem>>) dst(%dma_wait3A_714 : memref<10240x128xf32, #tpu.memory_space<vmem_shared>>)
        tpu.yield
      }) : () -> ()
      %add3A_361 = arith.constant 4 : i32
      %add3A_362 = arith.addi %add3A_347, %add3A_361 : i32
      %dma_start3A_363 = arith.constant 0 : i32
      %dma_start3A_364 = arith.constant 0 : i32
      %dma_start3A_365 = tpu.memref_slice %arg3[%arg1, %dma_start3A_363, %dma_start3A_364] : memref<16x164x128xi32, #tpu.memory_space<hbm>> -> memref<1x164x128xi32, #tpu.memory_space<hbm>>
      %dma_start3A_366 = tpu.memref_squeeze %dma_start3A_365 : memref<1x164x128xi32, #tpu.memory_space<hbm>> -> memref<164x128xi32, #tpu.memory_space<hbm>>
      %dma_start3A_367 = arith.constant 0 : i32
      %dma_start3A_368 = tpu.memref_slice %dma_start3A_366[%add3A_362, %dma_start3A_367] : memref<164x128xi32, #tpu.memory_space<hbm>> -> memref<1x128xi32, #tpu.memory_space<hbm>>
      %dma_start3A_369 = tpu.memref_squeeze %dma_start3A_368 : memref<1x128xi32, #tpu.memory_space<hbm>> -> memref<128xi32, #tpu.memory_space<hbm>>
      %dma_start3A_370 = arith.constant 0 : i32
      %dma_start3A_371 = arith.constant 0 : i32
      %dma_start3A_372 = tpu.memref_slice %arg3[%arg1, %dma_start3A_370, %dma_start3A_371] : memref<16x164x128xi32, #tpu.memory_space<hbm>> -> memref<1x164x128xi32, #tpu.memory_space<hbm>>
      %dma_start3A_373 = tpu.memref_squeeze %dma_start3A_372 : memref<1x164x128xi32, #tpu.memory_space<hbm>> -> memref<164x128xi32, #tpu.memory_space<hbm>>
      %dma_start3A_374 = arith.constant 0 : i32
      %dma_start3A_375 = tpu.memref_slice %dma_start3A_373[%add3A_362, %dma_start3A_374] : memref<164x128xi32, #tpu.memory_space<hbm>> -> memref<1x128xi32, #tpu.memory_space<hbm>>
      %dma_start3A_376 = tpu.memref_squeeze %dma_start3A_375 : memref<1x128xi32, #tpu.memory_space<hbm>> -> memref<128xi32, #tpu.memory_space<hbm>>
      tpu.enqueue_dma source(%dma_start3A_376 : memref<128xi32, #tpu.memory_space<hbm>>) target(%arg7 : memref<128xi32, #tpu.memory_space<vmem>>) target_semaphore(%arg18 : memref<!tpu.dma_semaphore, #tpu.memory_space<semaphore_mem>>)
      %dma_start3A_377 = arith.constant 0 : i32
      %dma_start3A_378 = arith.constant 0 : i32
      %dma_start3A_379 = tpu.memref_slice %arg4[%arg1, %dma_start3A_377, %dma_start3A_378] : memref<16x164x128xi32, #tpu.memory_space<hbm>> -> memref<1x164x128xi32, #tpu.memory_space<hbm>>
      %dma_start3A_380 = tpu.memref_squeeze %dma_start3A_379 : memref<1x164x128xi32, #tpu.memory_space<hbm>> -> memref<164x128xi32, #tpu.memory_space<hbm>>
      %dma_start3A_381 = arith.constant 0 : i32
      %dma_start3A_382 = tpu.memref_slice %dma_start3A_380[%add3A_362, %dma_start3A_381] : memref<164x128xi32, #tpu.memory_space<hbm>> -> memref<1x128xi32, #tpu.memory_space<hbm>>
      %dma_start3A_383 = tpu.memref_squeeze %dma_start3A_382 : memref<1x128xi32, #tpu.memory_space<hbm>> -> memref<128xi32, #tpu.memory_space<hbm>>
      %dma_start3A_384 = arith.constant 0 : i32
      %dma_start3A_385 = arith.constant 0 : i32
      %dma_start3A_386 = tpu.memref_slice %arg4[%arg1, %dma_start3A_384, %dma_start3A_385] : memref<16x164x128xi32, #tpu.memory_space<hbm>> -> memref<1x164x128xi32, #tpu.memory_space<hbm>>
      %dma_start3A_387 = tpu.memref_squeeze %dma_start3A_386 : memref<1x164x128xi32, #tpu.memory_space<hbm>> -> memref<164x128xi32, #tpu.memory_space<hbm>>
      %dma_start3A_388 = arith.constant 0 : i32
      %dma_start3A_389 = tpu.memref_slice %dma_start3A_387[%add3A_362, %dma_start3A_388] : memref<164x128xi32, #tpu.memory_space<hbm>> -> memref<1x128xi32, #tpu.memory_space<hbm>>
      %dma_start3A_390 = tpu.memref_squeeze %dma_start3A_389 : memref<1x128xi32, #tpu.memory_space<hbm>> -> memref<128xi32, #tpu.memory_space<hbm>>
      tpu.enqueue_dma source(%dma_start3A_390 : memref<128xi32, #tpu.memory_space<hbm>>) target(%arg11 : memref<128xi32, #tpu.memory_space<vmem>>) target_semaphore(%arg18 : memref<!tpu.dma_semaphore, #tpu.memory_space<semaphore_mem>>)
      %dma_wait3A_391 = arith.constant 0 : i32
      %dma_wait3A_392 = arith.constant 0 : i32
      %dma_wait3A_393 = arith.constant 0 : i32
      %dma_wait3A_394 = tpu.memref_slice %arg3[%arg1, %dma_wait3A_392, %dma_wait3A_393] : memref<16x164x128xi32, #tpu.memory_space<hbm>> -> memref<1x164x128xi32, #tpu.memory_space<hbm>>
      %dma_wait3A_395 = tpu.memref_squeeze %dma_wait3A_394 : memref<1x164x128xi32, #tpu.memory_space<hbm>> -> memref<164x128xi32, #tpu.memory_space<hbm>>
      %dma_wait3A_396 = arith.constant 0 : i32
      %dma_wait3A_397 = tpu.memref_slice %dma_wait3A_395[%dma_wait3A_391, %dma_wait3A_396] : memref<164x128xi32, #tpu.memory_space<hbm>> -> memref<1x128xi32, #tpu.memory_space<hbm>>
      %dma_wait3A_398 = tpu.memref_squeeze %dma_wait3A_397 : memref<1x128xi32, #tpu.memory_space<hbm>> -> memref<128xi32, #tpu.memory_space<hbm>>
      %dma_wait3A_399 = arith.constant 0 : i32
      %dma_wait3A_400 = arith.constant 0 : i32
      %dma_wait3A_401 = tpu.memref_slice %arg3[%arg1, %dma_wait3A_399, %dma_wait3A_400] : memref<16x164x128xi32, #tpu.memory_space<hbm>> -> memref<1x164x128xi32, #tpu.memory_space<hbm>>
      %dma_wait3A_402 = tpu.memref_squeeze %dma_wait3A_401 : memref<1x164x128xi32, #tpu.memory_space<hbm>> -> memref<164x128xi32, #tpu.memory_space<hbm>>
      %dma_wait3A_403 = arith.constant 0 : i32
      %dma_wait3A_404 = tpu.memref_slice %dma_wait3A_402[%dma_wait3A_391, %dma_wait3A_403] : memref<164x128xi32, #tpu.memory_space<hbm>> -> memref<1x128xi32, #tpu.memory_space<hbm>>
      %dma_wait3A_405 = tpu.memref_squeeze %dma_wait3A_404 : memref<1x128xi32, #tpu.memory_space<hbm>> -> memref<128xi32, #tpu.memory_space<hbm>>
      tpu.wait_dma2 semaphore(%arg20 : memref<!tpu.dma_semaphore, #tpu.memory_space<semaphore_mem>>) src(%dma_wait3A_405 : memref<128xi32, #tpu.memory_space<hbm>>) dst(%arg9 : memref<128xi32, #tpu.memory_space<vmem>>)
      %dma_wait3A_406 = arith.constant 0 : i32
      %dma_wait3A_407 = arith.constant 0 : i32
      %dma_wait3A_408 = arith.constant 0 : i32
      %dma_wait3A_409 = tpu.memref_slice %arg4[%arg1, %dma_wait3A_407, %dma_wait3A_408] : memref<16x164x128xi32, #tpu.memory_space<hbm>> -> memref<1x164x128xi32, #tpu.memory_space<hbm>>
      %dma_wait3A_410 = tpu.memref_squeeze %dma_wait3A_409 : memref<1x164x128xi32, #tpu.memory_space<hbm>> -> memref<164x128xi32, #tpu.memory_space<hbm>>
      %dma_wait3A_411 = arith.constant 0 : i32
      %dma_wait3A_412 = tpu.memref_slice %dma_wait3A_410[%dma_wait3A_406, %dma_wait3A_411] : memref<164x128xi32, #tpu.memory_space<hbm>> -> memref<1x128xi32, #tpu.memory_space<hbm>>
      %dma_wait3A_413 = tpu.memref_squeeze %dma_wait3A_412 : memref<1x128xi32, #tpu.memory_space<hbm>> -> memref<128xi32, #tpu.memory_space<hbm>>
      %dma_wait3A_414 = arith.constant 0 : i32
      %dma_wait3A_415 = arith.constant 0 : i32
      %dma_wait3A_416 = tpu.memref_slice %arg4[%arg1, %dma_wait3A_414, %dma_wait3A_415] : memref<16x164x128xi32, #tpu.memory_space<hbm>> -> memref<1x164x128xi32, #tpu.memory_space<hbm>>
      %dma_wait3A_417 = tpu.memref_squeeze %dma_wait3A_416 : memref<1x164x128xi32, #tpu.memory_space<hbm>> -> memref<164x128xi32, #tpu.memory_space<hbm>>
      %dma_wait3A_418 = arith.constant 0 : i32
      %dma_wait3A_419 = tpu.memref_slice %dma_wait3A_417[%dma_wait3A_406, %dma_wait3A_418] : memref<164x128xi32, #tpu.memory_space<hbm>> -> memref<1x128xi32, #tpu.memory_space<hbm>>
      %dma_wait3A_420 = tpu.memref_squeeze %dma_wait3A_419 : memref<1x128xi32, #tpu.memory_space<hbm>> -> memref<128xi32, #tpu.memory_space<hbm>>
      tpu.wait_dma2 semaphore(%arg20 : memref<!tpu.dma_semaphore, #tpu.memory_space<semaphore_mem>>) src(%dma_wait3A_420 : memref<128xi32, #tpu.memory_space<hbm>>) dst(%arg13 : memref<128xi32, #tpu.memory_space<vmem>>)
      %dma_start3A_421 = arith.constant 0 : i32
      %dma_start3A_422 = arith.constant 0 : i32
      %dma_start3A_423 = arith.constant 0 : i32
      %dma_start3A_424 = tpu.memref_slice %arg15[%dma_start3A_421, %dma_start3A_422, %dma_start3A_423] : memref<2x128x128xf32, #tpu.memory_space<vmem>> -> memref<1x128x128xf32, #tpu.memory_space<vmem>>
      %dma_start3A_425 = tpu.memref_squeeze %dma_start3A_424 : memref<1x128x128xf32, #tpu.memory_space<vmem>> -> memref<128x128xf32, #tpu.memory_space<vmem>>
      %dma_start3A_426 = arith.constant 0 : i32
      %dma_start3A_427 = arith.constant 0 : i32
      %dma_start3A_428 = tpu.memref_slice %arg2[%arg0, %dma_start3A_426, %dma_start3A_427] : memref<2x10240x128xf32, #tpu.memory_space<hbm>> -> memref<1x10240x128xf32, #tpu.memory_space<hbm>>
      %dma_start3A_429 = tpu.memref_squeeze %dma_start3A_428 : memref<1x10240x128xf32, #tpu.memory_space<hbm>> -> memref<10240x128xf32, #tpu.memory_space<hbm>>
      %dma_start3A_430 = arith.constant 0 : i32
      %dma_start3A_431 = arith.constant 0 : i32
      %dma_start3A_432 = tpu.memref_slice %dma_start3A_429[%dma_start3A_430, %dma_start3A_431] : memref<10240x128xf32, #tpu.memory_space<hbm>> -> memref<10240x128xf32, #tpu.memory_space<hbm>>
      tpu.enqueue_indirect_dma source(%dma_start3A_432 : memref<10240x128xf32, #tpu.memory_space<hbm>>) target(%dma_start3A_425 : memref<128x128xf32, #tpu.memory_space<vmem>>) offsets(%arg9 : memref<128xi32, #tpu.memory_space<vmem>>) semaphore(%arg16 : memref<!tpu.dma_semaphore, #tpu.memory_space<semaphore_mem>>)
      %mul3A_433 = arith.constant 4 : i32
      %mul3A_434 = arith.muli %mul3A_433, %scan3A_344 : i32
      %add3A_435 = arith.constant 1 : i32
      %add3A_436 = arith.addi %mul3A_434, %add3A_435 : i32
      %dma_wait3A_437 = arith.constant 1 : i32
      %dma_wait3A_438 = arith.constant 0 : i32
      %dma_wait3A_439 = arith.constant 0 : i32
      %dma_wait3A_440 = tpu.memref_slice %arg15[%dma_wait3A_437, %dma_wait3A_438, %dma_wait3A_439] : memref<2x128x128xf32, #tpu.memory_space<vmem>> -> memref<1x128x128xf32, #tpu.memory_space<vmem>>
      %dma_wait3A_441 = tpu.memref_squeeze %dma_wait3A_440 : memref<1x128x128xf32, #tpu.memory_space<vmem>> -> memref<128x128xf32, #tpu.memory_space<vmem>>
      %dma_wait3A_442 = arith.constant 0 : i32
      %dma_wait3A_443 = arith.constant 0 : i32
      %dma_wait3A_444 = tpu.memref_slice %arg2[%arg0, %dma_wait3A_442, %dma_wait3A_443] : memref<2x10240x128xf32, #tpu.memory_space<hbm>> -> memref<1x10240x128xf32, #tpu.memory_space<hbm>>
      %dma_wait3A_445 = tpu.memref_squeeze %dma_wait3A_444 : memref<1x10240x128xf32, #tpu.memory_space<hbm>> -> memref<10240x128xf32, #tpu.memory_space<hbm>>
      %dma_wait3A_446 = arith.constant 0 : i32
      %dma_wait3A_447 = arith.constant 0 : i32
      %dma_wait3A_448 = tpu.memref_slice %dma_wait3A_445[%dma_wait3A_446, %dma_wait3A_447] : memref<10240x128xf32, #tpu.memory_space<hbm>> -> memref<10240x128xf32, #tpu.memory_space<hbm>>
      tpu.wait_indirect_dma semaphore(%arg17 : memref<!tpu.dma_semaphore, #tpu.memory_space<semaphore_mem>>) src(%dma_wait3A_448 : memref<10240x128xf32, #tpu.memory_space<hbm>>) dst(%dma_wait3A_441 : memref<128x128xf32, #tpu.memory_space<vmem>>)
      %run_scoped3A_449 = arith.constant 1 : i32
      "tpu.region"() ({
        %run_scoped3A_700 = tpu.sem_alloc : memref<!tpu.dma_semaphore, #tpu.memory_space<semaphore_mem>>
        %dma_start3A_701 = arith.constant 0 : i32
        %dma_start3A_702 = arith.constant 0 : i32
        %dma_start3A_703 = tpu.memref_slice %arg15[%run_scoped3A_449, %dma_start3A_701, %dma_start3A_702] : memref<2x128x128xf32, #tpu.memory_space<vmem>> -> memref<1x128x128xf32, #tpu.memory_space<vmem>>
        %dma_start3A_704 = tpu.memref_squeeze %dma_start3A_703 : memref<1x128x128xf32, #tpu.memory_space<vmem>> -> memref<128x128xf32, #tpu.memory_space<vmem>>
        %dma_start3A_705 = arith.constant 0 : i32
        %dma_start3A_706 = arith.constant 0 : i32
        %dma_start3A_707 = tpu.memref_slice %arg6[%dma_start3A_705, %dma_start3A_706] : memref<10240x128xf32, #tpu.memory_space<vmem_shared>> -> memref<10240x128xf32, #tpu.memory_space<vmem_shared>>
        tpu.enqueue_indirect_dma source(%dma_start3A_704 : memref<128x128xf32, #tpu.memory_space<vmem>>) target(%dma_start3A_707 : memref<10240x128xf32, #tpu.memory_space<vmem_shared>>) offsets(%arg12 : memref<128xi32, #tpu.memory_space<vmem>>) semaphore(%run_scoped3A_700 : memref<!tpu.dma_semaphore, #tpu.memory_space<semaphore_mem>>) {add = true}
        %dma_wait3A_708 = arith.constant 0 : i32
        %dma_wait3A_709 = arith.constant 0 : i32
        %dma_wait3A_710 = tpu.memref_slice %arg15[%run_scoped3A_449, %dma_wait3A_708, %dma_wait3A_709] : memref<2x128x128xf32, #tpu.memory_space<vmem>> -> memref<1x128x128xf32, #tpu.memory_space<vmem>>
        %dma_wait3A_711 = tpu.memref_squeeze %dma_wait3A_710 : memref<1x128x128xf32, #tpu.memory_space<vmem>> -> memref<128x128xf32, #tpu.memory_space<vmem>>
        %dma_wait3A_712 = arith.constant 0 : i32
        %dma_wait3A_713 = arith.constant 0 : i32
        %dma_wait3A_714 = tpu.memref_slice %arg6[%dma_wait3A_712, %dma_wait3A_713] : memref<10240x128xf32, #tpu.memory_space<vmem_shared>> -> memref<10240x128xf32, #tpu.memory_space<vmem_shared>>
        tpu.wait_indirect_dma semaphore(%run_scoped3A_700 : memref<!tpu.dma_semaphore, #tpu.memory_space<semaphore_mem>>) src(%dma_wait3A_711 : memref<128x128xf32, #tpu.memory_space<vmem>>) dst(%dma_wait3A_714 : memref<10240x128xf32, #tpu.memory_space<vmem_shared>>)
        tpu.yield
      }) : () -> ()
      %add3A_450 = arith.constant 4 : i32
      %add3A_451 = arith.addi %add3A_436, %add3A_450 : i32
      %dma_start3A_452 = arith.constant 0 : i32
      %dma_start3A_453 = arith.constant 0 : i32
      %dma_start3A_454 = tpu.memref_slice %arg3[%arg1, %dma_start3A_452, %dma_start3A_453] : memref<16x164x128xi32, #tpu.memory_space<hbm>> -> memref<1x164x128xi32, #tpu.memory_space<hbm>>
      %dma_start3A_455 = tpu.memref_squeeze %dma_start3A_454 : memref<1x164x128xi32, #tpu.memory_space<hbm>> -> memref<164x128xi32, #tpu.memory_space<hbm>>
      %dma_start3A_456 = arith.constant 0 : i32
      %dma_start3A_457 = tpu.memref_slice %dma_start3A_455[%add3A_451, %dma_start3A_456] : memref<164x128xi32, #tpu.memory_space<hbm>> -> memref<1x128xi32, #tpu.memory_space<hbm>>
      %dma_start3A_458 = tpu.memref_squeeze %dma_start3A_457 : memref<1x128xi32, #tpu.memory_space<hbm>> -> memref<128xi32, #tpu.memory_space<hbm>>
      %dma_start3A_459 = arith.constant 0 : i32
      %dma_start3A_460 = arith.constant 0 : i32
      %dma_start3A_461 = tpu.memref_slice %arg3[%arg1, %dma_start3A_459, %dma_start3A_460] : memref<16x164x128xi32, #tpu.memory_space<hbm>> -> memref<1x164x128xi32, #tpu.memory_space<hbm>>
      %dma_start3A_462 = tpu.memref_squeeze %dma_start3A_461 : memref<1x164x128xi32, #tpu.memory_space<hbm>> -> memref<164x128xi32, #tpu.memory_space<hbm>>
      %dma_start3A_463 = arith.constant 0 : i32
      %dma_start3A_464 = tpu.memref_slice %dma_start3A_462[%add3A_451, %dma_start3A_463] : memref<164x128xi32, #tpu.memory_space<hbm>> -> memref<1x128xi32, #tpu.memory_space<hbm>>
      %dma_start3A_465 = tpu.memref_squeeze %dma_start3A_464 : memref<1x128xi32, #tpu.memory_space<hbm>> -> memref<128xi32, #tpu.memory_space<hbm>>
      tpu.enqueue_dma source(%dma_start3A_465 : memref<128xi32, #tpu.memory_space<hbm>>) target(%arg8 : memref<128xi32, #tpu.memory_space<vmem>>) target_semaphore(%arg19 : memref<!tpu.dma_semaphore, #tpu.memory_space<semaphore_mem>>)
      %dma_start3A_466 = arith.constant 0 : i32
      %dma_start3A_467 = arith.constant 0 : i32
      %dma_start3A_468 = tpu.memref_slice %arg4[%arg1, %dma_start3A_466, %dma_start3A_467] : memref<16x164x128xi32, #tpu.memory_space<hbm>> -> memref<1x164x128xi32, #tpu.memory_space<hbm>>
      %dma_start3A_469 = tpu.memref_squeeze %dma_start3A_468 : memref<1x164x128xi32, #tpu.memory_space<hbm>> -> memref<164x128xi32, #tpu.memory_space<hbm>>
      %dma_start3A_470 = arith.constant 0 : i32
      %dma_start3A_471 = tpu.memref_slice %dma_start3A_469[%add3A_451, %dma_start3A_470] : memref<164x128xi32, #tpu.memory_space<hbm>> -> memref<1x128xi32, #tpu.memory_space<hbm>>
      %dma_start3A_472 = tpu.memref_squeeze %dma_start3A_471 : memref<1x128xi32, #tpu.memory_space<hbm>> -> memref<128xi32, #tpu.memory_space<hbm>>
      %dma_start3A_473 = arith.constant 0 : i32
      %dma_start3A_474 = arith.constant 0 : i32
      %dma_start3A_475 = tpu.memref_slice %arg4[%arg1, %dma_start3A_473, %dma_start3A_474] : memref<16x164x128xi32, #tpu.memory_space<hbm>> -> memref<1x164x128xi32, #tpu.memory_space<hbm>>
      %dma_start3A_476 = tpu.memref_squeeze %dma_start3A_475 : memref<1x164x128xi32, #tpu.memory_space<hbm>> -> memref<164x128xi32, #tpu.memory_space<hbm>>
      %dma_start3A_477 = arith.constant 0 : i32
      %dma_start3A_478 = tpu.memref_slice %dma_start3A_476[%add3A_451, %dma_start3A_477] : memref<164x128xi32, #tpu.memory_space<hbm>> -> memref<1x128xi32, #tpu.memory_space<hbm>>
      %dma_start3A_479 = tpu.memref_squeeze %dma_start3A_478 : memref<1x128xi32, #tpu.memory_space<hbm>> -> memref<128xi32, #tpu.memory_space<hbm>>
      tpu.enqueue_dma source(%dma_start3A_479 : memref<128xi32, #tpu.memory_space<hbm>>) target(%arg12 : memref<128xi32, #tpu.memory_space<vmem>>) target_semaphore(%arg19 : memref<!tpu.dma_semaphore, #tpu.memory_space<semaphore_mem>>)
      %dma_wait3A_480 = arith.constant 0 : i32
      %dma_wait3A_481 = arith.constant 0 : i32
      %dma_wait3A_482 = arith.constant 0 : i32
      %dma_wait3A_483 = tpu.memref_slice %arg3[%arg1, %dma_wait3A_481, %dma_wait3A_482] : memref<16x164x128xi32, #tpu.memory_space<hbm>> -> memref<1x164x128xi32, #tpu.memory_space<hbm>>
      %dma_wait3A_484 = tpu.memref_squeeze %dma_wait3A_483 : memref<1x164x128xi32, #tpu.memory_space<hbm>> -> memref<164x128xi32, #tpu.memory_space<hbm>>
      %dma_wait3A_485 = arith.constant 0 : i32
      %dma_wait3A_486 = tpu.memref_slice %dma_wait3A_484[%dma_wait3A_480, %dma_wait3A_485] : memref<164x128xi32, #tpu.memory_space<hbm>> -> memref<1x128xi32, #tpu.memory_space<hbm>>
      %dma_wait3A_487 = tpu.memref_squeeze %dma_wait3A_486 : memref<1x128xi32, #tpu.memory_space<hbm>> -> memref<128xi32, #tpu.memory_space<hbm>>
      %dma_wait3A_488 = arith.constant 0 : i32
      %dma_wait3A_489 = arith.constant 0 : i32
      %dma_wait3A_490 = tpu.memref_slice %arg3[%arg1, %dma_wait3A_488, %dma_wait3A_489] : memref<16x164x128xi32, #tpu.memory_space<hbm>> -> memref<1x164x128xi32, #tpu.memory_space<hbm>>
      %dma_wait3A_491 = tpu.memref_squeeze %dma_wait3A_490 : memref<1x164x128xi32, #tpu.memory_space<hbm>> -> memref<164x128xi32, #tpu.memory_space<hbm>>
      %dma_wait3A_492 = arith.constant 0 : i32
      %dma_wait3A_493 = tpu.memref_slice %dma_wait3A_491[%dma_wait3A_480, %dma_wait3A_492] : memref<164x128xi32, #tpu.memory_space<hbm>> -> memref<1x128xi32, #tpu.memory_space<hbm>>
      %dma_wait3A_494 = tpu.memref_squeeze %dma_wait3A_493 : memref<1x128xi32, #tpu.memory_space<hbm>> -> memref<128xi32, #tpu.memory_space<hbm>>
      tpu.wait_dma2 semaphore(%arg21 : memref<!tpu.dma_semaphore, #tpu.memory_space<semaphore_mem>>) src(%dma_wait3A_494 : memref<128xi32, #tpu.memory_space<hbm>>) dst(%arg10 : memref<128xi32, #tpu.memory_space<vmem>>)
      %dma_wait3A_495 = arith.constant 0 : i32
      %dma_wait3A_496 = arith.constant 0 : i32
      %dma_wait3A_497 = arith.constant 0 : i32
      %dma_wait3A_498 = tpu.memref_slice %arg4[%arg1, %dma_wait3A_496, %dma_wait3A_497] : memref<16x164x128xi32, #tpu.memory_space<hbm>> -> memref<1x164x128xi32, #tpu.memory_space<hbm>>
      %dma_wait3A_499 = tpu.memref_squeeze %dma_wait3A_498 : memref<1x164x128xi32, #tpu.memory_space<hbm>> -> memref<164x128xi32, #tpu.memory_space<hbm>>
      %dma_wait3A_500 = arith.constant 0 : i32
      %dma_wait3A_501 = tpu.memref_slice %dma_wait3A_499[%dma_wait3A_495, %dma_wait3A_500] : memref<164x128xi32, #tpu.memory_space<hbm>> -> memref<1x128xi32, #tpu.memory_space<hbm>>
      %dma_wait3A_502 = tpu.memref_squeeze %dma_wait3A_501 : memref<1x128xi32, #tpu.memory_space<hbm>> -> memref<128xi32, #tpu.memory_space<hbm>>
      %dma_wait3A_503 = arith.constant 0 : i32
      %dma_wait3A_504 = arith.constant 0 : i32
      %dma_wait3A_505 = tpu.memref_slice %arg4[%arg1, %dma_wait3A_503, %dma_wait3A_504] : memref<16x164x128xi32, #tpu.memory_space<hbm>> -> memref<1x164x128xi32, #tpu.memory_space<hbm>>
      %dma_wait3A_506 = tpu.memref_squeeze %dma_wait3A_505 : memref<1x164x128xi32, #tpu.memory_space<hbm>> -> memref<164x128xi32, #tpu.memory_space<hbm>>
      %dma_wait3A_507 = arith.constant 0 : i32
      %dma_wait3A_508 = tpu.memref_slice %dma_wait3A_506[%dma_wait3A_495, %dma_wait3A_507] : memref<164x128xi32, #tpu.memory_space<hbm>> -> memref<1x128xi32, #tpu.memory_space<hbm>>
      %dma_wait3A_509 = tpu.memref_squeeze %dma_wait3A_508 : memref<1x128xi32, #tpu.memory_space<hbm>> -> memref<128xi32, #tpu.memory_space<hbm>>
      tpu.wait_dma2 semaphore(%arg21 : memref<!tpu.dma_semaphore, #tpu.memory_space<semaphore_mem>>) src(%dma_wait3A_509 : memref<128xi32, #tpu.memory_space<hbm>>) dst(%arg14 : memref<128xi32, #tpu.memory_space<vmem>>)
      %dma_start3A_510 = arith.constant 1 : i32
      %dma_start3A_511 = arith.constant 0 : i32
      %dma_start3A_512 = arith.constant 0 : i32
      %dma_start3A_513 = tpu.memref_slice %arg15[%dma_start3A_510, %dma_start3A_511, %dma_start3A_512] : memref<2x128x128xf32, #tpu.memory_space<vmem>> -> memref<1x128x128xf32, #tpu.memory_space<vmem>>
      %dma_start3A_514 = tpu.memref_squeeze %dma_start3A_513 : memref<1x128x128xf32, #tpu.memory_space<vmem>> -> memref<128x128xf32, #tpu.memory_space<vmem>>
      %dma_start3A_515 = arith.constant 0 : i32
      %dma_start3A_516 = arith.constant 0 : i32
      %dma_start3A_517 = tpu.memref_slice %arg2[%arg0, %dma_start3A_515, %dma_start3A_516] : memref<2x10240x128xf32, #tpu.memory_space<hbm>> -> memref<1x10240x128xf32, #tpu.memory_space<hbm>>
      %dma_start3A_518 = tpu.memref_squeeze %dma_start3A_517 : memref<1x10240x128xf32, #tpu.memory_space<hbm>> -> memref<10240x128xf32, #tpu.memory_space<hbm>>
      %dma_start3A_519 = arith.constant 0 : i32
      %dma_start3A_520 = arith.constant 0 : i32
      %dma_start3A_521 = tpu.memref_slice %dma_start3A_518[%dma_start3A_519, %dma_start3A_520] : memref<10240x128xf32, #tpu.memory_space<hbm>> -> memref<10240x128xf32, #tpu.memory_space<hbm>>
      tpu.enqueue_indirect_dma source(%dma_start3A_521 : memref<10240x128xf32, #tpu.memory_space<hbm>>) target(%dma_start3A_514 : memref<128x128xf32, #tpu.memory_space<vmem>>) offsets(%arg10 : memref<128xi32, #tpu.memory_space<vmem>>) semaphore(%arg17 : memref<!tpu.dma_semaphore, #tpu.memory_space<semaphore_mem>>)
      %mul3A_522 = arith.constant 4 : i32
      %mul3A_523 = arith.muli %mul3A_522, %scan3A_344 : i32
      %add3A_524 = arith.constant 2 : i32
      %add3A_525 = arith.addi %mul3A_523, %add3A_524 : i32
      %dma_wait3A_526 = arith.constant 0 : i32
      %dma_wait3A_527 = arith.constant 0 : i32
      %dma_wait3A_528 = arith.constant 0 : i32
      %dma_wait3A_529 = tpu.memref_slice %arg15[%dma_wait3A_526, %dma_wait3A_527, %dma_wait3A_528] : memref<2x128x128xf32, #tpu.memory_space<vmem>> -> memref<1x128x128xf32, #tpu.memory_space<vmem>>
      %dma_wait3A_530 = tpu.memref_squeeze %dma_wait3A_529 : memref<1x128x128xf32, #tpu.memory_space<vmem>> -> memref<128x128xf32, #tpu.memory_space<vmem>>
      %dma_wait3A_531 = arith.constant 0 : i32
      %dma_wait3A_532 = arith.constant 0 : i32
      %dma_wait3A_533 = tpu.memref_slice %arg2[%arg0, %dma_wait3A_531, %dma_wait3A_532] : memref<2x10240x128xf32, #tpu.memory_space<hbm>> -> memref<1x10240x128xf32, #tpu.memory_space<hbm>>
      %dma_wait3A_534 = tpu.memref_squeeze %dma_wait3A_533 : memref<1x10240x128xf32, #tpu.memory_space<hbm>> -> memref<10240x128xf32, #tpu.memory_space<hbm>>
      %dma_wait3A_535 = arith.constant 0 : i32
      %dma_wait3A_536 = arith.constant 0 : i32
      %dma_wait3A_537 = tpu.memref_slice %dma_wait3A_534[%dma_wait3A_535, %dma_wait3A_536] : memref<10240x128xf32, #tpu.memory_space<hbm>> -> memref<10240x128xf32, #tpu.memory_space<hbm>>
      tpu.wait_indirect_dma semaphore(%arg16 : memref<!tpu.dma_semaphore, #tpu.memory_space<semaphore_mem>>) src(%dma_wait3A_537 : memref<10240x128xf32, #tpu.memory_space<hbm>>) dst(%dma_wait3A_530 : memref<128x128xf32, #tpu.memory_space<vmem>>)
      %run_scoped3A_538 = arith.constant 0 : i32
      "tpu.region"() ({
        %run_scoped3A_700 = tpu.sem_alloc : memref<!tpu.dma_semaphore, #tpu.memory_space<semaphore_mem>>
        %dma_start3A_701 = arith.constant 0 : i32
        %dma_start3A_702 = arith.constant 0 : i32
        %dma_start3A_703 = tpu.memref_slice %arg15[%run_scoped3A_538, %dma_start3A_701, %dma_start3A_702] : memref<2x128x128xf32, #tpu.memory_space<vmem>> -> memref<1x128x128xf32, #tpu.memory_space<vmem>>
        %dma_start3A_704 = tpu.memref_squeeze %dma_start3A_703 : memref<1x128x128xf32, #tpu.memory_space<vmem>> -> memref<128x128xf32, #tpu.memory_space<vmem>>
        %dma_start3A_705 = arith.constant 0 : i32
        %dma_start3A_706 = arith.constant 0 : i32
        %dma_start3A_707 = tpu.memref_slice %arg6[%dma_start3A_705, %dma_start3A_706] : memref<10240x128xf32, #tpu.memory_space<vmem_shared>> -> memref<10240x128xf32, #tpu.memory_space<vmem_shared>>
        tpu.enqueue_indirect_dma source(%dma_start3A_704 : memref<128x128xf32, #tpu.memory_space<vmem>>) target(%dma_start3A_707 : memref<10240x128xf32, #tpu.memory_space<vmem_shared>>) offsets(%arg13 : memref<128xi32, #tpu.memory_space<vmem>>) semaphore(%run_scoped3A_700 : memref<!tpu.dma_semaphore, #tpu.memory_space<semaphore_mem>>) {add = true}
        %dma_wait3A_708 = arith.constant 0 : i32
        %dma_wait3A_709 = arith.constant 0 : i32
        %dma_wait3A_710 = tpu.memref_slice %arg15[%run_scoped3A_538, %dma_wait3A_708, %dma_wait3A_709] : memref<2x128x128xf32, #tpu.memory_space<vmem>> -> memref<1x128x128xf32, #tpu.memory_space<vmem>>
        %dma_wait3A_711 = tpu.memref_squeeze %dma_wait3A_710 : memref<1x128x128xf32, #tpu.memory_space<vmem>> -> memref<128x128xf32, #tpu.memory_space<vmem>>
        %dma_wait3A_712 = arith.constant 0 : i32
        %dma_wait3A_713 = arith.constant 0 : i32
        %dma_wait3A_714 = tpu.memref_slice %arg6[%dma_wait3A_712, %dma_wait3A_713] : memref<10240x128xf32, #tpu.memory_space<vmem_shared>> -> memref<10240x128xf32, #tpu.memory_space<vmem_shared>>
        tpu.wait_indirect_dma semaphore(%run_scoped3A_700 : memref<!tpu.dma_semaphore, #tpu.memory_space<semaphore_mem>>) src(%dma_wait3A_711 : memref<128x128xf32, #tpu.memory_space<vmem>>) dst(%dma_wait3A_714 : memref<10240x128xf32, #tpu.memory_space<vmem_shared>>)
        tpu.yield
      }) : () -> ()
      %add3A_539 = arith.constant 4 : i32
      %add3A_540 = arith.addi %add3A_525, %add3A_539 : i32
      %dma_start3A_541 = arith.constant 0 : i32
      %dma_start3A_542 = arith.constant 0 : i32
      %dma_start3A_543 = tpu.memref_slice %arg3[%arg1, %dma_start3A_541, %dma_start3A_542] : memref<16x164x128xi32, #tpu.memory_space<hbm>> -> memref<1x164x128xi32, #tpu.memory_space<hbm>>
      %dma_start3A_544 = tpu.memref_squeeze %dma_start3A_543 : memref<1x164x128xi32, #tpu.memory_space<hbm>> -> memref<164x128xi32, #tpu.memory_space<hbm>>
      %dma_start3A_545 = arith.constant 0 : i32
      %dma_start3A_546 = tpu.memref_slice %dma_start3A_544[%add3A_540, %dma_start3A_545] : memref<164x128xi32, #tpu.memory_space<hbm>> -> memref<1x128xi32, #tpu.memory_space<hbm>>
      %dma_start3A_547 = tpu.memref_squeeze %dma_start3A_546 : memref<1x128xi32, #tpu.memory_space<hbm>> -> memref<128xi32, #tpu.memory_space<hbm>>
      %dma_start3A_548 = arith.constant 0 : i32
      %dma_start3A_549 = arith.constant 0 : i32
      %dma_start3A_550 = tpu.memref_slice %arg3[%arg1, %dma_start3A_548, %dma_start3A_549] : memref<16x164x128xi32, #tpu.memory_space<hbm>> -> memref<1x164x128xi32, #tpu.memory_space<hbm>>
      %dma_start3A_551 = tpu.memref_squeeze %dma_start3A_550 : memref<1x164x128xi32, #tpu.memory_space<hbm>> -> memref<164x128xi32, #tpu.memory_space<hbm>>
      %dma_start3A_552 = arith.constant 0 : i32
      %dma_start3A_553 = tpu.memref_slice %dma_start3A_551[%add3A_540, %dma_start3A_552] : memref<164x128xi32, #tpu.memory_space<hbm>> -> memref<1x128xi32, #tpu.memory_space<hbm>>
      %dma_start3A_554 = tpu.memref_squeeze %dma_start3A_553 : memref<1x128xi32, #tpu.memory_space<hbm>> -> memref<128xi32, #tpu.memory_space<hbm>>
      tpu.enqueue_dma source(%dma_start3A_554 : memref<128xi32, #tpu.memory_space<hbm>>) target(%arg9 : memref<128xi32, #tpu.memory_space<vmem>>) target_semaphore(%arg20 : memref<!tpu.dma_semaphore, #tpu.memory_space<semaphore_mem>>)
      %dma_start3A_555 = arith.constant 0 : i32
      %dma_start3A_556 = arith.constant 0 : i32
      %dma_start3A_557 = tpu.memref_slice %arg4[%arg1, %dma_start3A_555, %dma_start3A_556] : memref<16x164x128xi32, #tpu.memory_space<hbm>> -> memref<1x164x128xi32, #tpu.memory_space<hbm>>
      %dma_start3A_558 = tpu.memref_squeeze %dma_start3A_557 : memref<1x164x128xi32, #tpu.memory_space<hbm>> -> memref<164x128xi32, #tpu.memory_space<hbm>>
      %dma_start3A_559 = arith.constant 0 : i32
      %dma_start3A_560 = tpu.memref_slice %dma_start3A_558[%add3A_540, %dma_start3A_559] : memref<164x128xi32, #tpu.memory_space<hbm>> -> memref<1x128xi32, #tpu.memory_space<hbm>>
      %dma_start3A_561 = tpu.memref_squeeze %dma_start3A_560 : memref<1x128xi32, #tpu.memory_space<hbm>> -> memref<128xi32, #tpu.memory_space<hbm>>
      %dma_start3A_562 = arith.constant 0 : i32
      %dma_start3A_563 = arith.constant 0 : i32
      %dma_start3A_564 = tpu.memref_slice %arg4[%arg1, %dma_start3A_562, %dma_start3A_563] : memref<16x164x128xi32, #tpu.memory_space<hbm>> -> memref<1x164x128xi32, #tpu.memory_space<hbm>>
      %dma_start3A_565 = tpu.memref_squeeze %dma_start3A_564 : memref<1x164x128xi32, #tpu.memory_space<hbm>> -> memref<164x128xi32, #tpu.memory_space<hbm>>
      %dma_start3A_566 = arith.constant 0 : i32
      %dma_start3A_567 = tpu.memref_slice %dma_start3A_565[%add3A_540, %dma_start3A_566] : memref<164x128xi32, #tpu.memory_space<hbm>> -> memref<1x128xi32, #tpu.memory_space<hbm>>
      %dma_start3A_568 = tpu.memref_squeeze %dma_start3A_567 : memref<1x128xi32, #tpu.memory_space<hbm>> -> memref<128xi32, #tpu.memory_space<hbm>>
      tpu.enqueue_dma source(%dma_start3A_568 : memref<128xi32, #tpu.memory_space<hbm>>) target(%arg13 : memref<128xi32, #tpu.memory_space<vmem>>) target_semaphore(%arg20 : memref<!tpu.dma_semaphore, #tpu.memory_space<semaphore_mem>>)
      %dma_wait3A_569 = arith.constant 0 : i32
      %dma_wait3A_570 = arith.constant 0 : i32
      %dma_wait3A_571 = arith.constant 0 : i32
      %dma_wait3A_572 = tpu.memref_slice %arg3[%arg1, %dma_wait3A_570, %dma_wait3A_571] : memref<16x164x128xi32, #tpu.memory_space<hbm>> -> memref<1x164x128xi32, #tpu.memory_space<hbm>>
      %dma_wait3A_573 = tpu.memref_squeeze %dma_wait3A_572 : memref<1x164x128xi32, #tpu.memory_space<hbm>> -> memref<164x128xi32, #tpu.memory_space<hbm>>
      %dma_wait3A_574 = arith.constant 0 : i32
      %dma_wait3A_575 = tpu.memref_slice %dma_wait3A_573[%dma_wait3A_569, %dma_wait3A_574] : memref<164x128xi32, #tpu.memory_space<hbm>> -> memref<1x128xi32, #tpu.memory_space<hbm>>
      %dma_wait3A_576 = tpu.memref_squeeze %dma_wait3A_575 : memref<1x128xi32, #tpu.memory_space<hbm>> -> memref<128xi32, #tpu.memory_space<hbm>>
      %dma_wait3A_577 = arith.constant 0 : i32
      %dma_wait3A_578 = arith.constant 0 : i32
      %dma_wait3A_579 = tpu.memref_slice %arg3[%arg1, %dma_wait3A_577, %dma_wait3A_578] : memref<16x164x128xi32, #tpu.memory_space<hbm>> -> memref<1x164x128xi32, #tpu.memory_space<hbm>>
      %dma_wait3A_580 = tpu.memref_squeeze %dma_wait3A_579 : memref<1x164x128xi32, #tpu.memory_space<hbm>> -> memref<164x128xi32, #tpu.memory_space<hbm>>
      %dma_wait3A_581 = arith.constant 0 : i32
      %dma_wait3A_582 = tpu.memref_slice %dma_wait3A_580[%dma_wait3A_569, %dma_wait3A_581] : memref<164x128xi32, #tpu.memory_space<hbm>> -> memref<1x128xi32, #tpu.memory_space<hbm>>
      %dma_wait3A_583 = tpu.memref_squeeze %dma_wait3A_582 : memref<1x128xi32, #tpu.memory_space<hbm>> -> memref<128xi32, #tpu.memory_space<hbm>>
      tpu.wait_dma2 semaphore(%arg18 : memref<!tpu.dma_semaphore, #tpu.memory_space<semaphore_mem>>) src(%dma_wait3A_583 : memref<128xi32, #tpu.memory_space<hbm>>) dst(%arg7 : memref<128xi32, #tpu.memory_space<vmem>>)
      %dma_wait3A_584 = arith.constant 0 : i32
      %dma_wait3A_585 = arith.constant 0 : i32
      %dma_wait3A_586 = arith.constant 0 : i32
      %dma_wait3A_587 = tpu.memref_slice %arg4[%arg1, %dma_wait3A_585, %dma_wait3A_586] : memref<16x164x128xi32, #tpu.memory_space<hbm>> -> memref<1x164x128xi32, #tpu.memory_space<hbm>>
      %dma_wait3A_588 = tpu.memref_squeeze %dma_wait3A_587 : memref<1x164x128xi32, #tpu.memory_space<hbm>> -> memref<164x128xi32, #tpu.memory_space<hbm>>
      %dma_wait3A_589 = arith.constant 0 : i32
      %dma_wait3A_590 = tpu.memref_slice %dma_wait3A_588[%dma_wait3A_584, %dma_wait3A_589] : memref<164x128xi32, #tpu.memory_space<hbm>> -> memref<1x128xi32, #tpu.memory_space<hbm>>
      %dma_wait3A_591 = tpu.memref_squeeze %dma_wait3A_590 : memref<1x128xi32, #tpu.memory_space<hbm>> -> memref<128xi32, #tpu.memory_space<hbm>>
      %dma_wait3A_592 = arith.constant 0 : i32
      %dma_wait3A_593 = arith.constant 0 : i32
      %dma_wait3A_594 = tpu.memref_slice %arg4[%arg1, %dma_wait3A_592, %dma_wait3A_593] : memref<16x164x128xi32, #tpu.memory_space<hbm>> -> memref<1x164x128xi32, #tpu.memory_space<hbm>>
      %dma_wait3A_595 = tpu.memref_squeeze %dma_wait3A_594 : memref<1x164x128xi32, #tpu.memory_space<hbm>> -> memref<164x128xi32, #tpu.memory_space<hbm>>
      %dma_wait3A_596 = arith.constant 0 : i32
      %dma_wait3A_597 = tpu.memref_slice %dma_wait3A_595[%dma_wait3A_584, %dma_wait3A_596] : memref<164x128xi32, #tpu.memory_space<hbm>> -> memref<1x128xi32, #tpu.memory_space<hbm>>
      %dma_wait3A_598 = tpu.memref_squeeze %dma_wait3A_597 : memref<1x128xi32, #tpu.memory_space<hbm>> -> memref<128xi32, #tpu.memory_space<hbm>>
      tpu.wait_dma2 semaphore(%arg18 : memref<!tpu.dma_semaphore, #tpu.memory_space<semaphore_mem>>) src(%dma_wait3A_598 : memref<128xi32, #tpu.memory_space<hbm>>) dst(%arg11 : memref<128xi32, #tpu.memory_space<vmem>>)
      %dma_start3A_599 = arith.constant 0 : i32
      %dma_start3A_600 = arith.constant 0 : i32
      %dma_start3A_601 = arith.constant 0 : i32
      %dma_start3A_602 = tpu.memref_slice %arg15[%dma_start3A_599, %dma_start3A_600, %dma_start3A_601] : memref<2x128x128xf32, #tpu.memory_space<vmem>> -> memref<1x128x128xf32, #tpu.memory_space<vmem>>
      %dma_start3A_603 = tpu.memref_squeeze %dma_start3A_602 : memref<1x128x128xf32, #tpu.memory_space<vmem>> -> memref<128x128xf32, #tpu.memory_space<vmem>>
      %dma_start3A_604 = arith.constant 0 : i32
      %dma_start3A_605 = arith.constant 0 : i32
      %dma_start3A_606 = tpu.memref_slice %arg2[%arg0, %dma_start3A_604, %dma_start3A_605] : memref<2x10240x128xf32, #tpu.memory_space<hbm>> -> memref<1x10240x128xf32, #tpu.memory_space<hbm>>
      %dma_start3A_607 = tpu.memref_squeeze %dma_start3A_606 : memref<1x10240x128xf32, #tpu.memory_space<hbm>> -> memref<10240x128xf32, #tpu.memory_space<hbm>>
      %dma_start3A_608 = arith.constant 0 : i32
      %dma_start3A_609 = arith.constant 0 : i32
      %dma_start3A_610 = tpu.memref_slice %dma_start3A_607[%dma_start3A_608, %dma_start3A_609] : memref<10240x128xf32, #tpu.memory_space<hbm>> -> memref<10240x128xf32, #tpu.memory_space<hbm>>
      tpu.enqueue_indirect_dma source(%dma_start3A_610 : memref<10240x128xf32, #tpu.memory_space<hbm>>) target(%dma_start3A_603 : memref<128x128xf32, #tpu.memory_space<vmem>>) offsets(%arg7 : memref<128xi32, #tpu.memory_space<vmem>>) semaphore(%arg16 : memref<!tpu.dma_semaphore, #tpu.memory_space<semaphore_mem>>)
      %mul3A_611 = arith.constant 4 : i32
      %mul3A_612 = arith.muli %mul3A_611, %scan3A_344 : i32
      %add3A_613 = arith.constant 3 : i32
      %add3A_614 = arith.addi %mul3A_612, %add3A_613 : i32
      %dma_wait3A_615 = arith.constant 1 : i32
      %dma_wait3A_616 = arith.constant 0 : i32
      %dma_wait3A_617 = arith.constant 0 : i32
      %dma_wait3A_618 = tpu.memref_slice %arg15[%dma_wait3A_615, %dma_wait3A_616, %dma_wait3A_617] : memref<2x128x128xf32, #tpu.memory_space<vmem>> -> memref<1x128x128xf32, #tpu.memory_space<vmem>>
      %dma_wait3A_619 = tpu.memref_squeeze %dma_wait3A_618 : memref<1x128x128xf32, #tpu.memory_space<vmem>> -> memref<128x128xf32, #tpu.memory_space<vmem>>
      %dma_wait3A_620 = arith.constant 0 : i32
      %dma_wait3A_621 = arith.constant 0 : i32
      %dma_wait3A_622 = tpu.memref_slice %arg2[%arg0, %dma_wait3A_620, %dma_wait3A_621] : memref<2x10240x128xf32, #tpu.memory_space<hbm>> -> memref<1x10240x128xf32, #tpu.memory_space<hbm>>
      %dma_wait3A_623 = tpu.memref_squeeze %dma_wait3A_622 : memref<1x10240x128xf32, #tpu.memory_space<hbm>> -> memref<10240x128xf32, #tpu.memory_space<hbm>>
      %dma_wait3A_624 = arith.constant 0 : i32
      %dma_wait3A_625 = arith.constant 0 : i32
      %dma_wait3A_626 = tpu.memref_slice %dma_wait3A_623[%dma_wait3A_624, %dma_wait3A_625] : memref<10240x128xf32, #tpu.memory_space<hbm>> -> memref<10240x128xf32, #tpu.memory_space<hbm>>
      tpu.wait_indirect_dma semaphore(%arg17 : memref<!tpu.dma_semaphore, #tpu.memory_space<semaphore_mem>>) src(%dma_wait3A_626 : memref<10240x128xf32, #tpu.memory_space<hbm>>) dst(%dma_wait3A_619 : memref<128x128xf32, #tpu.memory_space<vmem>>)
      %run_scoped3A_627 = arith.constant 1 : i32
      "tpu.region"() ({
        %run_scoped3A_700 = tpu.sem_alloc : memref<!tpu.dma_semaphore, #tpu.memory_space<semaphore_mem>>
        %dma_start3A_701 = arith.constant 0 : i32
        %dma_start3A_702 = arith.constant 0 : i32
        %dma_start3A_703 = tpu.memref_slice %arg15[%run_scoped3A_627, %dma_start3A_701, %dma_start3A_702] : memref<2x128x128xf32, #tpu.memory_space<vmem>> -> memref<1x128x128xf32, #tpu.memory_space<vmem>>
        %dma_start3A_704 = tpu.memref_squeeze %dma_start3A_703 : memref<1x128x128xf32, #tpu.memory_space<vmem>> -> memref<128x128xf32, #tpu.memory_space<vmem>>
        %dma_start3A_705 = arith.constant 0 : i32
        %dma_start3A_706 = arith.constant 0 : i32
        %dma_start3A_707 = tpu.memref_slice %arg6[%dma_start3A_705, %dma_start3A_706] : memref<10240x128xf32, #tpu.memory_space<vmem_shared>> -> memref<10240x128xf32, #tpu.memory_space<vmem_shared>>
        tpu.enqueue_indirect_dma source(%dma_start3A_704 : memref<128x128xf32, #tpu.memory_space<vmem>>) target(%dma_start3A_707 : memref<10240x128xf32, #tpu.memory_space<vmem_shared>>) offsets(%arg14 : memref<128xi32, #tpu.memory_space<vmem>>) semaphore(%run_scoped3A_700 : memref<!tpu.dma_semaphore, #tpu.memory_space<semaphore_mem>>) {add = true}
        %dma_wait3A_708 = arith.constant 0 : i32
        %dma_wait3A_709 = arith.constant 0 : i32
        %dma_wait3A_710 = tpu.memref_slice %arg15[%run_scoped3A_627, %dma_wait3A_708, %dma_wait3A_709] : memref<2x128x128xf32, #tpu.memory_space<vmem>> -> memref<1x128x128xf32, #tpu.memory_space<vmem>>
        %dma_wait3A_711 = tpu.memref_squeeze %dma_wait3A_710 : memref<1x128x128xf32, #tpu.memory_space<vmem>> -> memref<128x128xf32, #tpu.memory_space<vmem>>
        %dma_wait3A_712 = arith.constant 0 : i32
        %dma_wait3A_713 = arith.constant 0 : i32
        %dma_wait3A_714 = tpu.memref_slice %arg6[%dma_wait3A_712, %dma_wait3A_713] : memref<10240x128xf32, #tpu.memory_space<vmem_shared>> -> memref<10240x128xf32, #tpu.memory_space<vmem_shared>>
        tpu.wait_indirect_dma semaphore(%run_scoped3A_700 : memref<!tpu.dma_semaphore, #tpu.memory_space<semaphore_mem>>) src(%dma_wait3A_711 : memref<128x128xf32, #tpu.memory_space<vmem>>) dst(%dma_wait3A_714 : memref<10240x128xf32, #tpu.memory_space<vmem_shared>>)
        tpu.yield
      }) : () -> ()
      %add3A_628 = arith.constant 4 : i32
      %add3A_629 = arith.addi %add3A_614, %add3A_628 : i32
      %dma_start3A_630 = arith.constant 0 : i32
      %dma_start3A_631 = arith.constant 0 : i32
      %dma_start3A_632 = tpu.memref_slice %arg3[%arg1, %dma_start3A_630, %dma_start3A_631] : memref<16x164x128xi32, #tpu.memory_space<hbm>> -> memref<1x164x128xi32, #tpu.memory_space<hbm>>
      %dma_start3A_633 = tpu.memref_squeeze %dma_start3A_632 : memref<1x164x128xi32, #tpu.memory_space<hbm>> -> memref<164x128xi32, #tpu.memory_space<hbm>>
      %dma_start3A_634 = arith.constant 0 : i32
      %dma_start3A_635 = tpu.memref_slice %dma_start3A_633[%add3A_629, %dma_start3A_634] : memref<164x128xi32, #tpu.memory_space<hbm>> -> memref<1x128xi32, #tpu.memory_space<hbm>>
      %dma_start3A_636 = tpu.memref_squeeze %dma_start3A_635 : memref<1x128xi32, #tpu.memory_space<hbm>> -> memref<128xi32, #tpu.memory_space<hbm>>
      %dma_start3A_637 = arith.constant 0 : i32
      %dma_start3A_638 = arith.constant 0 : i32
      %dma_start3A_639 = tpu.memref_slice %arg3[%arg1, %dma_start3A_637, %dma_start3A_638] : memref<16x164x128xi32, #tpu.memory_space<hbm>> -> memref<1x164x128xi32, #tpu.memory_space<hbm>>
      %dma_start3A_640 = tpu.memref_squeeze %dma_start3A_639 : memref<1x164x128xi32, #tpu.memory_space<hbm>> -> memref<164x128xi32, #tpu.memory_space<hbm>>
      %dma_start3A_641 = arith.constant 0 : i32
      %dma_start3A_642 = tpu.memref_slice %dma_start3A_640[%add3A_629, %dma_start3A_641] : memref<164x128xi32, #tpu.memory_space<hbm>> -> memref<1x128xi32, #tpu.memory_space<hbm>>
      %dma_start3A_643 = tpu.memref_squeeze %dma_start3A_642 : memref<1x128xi32, #tpu.memory_space<hbm>> -> memref<128xi32, #tpu.memory_space<hbm>>
      tpu.enqueue_dma source(%dma_start3A_643 : memref<128xi32, #tpu.memory_space<hbm>>) target(%arg10 : memref<128xi32, #tpu.memory_space<vmem>>) target_semaphore(%arg21 : memref<!tpu.dma_semaphore, #tpu.memory_space<semaphore_mem>>)
      %dma_start3A_644 = arith.constant 0 : i32
      %dma_start3A_645 = arith.constant 0 : i32
      %dma_start3A_646 = tpu.memref_slice %arg4[%arg1, %dma_start3A_644, %dma_start3A_645] : memref<16x164x128xi32, #tpu.memory_space<hbm>> -> memref<1x164x128xi32, #tpu.memory_space<hbm>>
      %dma_start3A_647 = tpu.memref_squeeze %dma_start3A_646 : memref<1x164x128xi32, #tpu.memory_space<hbm>> -> memref<164x128xi32, #tpu.memory_space<hbm>>
      %dma_start3A_648 = arith.constant 0 : i32
      %dma_start3A_649 = tpu.memref_slice %dma_start3A_647[%add3A_629, %dma_start3A_648] : memref<164x128xi32, #tpu.memory_space<hbm>> -> memref<1x128xi32, #tpu.memory_space<hbm>>
      %dma_start3A_650 = tpu.memref_squeeze %dma_start3A_649 : memref<1x128xi32, #tpu.memory_space<hbm>> -> memref<128xi32, #tpu.memory_space<hbm>>
      %dma_start3A_651 = arith.constant 0 : i32
      %dma_start3A_652 = arith.constant 0 : i32
      %dma_start3A_653 = tpu.memref_slice %arg4[%arg1, %dma_start3A_651, %dma_start3A_652] : memref<16x164x128xi32, #tpu.memory_space<hbm>> -> memref<1x164x128xi32, #tpu.memory_space<hbm>>
      %dma_start3A_654 = tpu.memref_squeeze %dma_start3A_653 : memref<1x164x128xi32, #tpu.memory_space<hbm>> -> memref<164x128xi32, #tpu.memory_space<hbm>>
      %dma_start3A_655 = arith.constant 0 : i32
      %dma_start3A_656 = tpu.memref_slice %dma_start3A_654[%add3A_629, %dma_start3A_655] : memref<164x128xi32, #tpu.memory_space<hbm>> -> memref<1x128xi32, #tpu.memory_space<hbm>>
      %dma_start3A_657 = tpu.memref_squeeze %dma_start3A_656 : memref<1x128xi32, #tpu.memory_space<hbm>> -> memref<128xi32, #tpu.memory_space<hbm>>
      tpu.enqueue_dma source(%dma_start3A_657 : memref<128xi32, #tpu.memory_space<hbm>>) target(%arg14 : memref<128xi32, #tpu.memory_space<vmem>>) target_semaphore(%arg21 : memref<!tpu.dma_semaphore, #tpu.memory_space<semaphore_mem>>)
      %dma_wait3A_658 = arith.constant 0 : i32
      %dma_wait3A_659 = arith.constant 0 : i32
      %dma_wait3A_660 = arith.constant 0 : i32
      %dma_wait3A_661 = tpu.memref_slice %arg3[%arg1, %dma_wait3A_659, %dma_wait3A_660] : memref<16x164x128xi32, #tpu.memory_space<hbm>> -> memref<1x164x128xi32, #tpu.memory_space<hbm>>
      %dma_wait3A_662 = tpu.memref_squeeze %dma_wait3A_661 : memref<1x164x128xi32, #tpu.memory_space<hbm>> -> memref<164x128xi32, #tpu.memory_space<hbm>>
      %dma_wait3A_663 = arith.constant 0 : i32
      %dma_wait3A_664 = tpu.memref_slice %dma_wait3A_662[%dma_wait3A_658, %dma_wait3A_663] : memref<164x128xi32, #tpu.memory_space<hbm>> -> memref<1x128xi32, #tpu.memory_space<hbm>>
      %dma_wait3A_665 = tpu.memref_squeeze %dma_wait3A_664 : memref<1x128xi32, #tpu.memory_space<hbm>> -> memref<128xi32, #tpu.memory_space<hbm>>
      %dma_wait3A_666 = arith.constant 0 : i32
      %dma_wait3A_667 = arith.constant 0 : i32
      %dma_wait3A_668 = tpu.memref_slice %arg3[%arg1, %dma_wait3A_666, %dma_wait3A_667] : memref<16x164x128xi32, #tpu.memory_space<hbm>> -> memref<1x164x128xi32, #tpu.memory_space<hbm>>
      %dma_wait3A_669 = tpu.memref_squeeze %dma_wait3A_668 : memref<1x164x128xi32, #tpu.memory_space<hbm>> -> memref<164x128xi32, #tpu.memory_space<hbm>>
      %dma_wait3A_670 = arith.constant 0 : i32
      %dma_wait3A_671 = tpu.memref_slice %dma_wait3A_669[%dma_wait3A_658, %dma_wait3A_670] : memref<164x128xi32, #tpu.memory_space<hbm>> -> memref<1x128xi32, #tpu.memory_space<hbm>>
      %dma_wait3A_672 = tpu.memref_squeeze %dma_wait3A_671 : memref<1x128xi32, #tpu.memory_space<hbm>> -> memref<128xi32, #tpu.memory_space<hbm>>
      tpu.wait_dma2 semaphore(%arg19 : memref<!tpu.dma_semaphore, #tpu.memory_space<semaphore_mem>>) src(%dma_wait3A_672 : memref<128xi32, #tpu.memory_space<hbm>>) dst(%arg8 : memref<128xi32, #tpu.memory_space<vmem>>)
      %dma_wait3A_673 = arith.constant 0 : i32
      %dma_wait3A_674 = arith.constant 0 : i32
      %dma_wait3A_675 = arith.constant 0 : i32
      %dma_wait3A_676 = tpu.memref_slice %arg4[%arg1, %dma_wait3A_674, %dma_wait3A_675] : memref<16x164x128xi32, #tpu.memory_space<hbm>> -> memref<1x164x128xi32, #tpu.memory_space<hbm>>
      %dma_wait3A_677 = tpu.memref_squeeze %dma_wait3A_676 : memref<1x164x128xi32, #tpu.memory_space<hbm>> -> memref<164x128xi32, #tpu.memory_space<hbm>>
      %dma_wait3A_678 = arith.constant 0 : i32
      %dma_wait3A_679 = tpu.memref_slice %dma_wait3A_677[%dma_wait3A_673, %dma_wait3A_678] : memref<164x128xi32, #tpu.memory_space<hbm>> -> memref<1x128xi32, #tpu.memory_space<hbm>>
      %dma_wait3A_680 = tpu.memref_squeeze %dma_wait3A_679 : memref<1x128xi32, #tpu.memory_space<hbm>> -> memref<128xi32, #tpu.memory_space<hbm>>
      %dma_wait3A_681 = arith.constant 0 : i32
      %dma_wait3A_682 = arith.constant 0 : i32
      %dma_wait3A_683 = tpu.memref_slice %arg4[%arg1, %dma_wait3A_681, %dma_wait3A_682] : memref<16x164x128xi32, #tpu.memory_space<hbm>> -> memref<1x164x128xi32, #tpu.memory_space<hbm>>
      %dma_wait3A_684 = tpu.memref_squeeze %dma_wait3A_683 : memref<1x164x128xi32, #tpu.memory_space<hbm>> -> memref<164x128xi32, #tpu.memory_space<hbm>>
      %dma_wait3A_685 = arith.constant 0 : i32
      %dma_wait3A_686 = tpu.memref_slice %dma_wait3A_684[%dma_wait3A_673, %dma_wait3A_685] : memref<164x128xi32, #tpu.memory_space<hbm>> -> memref<1x128xi32, #tpu.memory_space<hbm>>
      %dma_wait3A_687 = tpu.memref_squeeze %dma_wait3A_686 : memref<1x128xi32, #tpu.memory_space<hbm>> -> memref<128xi32, #tpu.memory_space<hbm>>
      tpu.wait_dma2 semaphore(%arg19 : memref<!tpu.dma_semaphore, #tpu.memory_space<semaphore_mem>>) src(%dma_wait3A_687 : memref<128xi32, #tpu.memory_space<hbm>>) dst(%arg12 : memref<128xi32, #tpu.memory_space<vmem>>)
      %dma_start3A_688 = arith.constant 1 : i32
      %dma_start3A_689 = arith.constant 0 : i32
      %dma_start3A_690 = arith.constant 0 : i32
      %dma_start3A_691 = tpu.memref_slice %arg15[%dma_start3A_688, %dma_start3A_689, %dma_start3A_690] : memref<2x128x128xf32, #tpu.memory_space<vmem>> -> memref<1x128x128xf32, #tpu.memory_space<vmem>>
      %dma_start3A_692 = tpu.memref_squeeze %dma_start3A_691 : memref<1x128x128xf32, #tpu.memory_space<vmem>> -> memref<128x128xf32, #tpu.memory_space<vmem>>
      %dma_start3A_693 = arith.constant 0 : i32
      %dma_start3A_694 = arith.constant 0 : i32
      %dma_start3A_695 = tpu.memref_slice %arg2[%arg0, %dma_start3A_693, %dma_start3A_694] : memref<2x10240x128xf32, #tpu.memory_space<hbm>> -> memref<1x10240x128xf32, #tpu.memory_space<hbm>>
      %dma_start3A_696 = tpu.memref_squeeze %dma_start3A_695 : memref<1x10240x128xf32, #tpu.memory_space<hbm>> -> memref<10240x128xf32, #tpu.memory_space<hbm>>
      %dma_start3A_697 = arith.constant 0 : i32
      %dma_start3A_698 = arith.constant 0 : i32
      %dma_start3A_699 = tpu.memref_slice %dma_start3A_696[%dma_start3A_697, %dma_start3A_698] : memref<10240x128xf32, #tpu.memory_space<hbm>> -> memref<10240x128xf32, #tpu.memory_space<hbm>>
      tpu.enqueue_indirect_dma source(%dma_start3A_699 : memref<10240x128xf32, #tpu.memory_space<hbm>>) target(%dma_start3A_692 : memref<128x128xf32, #tpu.memory_space<vmem>>) offsets(%arg8 : memref<128xi32, #tpu.memory_space<vmem>>) semaphore(%arg17 : memref<!tpu.dma_semaphore, #tpu.memory_space<semaphore_mem>>)
    }
    %scan3A_207 = arith.constant 39 : i32
    %dma_wait3A_208 = arith.constant 0 : i32
    %dma_wait3A_209 = arith.constant 0 : i32
    %dma_wait3A_210 = arith.constant 0 : i32
    %dma_wait3A_211 = tpu.memref_slice %arg15[%dma_wait3A_208, %dma_wait3A_209, %dma_wait3A_210] : memref<2x128x128xf32, #tpu.memory_space<vmem>> -> memref<1x128x128xf32, #tpu.memory_space<vmem>>
    %dma_wait3A_212 = tpu.memref_squeeze %dma_wait3A_211 : memref<1x128x128xf32, #tpu.memory_space<vmem>> -> memref<128x128xf32, #tpu.memory_space<vmem>>
    %dma_wait3A_213 = arith.constant 0 : i32
    %dma_wait3A_214 = arith.constant 0 : i32
    %dma_wait3A_215 = tpu.memref_slice %arg2[%arg0, %dma_wait3A_213, %dma_wait3A_214] : memref<2x10240x128xf32, #tpu.memory_space<hbm>> -> memref<1x10240x128xf32, #tpu.memory_space<hbm>>
    %dma_wait3A_216 = tpu.memref_squeeze %dma_wait3A_215 : memref<1x10240x128xf32, #tpu.memory_space<hbm>> -> memref<10240x128xf32, #tpu.memory_space<hbm>>
    %dma_wait3A_217 = arith.constant 0 : i32
    %dma_wait3A_218 = arith.constant 0 : i32
    %dma_wait3A_219 = tpu.memref_slice %dma_wait3A_216[%dma_wait3A_217, %dma_wait3A_218] : memref<10240x128xf32, #tpu.memory_space<hbm>> -> memref<10240x128xf32, #tpu.memory_space<hbm>>
    tpu.wait_indirect_dma semaphore(%arg16 : memref<!tpu.dma_semaphore, #tpu.memory_space<semaphore_mem>>) src(%dma_wait3A_219 : memref<10240x128xf32, #tpu.memory_space<hbm>>) dst(%dma_wait3A_212 : memref<128x128xf32, #tpu.memory_space<vmem>>)
    %run_scoped3A = arith.constant 0 : i32
    "tpu.region"() ({
      %run_scoped3A_344 = tpu.sem_alloc : memref<!tpu.dma_semaphore, #tpu.memory_space<semaphore_mem>>
      %dma_start3A_345 = arith.constant 0 : i32
      %dma_start3A_346 = arith.constant 0 : i32
      %dma_start3A_347 = tpu.memref_slice %arg15[%run_scoped3A, %dma_start3A_345, %dma_start3A_346] : memref<2x128x128xf32, #tpu.memory_space<vmem>> -> memref<1x128x128xf32, #tpu.memory_space<vmem>>
      %dma_start3A_348 = tpu.memref_squeeze %dma_start3A_347 : memref<1x128x128xf32, #tpu.memory_space<vmem>> -> memref<128x128xf32, #tpu.memory_space<vmem>>
      %dma_start3A_349 = arith.constant 0 : i32
      %dma_start3A_350 = arith.constant 0 : i32
      %dma_start3A_351 = tpu.memref_slice %arg6[%dma_start3A_349, %dma_start3A_350] : memref<10240x128xf32, #tpu.memory_space<vmem_shared>> -> memref<10240x128xf32, #tpu.memory_space<vmem_shared>>
      tpu.enqueue_indirect_dma source(%dma_start3A_348 : memref<128x128xf32, #tpu.memory_space<vmem>>) target(%dma_start3A_351 : memref<10240x128xf32, #tpu.memory_space<vmem_shared>>) offsets(%arg11 : memref<128xi32, #tpu.memory_space<vmem>>) semaphore(%run_scoped3A_344 : memref<!tpu.dma_semaphore, #tpu.memory_space<semaphore_mem>>) {add = true}
      %dma_wait3A_352 = arith.constant 0 : i32
      %dma_wait3A_353 = arith.constant 0 : i32
      %dma_wait3A_354 = tpu.memref_slice %arg15[%run_scoped3A, %dma_wait3A_352, %dma_wait3A_353] : memref<2x128x128xf32, #tpu.memory_space<vmem>> -> memref<1x128x128xf32, #tpu.memory_space<vmem>>
      %dma_wait3A_355 = tpu.memref_squeeze %dma_wait3A_354 : memref<1x128x128xf32, #tpu.memory_space<vmem>> -> memref<128x128xf32, #tpu.memory_space<vmem>>
      %dma_wait3A_356 = arith.constant 0 : i32
      %dma_wait3A_357 = arith.constant 0 : i32
      %dma_wait3A_358 = tpu.memref_slice %arg6[%dma_wait3A_356, %dma_wait3A_357] : memref<10240x128xf32, #tpu.memory_space<vmem_shared>> -> memref<10240x128xf32, #tpu.memory_space<vmem_shared>>
      tpu.wait_indirect_dma semaphore(%run_scoped3A_344 : memref<!tpu.dma_semaphore, #tpu.memory_space<semaphore_mem>>) src(%dma_wait3A_355 : memref<128x128xf32, #tpu.memory_space<vmem>>) dst(%dma_wait3A_358 : memref<10240x128xf32, #tpu.memory_space<vmem_shared>>)
      tpu.yield
    }) : () -> ()
    %dma_wait3A_220 = arith.constant 0 : i32
    %dma_wait3A_221 = arith.constant 0 : i32
    %dma_wait3A_222 = arith.constant 0 : i32
    %dma_wait3A_223 = tpu.memref_slice %arg3[%arg1, %dma_wait3A_221, %dma_wait3A_222] : memref<16x164x128xi32, #tpu.memory_space<hbm>> -> memref<1x164x128xi32, #tpu.memory_space<hbm>>
    %dma_wait3A_224 = tpu.memref_squeeze %dma_wait3A_223 : memref<1x164x128xi32, #tpu.memory_space<hbm>> -> memref<164x128xi32, #tpu.memory_space<hbm>>
    %dma_wait3A_225 = arith.constant 0 : i32
    %dma_wait3A_226 = tpu.memref_slice %dma_wait3A_224[%dma_wait3A_220, %dma_wait3A_225] : memref<164x128xi32, #tpu.memory_space<hbm>> -> memref<1x128xi32, #tpu.memory_space<hbm>>
    %dma_wait3A_227 = tpu.memref_squeeze %dma_wait3A_226 : memref<1x128xi32, #tpu.memory_space<hbm>> -> memref<128xi32, #tpu.memory_space<hbm>>
    %dma_wait3A_228 = arith.constant 0 : i32
    %dma_wait3A_229 = arith.constant 0 : i32
    %dma_wait3A_230 = tpu.memref_slice %arg3[%arg1, %dma_wait3A_228, %dma_wait3A_229] : memref<16x164x128xi32, #tpu.memory_space<hbm>> -> memref<1x164x128xi32, #tpu.memory_space<hbm>>
    %dma_wait3A_231 = tpu.memref_squeeze %dma_wait3A_230 : memref<1x164x128xi32, #tpu.memory_space<hbm>> -> memref<164x128xi32, #tpu.memory_space<hbm>>
    %dma_wait3A_232 = arith.constant 0 : i32
    %dma_wait3A_233 = tpu.memref_slice %dma_wait3A_231[%dma_wait3A_220, %dma_wait3A_232] : memref<164x128xi32, #tpu.memory_space<hbm>> -> memref<1x128xi32, #tpu.memory_space<hbm>>
    %dma_wait3A_234 = tpu.memref_squeeze %dma_wait3A_233 : memref<1x128xi32, #tpu.memory_space<hbm>> -> memref<128xi32, #tpu.memory_space<hbm>>
    tpu.wait_dma2 semaphore(%arg20 : memref<!tpu.dma_semaphore, #tpu.memory_space<semaphore_mem>>) src(%dma_wait3A_234 : memref<128xi32, #tpu.memory_space<hbm>>) dst(%arg9 : memref<128xi32, #tpu.memory_space<vmem>>)
    %dma_wait3A_235 = arith.constant 0 : i32
    %dma_wait3A_236 = arith.constant 0 : i32
    %dma_wait3A_237 = arith.constant 0 : i32
    %dma_wait3A_238 = tpu.memref_slice %arg4[%arg1, %dma_wait3A_236, %dma_wait3A_237] : memref<16x164x128xi32, #tpu.memory_space<hbm>> -> memref<1x164x128xi32, #tpu.memory_space<hbm>>
    %dma_wait3A_239 = tpu.memref_squeeze %dma_wait3A_238 : memref<1x164x128xi32, #tpu.memory_space<hbm>> -> memref<164x128xi32, #tpu.memory_space<hbm>>
    %dma_wait3A_240 = arith.constant 0 : i32
    %dma_wait3A_241 = tpu.memref_slice %dma_wait3A_239[%dma_wait3A_235, %dma_wait3A_240] : memref<164x128xi32, #tpu.memory_space<hbm>> -> memref<1x128xi32, #tpu.memory_space<hbm>>
    %dma_wait3A_242 = tpu.memref_squeeze %dma_wait3A_241 : memref<1x128xi32, #tpu.memory_space<hbm>> -> memref<128xi32, #tpu.memory_space<hbm>>
    %dma_wait3A_243 = arith.constant 0 : i32
    %dma_wait3A_244 = arith.constant 0 : i32
    %dma_wait3A_245 = tpu.memref_slice %arg4[%arg1, %dma_wait3A_243, %dma_wait3A_244] : memref<16x164x128xi32, #tpu.memory_space<hbm>> -> memref<1x164x128xi32, #tpu.memory_space<hbm>>
    %dma_wait3A_246 = tpu.memref_squeeze %dma_wait3A_245 : memref<1x164x128xi32, #tpu.memory_space<hbm>> -> memref<164x128xi32, #tpu.memory_space<hbm>>
    %dma_wait3A_247 = arith.constant 0 : i32
    %dma_wait3A_248 = tpu.memref_slice %dma_wait3A_246[%dma_wait3A_235, %dma_wait3A_247] : memref<164x128xi32, #tpu.memory_space<hbm>> -> memref<1x128xi32, #tpu.memory_space<hbm>>
    %dma_wait3A_249 = tpu.memref_squeeze %dma_wait3A_248 : memref<1x128xi32, #tpu.memory_space<hbm>> -> memref<128xi32, #tpu.memory_space<hbm>>
    tpu.wait_dma2 semaphore(%arg20 : memref<!tpu.dma_semaphore, #tpu.memory_space<semaphore_mem>>) src(%dma_wait3A_249 : memref<128xi32, #tpu.memory_space<hbm>>) dst(%arg13 : memref<128xi32, #tpu.memory_space<vmem>>)
    %dma_start3A_250 = arith.constant 0 : i32
    %dma_start3A_251 = arith.constant 0 : i32
    %dma_start3A_252 = arith.constant 0 : i32
    %dma_start3A_253 = tpu.memref_slice %arg15[%dma_start3A_250, %dma_start3A_251, %dma_start3A_252] : memref<2x128x128xf32, #tpu.memory_space<vmem>> -> memref<1x128x128xf32, #tpu.memory_space<vmem>>
    %dma_start3A_254 = tpu.memref_squeeze %dma_start3A_253 : memref<1x128x128xf32, #tpu.memory_space<vmem>> -> memref<128x128xf32, #tpu.memory_space<vmem>>
    %dma_start3A_255 = arith.constant 0 : i32
    %dma_start3A_256 = arith.constant 0 : i32
    %dma_start3A_257 = tpu.memref_slice %arg2[%arg0, %dma_start3A_255, %dma_start3A_256] : memref<2x10240x128xf32, #tpu.memory_space<hbm>> -> memref<1x10240x128xf32, #tpu.memory_space<hbm>>
    %dma_start3A_258 = tpu.memref_squeeze %dma_start3A_257 : memref<1x10240x128xf32, #tpu.memory_space<hbm>> -> memref<10240x128xf32, #tpu.memory_space<hbm>>
    %dma_start3A_259 = arith.constant 0 : i32
    %dma_start3A_260 = arith.constant 0 : i32
    %dma_start3A_261 = tpu.memref_slice %dma_start3A_258[%dma_start3A_259, %dma_start3A_260] : memref<10240x128xf32, #tpu.memory_space<hbm>> -> memref<10240x128xf32, #tpu.memory_space<hbm>>
    tpu.enqueue_indirect_dma source(%dma_start3A_261 : memref<10240x128xf32, #tpu.memory_space<hbm>>) target(%dma_start3A_254 : memref<128x128xf32, #tpu.memory_space<vmem>>) offsets(%arg9 : memref<128xi32, #tpu.memory_space<vmem>>) semaphore(%arg16 : memref<!tpu.dma_semaphore, #tpu.memory_space<semaphore_mem>>)
    %dma_wait3A_262 = arith.constant 1 : i32
    %dma_wait3A_263 = arith.constant 0 : i32
    %dma_wait3A_264 = arith.constant 0 : i32
    %dma_wait3A_265 = tpu.memref_slice %arg15[%dma_wait3A_262, %dma_wait3A_263, %dma_wait3A_264] : memref<2x128x128xf32, #tpu.memory_space<vmem>> -> memref<1x128x128xf32, #tpu.memory_space<vmem>>
    %dma_wait3A_266 = tpu.memref_squeeze %dma_wait3A_265 : memref<1x128x128xf32, #tpu.memory_space<vmem>> -> memref<128x128xf32, #tpu.memory_space<vmem>>
    %dma_wait3A_267 = arith.constant 0 : i32
    %dma_wait3A_268 = arith.constant 0 : i32
    %dma_wait3A_269 = tpu.memref_slice %arg2[%arg0, %dma_wait3A_267, %dma_wait3A_268] : memref<2x10240x128xf32, #tpu.memory_space<hbm>> -> memref<1x10240x128xf32, #tpu.memory_space<hbm>>
    %dma_wait3A_270 = tpu.memref_squeeze %dma_wait3A_269 : memref<1x10240x128xf32, #tpu.memory_space<hbm>> -> memref<10240x128xf32, #tpu.memory_space<hbm>>
    %dma_wait3A_271 = arith.constant 0 : i32
    %dma_wait3A_272 = arith.constant 0 : i32
    %dma_wait3A_273 = tpu.memref_slice %dma_wait3A_270[%dma_wait3A_271, %dma_wait3A_272] : memref<10240x128xf32, #tpu.memory_space<hbm>> -> memref<10240x128xf32, #tpu.memory_space<hbm>>
    tpu.wait_indirect_dma semaphore(%arg17 : memref<!tpu.dma_semaphore, #tpu.memory_space<semaphore_mem>>) src(%dma_wait3A_273 : memref<10240x128xf32, #tpu.memory_space<hbm>>) dst(%dma_wait3A_266 : memref<128x128xf32, #tpu.memory_space<vmem>>)
    %run_scoped3A_274 = arith.constant 1 : i32
    "tpu.region"() ({
      %run_scoped3A_344 = tpu.sem_alloc : memref<!tpu.dma_semaphore, #tpu.memory_space<semaphore_mem>>
      %dma_start3A_345 = arith.constant 0 : i32
      %dma_start3A_346 = arith.constant 0 : i32
      %dma_start3A_347 = tpu.memref_slice %arg15[%run_scoped3A_274, %dma_start3A_345, %dma_start3A_346] : memref<2x128x128xf32, #tpu.memory_space<vmem>> -> memref<1x128x128xf32, #tpu.memory_space<vmem>>
      %dma_start3A_348 = tpu.memref_squeeze %dma_start3A_347 : memref<1x128x128xf32, #tpu.memory_space<vmem>> -> memref<128x128xf32, #tpu.memory_space<vmem>>
      %dma_start3A_349 = arith.constant 0 : i32
      %dma_start3A_350 = arith.constant 0 : i32
      %dma_start3A_351 = tpu.memref_slice %arg6[%dma_start3A_349, %dma_start3A_350] : memref<10240x128xf32, #tpu.memory_space<vmem_shared>> -> memref<10240x128xf32, #tpu.memory_space<vmem_shared>>
      tpu.enqueue_indirect_dma source(%dma_start3A_348 : memref<128x128xf32, #tpu.memory_space<vmem>>) target(%dma_start3A_351 : memref<10240x128xf32, #tpu.memory_space<vmem_shared>>) offsets(%arg12 : memref<128xi32, #tpu.memory_space<vmem>>) semaphore(%run_scoped3A_344 : memref<!tpu.dma_semaphore, #tpu.memory_space<semaphore_mem>>) {add = true}
      %dma_wait3A_352 = arith.constant 0 : i32
      %dma_wait3A_353 = arith.constant 0 : i32
      %dma_wait3A_354 = tpu.memref_slice %arg15[%run_scoped3A_274, %dma_wait3A_352, %dma_wait3A_353] : memref<2x128x128xf32, #tpu.memory_space<vmem>> -> memref<1x128x128xf32, #tpu.memory_space<vmem>>
      %dma_wait3A_355 = tpu.memref_squeeze %dma_wait3A_354 : memref<1x128x128xf32, #tpu.memory_space<vmem>> -> memref<128x128xf32, #tpu.memory_space<vmem>>
      %dma_wait3A_356 = arith.constant 0 : i32
      %dma_wait3A_357 = arith.constant 0 : i32
      %dma_wait3A_358 = tpu.memref_slice %arg6[%dma_wait3A_356, %dma_wait3A_357] : memref<10240x128xf32, #tpu.memory_space<vmem_shared>> -> memref<10240x128xf32, #tpu.memory_space<vmem_shared>>
      tpu.wait_indirect_dma semaphore(%run_scoped3A_344 : memref<!tpu.dma_semaphore, #tpu.memory_space<semaphore_mem>>) src(%dma_wait3A_355 : memref<128x128xf32, #tpu.memory_space<vmem>>) dst(%dma_wait3A_358 : memref<10240x128xf32, #tpu.memory_space<vmem_shared>>)
      tpu.yield
    }) : () -> ()
    %dma_wait3A_275 = arith.constant 0 : i32
    %dma_wait3A_276 = arith.constant 0 : i32
    %dma_wait3A_277 = arith.constant 0 : i32
    %dma_wait3A_278 = tpu.memref_slice %arg3[%arg1, %dma_wait3A_276, %dma_wait3A_277] : memref<16x164x128xi32, #tpu.memory_space<hbm>> -> memref<1x164x128xi32, #tpu.memory_space<hbm>>
    %dma_wait3A_279 = tpu.memref_squeeze %dma_wait3A_278 : memref<1x164x128xi32, #tpu.memory_space<hbm>> -> memref<164x128xi32, #tpu.memory_space<hbm>>
    %dma_wait3A_280 = arith.constant 0 : i32
    %dma_wait3A_281 = tpu.memref_slice %dma_wait3A_279[%dma_wait3A_275, %dma_wait3A_280] : memref<164x128xi32, #tpu.memory_space<hbm>> -> memref<1x128xi32, #tpu.memory_space<hbm>>
    %dma_wait3A_282 = tpu.memref_squeeze %dma_wait3A_281 : memref<1x128xi32, #tpu.memory_space<hbm>> -> memref<128xi32, #tpu.memory_space<hbm>>
    %dma_wait3A_283 = arith.constant 0 : i32
    %dma_wait3A_284 = arith.constant 0 : i32
    %dma_wait3A_285 = tpu.memref_slice %arg3[%arg1, %dma_wait3A_283, %dma_wait3A_284] : memref<16x164x128xi32, #tpu.memory_space<hbm>> -> memref<1x164x128xi32, #tpu.memory_space<hbm>>
    %dma_wait3A_286 = tpu.memref_squeeze %dma_wait3A_285 : memref<1x164x128xi32, #tpu.memory_space<hbm>> -> memref<164x128xi32, #tpu.memory_space<hbm>>
    %dma_wait3A_287 = arith.constant 0 : i32
    %dma_wait3A_288 = tpu.memref_slice %dma_wait3A_286[%dma_wait3A_275, %dma_wait3A_287] : memref<164x128xi32, #tpu.memory_space<hbm>> -> memref<1x128xi32, #tpu.memory_space<hbm>>
    %dma_wait3A_289 = tpu.memref_squeeze %dma_wait3A_288 : memref<1x128xi32, #tpu.memory_space<hbm>> -> memref<128xi32, #tpu.memory_space<hbm>>
    tpu.wait_dma2 semaphore(%arg21 : memref<!tpu.dma_semaphore, #tpu.memory_space<semaphore_mem>>) src(%dma_wait3A_289 : memref<128xi32, #tpu.memory_space<hbm>>) dst(%arg10 : memref<128xi32, #tpu.memory_space<vmem>>)
    %dma_wait3A_290 = arith.constant 0 : i32
    %dma_wait3A_291 = arith.constant 0 : i32
    %dma_wait3A_292 = arith.constant 0 : i32
    %dma_wait3A_293 = tpu.memref_slice %arg4[%arg1, %dma_wait3A_291, %dma_wait3A_292] : memref<16x164x128xi32, #tpu.memory_space<hbm>> -> memref<1x164x128xi32, #tpu.memory_space<hbm>>
    %dma_wait3A_294 = tpu.memref_squeeze %dma_wait3A_293 : memref<1x164x128xi32, #tpu.memory_space<hbm>> -> memref<164x128xi32, #tpu.memory_space<hbm>>
    %dma_wait3A_295 = arith.constant 0 : i32
    %dma_wait3A_296 = tpu.memref_slice %dma_wait3A_294[%dma_wait3A_290, %dma_wait3A_295] : memref<164x128xi32, #tpu.memory_space<hbm>> -> memref<1x128xi32, #tpu.memory_space<hbm>>
    %dma_wait3A_297 = tpu.memref_squeeze %dma_wait3A_296 : memref<1x128xi32, #tpu.memory_space<hbm>> -> memref<128xi32, #tpu.memory_space<hbm>>
    %dma_wait3A_298 = arith.constant 0 : i32
    %dma_wait3A_299 = arith.constant 0 : i32
    %dma_wait3A_300 = tpu.memref_slice %arg4[%arg1, %dma_wait3A_298, %dma_wait3A_299] : memref<16x164x128xi32, #tpu.memory_space<hbm>> -> memref<1x164x128xi32, #tpu.memory_space<hbm>>
    %dma_wait3A_301 = tpu.memref_squeeze %dma_wait3A_300 : memref<1x164x128xi32, #tpu.memory_space<hbm>> -> memref<164x128xi32, #tpu.memory_space<hbm>>
    %dma_wait3A_302 = arith.constant 0 : i32
    %dma_wait3A_303 = tpu.memref_slice %dma_wait3A_301[%dma_wait3A_290, %dma_wait3A_302] : memref<164x128xi32, #tpu.memory_space<hbm>> -> memref<1x128xi32, #tpu.memory_space<hbm>>
    %dma_wait3A_304 = tpu.memref_squeeze %dma_wait3A_303 : memref<1x128xi32, #tpu.memory_space<hbm>> -> memref<128xi32, #tpu.memory_space<hbm>>
    tpu.wait_dma2 semaphore(%arg21 : memref<!tpu.dma_semaphore, #tpu.memory_space<semaphore_mem>>) src(%dma_wait3A_304 : memref<128xi32, #tpu.memory_space<hbm>>) dst(%arg14 : memref<128xi32, #tpu.memory_space<vmem>>)
    %dma_start3A_305 = arith.constant 1 : i32
    %dma_start3A_306 = arith.constant 0 : i32
    %dma_start3A_307 = arith.constant 0 : i32
    %dma_start3A_308 = tpu.memref_slice %arg15[%dma_start3A_305, %dma_start3A_306, %dma_start3A_307] : memref<2x128x128xf32, #tpu.memory_space<vmem>> -> memref<1x128x128xf32, #tpu.memory_space<vmem>>
    %dma_start3A_309 = tpu.memref_squeeze %dma_start3A_308 : memref<1x128x128xf32, #tpu.memory_space<vmem>> -> memref<128x128xf32, #tpu.memory_space<vmem>>
    %dma_start3A_310 = arith.constant 0 : i32
    %dma_start3A_311 = arith.constant 0 : i32
    %dma_start3A_312 = tpu.memref_slice %arg2[%arg0, %dma_start3A_310, %dma_start3A_311] : memref<2x10240x128xf32, #tpu.memory_space<hbm>> -> memref<1x10240x128xf32, #tpu.memory_space<hbm>>
    %dma_start3A_313 = tpu.memref_squeeze %dma_start3A_312 : memref<1x10240x128xf32, #tpu.memory_space<hbm>> -> memref<10240x128xf32, #tpu.memory_space<hbm>>
    %dma_start3A_314 = arith.constant 0 : i32
    %dma_start3A_315 = arith.constant 0 : i32
    %dma_start3A_316 = tpu.memref_slice %dma_start3A_313[%dma_start3A_314, %dma_start3A_315] : memref<10240x128xf32, #tpu.memory_space<hbm>> -> memref<10240x128xf32, #tpu.memory_space<hbm>>
    tpu.enqueue_indirect_dma source(%dma_start3A_316 : memref<10240x128xf32, #tpu.memory_space<hbm>>) target(%dma_start3A_309 : memref<128x128xf32, #tpu.memory_space<vmem>>) offsets(%arg10 : memref<128xi32, #tpu.memory_space<vmem>>) semaphore(%arg17 : memref<!tpu.dma_semaphore, #tpu.memory_space<semaphore_mem>>)
    %dma_wait3A_317 = arith.constant 0 : i32
    %dma_wait3A_318 = arith.constant 0 : i32
    %dma_wait3A_319 = arith.constant 0 : i32
    %dma_wait3A_320 = tpu.memref_slice %arg15[%dma_wait3A_317, %dma_wait3A_318, %dma_wait3A_319] : memref<2x128x128xf32, #tpu.memory_space<vmem>> -> memref<1x128x128xf32, #tpu.memory_space<vmem>>
    %dma_wait3A_321 = tpu.memref_squeeze %dma_wait3A_320 : memref<1x128x128xf32, #tpu.memory_space<vmem>> -> memref<128x128xf32, #tpu.memory_space<vmem>>
    %dma_wait3A_322 = arith.constant 0 : i32
    %dma_wait3A_323 = arith.constant 0 : i32
    %dma_wait3A_324 = tpu.memref_slice %arg2[%arg0, %dma_wait3A_322, %dma_wait3A_323] : memref<2x10240x128xf32, #tpu.memory_space<hbm>> -> memref<1x10240x128xf32, #tpu.memory_space<hbm>>
    %dma_wait3A_325 = tpu.memref_squeeze %dma_wait3A_324 : memref<1x10240x128xf32, #tpu.memory_space<hbm>> -> memref<10240x128xf32, #tpu.memory_space<hbm>>
    %dma_wait3A_326 = arith.constant 0 : i32
    %dma_wait3A_327 = arith.constant 0 : i32
    %dma_wait3A_328 = tpu.memref_slice %dma_wait3A_325[%dma_wait3A_326, %dma_wait3A_327] : memref<10240x128xf32, #tpu.memory_space<hbm>> -> memref<10240x128xf32, #tpu.memory_space<hbm>>
    tpu.wait_indirect_dma semaphore(%arg16 : memref<!tpu.dma_semaphore, #tpu.memory_space<semaphore_mem>>) src(%dma_wait3A_328 : memref<10240x128xf32, #tpu.memory_space<hbm>>) dst(%dma_wait3A_321 : memref<128x128xf32, #tpu.memory_space<vmem>>)
    %run_scoped3A_329 = arith.constant 0 : i32
    "tpu.region"() ({
      %run_scoped3A_344 = tpu.sem_alloc : memref<!tpu.dma_semaphore, #tpu.memory_space<semaphore_mem>>
      %dma_start3A_345 = arith.constant 0 : i32
      %dma_start3A_346 = arith.constant 0 : i32
      %dma_start3A_347 = tpu.memref_slice %arg15[%run_scoped3A_329, %dma_start3A_345, %dma_start3A_346] : memref<2x128x128xf32, #tpu.memory_space<vmem>> -> memref<1x128x128xf32, #tpu.memory_space<vmem>>
      %dma_start3A_348 = tpu.memref_squeeze %dma_start3A_347 : memref<1x128x128xf32, #tpu.memory_space<vmem>> -> memref<128x128xf32, #tpu.memory_space<vmem>>
      %dma_start3A_349 = arith.constant 0 : i32
      %dma_start3A_350 = arith.constant 0 : i32
      %dma_start3A_351 = tpu.memref_slice %arg6[%dma_start3A_349, %dma_start3A_350] : memref<10240x128xf32, #tpu.memory_space<vmem_shared>> -> memref<10240x128xf32, #tpu.memory_space<vmem_shared>>
      tpu.enqueue_indirect_dma source(%dma_start3A_348 : memref<128x128xf32, #tpu.memory_space<vmem>>) target(%dma_start3A_351 : memref<10240x128xf32, #tpu.memory_space<vmem_shared>>) offsets(%arg13 : memref<128xi32, #tpu.memory_space<vmem>>) semaphore(%run_scoped3A_344 : memref<!tpu.dma_semaphore, #tpu.memory_space<semaphore_mem>>) {add = true}
      %dma_wait3A_352 = arith.constant 0 : i32
      %dma_wait3A_353 = arith.constant 0 : i32
      %dma_wait3A_354 = tpu.memref_slice %arg15[%run_scoped3A_329, %dma_wait3A_352, %dma_wait3A_353] : memref<2x128x128xf32, #tpu.memory_space<vmem>> -> memref<1x128x128xf32, #tpu.memory_space<vmem>>
      %dma_wait3A_355 = tpu.memref_squeeze %dma_wait3A_354 : memref<1x128x128xf32, #tpu.memory_space<vmem>> -> memref<128x128xf32, #tpu.memory_space<vmem>>
      %dma_wait3A_356 = arith.constant 0 : i32
      %dma_wait3A_357 = arith.constant 0 : i32
      %dma_wait3A_358 = tpu.memref_slice %arg6[%dma_wait3A_356, %dma_wait3A_357] : memref<10240x128xf32, #tpu.memory_space<vmem_shared>> -> memref<10240x128xf32, #tpu.memory_space<vmem_shared>>
      tpu.wait_indirect_dma semaphore(%run_scoped3A_344 : memref<!tpu.dma_semaphore, #tpu.memory_space<semaphore_mem>>) src(%dma_wait3A_355 : memref<128x128xf32, #tpu.memory_space<vmem>>) dst(%dma_wait3A_358 : memref<10240x128xf32, #tpu.memory_space<vmem_shared>>)
      tpu.yield
    }) : () -> ()
    %dma_wait3A_330 = arith.constant 1 : i32
    %dma_wait3A_331 = arith.constant 0 : i32
    %dma_wait3A_332 = arith.constant 0 : i32
    %dma_wait3A_333 = tpu.memref_slice %arg15[%dma_wait3A_330, %dma_wait3A_331, %dma_wait3A_332] : memref<2x128x128xf32, #tpu.memory_space<vmem>> -> memref<1x128x128xf32, #tpu.memory_space<vmem>>
    %dma_wait3A_334 = tpu.memref_squeeze %dma_wait3A_333 : memref<1x128x128xf32, #tpu.memory_space<vmem>> -> memref<128x128xf32, #tpu.memory_space<vmem>>
    %dma_wait3A_335 = arith.constant 0 : i32
    %dma_wait3A_336 = arith.constant 0 : i32
    %dma_wait3A_337 = tpu.memref_slice %arg2[%arg0, %dma_wait3A_335, %dma_wait3A_336] : memref<2x10240x128xf32, #tpu.memory_space<hbm>> -> memref<1x10240x128xf32, #tpu.memory_space<hbm>>
    %dma_wait3A_338 = tpu.memref_squeeze %dma_wait3A_337 : memref<1x10240x128xf32, #tpu.memory_space<hbm>> -> memref<10240x128xf32, #tpu.memory_space<hbm>>
    %dma_wait3A_339 = arith.constant 0 : i32
    %dma_wait3A_340 = arith.constant 0 : i32
    %dma_wait3A_341 = tpu.memref_slice %dma_wait3A_338[%dma_wait3A_339, %dma_wait3A_340] : memref<10240x128xf32, #tpu.memory_space<hbm>> -> memref<10240x128xf32, #tpu.memory_space<hbm>>
    tpu.wait_indirect_dma semaphore(%arg17 : memref<!tpu.dma_semaphore, #tpu.memory_space<semaphore_mem>>) src(%dma_wait3A_341 : memref<10240x128xf32, #tpu.memory_space<hbm>>) dst(%dma_wait3A_334 : memref<128x128xf32, #tpu.memory_space<vmem>>)
    %run_scoped3A_342 = arith.constant 1 : i32
    "tpu.region"() ({
      %run_scoped3A_344 = tpu.sem_alloc : memref<!tpu.dma_semaphore, #tpu.memory_space<semaphore_mem>>
      %dma_start3A_345 = arith.constant 0 : i32
      %dma_start3A_346 = arith.constant 0 : i32
      %dma_start3A_347 = tpu.memref_slice %arg15[%run_scoped3A_342, %dma_start3A_345, %dma_start3A_346] : memref<2x128x128xf32, #tpu.memory_space<vmem>> -> memref<1x128x128xf32, #tpu.memory_space<vmem>>
      %dma_start3A_348 = tpu.memref_squeeze %dma_start3A_347 : memref<1x128x128xf32, #tpu.memory_space<vmem>> -> memref<128x128xf32, #tpu.memory_space<vmem>>
      %dma_start3A_349 = arith.constant 0 : i32
      %dma_start3A_350 = arith.constant 0 : i32
      %dma_start3A_351 = tpu.memref_slice %arg6[%dma_start3A_349, %dma_start3A_350] : memref<10240x128xf32, #tpu.memory_space<vmem_shared>> -> memref<10240x128xf32, #tpu.memory_space<vmem_shared>>
      tpu.enqueue_indirect_dma source(%dma_start3A_348 : memref<128x128xf32, #tpu.memory_space<vmem>>) target(%dma_start3A_351 : memref<10240x128xf32, #tpu.memory_space<vmem_shared>>) offsets(%arg14 : memref<128xi32, #tpu.memory_space<vmem>>) semaphore(%run_scoped3A_344 : memref<!tpu.dma_semaphore, #tpu.memory_space<semaphore_mem>>) {add = true}
      %dma_wait3A_352 = arith.constant 0 : i32
      %dma_wait3A_353 = arith.constant 0 : i32
      %dma_wait3A_354 = tpu.memref_slice %arg15[%run_scoped3A_342, %dma_wait3A_352, %dma_wait3A_353] : memref<2x128x128xf32, #tpu.memory_space<vmem>> -> memref<1x128x128xf32, #tpu.memory_space<vmem>>
      %dma_wait3A_355 = tpu.memref_squeeze %dma_wait3A_354 : memref<1x128x128xf32, #tpu.memory_space<vmem>> -> memref<128x128xf32, #tpu.memory_space<vmem>>
      %dma_wait3A_356 = arith.constant 0 : i32
      %dma_wait3A_357 = arith.constant 0 : i32
      %dma_wait3A_358 = tpu.memref_slice %arg6[%dma_wait3A_356, %dma_wait3A_357] : memref<10240x128xf32, #tpu.memory_space<vmem_shared>> -> memref<10240x128xf32, #tpu.memory_space<vmem_shared>>
      tpu.wait_indirect_dma semaphore(%run_scoped3A_344 : memref<!tpu.dma_semaphore, #tpu.memory_space<semaphore_mem>>) src(%dma_wait3A_355 : memref<128x128xf32, #tpu.memory_space<vmem>>) dst(%dma_wait3A_358 : memref<10240x128xf32, #tpu.memory_space<vmem_shared>>)
      tpu.yield
    }) : () -> ()
    %barrier3A_343 = arith.constant 0 : index
    tpu.barrier barrier_id(%barrier3A_343)
    "tpu.region"() ({
      %run_scoped3A_344 = tpu.sem_alloc : memref<!tpu.dma_semaphore, #tpu.memory_space<semaphore_mem>>
      %dma_start3A_345 = arith.constant 0 : i32
      %dma_start3A_346 = tpu.memref_slice %arg5[%arg0, %mul3A_0, %dma_start3A_345] : memref<2x10240x128xf32, #tpu.memory_space<hbm>> -> memref<1x640x128xf32, #tpu.memory_space<hbm>>
      %dma_start3A_347 = tpu.memref_squeeze %dma_start3A_346 : memref<1x640x128xf32, #tpu.memory_space<hbm>> -> memref<640x128xf32, #tpu.memory_space<hbm>>
      %dma_start3A_348 = arith.constant 0 : i32
      %dma_start3A_349 = tpu.memref_slice %arg6[%mul3A_0, %dma_start3A_348] : memref<10240x128xf32, #tpu.memory_space<vmem_shared>> -> memref<640x128xf32, #tpu.memory_space<vmem_shared>>
      tpu.enqueue_dma source(%dma_start3A_349 : memref<640x128xf32, #tpu.memory_space<vmem_shared>>) target(%dma_start3A_347 : memref<640x128xf32, #tpu.memory_space<hbm>>) target_semaphore(%run_scoped3A_344 : memref<!tpu.dma_semaphore, #tpu.memory_space<semaphore_mem>>)
      %dma_wait3A_350 = arith.constant 0 : i32
      %dma_wait3A_351 = tpu.memref_slice %arg5[%arg0, %mul3A_0, %dma_wait3A_350] : memref<2x10240x128xf32, #tpu.memory_space<hbm>> -> memref<1x640x128xf32, #tpu.memory_space<hbm>>
      %dma_wait3A_352 = tpu.memref_squeeze %dma_wait3A_351 : memref<1x640x128xf32, #tpu.memory_space<hbm>> -> memref<640x128xf32, #tpu.memory_space<hbm>>
      %dma_wait3A_353 = arith.constant 0 : i32
      %dma_wait3A_354 = tpu.memref_slice %arg6[%mul3A_0, %dma_wait3A_353] : memref<10240x128xf32, #tpu.memory_space<vmem_shared>> -> memref<640x128xf32, #tpu.memory_space<vmem_shared>>
      tpu.wait_dma2 semaphore(%run_scoped3A_344 : memref<!tpu.dma_semaphore, #tpu.memory_space<semaphore_mem>>) src(%dma_wait3A_354 : memref<640x128xf32, #tpu.memory_space<vmem_shared>>) dst(%dma_wait3A_352 : memref<640x128xf32, #tpu.memory_space<hbm>>)
      tpu.yield
    }) : () -> ()
    return
  }
}

#map = affine_map<(d0, d1) -> (0, 0)>
#map1 = affine_map<(d0, d1) -> (0, 0, 0, 0)>
#map2 = affine_map<(d0, d1) -> (0, 0, 0)>
module attributes {stable_mosaic.version = 14 : i64} {
  func.func @agg(%arg0: i32, %arg1: i32, %arg2: memref<10240x128xf32, #tpu.memory_space<hbm>>, %arg3: memref<2x16x84x128xi32, #tpu.memory_space<hbm>>, %arg4: memref<2x16x84x128xi32, #tpu.memory_space<hbm>>, %arg5: memref<2x10240x128xf32, #tpu.memory_space<hbm>>, %arg6: memref<10240x128xf32, #tpu.memory_space<vmem_shared>>, %arg7: memref<128xi32, #tpu.memory_space<vmem>>, %arg8: memref<128xi32, #tpu.memory_space<vmem>>, %arg9: memref<128xi32, #tpu.memory_space<vmem>>, %arg10: memref<128xi32, #tpu.memory_space<vmem>>, %arg11: memref<128xi32, #tpu.memory_space<vmem>>, %arg12: memref<128xi32, #tpu.memory_space<vmem>>, %arg13: memref<128xi32, #tpu.memory_space<vmem>>, %arg14: memref<128xi32, #tpu.memory_space<vmem>>, %arg15: memref<2x128x128xf32, #tpu.memory_space<vmem>>, %arg16: memref<!tpu.dma_semaphore, #tpu.memory_space<semaphore_mem>>, %arg17: memref<!tpu.dma_semaphore, #tpu.memory_space<semaphore_mem>>, %arg18: memref<!tpu.dma_semaphore, #tpu.memory_space<semaphore_mem>>, %arg19: memref<!tpu.dma_semaphore, #tpu.memory_space<semaphore_mem>>, %arg20: memref<!tpu.dma_semaphore, #tpu.memory_space<semaphore_mem>>, %arg21: memref<!tpu.dma_semaphore, #tpu.memory_space<semaphore_mem>>) attributes {dimension_semantics = [#tpu.dimension_semantics<core_parallel>, #tpu.dimension_semantics<subcore_parallel>], iteration_bounds = array<i64: 2, 16>, scalar_prefetch = 0 : i64, scratch_operands = 16 : i64, tpu.core_type = #tpu.core_type<sc_vector_subcore>, window_params = [{transform_indices = #map}, {transform_indices = #map1}, {transform_indices = #map1}, {transform_indices = #map2}]} {
    %mul3A = arith.constant 640 : i32
    %mul3A_0 = arith.muli %arg1, %mul3A : i32
    %dma_start3A = arith.constant 0 : i32
    %dma_start3A_1 = arith.constant 0 : i32
    %dma_start3A_2 = arith.constant 0 : i32
    %dma_start3A_3 = tpu.memref_slice %arg3[%arg0, %arg1, %dma_start3A_1, %dma_start3A_2] : memref<2x16x84x128xi32, #tpu.memory_space<hbm>> -> memref<1x1x84x128xi32, #tpu.memory_space<hbm>>
    %dma_start3A_4 = tpu.memref_squeeze %dma_start3A_3 : memref<1x1x84x128xi32, #tpu.memory_space<hbm>> -> memref<84x128xi32, #tpu.memory_space<hbm>>
    %dma_start3A_5 = arith.constant 0 : i32
    %dma_start3A_6 = tpu.memref_slice %dma_start3A_4[%dma_start3A, %dma_start3A_5] : memref<84x128xi32, #tpu.memory_space<hbm>> -> memref<1x128xi32, #tpu.memory_space<hbm>>
    %dma_start3A_7 = tpu.memref_squeeze %dma_start3A_6 : memref<1x128xi32, #tpu.memory_space<hbm>> -> memref<128xi32, #tpu.memory_space<hbm>>
    %dma_start3A_8 = arith.constant 0 : i32
    %dma_start3A_9 = arith.constant 0 : i32
    %dma_start3A_10 = tpu.memref_slice %arg3[%arg0, %arg1, %dma_start3A_8, %dma_start3A_9] : memref<2x16x84x128xi32, #tpu.memory_space<hbm>> -> memref<1x1x84x128xi32, #tpu.memory_space<hbm>>
    %dma_start3A_11 = tpu.memref_squeeze %dma_start3A_10 : memref<1x1x84x128xi32, #tpu.memory_space<hbm>> -> memref<84x128xi32, #tpu.memory_space<hbm>>
    %dma_start3A_12 = arith.constant 0 : i32
    %dma_start3A_13 = tpu.memref_slice %dma_start3A_11[%dma_start3A, %dma_start3A_12] : memref<84x128xi32, #tpu.memory_space<hbm>> -> memref<1x128xi32, #tpu.memory_space<hbm>>
    %dma_start3A_14 = tpu.memref_squeeze %dma_start3A_13 : memref<1x128xi32, #tpu.memory_space<hbm>> -> memref<128xi32, #tpu.memory_space<hbm>>
    tpu.enqueue_dma source(%dma_start3A_14 : memref<128xi32, #tpu.memory_space<hbm>>) target(%arg7 : memref<128xi32, #tpu.memory_space<vmem>>) target_semaphore(%arg18 : memref<!tpu.dma_semaphore, #tpu.memory_space<semaphore_mem>>)
    %dma_start3A_15 = arith.constant 0 : i32
    %dma_start3A_16 = arith.constant 0 : i32
    %dma_start3A_17 = arith.constant 0 : i32
    %dma_start3A_18 = tpu.memref_slice %arg4[%arg0, %arg1, %dma_start3A_16, %dma_start3A_17] : memref<2x16x84x128xi32, #tpu.memory_space<hbm>> -> memref<1x1x84x128xi32, #tpu.memory_space<hbm>>
    %dma_start3A_19 = tpu.memref_squeeze %dma_start3A_18 : memref<1x1x84x128xi32, #tpu.memory_space<hbm>> -> memref<84x128xi32, #tpu.memory_space<hbm>>
    %dma_start3A_20 = arith.constant 0 : i32
    %dma_start3A_21 = tpu.memref_slice %dma_start3A_19[%dma_start3A_15, %dma_start3A_20] : memref<84x128xi32, #tpu.memory_space<hbm>> -> memref<1x128xi32, #tpu.memory_space<hbm>>
    %dma_start3A_22 = tpu.memref_squeeze %dma_start3A_21 : memref<1x128xi32, #tpu.memory_space<hbm>> -> memref<128xi32, #tpu.memory_space<hbm>>
    %dma_start3A_23 = arith.constant 0 : i32
    %dma_start3A_24 = arith.constant 0 : i32
    %dma_start3A_25 = tpu.memref_slice %arg4[%arg0, %arg1, %dma_start3A_23, %dma_start3A_24] : memref<2x16x84x128xi32, #tpu.memory_space<hbm>> -> memref<1x1x84x128xi32, #tpu.memory_space<hbm>>
    %dma_start3A_26 = tpu.memref_squeeze %dma_start3A_25 : memref<1x1x84x128xi32, #tpu.memory_space<hbm>> -> memref<84x128xi32, #tpu.memory_space<hbm>>
    %dma_start3A_27 = arith.constant 0 : i32
    %dma_start3A_28 = tpu.memref_slice %dma_start3A_26[%dma_start3A_15, %dma_start3A_27] : memref<84x128xi32, #tpu.memory_space<hbm>> -> memref<1x128xi32, #tpu.memory_space<hbm>>
    %dma_start3A_29 = tpu.memref_squeeze %dma_start3A_28 : memref<1x128xi32, #tpu.memory_space<hbm>> -> memref<128xi32, #tpu.memory_space<hbm>>
    tpu.enqueue_dma source(%dma_start3A_29 : memref<128xi32, #tpu.memory_space<hbm>>) target(%arg11 : memref<128xi32, #tpu.memory_space<vmem>>) target_semaphore(%arg18 : memref<!tpu.dma_semaphore, #tpu.memory_space<semaphore_mem>>)
    %dma_start3A_30 = arith.constant 1 : i32
    %dma_start3A_31 = arith.constant 0 : i32
    %dma_start3A_32 = arith.constant 0 : i32
    %dma_start3A_33 = tpu.memref_slice %arg3[%arg0, %arg1, %dma_start3A_31, %dma_start3A_32] : memref<2x16x84x128xi32, #tpu.memory_space<hbm>> -> memref<1x1x84x128xi32, #tpu.memory_space<hbm>>
    %dma_start3A_34 = tpu.memref_squeeze %dma_start3A_33 : memref<1x1x84x128xi32, #tpu.memory_space<hbm>> -> memref<84x128xi32, #tpu.memory_space<hbm>>
    %dma_start3A_35 = arith.constant 0 : i32
    %dma_start3A_36 = tpu.memref_slice %dma_start3A_34[%dma_start3A_30, %dma_start3A_35] : memref<84x128xi32, #tpu.memory_space<hbm>> -> memref<1x128xi32, #tpu.memory_space<hbm>>
    %dma_start3A_37 = tpu.memref_squeeze %dma_start3A_36 : memref<1x128xi32, #tpu.memory_space<hbm>> -> memref<128xi32, #tpu.memory_space<hbm>>
    %dma_start3A_38 = arith.constant 0 : i32
    %dma_start3A_39 = arith.constant 0 : i32
    %dma_start3A_40 = tpu.memref_slice %arg3[%arg0, %arg1, %dma_start3A_38, %dma_start3A_39] : memref<2x16x84x128xi32, #tpu.memory_space<hbm>> -> memref<1x1x84x128xi32, #tpu.memory_space<hbm>>
    %dma_start3A_41 = tpu.memref_squeeze %dma_start3A_40 : memref<1x1x84x128xi32, #tpu.memory_space<hbm>> -> memref<84x128xi32, #tpu.memory_space<hbm>>
    %dma_start3A_42 = arith.constant 0 : i32
    %dma_start3A_43 = tpu.memref_slice %dma_start3A_41[%dma_start3A_30, %dma_start3A_42] : memref<84x128xi32, #tpu.memory_space<hbm>> -> memref<1x128xi32, #tpu.memory_space<hbm>>
    %dma_start3A_44 = tpu.memref_squeeze %dma_start3A_43 : memref<1x128xi32, #tpu.memory_space<hbm>> -> memref<128xi32, #tpu.memory_space<hbm>>
    tpu.enqueue_dma source(%dma_start3A_44 : memref<128xi32, #tpu.memory_space<hbm>>) target(%arg8 : memref<128xi32, #tpu.memory_space<vmem>>) target_semaphore(%arg19 : memref<!tpu.dma_semaphore, #tpu.memory_space<semaphore_mem>>)
    %dma_start3A_45 = arith.constant 1 : i32
    %dma_start3A_46 = arith.constant 0 : i32
    %dma_start3A_47 = arith.constant 0 : i32
    %dma_start3A_48 = tpu.memref_slice %arg4[%arg0, %arg1, %dma_start3A_46, %dma_start3A_47] : memref<2x16x84x128xi32, #tpu.memory_space<hbm>> -> memref<1x1x84x128xi32, #tpu.memory_space<hbm>>
    %dma_start3A_49 = tpu.memref_squeeze %dma_start3A_48 : memref<1x1x84x128xi32, #tpu.memory_space<hbm>> -> memref<84x128xi32, #tpu.memory_space<hbm>>
    %dma_start3A_50 = arith.constant 0 : i32
    %dma_start3A_51 = tpu.memref_slice %dma_start3A_49[%dma_start3A_45, %dma_start3A_50] : memref<84x128xi32, #tpu.memory_space<hbm>> -> memref<1x128xi32, #tpu.memory_space<hbm>>
    %dma_start3A_52 = tpu.memref_squeeze %dma_start3A_51 : memref<1x128xi32, #tpu.memory_space<hbm>> -> memref<128xi32, #tpu.memory_space<hbm>>
    %dma_start3A_53 = arith.constant 0 : i32
    %dma_start3A_54 = arith.constant 0 : i32
    %dma_start3A_55 = tpu.memref_slice %arg4[%arg0, %arg1, %dma_start3A_53, %dma_start3A_54] : memref<2x16x84x128xi32, #tpu.memory_space<hbm>> -> memref<1x1x84x128xi32, #tpu.memory_space<hbm>>
    %dma_start3A_56 = tpu.memref_squeeze %dma_start3A_55 : memref<1x1x84x128xi32, #tpu.memory_space<hbm>> -> memref<84x128xi32, #tpu.memory_space<hbm>>
    %dma_start3A_57 = arith.constant 0 : i32
    %dma_start3A_58 = tpu.memref_slice %dma_start3A_56[%dma_start3A_45, %dma_start3A_57] : memref<84x128xi32, #tpu.memory_space<hbm>> -> memref<1x128xi32, #tpu.memory_space<hbm>>
    %dma_start3A_59 = tpu.memref_squeeze %dma_start3A_58 : memref<1x128xi32, #tpu.memory_space<hbm>> -> memref<128xi32, #tpu.memory_space<hbm>>
    tpu.enqueue_dma source(%dma_start3A_59 : memref<128xi32, #tpu.memory_space<hbm>>) target(%arg12 : memref<128xi32, #tpu.memory_space<vmem>>) target_semaphore(%arg19 : memref<!tpu.dma_semaphore, #tpu.memory_space<semaphore_mem>>)
    %dma_start3A_60 = arith.constant 2 : i32
    %dma_start3A_61 = arith.constant 0 : i32
    %dma_start3A_62 = arith.constant 0 : i32
    %dma_start3A_63 = tpu.memref_slice %arg3[%arg0, %arg1, %dma_start3A_61, %dma_start3A_62] : memref<2x16x84x128xi32, #tpu.memory_space<hbm>> -> memref<1x1x84x128xi32, #tpu.memory_space<hbm>>
    %dma_start3A_64 = tpu.memref_squeeze %dma_start3A_63 : memref<1x1x84x128xi32, #tpu.memory_space<hbm>> -> memref<84x128xi32, #tpu.memory_space<hbm>>
    %dma_start3A_65 = arith.constant 0 : i32
    %dma_start3A_66 = tpu.memref_slice %dma_start3A_64[%dma_start3A_60, %dma_start3A_65] : memref<84x128xi32, #tpu.memory_space<hbm>> -> memref<1x128xi32, #tpu.memory_space<hbm>>
    %dma_start3A_67 = tpu.memref_squeeze %dma_start3A_66 : memref<1x128xi32, #tpu.memory_space<hbm>> -> memref<128xi32, #tpu.memory_space<hbm>>
    %dma_start3A_68 = arith.constant 0 : i32
    %dma_start3A_69 = arith.constant 0 : i32
    %dma_start3A_70 = tpu.memref_slice %arg3[%arg0, %arg1, %dma_start3A_68, %dma_start3A_69] : memref<2x16x84x128xi32, #tpu.memory_space<hbm>> -> memref<1x1x84x128xi32, #tpu.memory_space<hbm>>
    %dma_start3A_71 = tpu.memref_squeeze %dma_start3A_70 : memref<1x1x84x128xi32, #tpu.memory_space<hbm>> -> memref<84x128xi32, #tpu.memory_space<hbm>>
    %dma_start3A_72 = arith.constant 0 : i32
    %dma_start3A_73 = tpu.memref_slice %dma_start3A_71[%dma_start3A_60, %dma_start3A_72] : memref<84x128xi32, #tpu.memory_space<hbm>> -> memref<1x128xi32, #tpu.memory_space<hbm>>
    %dma_start3A_74 = tpu.memref_squeeze %dma_start3A_73 : memref<1x128xi32, #tpu.memory_space<hbm>> -> memref<128xi32, #tpu.memory_space<hbm>>
    tpu.enqueue_dma source(%dma_start3A_74 : memref<128xi32, #tpu.memory_space<hbm>>) target(%arg9 : memref<128xi32, #tpu.memory_space<vmem>>) target_semaphore(%arg20 : memref<!tpu.dma_semaphore, #tpu.memory_space<semaphore_mem>>)
    %dma_start3A_75 = arith.constant 2 : i32
    %dma_start3A_76 = arith.constant 0 : i32
    %dma_start3A_77 = arith.constant 0 : i32
    %dma_start3A_78 = tpu.memref_slice %arg4[%arg0, %arg1, %dma_start3A_76, %dma_start3A_77] : memref<2x16x84x128xi32, #tpu.memory_space<hbm>> -> memref<1x1x84x128xi32, #tpu.memory_space<hbm>>
    %dma_start3A_79 = tpu.memref_squeeze %dma_start3A_78 : memref<1x1x84x128xi32, #tpu.memory_space<hbm>> -> memref<84x128xi32, #tpu.memory_space<hbm>>
    %dma_start3A_80 = arith.constant 0 : i32
    %dma_start3A_81 = tpu.memref_slice %dma_start3A_79[%dma_start3A_75, %dma_start3A_80] : memref<84x128xi32, #tpu.memory_space<hbm>> -> memref<1x128xi32, #tpu.memory_space<hbm>>
    %dma_start3A_82 = tpu.memref_squeeze %dma_start3A_81 : memref<1x128xi32, #tpu.memory_space<hbm>> -> memref<128xi32, #tpu.memory_space<hbm>>
    %dma_start3A_83 = arith.constant 0 : i32
    %dma_start3A_84 = arith.constant 0 : i32
    %dma_start3A_85 = tpu.memref_slice %arg4[%arg0, %arg1, %dma_start3A_83, %dma_start3A_84] : memref<2x16x84x128xi32, #tpu.memory_space<hbm>> -> memref<1x1x84x128xi32, #tpu.memory_space<hbm>>
    %dma_start3A_86 = tpu.memref_squeeze %dma_start3A_85 : memref<1x1x84x128xi32, #tpu.memory_space<hbm>> -> memref<84x128xi32, #tpu.memory_space<hbm>>
    %dma_start3A_87 = arith.constant 0 : i32
    %dma_start3A_88 = tpu.memref_slice %dma_start3A_86[%dma_start3A_75, %dma_start3A_87] : memref<84x128xi32, #tpu.memory_space<hbm>> -> memref<1x128xi32, #tpu.memory_space<hbm>>
    %dma_start3A_89 = tpu.memref_squeeze %dma_start3A_88 : memref<1x128xi32, #tpu.memory_space<hbm>> -> memref<128xi32, #tpu.memory_space<hbm>>
    tpu.enqueue_dma source(%dma_start3A_89 : memref<128xi32, #tpu.memory_space<hbm>>) target(%arg13 : memref<128xi32, #tpu.memory_space<vmem>>) target_semaphore(%arg20 : memref<!tpu.dma_semaphore, #tpu.memory_space<semaphore_mem>>)
    %dma_start3A_90 = arith.constant 3 : i32
    %dma_start3A_91 = arith.constant 0 : i32
    %dma_start3A_92 = arith.constant 0 : i32
    %dma_start3A_93 = tpu.memref_slice %arg3[%arg0, %arg1, %dma_start3A_91, %dma_start3A_92] : memref<2x16x84x128xi32, #tpu.memory_space<hbm>> -> memref<1x1x84x128xi32, #tpu.memory_space<hbm>>
    %dma_start3A_94 = tpu.memref_squeeze %dma_start3A_93 : memref<1x1x84x128xi32, #tpu.memory_space<hbm>> -> memref<84x128xi32, #tpu.memory_space<hbm>>
    %dma_start3A_95 = arith.constant 0 : i32
    %dma_start3A_96 = tpu.memref_slice %dma_start3A_94[%dma_start3A_90, %dma_start3A_95] : memref<84x128xi32, #tpu.memory_space<hbm>> -> memref<1x128xi32, #tpu.memory_space<hbm>>
    %dma_start3A_97 = tpu.memref_squeeze %dma_start3A_96 : memref<1x128xi32, #tpu.memory_space<hbm>> -> memref<128xi32, #tpu.memory_space<hbm>>
    %dma_start3A_98 = arith.constant 0 : i32
    %dma_start3A_99 = arith.constant 0 : i32
    %dma_start3A_100 = tpu.memref_slice %arg3[%arg0, %arg1, %dma_start3A_98, %dma_start3A_99] : memref<2x16x84x128xi32, #tpu.memory_space<hbm>> -> memref<1x1x84x128xi32, #tpu.memory_space<hbm>>
    %dma_start3A_101 = tpu.memref_squeeze %dma_start3A_100 : memref<1x1x84x128xi32, #tpu.memory_space<hbm>> -> memref<84x128xi32, #tpu.memory_space<hbm>>
    %dma_start3A_102 = arith.constant 0 : i32
    %dma_start3A_103 = tpu.memref_slice %dma_start3A_101[%dma_start3A_90, %dma_start3A_102] : memref<84x128xi32, #tpu.memory_space<hbm>> -> memref<1x128xi32, #tpu.memory_space<hbm>>
    %dma_start3A_104 = tpu.memref_squeeze %dma_start3A_103 : memref<1x128xi32, #tpu.memory_space<hbm>> -> memref<128xi32, #tpu.memory_space<hbm>>
    tpu.enqueue_dma source(%dma_start3A_104 : memref<128xi32, #tpu.memory_space<hbm>>) target(%arg10 : memref<128xi32, #tpu.memory_space<vmem>>) target_semaphore(%arg21 : memref<!tpu.dma_semaphore, #tpu.memory_space<semaphore_mem>>)
    %dma_start3A_105 = arith.constant 3 : i32
    %dma_start3A_106 = arith.constant 0 : i32
    %dma_start3A_107 = arith.constant 0 : i32
    %dma_start3A_108 = tpu.memref_slice %arg4[%arg0, %arg1, %dma_start3A_106, %dma_start3A_107] : memref<2x16x84x128xi32, #tpu.memory_space<hbm>> -> memref<1x1x84x128xi32, #tpu.memory_space<hbm>>
    %dma_start3A_109 = tpu.memref_squeeze %dma_start3A_108 : memref<1x1x84x128xi32, #tpu.memory_space<hbm>> -> memref<84x128xi32, #tpu.memory_space<hbm>>
    %dma_start3A_110 = arith.constant 0 : i32
    %dma_start3A_111 = tpu.memref_slice %dma_start3A_109[%dma_start3A_105, %dma_start3A_110] : memref<84x128xi32, #tpu.memory_space<hbm>> -> memref<1x128xi32, #tpu.memory_space<hbm>>
    %dma_start3A_112 = tpu.memref_squeeze %dma_start3A_111 : memref<1x128xi32, #tpu.memory_space<hbm>> -> memref<128xi32, #tpu.memory_space<hbm>>
    %dma_start3A_113 = arith.constant 0 : i32
    %dma_start3A_114 = arith.constant 0 : i32
    %dma_start3A_115 = tpu.memref_slice %arg4[%arg0, %arg1, %dma_start3A_113, %dma_start3A_114] : memref<2x16x84x128xi32, #tpu.memory_space<hbm>> -> memref<1x1x84x128xi32, #tpu.memory_space<hbm>>
    %dma_start3A_116 = tpu.memref_squeeze %dma_start3A_115 : memref<1x1x84x128xi32, #tpu.memory_space<hbm>> -> memref<84x128xi32, #tpu.memory_space<hbm>>
    %dma_start3A_117 = arith.constant 0 : i32
    %dma_start3A_118 = tpu.memref_slice %dma_start3A_116[%dma_start3A_105, %dma_start3A_117] : memref<84x128xi32, #tpu.memory_space<hbm>> -> memref<1x128xi32, #tpu.memory_space<hbm>>
    %dma_start3A_119 = tpu.memref_squeeze %dma_start3A_118 : memref<1x128xi32, #tpu.memory_space<hbm>> -> memref<128xi32, #tpu.memory_space<hbm>>
    tpu.enqueue_dma source(%dma_start3A_119 : memref<128xi32, #tpu.memory_space<hbm>>) target(%arg14 : memref<128xi32, #tpu.memory_space<vmem>>) target_semaphore(%arg21 : memref<!tpu.dma_semaphore, #tpu.memory_space<semaphore_mem>>)
    "tpu.region"() ({
      %run_scoped3A_312 = tpu.sem_alloc : memref<!tpu.dma_semaphore, #tpu.memory_space<semaphore_mem>>
      %dma_start3A_313 = arith.constant 0 : i32
      %dma_start3A_314 = tpu.memref_slice %arg6[%mul3A_0, %dma_start3A_313] : memref<10240x128xf32, #tpu.memory_space<vmem_shared>> -> memref<640x128xf32, #tpu.memory_space<vmem_shared>>
      %dma_start3A_315 = arith.constant 0 : i32
      %dma_start3A_316 = tpu.memref_slice %arg2[%mul3A_0, %dma_start3A_315] : memref<10240x128xf32, #tpu.memory_space<hbm>> -> memref<640x128xf32, #tpu.memory_space<hbm>>
      tpu.enqueue_dma source(%dma_start3A_316 : memref<640x128xf32, #tpu.memory_space<hbm>>) target(%dma_start3A_314 : memref<640x128xf32, #tpu.memory_space<vmem_shared>>) target_semaphore(%run_scoped3A_312 : memref<!tpu.dma_semaphore, #tpu.memory_space<semaphore_mem>>)
      %dma_wait3A_317 = arith.constant 0 : i32
      %dma_wait3A_318 = tpu.memref_slice %arg6[%mul3A_0, %dma_wait3A_317] : memref<10240x128xf32, #tpu.memory_space<vmem_shared>> -> memref<640x128xf32, #tpu.memory_space<vmem_shared>>
      %dma_wait3A_319 = arith.constant 0 : i32
      %dma_wait3A_320 = tpu.memref_slice %arg2[%mul3A_0, %dma_wait3A_319] : memref<10240x128xf32, #tpu.memory_space<hbm>> -> memref<640x128xf32, #tpu.memory_space<hbm>>
      tpu.wait_dma2 semaphore(%run_scoped3A_312 : memref<!tpu.dma_semaphore, #tpu.memory_space<semaphore_mem>>) src(%dma_wait3A_320 : memref<640x128xf32, #tpu.memory_space<hbm>>) dst(%dma_wait3A_318 : memref<640x128xf32, #tpu.memory_space<vmem_shared>>)
      tpu.yield
    }) : () -> ()
    %barrier3A = arith.constant 0 : index
    tpu.barrier barrier_id(%barrier3A)
    %dma_wait3A = arith.constant 0 : i32
    %dma_wait3A_120 = arith.constant 0 : i32
    %dma_wait3A_121 = arith.constant 0 : i32
    %dma_wait3A_122 = tpu.memref_slice %arg3[%arg0, %arg1, %dma_wait3A_120, %dma_wait3A_121] : memref<2x16x84x128xi32, #tpu.memory_space<hbm>> -> memref<1x1x84x128xi32, #tpu.memory_space<hbm>>
    %dma_wait3A_123 = tpu.memref_squeeze %dma_wait3A_122 : memref<1x1x84x128xi32, #tpu.memory_space<hbm>> -> memref<84x128xi32, #tpu.memory_space<hbm>>
    %dma_wait3A_124 = arith.constant 0 : i32
    %dma_wait3A_125 = tpu.memref_slice %dma_wait3A_123[%dma_wait3A, %dma_wait3A_124] : memref<84x128xi32, #tpu.memory_space<hbm>> -> memref<1x128xi32, #tpu.memory_space<hbm>>
    %dma_wait3A_126 = tpu.memref_squeeze %dma_wait3A_125 : memref<1x128xi32, #tpu.memory_space<hbm>> -> memref<128xi32, #tpu.memory_space<hbm>>
    %dma_wait3A_127 = arith.constant 0 : i32
    %dma_wait3A_128 = arith.constant 0 : i32
    %dma_wait3A_129 = tpu.memref_slice %arg3[%arg0, %arg1, %dma_wait3A_127, %dma_wait3A_128] : memref<2x16x84x128xi32, #tpu.memory_space<hbm>> -> memref<1x1x84x128xi32, #tpu.memory_space<hbm>>
    %dma_wait3A_130 = tpu.memref_squeeze %dma_wait3A_129 : memref<1x1x84x128xi32, #tpu.memory_space<hbm>> -> memref<84x128xi32, #tpu.memory_space<hbm>>
    %dma_wait3A_131 = arith.constant 0 : i32
    %dma_wait3A_132 = tpu.memref_slice %dma_wait3A_130[%dma_wait3A, %dma_wait3A_131] : memref<84x128xi32, #tpu.memory_space<hbm>> -> memref<1x128xi32, #tpu.memory_space<hbm>>
    %dma_wait3A_133 = tpu.memref_squeeze %dma_wait3A_132 : memref<1x128xi32, #tpu.memory_space<hbm>> -> memref<128xi32, #tpu.memory_space<hbm>>
    tpu.wait_dma2 semaphore(%arg18 : memref<!tpu.dma_semaphore, #tpu.memory_space<semaphore_mem>>) src(%dma_wait3A_133 : memref<128xi32, #tpu.memory_space<hbm>>) dst(%arg7 : memref<128xi32, #tpu.memory_space<vmem>>)
    %dma_wait3A_134 = arith.constant 0 : i32
    %dma_wait3A_135 = arith.constant 0 : i32
    %dma_wait3A_136 = arith.constant 0 : i32
    %dma_wait3A_137 = tpu.memref_slice %arg4[%arg0, %arg1, %dma_wait3A_135, %dma_wait3A_136] : memref<2x16x84x128xi32, #tpu.memory_space<hbm>> -> memref<1x1x84x128xi32, #tpu.memory_space<hbm>>
    %dma_wait3A_138 = tpu.memref_squeeze %dma_wait3A_137 : memref<1x1x84x128xi32, #tpu.memory_space<hbm>> -> memref<84x128xi32, #tpu.memory_space<hbm>>
    %dma_wait3A_139 = arith.constant 0 : i32
    %dma_wait3A_140 = tpu.memref_slice %dma_wait3A_138[%dma_wait3A_134, %dma_wait3A_139] : memref<84x128xi32, #tpu.memory_space<hbm>> -> memref<1x128xi32, #tpu.memory_space<hbm>>
    %dma_wait3A_141 = tpu.memref_squeeze %dma_wait3A_140 : memref<1x128xi32, #tpu.memory_space<hbm>> -> memref<128xi32, #tpu.memory_space<hbm>>
    %dma_wait3A_142 = arith.constant 0 : i32
    %dma_wait3A_143 = arith.constant 0 : i32
    %dma_wait3A_144 = tpu.memref_slice %arg4[%arg0, %arg1, %dma_wait3A_142, %dma_wait3A_143] : memref<2x16x84x128xi32, #tpu.memory_space<hbm>> -> memref<1x1x84x128xi32, #tpu.memory_space<hbm>>
    %dma_wait3A_145 = tpu.memref_squeeze %dma_wait3A_144 : memref<1x1x84x128xi32, #tpu.memory_space<hbm>> -> memref<84x128xi32, #tpu.memory_space<hbm>>
    %dma_wait3A_146 = arith.constant 0 : i32
    %dma_wait3A_147 = tpu.memref_slice %dma_wait3A_145[%dma_wait3A_134, %dma_wait3A_146] : memref<84x128xi32, #tpu.memory_space<hbm>> -> memref<1x128xi32, #tpu.memory_space<hbm>>
    %dma_wait3A_148 = tpu.memref_squeeze %dma_wait3A_147 : memref<1x128xi32, #tpu.memory_space<hbm>> -> memref<128xi32, #tpu.memory_space<hbm>>
    tpu.wait_dma2 semaphore(%arg18 : memref<!tpu.dma_semaphore, #tpu.memory_space<semaphore_mem>>) src(%dma_wait3A_148 : memref<128xi32, #tpu.memory_space<hbm>>) dst(%arg11 : memref<128xi32, #tpu.memory_space<vmem>>)
    %dma_start3A_149 = arith.constant 0 : i32
    %dma_start3A_150 = arith.constant 0 : i32
    %dma_start3A_151 = arith.constant 0 : i32
    %dma_start3A_152 = tpu.memref_slice %arg15[%dma_start3A_149, %dma_start3A_150, %dma_start3A_151] : memref<2x128x128xf32, #tpu.memory_space<vmem>> -> memref<1x128x128xf32, #tpu.memory_space<vmem>>
    %dma_start3A_153 = tpu.memref_squeeze %dma_start3A_152 : memref<1x128x128xf32, #tpu.memory_space<vmem>> -> memref<128x128xf32, #tpu.memory_space<vmem>>
    %dma_start3A_154 = arith.constant 0 : i32
    %dma_start3A_155 = arith.constant 0 : i32
    %dma_start3A_156 = tpu.memref_slice %arg2[%dma_start3A_154, %dma_start3A_155] : memref<10240x128xf32, #tpu.memory_space<hbm>> -> memref<10240x128xf32, #tpu.memory_space<hbm>>
    tpu.enqueue_indirect_dma source(%dma_start3A_156 : memref<10240x128xf32, #tpu.memory_space<hbm>>) target(%dma_start3A_153 : memref<128x128xf32, #tpu.memory_space<vmem>>) offsets(%arg7 : memref<128xi32, #tpu.memory_space<vmem>>) semaphore(%arg16 : memref<!tpu.dma_semaphore, #tpu.memory_space<semaphore_mem>>)
    %dma_wait3A_157 = arith.constant 0 : i32
    %dma_wait3A_158 = arith.constant 0 : i32
    %dma_wait3A_159 = arith.constant 0 : i32
    %dma_wait3A_160 = tpu.memref_slice %arg3[%arg0, %arg1, %dma_wait3A_158, %dma_wait3A_159] : memref<2x16x84x128xi32, #tpu.memory_space<hbm>> -> memref<1x1x84x128xi32, #tpu.memory_space<hbm>>
    %dma_wait3A_161 = tpu.memref_squeeze %dma_wait3A_160 : memref<1x1x84x128xi32, #tpu.memory_space<hbm>> -> memref<84x128xi32, #tpu.memory_space<hbm>>
    %dma_wait3A_162 = arith.constant 0 : i32
    %dma_wait3A_163 = tpu.memref_slice %dma_wait3A_161[%dma_wait3A_157, %dma_wait3A_162] : memref<84x128xi32, #tpu.memory_space<hbm>> -> memref<1x128xi32, #tpu.memory_space<hbm>>
    %dma_wait3A_164 = tpu.memref_squeeze %dma_wait3A_163 : memref<1x128xi32, #tpu.memory_space<hbm>> -> memref<128xi32, #tpu.memory_space<hbm>>
    %dma_wait3A_165 = arith.constant 0 : i32
    %dma_wait3A_166 = arith.constant 0 : i32
    %dma_wait3A_167 = tpu.memref_slice %arg3[%arg0, %arg1, %dma_wait3A_165, %dma_wait3A_166] : memref<2x16x84x128xi32, #tpu.memory_space<hbm>> -> memref<1x1x84x128xi32, #tpu.memory_space<hbm>>
    %dma_wait3A_168 = tpu.memref_squeeze %dma_wait3A_167 : memref<1x1x84x128xi32, #tpu.memory_space<hbm>> -> memref<84x128xi32, #tpu.memory_space<hbm>>
    %dma_wait3A_169 = arith.constant 0 : i32
    %dma_wait3A_170 = tpu.memref_slice %dma_wait3A_168[%dma_wait3A_157, %dma_wait3A_169] : memref<84x128xi32, #tpu.memory_space<hbm>> -> memref<1x128xi32, #tpu.memory_space<hbm>>
    %dma_wait3A_171 = tpu.memref_squeeze %dma_wait3A_170 : memref<1x128xi32, #tpu.memory_space<hbm>> -> memref<128xi32, #tpu.memory_space<hbm>>
    tpu.wait_dma2 semaphore(%arg19 : memref<!tpu.dma_semaphore, #tpu.memory_space<semaphore_mem>>) src(%dma_wait3A_171 : memref<128xi32, #tpu.memory_space<hbm>>) dst(%arg8 : memref<128xi32, #tpu.memory_space<vmem>>)
    %dma_wait3A_172 = arith.constant 0 : i32
    %dma_wait3A_173 = arith.constant 0 : i32
    %dma_wait3A_174 = arith.constant 0 : i32
    %dma_wait3A_175 = tpu.memref_slice %arg4[%arg0, %arg1, %dma_wait3A_173, %dma_wait3A_174] : memref<2x16x84x128xi32, #tpu.memory_space<hbm>> -> memref<1x1x84x128xi32, #tpu.memory_space<hbm>>
    %dma_wait3A_176 = tpu.memref_squeeze %dma_wait3A_175 : memref<1x1x84x128xi32, #tpu.memory_space<hbm>> -> memref<84x128xi32, #tpu.memory_space<hbm>>
    %dma_wait3A_177 = arith.constant 0 : i32
    %dma_wait3A_178 = tpu.memref_slice %dma_wait3A_176[%dma_wait3A_172, %dma_wait3A_177] : memref<84x128xi32, #tpu.memory_space<hbm>> -> memref<1x128xi32, #tpu.memory_space<hbm>>
    %dma_wait3A_179 = tpu.memref_squeeze %dma_wait3A_178 : memref<1x128xi32, #tpu.memory_space<hbm>> -> memref<128xi32, #tpu.memory_space<hbm>>
    %dma_wait3A_180 = arith.constant 0 : i32
    %dma_wait3A_181 = arith.constant 0 : i32
    %dma_wait3A_182 = tpu.memref_slice %arg4[%arg0, %arg1, %dma_wait3A_180, %dma_wait3A_181] : memref<2x16x84x128xi32, #tpu.memory_space<hbm>> -> memref<1x1x84x128xi32, #tpu.memory_space<hbm>>
    %dma_wait3A_183 = tpu.memref_squeeze %dma_wait3A_182 : memref<1x1x84x128xi32, #tpu.memory_space<hbm>> -> memref<84x128xi32, #tpu.memory_space<hbm>>
    %dma_wait3A_184 = arith.constant 0 : i32
    %dma_wait3A_185 = tpu.memref_slice %dma_wait3A_183[%dma_wait3A_172, %dma_wait3A_184] : memref<84x128xi32, #tpu.memory_space<hbm>> -> memref<1x128xi32, #tpu.memory_space<hbm>>
    %dma_wait3A_186 = tpu.memref_squeeze %dma_wait3A_185 : memref<1x128xi32, #tpu.memory_space<hbm>> -> memref<128xi32, #tpu.memory_space<hbm>>
    tpu.wait_dma2 semaphore(%arg19 : memref<!tpu.dma_semaphore, #tpu.memory_space<semaphore_mem>>) src(%dma_wait3A_186 : memref<128xi32, #tpu.memory_space<hbm>>) dst(%arg12 : memref<128xi32, #tpu.memory_space<vmem>>)
    %dma_start3A_187 = arith.constant 1 : i32
    %dma_start3A_188 = arith.constant 0 : i32
    %dma_start3A_189 = arith.constant 0 : i32
    %dma_start3A_190 = tpu.memref_slice %arg15[%dma_start3A_187, %dma_start3A_188, %dma_start3A_189] : memref<2x128x128xf32, #tpu.memory_space<vmem>> -> memref<1x128x128xf32, #tpu.memory_space<vmem>>
    %dma_start3A_191 = tpu.memref_squeeze %dma_start3A_190 : memref<1x128x128xf32, #tpu.memory_space<vmem>> -> memref<128x128xf32, #tpu.memory_space<vmem>>
    %dma_start3A_192 = arith.constant 0 : i32
    %dma_start3A_193 = arith.constant 0 : i32
    %dma_start3A_194 = tpu.memref_slice %arg2[%dma_start3A_192, %dma_start3A_193] : memref<10240x128xf32, #tpu.memory_space<hbm>> -> memref<10240x128xf32, #tpu.memory_space<hbm>>
    tpu.enqueue_indirect_dma source(%dma_start3A_194 : memref<10240x128xf32, #tpu.memory_space<hbm>>) target(%dma_start3A_191 : memref<128x128xf32, #tpu.memory_space<vmem>>) offsets(%arg8 : memref<128xi32, #tpu.memory_space<vmem>>) semaphore(%arg17 : memref<!tpu.dma_semaphore, #tpu.memory_space<semaphore_mem>>)
    %scan3A = arith.constant 0 : i32
    %scan3A_195 = arith.constant 0 : i32
    %scan3A_196 = arith.constant 19 : i32
    %scan3A_197 = arith.addi %scan3A_195, %scan3A_196 : i32
    %scan3A_198 = arith.constant 1 : i32
    scf.for %scan3A_312 = %scan3A_195 to %scan3A_197 step %scan3A_198  : i32 {
      %mul3A_313 = arith.constant 4 : i32
      %mul3A_314 = arith.muli %mul3A_313, %scan3A_312 : i32
      %add3A = arith.constant 0 : i32
      %add3A_315 = arith.addi %mul3A_314, %add3A : i32
      %dma_wait3A_316 = arith.constant 0 : i32
      %dma_wait3A_317 = arith.constant 0 : i32
      %dma_wait3A_318 = arith.constant 0 : i32
      %dma_wait3A_319 = tpu.memref_slice %arg15[%dma_wait3A_316, %dma_wait3A_317, %dma_wait3A_318] : memref<2x128x128xf32, #tpu.memory_space<vmem>> -> memref<1x128x128xf32, #tpu.memory_space<vmem>>
      %dma_wait3A_320 = tpu.memref_squeeze %dma_wait3A_319 : memref<1x128x128xf32, #tpu.memory_space<vmem>> -> memref<128x128xf32, #tpu.memory_space<vmem>>
      %dma_wait3A_321 = arith.constant 0 : i32
      %dma_wait3A_322 = arith.constant 0 : i32
      %dma_wait3A_323 = tpu.memref_slice %arg2[%dma_wait3A_321, %dma_wait3A_322] : memref<10240x128xf32, #tpu.memory_space<hbm>> -> memref<10240x128xf32, #tpu.memory_space<hbm>>
      tpu.wait_indirect_dma semaphore(%arg16 : memref<!tpu.dma_semaphore, #tpu.memory_space<semaphore_mem>>) src(%dma_wait3A_323 : memref<10240x128xf32, #tpu.memory_space<hbm>>) dst(%dma_wait3A_320 : memref<128x128xf32, #tpu.memory_space<vmem>>)
      %run_scoped3A_324 = arith.constant 0 : i32
      "tpu.region"() ({
        %run_scoped3A_636 = tpu.sem_alloc : memref<!tpu.dma_semaphore, #tpu.memory_space<semaphore_mem>>
        %dma_start3A_637 = arith.constant 0 : i32
        %dma_start3A_638 = arith.constant 0 : i32
        %dma_start3A_639 = tpu.memref_slice %arg15[%run_scoped3A_324, %dma_start3A_637, %dma_start3A_638] : memref<2x128x128xf32, #tpu.memory_space<vmem>> -> memref<1x128x128xf32, #tpu.memory_space<vmem>>
        %dma_start3A_640 = tpu.memref_squeeze %dma_start3A_639 : memref<1x128x128xf32, #tpu.memory_space<vmem>> -> memref<128x128xf32, #tpu.memory_space<vmem>>
        %dma_start3A_641 = arith.constant 0 : i32
        %dma_start3A_642 = arith.constant 0 : i32
        %dma_start3A_643 = tpu.memref_slice %arg6[%dma_start3A_641, %dma_start3A_642] : memref<10240x128xf32, #tpu.memory_space<vmem_shared>> -> memref<10240x128xf32, #tpu.memory_space<vmem_shared>>
        tpu.enqueue_indirect_dma source(%dma_start3A_640 : memref<128x128xf32, #tpu.memory_space<vmem>>) target(%dma_start3A_643 : memref<10240x128xf32, #tpu.memory_space<vmem_shared>>) offsets(%arg11 : memref<128xi32, #tpu.memory_space<vmem>>) semaphore(%run_scoped3A_636 : memref<!tpu.dma_semaphore, #tpu.memory_space<semaphore_mem>>) {add = true}
        %dma_wait3A_644 = arith.constant 0 : i32
        %dma_wait3A_645 = arith.constant 0 : i32
        %dma_wait3A_646 = tpu.memref_slice %arg15[%run_scoped3A_324, %dma_wait3A_644, %dma_wait3A_645] : memref<2x128x128xf32, #tpu.memory_space<vmem>> -> memref<1x128x128xf32, #tpu.memory_space<vmem>>
        %dma_wait3A_647 = tpu.memref_squeeze %dma_wait3A_646 : memref<1x128x128xf32, #tpu.memory_space<vmem>> -> memref<128x128xf32, #tpu.memory_space<vmem>>
        %dma_wait3A_648 = arith.constant 0 : i32
        %dma_wait3A_649 = arith.constant 0 : i32
        %dma_wait3A_650 = tpu.memref_slice %arg6[%dma_wait3A_648, %dma_wait3A_649] : memref<10240x128xf32, #tpu.memory_space<vmem_shared>> -> memref<10240x128xf32, #tpu.memory_space<vmem_shared>>
        tpu.wait_indirect_dma semaphore(%run_scoped3A_636 : memref<!tpu.dma_semaphore, #tpu.memory_space<semaphore_mem>>) src(%dma_wait3A_647 : memref<128x128xf32, #tpu.memory_space<vmem>>) dst(%dma_wait3A_650 : memref<10240x128xf32, #tpu.memory_space<vmem_shared>>)
        tpu.yield
      }) : () -> ()
      %add3A_325 = arith.constant 4 : i32
      %add3A_326 = arith.addi %add3A_315, %add3A_325 : i32
      %dma_start3A_327 = arith.constant 0 : i32
      %dma_start3A_328 = arith.constant 0 : i32
      %dma_start3A_329 = tpu.memref_slice %arg3[%arg0, %arg1, %dma_start3A_327, %dma_start3A_328] : memref<2x16x84x128xi32, #tpu.memory_space<hbm>> -> memref<1x1x84x128xi32, #tpu.memory_space<hbm>>
      %dma_start3A_330 = tpu.memref_squeeze %dma_start3A_329 : memref<1x1x84x128xi32, #tpu.memory_space<hbm>> -> memref<84x128xi32, #tpu.memory_space<hbm>>
      %dma_start3A_331 = arith.constant 0 : i32
      %dma_start3A_332 = tpu.memref_slice %dma_start3A_330[%add3A_326, %dma_start3A_331] : memref<84x128xi32, #tpu.memory_space<hbm>> -> memref<1x128xi32, #tpu.memory_space<hbm>>
      %dma_start3A_333 = tpu.memref_squeeze %dma_start3A_332 : memref<1x128xi32, #tpu.memory_space<hbm>> -> memref<128xi32, #tpu.memory_space<hbm>>
      %dma_start3A_334 = arith.constant 0 : i32
      %dma_start3A_335 = arith.constant 0 : i32
      %dma_start3A_336 = tpu.memref_slice %arg3[%arg0, %arg1, %dma_start3A_334, %dma_start3A_335] : memref<2x16x84x128xi32, #tpu.memory_space<hbm>> -> memref<1x1x84x128xi32, #tpu.memory_space<hbm>>
      %dma_start3A_337 = tpu.memref_squeeze %dma_start3A_336 : memref<1x1x84x128xi32, #tpu.memory_space<hbm>> -> memref<84x128xi32, #tpu.memory_space<hbm>>
      %dma_start3A_338 = arith.constant 0 : i32
      %dma_start3A_339 = tpu.memref_slice %dma_start3A_337[%add3A_326, %dma_start3A_338] : memref<84x128xi32, #tpu.memory_space<hbm>> -> memref<1x128xi32, #tpu.memory_space<hbm>>
      %dma_start3A_340 = tpu.memref_squeeze %dma_start3A_339 : memref<1x128xi32, #tpu.memory_space<hbm>> -> memref<128xi32, #tpu.memory_space<hbm>>
      tpu.enqueue_dma source(%dma_start3A_340 : memref<128xi32, #tpu.memory_space<hbm>>) target(%arg7 : memref<128xi32, #tpu.memory_space<vmem>>) target_semaphore(%arg18 : memref<!tpu.dma_semaphore, #tpu.memory_space<semaphore_mem>>)
      %dma_start3A_341 = arith.constant 0 : i32
      %dma_start3A_342 = arith.constant 0 : i32
      %dma_start3A_343 = tpu.memref_slice %arg4[%arg0, %arg1, %dma_start3A_341, %dma_start3A_342] : memref<2x16x84x128xi32, #tpu.memory_space<hbm>> -> memref<1x1x84x128xi32, #tpu.memory_space<hbm>>
      %dma_start3A_344 = tpu.memref_squeeze %dma_start3A_343 : memref<1x1x84x128xi32, #tpu.memory_space<hbm>> -> memref<84x128xi32, #tpu.memory_space<hbm>>
      %dma_start3A_345 = arith.constant 0 : i32
      %dma_start3A_346 = tpu.memref_slice %dma_start3A_344[%add3A_326, %dma_start3A_345] : memref<84x128xi32, #tpu.memory_space<hbm>> -> memref<1x128xi32, #tpu.memory_space<hbm>>
      %dma_start3A_347 = tpu.memref_squeeze %dma_start3A_346 : memref<1x128xi32, #tpu.memory_space<hbm>> -> memref<128xi32, #tpu.memory_space<hbm>>
      %dma_start3A_348 = arith.constant 0 : i32
      %dma_start3A_349 = arith.constant 0 : i32
      %dma_start3A_350 = tpu.memref_slice %arg4[%arg0, %arg1, %dma_start3A_348, %dma_start3A_349] : memref<2x16x84x128xi32, #tpu.memory_space<hbm>> -> memref<1x1x84x128xi32, #tpu.memory_space<hbm>>
      %dma_start3A_351 = tpu.memref_squeeze %dma_start3A_350 : memref<1x1x84x128xi32, #tpu.memory_space<hbm>> -> memref<84x128xi32, #tpu.memory_space<hbm>>
      %dma_start3A_352 = arith.constant 0 : i32
      %dma_start3A_353 = tpu.memref_slice %dma_start3A_351[%add3A_326, %dma_start3A_352] : memref<84x128xi32, #tpu.memory_space<hbm>> -> memref<1x128xi32, #tpu.memory_space<hbm>>
      %dma_start3A_354 = tpu.memref_squeeze %dma_start3A_353 : memref<1x128xi32, #tpu.memory_space<hbm>> -> memref<128xi32, #tpu.memory_space<hbm>>
      tpu.enqueue_dma source(%dma_start3A_354 : memref<128xi32, #tpu.memory_space<hbm>>) target(%arg11 : memref<128xi32, #tpu.memory_space<vmem>>) target_semaphore(%arg18 : memref<!tpu.dma_semaphore, #tpu.memory_space<semaphore_mem>>)
      %dma_wait3A_355 = arith.constant 0 : i32
      %dma_wait3A_356 = arith.constant 0 : i32
      %dma_wait3A_357 = arith.constant 0 : i32
      %dma_wait3A_358 = tpu.memref_slice %arg3[%arg0, %arg1, %dma_wait3A_356, %dma_wait3A_357] : memref<2x16x84x128xi32, #tpu.memory_space<hbm>> -> memref<1x1x84x128xi32, #tpu.memory_space<hbm>>
      %dma_wait3A_359 = tpu.memref_squeeze %dma_wait3A_358 : memref<1x1x84x128xi32, #tpu.memory_space<hbm>> -> memref<84x128xi32, #tpu.memory_space<hbm>>
      %dma_wait3A_360 = arith.constant 0 : i32
      %dma_wait3A_361 = tpu.memref_slice %dma_wait3A_359[%dma_wait3A_355, %dma_wait3A_360] : memref<84x128xi32, #tpu.memory_space<hbm>> -> memref<1x128xi32, #tpu.memory_space<hbm>>
      %dma_wait3A_362 = tpu.memref_squeeze %dma_wait3A_361 : memref<1x128xi32, #tpu.memory_space<hbm>> -> memref<128xi32, #tpu.memory_space<hbm>>
      %dma_wait3A_363 = arith.constant 0 : i32
      %dma_wait3A_364 = arith.constant 0 : i32
      %dma_wait3A_365 = tpu.memref_slice %arg3[%arg0, %arg1, %dma_wait3A_363, %dma_wait3A_364] : memref<2x16x84x128xi32, #tpu.memory_space<hbm>> -> memref<1x1x84x128xi32, #tpu.memory_space<hbm>>
      %dma_wait3A_366 = tpu.memref_squeeze %dma_wait3A_365 : memref<1x1x84x128xi32, #tpu.memory_space<hbm>> -> memref<84x128xi32, #tpu.memory_space<hbm>>
      %dma_wait3A_367 = arith.constant 0 : i32
      %dma_wait3A_368 = tpu.memref_slice %dma_wait3A_366[%dma_wait3A_355, %dma_wait3A_367] : memref<84x128xi32, #tpu.memory_space<hbm>> -> memref<1x128xi32, #tpu.memory_space<hbm>>
      %dma_wait3A_369 = tpu.memref_squeeze %dma_wait3A_368 : memref<1x128xi32, #tpu.memory_space<hbm>> -> memref<128xi32, #tpu.memory_space<hbm>>
      tpu.wait_dma2 semaphore(%arg20 : memref<!tpu.dma_semaphore, #tpu.memory_space<semaphore_mem>>) src(%dma_wait3A_369 : memref<128xi32, #tpu.memory_space<hbm>>) dst(%arg9 : memref<128xi32, #tpu.memory_space<vmem>>)
      %dma_wait3A_370 = arith.constant 0 : i32
      %dma_wait3A_371 = arith.constant 0 : i32
      %dma_wait3A_372 = arith.constant 0 : i32
      %dma_wait3A_373 = tpu.memref_slice %arg4[%arg0, %arg1, %dma_wait3A_371, %dma_wait3A_372] : memref<2x16x84x128xi32, #tpu.memory_space<hbm>> -> memref<1x1x84x128xi32, #tpu.memory_space<hbm>>
      %dma_wait3A_374 = tpu.memref_squeeze %dma_wait3A_373 : memref<1x1x84x128xi32, #tpu.memory_space<hbm>> -> memref<84x128xi32, #tpu.memory_space<hbm>>
      %dma_wait3A_375 = arith.constant 0 : i32
      %dma_wait3A_376 = tpu.memref_slice %dma_wait3A_374[%dma_wait3A_370, %dma_wait3A_375] : memref<84x128xi32, #tpu.memory_space<hbm>> -> memref<1x128xi32, #tpu.memory_space<hbm>>
      %dma_wait3A_377 = tpu.memref_squeeze %dma_wait3A_376 : memref<1x128xi32, #tpu.memory_space<hbm>> -> memref<128xi32, #tpu.memory_space<hbm>>
      %dma_wait3A_378 = arith.constant 0 : i32
      %dma_wait3A_379 = arith.constant 0 : i32
      %dma_wait3A_380 = tpu.memref_slice %arg4[%arg0, %arg1, %dma_wait3A_378, %dma_wait3A_379] : memref<2x16x84x128xi32, #tpu.memory_space<hbm>> -> memref<1x1x84x128xi32, #tpu.memory_space<hbm>>
      %dma_wait3A_381 = tpu.memref_squeeze %dma_wait3A_380 : memref<1x1x84x128xi32, #tpu.memory_space<hbm>> -> memref<84x128xi32, #tpu.memory_space<hbm>>
      %dma_wait3A_382 = arith.constant 0 : i32
      %dma_wait3A_383 = tpu.memref_slice %dma_wait3A_381[%dma_wait3A_370, %dma_wait3A_382] : memref<84x128xi32, #tpu.memory_space<hbm>> -> memref<1x128xi32, #tpu.memory_space<hbm>>
      %dma_wait3A_384 = tpu.memref_squeeze %dma_wait3A_383 : memref<1x128xi32, #tpu.memory_space<hbm>> -> memref<128xi32, #tpu.memory_space<hbm>>
      tpu.wait_dma2 semaphore(%arg20 : memref<!tpu.dma_semaphore, #tpu.memory_space<semaphore_mem>>) src(%dma_wait3A_384 : memref<128xi32, #tpu.memory_space<hbm>>) dst(%arg13 : memref<128xi32, #tpu.memory_space<vmem>>)
      %dma_start3A_385 = arith.constant 0 : i32
      %dma_start3A_386 = arith.constant 0 : i32
      %dma_start3A_387 = arith.constant 0 : i32
      %dma_start3A_388 = tpu.memref_slice %arg15[%dma_start3A_385, %dma_start3A_386, %dma_start3A_387] : memref<2x128x128xf32, #tpu.memory_space<vmem>> -> memref<1x128x128xf32, #tpu.memory_space<vmem>>
      %dma_start3A_389 = tpu.memref_squeeze %dma_start3A_388 : memref<1x128x128xf32, #tpu.memory_space<vmem>> -> memref<128x128xf32, #tpu.memory_space<vmem>>
      %dma_start3A_390 = arith.constant 0 : i32
      %dma_start3A_391 = arith.constant 0 : i32
      %dma_start3A_392 = tpu.memref_slice %arg2[%dma_start3A_390, %dma_start3A_391] : memref<10240x128xf32, #tpu.memory_space<hbm>> -> memref<10240x128xf32, #tpu.memory_space<hbm>>
      tpu.enqueue_indirect_dma source(%dma_start3A_392 : memref<10240x128xf32, #tpu.memory_space<hbm>>) target(%dma_start3A_389 : memref<128x128xf32, #tpu.memory_space<vmem>>) offsets(%arg9 : memref<128xi32, #tpu.memory_space<vmem>>) semaphore(%arg16 : memref<!tpu.dma_semaphore, #tpu.memory_space<semaphore_mem>>)
      %mul3A_393 = arith.constant 4 : i32
      %mul3A_394 = arith.muli %mul3A_393, %scan3A_312 : i32
      %add3A_395 = arith.constant 1 : i32
      %add3A_396 = arith.addi %mul3A_394, %add3A_395 : i32
      %dma_wait3A_397 = arith.constant 1 : i32
      %dma_wait3A_398 = arith.constant 0 : i32
      %dma_wait3A_399 = arith.constant 0 : i32
      %dma_wait3A_400 = tpu.memref_slice %arg15[%dma_wait3A_397, %dma_wait3A_398, %dma_wait3A_399] : memref<2x128x128xf32, #tpu.memory_space<vmem>> -> memref<1x128x128xf32, #tpu.memory_space<vmem>>
      %dma_wait3A_401 = tpu.memref_squeeze %dma_wait3A_400 : memref<1x128x128xf32, #tpu.memory_space<vmem>> -> memref<128x128xf32, #tpu.memory_space<vmem>>
      %dma_wait3A_402 = arith.constant 0 : i32
      %dma_wait3A_403 = arith.constant 0 : i32
      %dma_wait3A_404 = tpu.memref_slice %arg2[%dma_wait3A_402, %dma_wait3A_403] : memref<10240x128xf32, #tpu.memory_space<hbm>> -> memref<10240x128xf32, #tpu.memory_space<hbm>>
      tpu.wait_indirect_dma semaphore(%arg17 : memref<!tpu.dma_semaphore, #tpu.memory_space<semaphore_mem>>) src(%dma_wait3A_404 : memref<10240x128xf32, #tpu.memory_space<hbm>>) dst(%dma_wait3A_401 : memref<128x128xf32, #tpu.memory_space<vmem>>)
      %run_scoped3A_405 = arith.constant 1 : i32
      "tpu.region"() ({
        %run_scoped3A_636 = tpu.sem_alloc : memref<!tpu.dma_semaphore, #tpu.memory_space<semaphore_mem>>
        %dma_start3A_637 = arith.constant 0 : i32
        %dma_start3A_638 = arith.constant 0 : i32
        %dma_start3A_639 = tpu.memref_slice %arg15[%run_scoped3A_405, %dma_start3A_637, %dma_start3A_638] : memref<2x128x128xf32, #tpu.memory_space<vmem>> -> memref<1x128x128xf32, #tpu.memory_space<vmem>>
        %dma_start3A_640 = tpu.memref_squeeze %dma_start3A_639 : memref<1x128x128xf32, #tpu.memory_space<vmem>> -> memref<128x128xf32, #tpu.memory_space<vmem>>
        %dma_start3A_641 = arith.constant 0 : i32
        %dma_start3A_642 = arith.constant 0 : i32
        %dma_start3A_643 = tpu.memref_slice %arg6[%dma_start3A_641, %dma_start3A_642] : memref<10240x128xf32, #tpu.memory_space<vmem_shared>> -> memref<10240x128xf32, #tpu.memory_space<vmem_shared>>
        tpu.enqueue_indirect_dma source(%dma_start3A_640 : memref<128x128xf32, #tpu.memory_space<vmem>>) target(%dma_start3A_643 : memref<10240x128xf32, #tpu.memory_space<vmem_shared>>) offsets(%arg12 : memref<128xi32, #tpu.memory_space<vmem>>) semaphore(%run_scoped3A_636 : memref<!tpu.dma_semaphore, #tpu.memory_space<semaphore_mem>>) {add = true}
        %dma_wait3A_644 = arith.constant 0 : i32
        %dma_wait3A_645 = arith.constant 0 : i32
        %dma_wait3A_646 = tpu.memref_slice %arg15[%run_scoped3A_405, %dma_wait3A_644, %dma_wait3A_645] : memref<2x128x128xf32, #tpu.memory_space<vmem>> -> memref<1x128x128xf32, #tpu.memory_space<vmem>>
        %dma_wait3A_647 = tpu.memref_squeeze %dma_wait3A_646 : memref<1x128x128xf32, #tpu.memory_space<vmem>> -> memref<128x128xf32, #tpu.memory_space<vmem>>
        %dma_wait3A_648 = arith.constant 0 : i32
        %dma_wait3A_649 = arith.constant 0 : i32
        %dma_wait3A_650 = tpu.memref_slice %arg6[%dma_wait3A_648, %dma_wait3A_649] : memref<10240x128xf32, #tpu.memory_space<vmem_shared>> -> memref<10240x128xf32, #tpu.memory_space<vmem_shared>>
        tpu.wait_indirect_dma semaphore(%run_scoped3A_636 : memref<!tpu.dma_semaphore, #tpu.memory_space<semaphore_mem>>) src(%dma_wait3A_647 : memref<128x128xf32, #tpu.memory_space<vmem>>) dst(%dma_wait3A_650 : memref<10240x128xf32, #tpu.memory_space<vmem_shared>>)
        tpu.yield
      }) : () -> ()
      %add3A_406 = arith.constant 4 : i32
      %add3A_407 = arith.addi %add3A_396, %add3A_406 : i32
      %dma_start3A_408 = arith.constant 0 : i32
      %dma_start3A_409 = arith.constant 0 : i32
      %dma_start3A_410 = tpu.memref_slice %arg3[%arg0, %arg1, %dma_start3A_408, %dma_start3A_409] : memref<2x16x84x128xi32, #tpu.memory_space<hbm>> -> memref<1x1x84x128xi32, #tpu.memory_space<hbm>>
      %dma_start3A_411 = tpu.memref_squeeze %dma_start3A_410 : memref<1x1x84x128xi32, #tpu.memory_space<hbm>> -> memref<84x128xi32, #tpu.memory_space<hbm>>
      %dma_start3A_412 = arith.constant 0 : i32
      %dma_start3A_413 = tpu.memref_slice %dma_start3A_411[%add3A_407, %dma_start3A_412] : memref<84x128xi32, #tpu.memory_space<hbm>> -> memref<1x128xi32, #tpu.memory_space<hbm>>
      %dma_start3A_414 = tpu.memref_squeeze %dma_start3A_413 : memref<1x128xi32, #tpu.memory_space<hbm>> -> memref<128xi32, #tpu.memory_space<hbm>>
      %dma_start3A_415 = arith.constant 0 : i32
      %dma_start3A_416 = arith.constant 0 : i32
      %dma_start3A_417 = tpu.memref_slice %arg3[%arg0, %arg1, %dma_start3A_415, %dma_start3A_416] : memref<2x16x84x128xi32, #tpu.memory_space<hbm>> -> memref<1x1x84x128xi32, #tpu.memory_space<hbm>>
      %dma_start3A_418 = tpu.memref_squeeze %dma_start3A_417 : memref<1x1x84x128xi32, #tpu.memory_space<hbm>> -> memref<84x128xi32, #tpu.memory_space<hbm>>
      %dma_start3A_419 = arith.constant 0 : i32
      %dma_start3A_420 = tpu.memref_slice %dma_start3A_418[%add3A_407, %dma_start3A_419] : memref<84x128xi32, #tpu.memory_space<hbm>> -> memref<1x128xi32, #tpu.memory_space<hbm>>
      %dma_start3A_421 = tpu.memref_squeeze %dma_start3A_420 : memref<1x128xi32, #tpu.memory_space<hbm>> -> memref<128xi32, #tpu.memory_space<hbm>>
      tpu.enqueue_dma source(%dma_start3A_421 : memref<128xi32, #tpu.memory_space<hbm>>) target(%arg8 : memref<128xi32, #tpu.memory_space<vmem>>) target_semaphore(%arg19 : memref<!tpu.dma_semaphore, #tpu.memory_space<semaphore_mem>>)
      %dma_start3A_422 = arith.constant 0 : i32
      %dma_start3A_423 = arith.constant 0 : i32
      %dma_start3A_424 = tpu.memref_slice %arg4[%arg0, %arg1, %dma_start3A_422, %dma_start3A_423] : memref<2x16x84x128xi32, #tpu.memory_space<hbm>> -> memref<1x1x84x128xi32, #tpu.memory_space<hbm>>
      %dma_start3A_425 = tpu.memref_squeeze %dma_start3A_424 : memref<1x1x84x128xi32, #tpu.memory_space<hbm>> -> memref<84x128xi32, #tpu.memory_space<hbm>>
      %dma_start3A_426 = arith.constant 0 : i32
      %dma_start3A_427 = tpu.memref_slice %dma_start3A_425[%add3A_407, %dma_start3A_426] : memref<84x128xi32, #tpu.memory_space<hbm>> -> memref<1x128xi32, #tpu.memory_space<hbm>>
      %dma_start3A_428 = tpu.memref_squeeze %dma_start3A_427 : memref<1x128xi32, #tpu.memory_space<hbm>> -> memref<128xi32, #tpu.memory_space<hbm>>
      %dma_start3A_429 = arith.constant 0 : i32
      %dma_start3A_430 = arith.constant 0 : i32
      %dma_start3A_431 = tpu.memref_slice %arg4[%arg0, %arg1, %dma_start3A_429, %dma_start3A_430] : memref<2x16x84x128xi32, #tpu.memory_space<hbm>> -> memref<1x1x84x128xi32, #tpu.memory_space<hbm>>
      %dma_start3A_432 = tpu.memref_squeeze %dma_start3A_431 : memref<1x1x84x128xi32, #tpu.memory_space<hbm>> -> memref<84x128xi32, #tpu.memory_space<hbm>>
      %dma_start3A_433 = arith.constant 0 : i32
      %dma_start3A_434 = tpu.memref_slice %dma_start3A_432[%add3A_407, %dma_start3A_433] : memref<84x128xi32, #tpu.memory_space<hbm>> -> memref<1x128xi32, #tpu.memory_space<hbm>>
      %dma_start3A_435 = tpu.memref_squeeze %dma_start3A_434 : memref<1x128xi32, #tpu.memory_space<hbm>> -> memref<128xi32, #tpu.memory_space<hbm>>
      tpu.enqueue_dma source(%dma_start3A_435 : memref<128xi32, #tpu.memory_space<hbm>>) target(%arg12 : memref<128xi32, #tpu.memory_space<vmem>>) target_semaphore(%arg19 : memref<!tpu.dma_semaphore, #tpu.memory_space<semaphore_mem>>)
      %dma_wait3A_436 = arith.constant 0 : i32
      %dma_wait3A_437 = arith.constant 0 : i32
      %dma_wait3A_438 = arith.constant 0 : i32
      %dma_wait3A_439 = tpu.memref_slice %arg3[%arg0, %arg1, %dma_wait3A_437, %dma_wait3A_438] : memref<2x16x84x128xi32, #tpu.memory_space<hbm>> -> memref<1x1x84x128xi32, #tpu.memory_space<hbm>>
      %dma_wait3A_440 = tpu.memref_squeeze %dma_wait3A_439 : memref<1x1x84x128xi32, #tpu.memory_space<hbm>> -> memref<84x128xi32, #tpu.memory_space<hbm>>
      %dma_wait3A_441 = arith.constant 0 : i32
      %dma_wait3A_442 = tpu.memref_slice %dma_wait3A_440[%dma_wait3A_436, %dma_wait3A_441] : memref<84x128xi32, #tpu.memory_space<hbm>> -> memref<1x128xi32, #tpu.memory_space<hbm>>
      %dma_wait3A_443 = tpu.memref_squeeze %dma_wait3A_442 : memref<1x128xi32, #tpu.memory_space<hbm>> -> memref<128xi32, #tpu.memory_space<hbm>>
      %dma_wait3A_444 = arith.constant 0 : i32
      %dma_wait3A_445 = arith.constant 0 : i32
      %dma_wait3A_446 = tpu.memref_slice %arg3[%arg0, %arg1, %dma_wait3A_444, %dma_wait3A_445] : memref<2x16x84x128xi32, #tpu.memory_space<hbm>> -> memref<1x1x84x128xi32, #tpu.memory_space<hbm>>
      %dma_wait3A_447 = tpu.memref_squeeze %dma_wait3A_446 : memref<1x1x84x128xi32, #tpu.memory_space<hbm>> -> memref<84x128xi32, #tpu.memory_space<hbm>>
      %dma_wait3A_448 = arith.constant 0 : i32
      %dma_wait3A_449 = tpu.memref_slice %dma_wait3A_447[%dma_wait3A_436, %dma_wait3A_448] : memref<84x128xi32, #tpu.memory_space<hbm>> -> memref<1x128xi32, #tpu.memory_space<hbm>>
      %dma_wait3A_450 = tpu.memref_squeeze %dma_wait3A_449 : memref<1x128xi32, #tpu.memory_space<hbm>> -> memref<128xi32, #tpu.memory_space<hbm>>
      tpu.wait_dma2 semaphore(%arg21 : memref<!tpu.dma_semaphore, #tpu.memory_space<semaphore_mem>>) src(%dma_wait3A_450 : memref<128xi32, #tpu.memory_space<hbm>>) dst(%arg10 : memref<128xi32, #tpu.memory_space<vmem>>)
      %dma_wait3A_451 = arith.constant 0 : i32
      %dma_wait3A_452 = arith.constant 0 : i32
      %dma_wait3A_453 = arith.constant 0 : i32
      %dma_wait3A_454 = tpu.memref_slice %arg4[%arg0, %arg1, %dma_wait3A_452, %dma_wait3A_453] : memref<2x16x84x128xi32, #tpu.memory_space<hbm>> -> memref<1x1x84x128xi32, #tpu.memory_space<hbm>>
      %dma_wait3A_455 = tpu.memref_squeeze %dma_wait3A_454 : memref<1x1x84x128xi32, #tpu.memory_space<hbm>> -> memref<84x128xi32, #tpu.memory_space<hbm>>
      %dma_wait3A_456 = arith.constant 0 : i32
      %dma_wait3A_457 = tpu.memref_slice %dma_wait3A_455[%dma_wait3A_451, %dma_wait3A_456] : memref<84x128xi32, #tpu.memory_space<hbm>> -> memref<1x128xi32, #tpu.memory_space<hbm>>
      %dma_wait3A_458 = tpu.memref_squeeze %dma_wait3A_457 : memref<1x128xi32, #tpu.memory_space<hbm>> -> memref<128xi32, #tpu.memory_space<hbm>>
      %dma_wait3A_459 = arith.constant 0 : i32
      %dma_wait3A_460 = arith.constant 0 : i32
      %dma_wait3A_461 = tpu.memref_slice %arg4[%arg0, %arg1, %dma_wait3A_459, %dma_wait3A_460] : memref<2x16x84x128xi32, #tpu.memory_space<hbm>> -> memref<1x1x84x128xi32, #tpu.memory_space<hbm>>
      %dma_wait3A_462 = tpu.memref_squeeze %dma_wait3A_461 : memref<1x1x84x128xi32, #tpu.memory_space<hbm>> -> memref<84x128xi32, #tpu.memory_space<hbm>>
      %dma_wait3A_463 = arith.constant 0 : i32
      %dma_wait3A_464 = tpu.memref_slice %dma_wait3A_462[%dma_wait3A_451, %dma_wait3A_463] : memref<84x128xi32, #tpu.memory_space<hbm>> -> memref<1x128xi32, #tpu.memory_space<hbm>>
      %dma_wait3A_465 = tpu.memref_squeeze %dma_wait3A_464 : memref<1x128xi32, #tpu.memory_space<hbm>> -> memref<128xi32, #tpu.memory_space<hbm>>
      tpu.wait_dma2 semaphore(%arg21 : memref<!tpu.dma_semaphore, #tpu.memory_space<semaphore_mem>>) src(%dma_wait3A_465 : memref<128xi32, #tpu.memory_space<hbm>>) dst(%arg14 : memref<128xi32, #tpu.memory_space<vmem>>)
      %dma_start3A_466 = arith.constant 1 : i32
      %dma_start3A_467 = arith.constant 0 : i32
      %dma_start3A_468 = arith.constant 0 : i32
      %dma_start3A_469 = tpu.memref_slice %arg15[%dma_start3A_466, %dma_start3A_467, %dma_start3A_468] : memref<2x128x128xf32, #tpu.memory_space<vmem>> -> memref<1x128x128xf32, #tpu.memory_space<vmem>>
      %dma_start3A_470 = tpu.memref_squeeze %dma_start3A_469 : memref<1x128x128xf32, #tpu.memory_space<vmem>> -> memref<128x128xf32, #tpu.memory_space<vmem>>
      %dma_start3A_471 = arith.constant 0 : i32
      %dma_start3A_472 = arith.constant 0 : i32
      %dma_start3A_473 = tpu.memref_slice %arg2[%dma_start3A_471, %dma_start3A_472] : memref<10240x128xf32, #tpu.memory_space<hbm>> -> memref<10240x128xf32, #tpu.memory_space<hbm>>
      tpu.enqueue_indirect_dma source(%dma_start3A_473 : memref<10240x128xf32, #tpu.memory_space<hbm>>) target(%dma_start3A_470 : memref<128x128xf32, #tpu.memory_space<vmem>>) offsets(%arg10 : memref<128xi32, #tpu.memory_space<vmem>>) semaphore(%arg17 : memref<!tpu.dma_semaphore, #tpu.memory_space<semaphore_mem>>)
      %mul3A_474 = arith.constant 4 : i32
      %mul3A_475 = arith.muli %mul3A_474, %scan3A_312 : i32
      %add3A_476 = arith.constant 2 : i32
      %add3A_477 = arith.addi %mul3A_475, %add3A_476 : i32
      %dma_wait3A_478 = arith.constant 0 : i32
      %dma_wait3A_479 = arith.constant 0 : i32
      %dma_wait3A_480 = arith.constant 0 : i32
      %dma_wait3A_481 = tpu.memref_slice %arg15[%dma_wait3A_478, %dma_wait3A_479, %dma_wait3A_480] : memref<2x128x128xf32, #tpu.memory_space<vmem>> -> memref<1x128x128xf32, #tpu.memory_space<vmem>>
      %dma_wait3A_482 = tpu.memref_squeeze %dma_wait3A_481 : memref<1x128x128xf32, #tpu.memory_space<vmem>> -> memref<128x128xf32, #tpu.memory_space<vmem>>
      %dma_wait3A_483 = arith.constant 0 : i32
      %dma_wait3A_484 = arith.constant 0 : i32
      %dma_wait3A_485 = tpu.memref_slice %arg2[%dma_wait3A_483, %dma_wait3A_484] : memref<10240x128xf32, #tpu.memory_space<hbm>> -> memref<10240x128xf32, #tpu.memory_space<hbm>>
      tpu.wait_indirect_dma semaphore(%arg16 : memref<!tpu.dma_semaphore, #tpu.memory_space<semaphore_mem>>) src(%dma_wait3A_485 : memref<10240x128xf32, #tpu.memory_space<hbm>>) dst(%dma_wait3A_482 : memref<128x128xf32, #tpu.memory_space<vmem>>)
      %run_scoped3A_486 = arith.constant 0 : i32
      "tpu.region"() ({
        %run_scoped3A_636 = tpu.sem_alloc : memref<!tpu.dma_semaphore, #tpu.memory_space<semaphore_mem>>
        %dma_start3A_637 = arith.constant 0 : i32
        %dma_start3A_638 = arith.constant 0 : i32
        %dma_start3A_639 = tpu.memref_slice %arg15[%run_scoped3A_486, %dma_start3A_637, %dma_start3A_638] : memref<2x128x128xf32, #tpu.memory_space<vmem>> -> memref<1x128x128xf32, #tpu.memory_space<vmem>>
        %dma_start3A_640 = tpu.memref_squeeze %dma_start3A_639 : memref<1x128x128xf32, #tpu.memory_space<vmem>> -> memref<128x128xf32, #tpu.memory_space<vmem>>
        %dma_start3A_641 = arith.constant 0 : i32
        %dma_start3A_642 = arith.constant 0 : i32
        %dma_start3A_643 = tpu.memref_slice %arg6[%dma_start3A_641, %dma_start3A_642] : memref<10240x128xf32, #tpu.memory_space<vmem_shared>> -> memref<10240x128xf32, #tpu.memory_space<vmem_shared>>
        tpu.enqueue_indirect_dma source(%dma_start3A_640 : memref<128x128xf32, #tpu.memory_space<vmem>>) target(%dma_start3A_643 : memref<10240x128xf32, #tpu.memory_space<vmem_shared>>) offsets(%arg13 : memref<128xi32, #tpu.memory_space<vmem>>) semaphore(%run_scoped3A_636 : memref<!tpu.dma_semaphore, #tpu.memory_space<semaphore_mem>>) {add = true}
        %dma_wait3A_644 = arith.constant 0 : i32
        %dma_wait3A_645 = arith.constant 0 : i32
        %dma_wait3A_646 = tpu.memref_slice %arg15[%run_scoped3A_486, %dma_wait3A_644, %dma_wait3A_645] : memref<2x128x128xf32, #tpu.memory_space<vmem>> -> memref<1x128x128xf32, #tpu.memory_space<vmem>>
        %dma_wait3A_647 = tpu.memref_squeeze %dma_wait3A_646 : memref<1x128x128xf32, #tpu.memory_space<vmem>> -> memref<128x128xf32, #tpu.memory_space<vmem>>
        %dma_wait3A_648 = arith.constant 0 : i32
        %dma_wait3A_649 = arith.constant 0 : i32
        %dma_wait3A_650 = tpu.memref_slice %arg6[%dma_wait3A_648, %dma_wait3A_649] : memref<10240x128xf32, #tpu.memory_space<vmem_shared>> -> memref<10240x128xf32, #tpu.memory_space<vmem_shared>>
        tpu.wait_indirect_dma semaphore(%run_scoped3A_636 : memref<!tpu.dma_semaphore, #tpu.memory_space<semaphore_mem>>) src(%dma_wait3A_647 : memref<128x128xf32, #tpu.memory_space<vmem>>) dst(%dma_wait3A_650 : memref<10240x128xf32, #tpu.memory_space<vmem_shared>>)
        tpu.yield
      }) : () -> ()
      %add3A_487 = arith.constant 4 : i32
      %add3A_488 = arith.addi %add3A_477, %add3A_487 : i32
      %dma_start3A_489 = arith.constant 0 : i32
      %dma_start3A_490 = arith.constant 0 : i32
      %dma_start3A_491 = tpu.memref_slice %arg3[%arg0, %arg1, %dma_start3A_489, %dma_start3A_490] : memref<2x16x84x128xi32, #tpu.memory_space<hbm>> -> memref<1x1x84x128xi32, #tpu.memory_space<hbm>>
      %dma_start3A_492 = tpu.memref_squeeze %dma_start3A_491 : memref<1x1x84x128xi32, #tpu.memory_space<hbm>> -> memref<84x128xi32, #tpu.memory_space<hbm>>
      %dma_start3A_493 = arith.constant 0 : i32
      %dma_start3A_494 = tpu.memref_slice %dma_start3A_492[%add3A_488, %dma_start3A_493] : memref<84x128xi32, #tpu.memory_space<hbm>> -> memref<1x128xi32, #tpu.memory_space<hbm>>
      %dma_start3A_495 = tpu.memref_squeeze %dma_start3A_494 : memref<1x128xi32, #tpu.memory_space<hbm>> -> memref<128xi32, #tpu.memory_space<hbm>>
      %dma_start3A_496 = arith.constant 0 : i32
      %dma_start3A_497 = arith.constant 0 : i32
      %dma_start3A_498 = tpu.memref_slice %arg3[%arg0, %arg1, %dma_start3A_496, %dma_start3A_497] : memref<2x16x84x128xi32, #tpu.memory_space<hbm>> -> memref<1x1x84x128xi32, #tpu.memory_space<hbm>>
      %dma_start3A_499 = tpu.memref_squeeze %dma_start3A_498 : memref<1x1x84x128xi32, #tpu.memory_space<hbm>> -> memref<84x128xi32, #tpu.memory_space<hbm>>
      %dma_start3A_500 = arith.constant 0 : i32
      %dma_start3A_501 = tpu.memref_slice %dma_start3A_499[%add3A_488, %dma_start3A_500] : memref<84x128xi32, #tpu.memory_space<hbm>> -> memref<1x128xi32, #tpu.memory_space<hbm>>
      %dma_start3A_502 = tpu.memref_squeeze %dma_start3A_501 : memref<1x128xi32, #tpu.memory_space<hbm>> -> memref<128xi32, #tpu.memory_space<hbm>>
      tpu.enqueue_dma source(%dma_start3A_502 : memref<128xi32, #tpu.memory_space<hbm>>) target(%arg9 : memref<128xi32, #tpu.memory_space<vmem>>) target_semaphore(%arg20 : memref<!tpu.dma_semaphore, #tpu.memory_space<semaphore_mem>>)
      %dma_start3A_503 = arith.constant 0 : i32
      %dma_start3A_504 = arith.constant 0 : i32
      %dma_start3A_505 = tpu.memref_slice %arg4[%arg0, %arg1, %dma_start3A_503, %dma_start3A_504] : memref<2x16x84x128xi32, #tpu.memory_space<hbm>> -> memref<1x1x84x128xi32, #tpu.memory_space<hbm>>
      %dma_start3A_506 = tpu.memref_squeeze %dma_start3A_505 : memref<1x1x84x128xi32, #tpu.memory_space<hbm>> -> memref<84x128xi32, #tpu.memory_space<hbm>>
      %dma_start3A_507 = arith.constant 0 : i32
      %dma_start3A_508 = tpu.memref_slice %dma_start3A_506[%add3A_488, %dma_start3A_507] : memref<84x128xi32, #tpu.memory_space<hbm>> -> memref<1x128xi32, #tpu.memory_space<hbm>>
      %dma_start3A_509 = tpu.memref_squeeze %dma_start3A_508 : memref<1x128xi32, #tpu.memory_space<hbm>> -> memref<128xi32, #tpu.memory_space<hbm>>
      %dma_start3A_510 = arith.constant 0 : i32
      %dma_start3A_511 = arith.constant 0 : i32
      %dma_start3A_512 = tpu.memref_slice %arg4[%arg0, %arg1, %dma_start3A_510, %dma_start3A_511] : memref<2x16x84x128xi32, #tpu.memory_space<hbm>> -> memref<1x1x84x128xi32, #tpu.memory_space<hbm>>
      %dma_start3A_513 = tpu.memref_squeeze %dma_start3A_512 : memref<1x1x84x128xi32, #tpu.memory_space<hbm>> -> memref<84x128xi32, #tpu.memory_space<hbm>>
      %dma_start3A_514 = arith.constant 0 : i32
      %dma_start3A_515 = tpu.memref_slice %dma_start3A_513[%add3A_488, %dma_start3A_514] : memref<84x128xi32, #tpu.memory_space<hbm>> -> memref<1x128xi32, #tpu.memory_space<hbm>>
      %dma_start3A_516 = tpu.memref_squeeze %dma_start3A_515 : memref<1x128xi32, #tpu.memory_space<hbm>> -> memref<128xi32, #tpu.memory_space<hbm>>
      tpu.enqueue_dma source(%dma_start3A_516 : memref<128xi32, #tpu.memory_space<hbm>>) target(%arg13 : memref<128xi32, #tpu.memory_space<vmem>>) target_semaphore(%arg20 : memref<!tpu.dma_semaphore, #tpu.memory_space<semaphore_mem>>)
      %dma_wait3A_517 = arith.constant 0 : i32
      %dma_wait3A_518 = arith.constant 0 : i32
      %dma_wait3A_519 = arith.constant 0 : i32
      %dma_wait3A_520 = tpu.memref_slice %arg3[%arg0, %arg1, %dma_wait3A_518, %dma_wait3A_519] : memref<2x16x84x128xi32, #tpu.memory_space<hbm>> -> memref<1x1x84x128xi32, #tpu.memory_space<hbm>>
      %dma_wait3A_521 = tpu.memref_squeeze %dma_wait3A_520 : memref<1x1x84x128xi32, #tpu.memory_space<hbm>> -> memref<84x128xi32, #tpu.memory_space<hbm>>
      %dma_wait3A_522 = arith.constant 0 : i32
      %dma_wait3A_523 = tpu.memref_slice %dma_wait3A_521[%dma_wait3A_517, %dma_wait3A_522] : memref<84x128xi32, #tpu.memory_space<hbm>> -> memref<1x128xi32, #tpu.memory_space<hbm>>
      %dma_wait3A_524 = tpu.memref_squeeze %dma_wait3A_523 : memref<1x128xi32, #tpu.memory_space<hbm>> -> memref<128xi32, #tpu.memory_space<hbm>>
      %dma_wait3A_525 = arith.constant 0 : i32
      %dma_wait3A_526 = arith.constant 0 : i32
      %dma_wait3A_527 = tpu.memref_slice %arg3[%arg0, %arg1, %dma_wait3A_525, %dma_wait3A_526] : memref<2x16x84x128xi32, #tpu.memory_space<hbm>> -> memref<1x1x84x128xi32, #tpu.memory_space<hbm>>
      %dma_wait3A_528 = tpu.memref_squeeze %dma_wait3A_527 : memref<1x1x84x128xi32, #tpu.memory_space<hbm>> -> memref<84x128xi32, #tpu.memory_space<hbm>>
      %dma_wait3A_529 = arith.constant 0 : i32
      %dma_wait3A_530 = tpu.memref_slice %dma_wait3A_528[%dma_wait3A_517, %dma_wait3A_529] : memref<84x128xi32, #tpu.memory_space<hbm>> -> memref<1x128xi32, #tpu.memory_space<hbm>>
      %dma_wait3A_531 = tpu.memref_squeeze %dma_wait3A_530 : memref<1x128xi32, #tpu.memory_space<hbm>> -> memref<128xi32, #tpu.memory_space<hbm>>
      tpu.wait_dma2 semaphore(%arg18 : memref<!tpu.dma_semaphore, #tpu.memory_space<semaphore_mem>>) src(%dma_wait3A_531 : memref<128xi32, #tpu.memory_space<hbm>>) dst(%arg7 : memref<128xi32, #tpu.memory_space<vmem>>)
      %dma_wait3A_532 = arith.constant 0 : i32
      %dma_wait3A_533 = arith.constant 0 : i32
      %dma_wait3A_534 = arith.constant 0 : i32
      %dma_wait3A_535 = tpu.memref_slice %arg4[%arg0, %arg1, %dma_wait3A_533, %dma_wait3A_534] : memref<2x16x84x128xi32, #tpu.memory_space<hbm>> -> memref<1x1x84x128xi32, #tpu.memory_space<hbm>>
      %dma_wait3A_536 = tpu.memref_squeeze %dma_wait3A_535 : memref<1x1x84x128xi32, #tpu.memory_space<hbm>> -> memref<84x128xi32, #tpu.memory_space<hbm>>
      %dma_wait3A_537 = arith.constant 0 : i32
      %dma_wait3A_538 = tpu.memref_slice %dma_wait3A_536[%dma_wait3A_532, %dma_wait3A_537] : memref<84x128xi32, #tpu.memory_space<hbm>> -> memref<1x128xi32, #tpu.memory_space<hbm>>
      %dma_wait3A_539 = tpu.memref_squeeze %dma_wait3A_538 : memref<1x128xi32, #tpu.memory_space<hbm>> -> memref<128xi32, #tpu.memory_space<hbm>>
      %dma_wait3A_540 = arith.constant 0 : i32
      %dma_wait3A_541 = arith.constant 0 : i32
      %dma_wait3A_542 = tpu.memref_slice %arg4[%arg0, %arg1, %dma_wait3A_540, %dma_wait3A_541] : memref<2x16x84x128xi32, #tpu.memory_space<hbm>> -> memref<1x1x84x128xi32, #tpu.memory_space<hbm>>
      %dma_wait3A_543 = tpu.memref_squeeze %dma_wait3A_542 : memref<1x1x84x128xi32, #tpu.memory_space<hbm>> -> memref<84x128xi32, #tpu.memory_space<hbm>>
      %dma_wait3A_544 = arith.constant 0 : i32
      %dma_wait3A_545 = tpu.memref_slice %dma_wait3A_543[%dma_wait3A_532, %dma_wait3A_544] : memref<84x128xi32, #tpu.memory_space<hbm>> -> memref<1x128xi32, #tpu.memory_space<hbm>>
      %dma_wait3A_546 = tpu.memref_squeeze %dma_wait3A_545 : memref<1x128xi32, #tpu.memory_space<hbm>> -> memref<128xi32, #tpu.memory_space<hbm>>
      tpu.wait_dma2 semaphore(%arg18 : memref<!tpu.dma_semaphore, #tpu.memory_space<semaphore_mem>>) src(%dma_wait3A_546 : memref<128xi32, #tpu.memory_space<hbm>>) dst(%arg11 : memref<128xi32, #tpu.memory_space<vmem>>)
      %dma_start3A_547 = arith.constant 0 : i32
      %dma_start3A_548 = arith.constant 0 : i32
      %dma_start3A_549 = arith.constant 0 : i32
      %dma_start3A_550 = tpu.memref_slice %arg15[%dma_start3A_547, %dma_start3A_548, %dma_start3A_549] : memref<2x128x128xf32, #tpu.memory_space<vmem>> -> memref<1x128x128xf32, #tpu.memory_space<vmem>>
      %dma_start3A_551 = tpu.memref_squeeze %dma_start3A_550 : memref<1x128x128xf32, #tpu.memory_space<vmem>> -> memref<128x128xf32, #tpu.memory_space<vmem>>
      %dma_start3A_552 = arith.constant 0 : i32
      %dma_start3A_553 = arith.constant 0 : i32
      %dma_start3A_554 = tpu.memref_slice %arg2[%dma_start3A_552, %dma_start3A_553] : memref<10240x128xf32, #tpu.memory_space<hbm>> -> memref<10240x128xf32, #tpu.memory_space<hbm>>
      tpu.enqueue_indirect_dma source(%dma_start3A_554 : memref<10240x128xf32, #tpu.memory_space<hbm>>) target(%dma_start3A_551 : memref<128x128xf32, #tpu.memory_space<vmem>>) offsets(%arg7 : memref<128xi32, #tpu.memory_space<vmem>>) semaphore(%arg16 : memref<!tpu.dma_semaphore, #tpu.memory_space<semaphore_mem>>)
      %mul3A_555 = arith.constant 4 : i32
      %mul3A_556 = arith.muli %mul3A_555, %scan3A_312 : i32
      %add3A_557 = arith.constant 3 : i32
      %add3A_558 = arith.addi %mul3A_556, %add3A_557 : i32
      %dma_wait3A_559 = arith.constant 1 : i32
      %dma_wait3A_560 = arith.constant 0 : i32
      %dma_wait3A_561 = arith.constant 0 : i32
      %dma_wait3A_562 = tpu.memref_slice %arg15[%dma_wait3A_559, %dma_wait3A_560, %dma_wait3A_561] : memref<2x128x128xf32, #tpu.memory_space<vmem>> -> memref<1x128x128xf32, #tpu.memory_space<vmem>>
      %dma_wait3A_563 = tpu.memref_squeeze %dma_wait3A_562 : memref<1x128x128xf32, #tpu.memory_space<vmem>> -> memref<128x128xf32, #tpu.memory_space<vmem>>
      %dma_wait3A_564 = arith.constant 0 : i32
      %dma_wait3A_565 = arith.constant 0 : i32
      %dma_wait3A_566 = tpu.memref_slice %arg2[%dma_wait3A_564, %dma_wait3A_565] : memref<10240x128xf32, #tpu.memory_space<hbm>> -> memref<10240x128xf32, #tpu.memory_space<hbm>>
      tpu.wait_indirect_dma semaphore(%arg17 : memref<!tpu.dma_semaphore, #tpu.memory_space<semaphore_mem>>) src(%dma_wait3A_566 : memref<10240x128xf32, #tpu.memory_space<hbm>>) dst(%dma_wait3A_563 : memref<128x128xf32, #tpu.memory_space<vmem>>)
      %run_scoped3A_567 = arith.constant 1 : i32
      "tpu.region"() ({
        %run_scoped3A_636 = tpu.sem_alloc : memref<!tpu.dma_semaphore, #tpu.memory_space<semaphore_mem>>
        %dma_start3A_637 = arith.constant 0 : i32
        %dma_start3A_638 = arith.constant 0 : i32
        %dma_start3A_639 = tpu.memref_slice %arg15[%run_scoped3A_567, %dma_start3A_637, %dma_start3A_638] : memref<2x128x128xf32, #tpu.memory_space<vmem>> -> memref<1x128x128xf32, #tpu.memory_space<vmem>>
        %dma_start3A_640 = tpu.memref_squeeze %dma_start3A_639 : memref<1x128x128xf32, #tpu.memory_space<vmem>> -> memref<128x128xf32, #tpu.memory_space<vmem>>
        %dma_start3A_641 = arith.constant 0 : i32
        %dma_start3A_642 = arith.constant 0 : i32
        %dma_start3A_643 = tpu.memref_slice %arg6[%dma_start3A_641, %dma_start3A_642] : memref<10240x128xf32, #tpu.memory_space<vmem_shared>> -> memref<10240x128xf32, #tpu.memory_space<vmem_shared>>
        tpu.enqueue_indirect_dma source(%dma_start3A_640 : memref<128x128xf32, #tpu.memory_space<vmem>>) target(%dma_start3A_643 : memref<10240x128xf32, #tpu.memory_space<vmem_shared>>) offsets(%arg14 : memref<128xi32, #tpu.memory_space<vmem>>) semaphore(%run_scoped3A_636 : memref<!tpu.dma_semaphore, #tpu.memory_space<semaphore_mem>>) {add = true}
        %dma_wait3A_644 = arith.constant 0 : i32
        %dma_wait3A_645 = arith.constant 0 : i32
        %dma_wait3A_646 = tpu.memref_slice %arg15[%run_scoped3A_567, %dma_wait3A_644, %dma_wait3A_645] : memref<2x128x128xf32, #tpu.memory_space<vmem>> -> memref<1x128x128xf32, #tpu.memory_space<vmem>>
        %dma_wait3A_647 = tpu.memref_squeeze %dma_wait3A_646 : memref<1x128x128xf32, #tpu.memory_space<vmem>> -> memref<128x128xf32, #tpu.memory_space<vmem>>
        %dma_wait3A_648 = arith.constant 0 : i32
        %dma_wait3A_649 = arith.constant 0 : i32
        %dma_wait3A_650 = tpu.memref_slice %arg6[%dma_wait3A_648, %dma_wait3A_649] : memref<10240x128xf32, #tpu.memory_space<vmem_shared>> -> memref<10240x128xf32, #tpu.memory_space<vmem_shared>>
        tpu.wait_indirect_dma semaphore(%run_scoped3A_636 : memref<!tpu.dma_semaphore, #tpu.memory_space<semaphore_mem>>) src(%dma_wait3A_647 : memref<128x128xf32, #tpu.memory_space<vmem>>) dst(%dma_wait3A_650 : memref<10240x128xf32, #tpu.memory_space<vmem_shared>>)
        tpu.yield
      }) : () -> ()
      %add3A_568 = arith.constant 4 : i32
      %add3A_569 = arith.addi %add3A_558, %add3A_568 : i32
      %dma_start3A_570 = arith.constant 0 : i32
      %dma_start3A_571 = arith.constant 0 : i32
      %dma_start3A_572 = tpu.memref_slice %arg3[%arg0, %arg1, %dma_start3A_570, %dma_start3A_571] : memref<2x16x84x128xi32, #tpu.memory_space<hbm>> -> memref<1x1x84x128xi32, #tpu.memory_space<hbm>>
      %dma_start3A_573 = tpu.memref_squeeze %dma_start3A_572 : memref<1x1x84x128xi32, #tpu.memory_space<hbm>> -> memref<84x128xi32, #tpu.memory_space<hbm>>
      %dma_start3A_574 = arith.constant 0 : i32
      %dma_start3A_575 = tpu.memref_slice %dma_start3A_573[%add3A_569, %dma_start3A_574] : memref<84x128xi32, #tpu.memory_space<hbm>> -> memref<1x128xi32, #tpu.memory_space<hbm>>
      %dma_start3A_576 = tpu.memref_squeeze %dma_start3A_575 : memref<1x128xi32, #tpu.memory_space<hbm>> -> memref<128xi32, #tpu.memory_space<hbm>>
      %dma_start3A_577 = arith.constant 0 : i32
      %dma_start3A_578 = arith.constant 0 : i32
      %dma_start3A_579 = tpu.memref_slice %arg3[%arg0, %arg1, %dma_start3A_577, %dma_start3A_578] : memref<2x16x84x128xi32, #tpu.memory_space<hbm>> -> memref<1x1x84x128xi32, #tpu.memory_space<hbm>>
      %dma_start3A_580 = tpu.memref_squeeze %dma_start3A_579 : memref<1x1x84x128xi32, #tpu.memory_space<hbm>> -> memref<84x128xi32, #tpu.memory_space<hbm>>
      %dma_start3A_581 = arith.constant 0 : i32
      %dma_start3A_582 = tpu.memref_slice %dma_start3A_580[%add3A_569, %dma_start3A_581] : memref<84x128xi32, #tpu.memory_space<hbm>> -> memref<1x128xi32, #tpu.memory_space<hbm>>
      %dma_start3A_583 = tpu.memref_squeeze %dma_start3A_582 : memref<1x128xi32, #tpu.memory_space<hbm>> -> memref<128xi32, #tpu.memory_space<hbm>>
      tpu.enqueue_dma source(%dma_start3A_583 : memref<128xi32, #tpu.memory_space<hbm>>) target(%arg10 : memref<128xi32, #tpu.memory_space<vmem>>) target_semaphore(%arg21 : memref<!tpu.dma_semaphore, #tpu.memory_space<semaphore_mem>>)
      %dma_start3A_584 = arith.constant 0 : i32
      %dma_start3A_585 = arith.constant 0 : i32
      %dma_start3A_586 = tpu.memref_slice %arg4[%arg0, %arg1, %dma_start3A_584, %dma_start3A_585] : memref<2x16x84x128xi32, #tpu.memory_space<hbm>> -> memref<1x1x84x128xi32, #tpu.memory_space<hbm>>
      %dma_start3A_587 = tpu.memref_squeeze %dma_start3A_586 : memref<1x1x84x128xi32, #tpu.memory_space<hbm>> -> memref<84x128xi32, #tpu.memory_space<hbm>>
      %dma_start3A_588 = arith.constant 0 : i32
      %dma_start3A_589 = tpu.memref_slice %dma_start3A_587[%add3A_569, %dma_start3A_588] : memref<84x128xi32, #tpu.memory_space<hbm>> -> memref<1x128xi32, #tpu.memory_space<hbm>>
      %dma_start3A_590 = tpu.memref_squeeze %dma_start3A_589 : memref<1x128xi32, #tpu.memory_space<hbm>> -> memref<128xi32, #tpu.memory_space<hbm>>
      %dma_start3A_591 = arith.constant 0 : i32
      %dma_start3A_592 = arith.constant 0 : i32
      %dma_start3A_593 = tpu.memref_slice %arg4[%arg0, %arg1, %dma_start3A_591, %dma_start3A_592] : memref<2x16x84x128xi32, #tpu.memory_space<hbm>> -> memref<1x1x84x128xi32, #tpu.memory_space<hbm>>
      %dma_start3A_594 = tpu.memref_squeeze %dma_start3A_593 : memref<1x1x84x128xi32, #tpu.memory_space<hbm>> -> memref<84x128xi32, #tpu.memory_space<hbm>>
      %dma_start3A_595 = arith.constant 0 : i32
      %dma_start3A_596 = tpu.memref_slice %dma_start3A_594[%add3A_569, %dma_start3A_595] : memref<84x128xi32, #tpu.memory_space<hbm>> -> memref<1x128xi32, #tpu.memory_space<hbm>>
      %dma_start3A_597 = tpu.memref_squeeze %dma_start3A_596 : memref<1x128xi32, #tpu.memory_space<hbm>> -> memref<128xi32, #tpu.memory_space<hbm>>
      tpu.enqueue_dma source(%dma_start3A_597 : memref<128xi32, #tpu.memory_space<hbm>>) target(%arg14 : memref<128xi32, #tpu.memory_space<vmem>>) target_semaphore(%arg21 : memref<!tpu.dma_semaphore, #tpu.memory_space<semaphore_mem>>)
      %dma_wait3A_598 = arith.constant 0 : i32
      %dma_wait3A_599 = arith.constant 0 : i32
      %dma_wait3A_600 = arith.constant 0 : i32
      %dma_wait3A_601 = tpu.memref_slice %arg3[%arg0, %arg1, %dma_wait3A_599, %dma_wait3A_600] : memref<2x16x84x128xi32, #tpu.memory_space<hbm>> -> memref<1x1x84x128xi32, #tpu.memory_space<hbm>>
      %dma_wait3A_602 = tpu.memref_squeeze %dma_wait3A_601 : memref<1x1x84x128xi32, #tpu.memory_space<hbm>> -> memref<84x128xi32, #tpu.memory_space<hbm>>
      %dma_wait3A_603 = arith.constant 0 : i32
      %dma_wait3A_604 = tpu.memref_slice %dma_wait3A_602[%dma_wait3A_598, %dma_wait3A_603] : memref<84x128xi32, #tpu.memory_space<hbm>> -> memref<1x128xi32, #tpu.memory_space<hbm>>
      %dma_wait3A_605 = tpu.memref_squeeze %dma_wait3A_604 : memref<1x128xi32, #tpu.memory_space<hbm>> -> memref<128xi32, #tpu.memory_space<hbm>>
      %dma_wait3A_606 = arith.constant 0 : i32
      %dma_wait3A_607 = arith.constant 0 : i32
      %dma_wait3A_608 = tpu.memref_slice %arg3[%arg0, %arg1, %dma_wait3A_606, %dma_wait3A_607] : memref<2x16x84x128xi32, #tpu.memory_space<hbm>> -> memref<1x1x84x128xi32, #tpu.memory_space<hbm>>
      %dma_wait3A_609 = tpu.memref_squeeze %dma_wait3A_608 : memref<1x1x84x128xi32, #tpu.memory_space<hbm>> -> memref<84x128xi32, #tpu.memory_space<hbm>>
      %dma_wait3A_610 = arith.constant 0 : i32
      %dma_wait3A_611 = tpu.memref_slice %dma_wait3A_609[%dma_wait3A_598, %dma_wait3A_610] : memref<84x128xi32, #tpu.memory_space<hbm>> -> memref<1x128xi32, #tpu.memory_space<hbm>>
      %dma_wait3A_612 = tpu.memref_squeeze %dma_wait3A_611 : memref<1x128xi32, #tpu.memory_space<hbm>> -> memref<128xi32, #tpu.memory_space<hbm>>
      tpu.wait_dma2 semaphore(%arg19 : memref<!tpu.dma_semaphore, #tpu.memory_space<semaphore_mem>>) src(%dma_wait3A_612 : memref<128xi32, #tpu.memory_space<hbm>>) dst(%arg8 : memref<128xi32, #tpu.memory_space<vmem>>)
      %dma_wait3A_613 = arith.constant 0 : i32
      %dma_wait3A_614 = arith.constant 0 : i32
      %dma_wait3A_615 = arith.constant 0 : i32
      %dma_wait3A_616 = tpu.memref_slice %arg4[%arg0, %arg1, %dma_wait3A_614, %dma_wait3A_615] : memref<2x16x84x128xi32, #tpu.memory_space<hbm>> -> memref<1x1x84x128xi32, #tpu.memory_space<hbm>>
      %dma_wait3A_617 = tpu.memref_squeeze %dma_wait3A_616 : memref<1x1x84x128xi32, #tpu.memory_space<hbm>> -> memref<84x128xi32, #tpu.memory_space<hbm>>
      %dma_wait3A_618 = arith.constant 0 : i32
      %dma_wait3A_619 = tpu.memref_slice %dma_wait3A_617[%dma_wait3A_613, %dma_wait3A_618] : memref<84x128xi32, #tpu.memory_space<hbm>> -> memref<1x128xi32, #tpu.memory_space<hbm>>
      %dma_wait3A_620 = tpu.memref_squeeze %dma_wait3A_619 : memref<1x128xi32, #tpu.memory_space<hbm>> -> memref<128xi32, #tpu.memory_space<hbm>>
      %dma_wait3A_621 = arith.constant 0 : i32
      %dma_wait3A_622 = arith.constant 0 : i32
      %dma_wait3A_623 = tpu.memref_slice %arg4[%arg0, %arg1, %dma_wait3A_621, %dma_wait3A_622] : memref<2x16x84x128xi32, #tpu.memory_space<hbm>> -> memref<1x1x84x128xi32, #tpu.memory_space<hbm>>
      %dma_wait3A_624 = tpu.memref_squeeze %dma_wait3A_623 : memref<1x1x84x128xi32, #tpu.memory_space<hbm>> -> memref<84x128xi32, #tpu.memory_space<hbm>>
      %dma_wait3A_625 = arith.constant 0 : i32
      %dma_wait3A_626 = tpu.memref_slice %dma_wait3A_624[%dma_wait3A_613, %dma_wait3A_625] : memref<84x128xi32, #tpu.memory_space<hbm>> -> memref<1x128xi32, #tpu.memory_space<hbm>>
      %dma_wait3A_627 = tpu.memref_squeeze %dma_wait3A_626 : memref<1x128xi32, #tpu.memory_space<hbm>> -> memref<128xi32, #tpu.memory_space<hbm>>
      tpu.wait_dma2 semaphore(%arg19 : memref<!tpu.dma_semaphore, #tpu.memory_space<semaphore_mem>>) src(%dma_wait3A_627 : memref<128xi32, #tpu.memory_space<hbm>>) dst(%arg12 : memref<128xi32, #tpu.memory_space<vmem>>)
      %dma_start3A_628 = arith.constant 1 : i32
      %dma_start3A_629 = arith.constant 0 : i32
      %dma_start3A_630 = arith.constant 0 : i32
      %dma_start3A_631 = tpu.memref_slice %arg15[%dma_start3A_628, %dma_start3A_629, %dma_start3A_630] : memref<2x128x128xf32, #tpu.memory_space<vmem>> -> memref<1x128x128xf32, #tpu.memory_space<vmem>>
      %dma_start3A_632 = tpu.memref_squeeze %dma_start3A_631 : memref<1x128x128xf32, #tpu.memory_space<vmem>> -> memref<128x128xf32, #tpu.memory_space<vmem>>
      %dma_start3A_633 = arith.constant 0 : i32
      %dma_start3A_634 = arith.constant 0 : i32
      %dma_start3A_635 = tpu.memref_slice %arg2[%dma_start3A_633, %dma_start3A_634] : memref<10240x128xf32, #tpu.memory_space<hbm>> -> memref<10240x128xf32, #tpu.memory_space<hbm>>
      tpu.enqueue_indirect_dma source(%dma_start3A_635 : memref<10240x128xf32, #tpu.memory_space<hbm>>) target(%dma_start3A_632 : memref<128x128xf32, #tpu.memory_space<vmem>>) offsets(%arg8 : memref<128xi32, #tpu.memory_space<vmem>>) semaphore(%arg17 : memref<!tpu.dma_semaphore, #tpu.memory_space<semaphore_mem>>)
    }
    %scan3A_199 = arith.constant 19 : i32
    %dma_wait3A_200 = arith.constant 0 : i32
    %dma_wait3A_201 = arith.constant 0 : i32
    %dma_wait3A_202 = arith.constant 0 : i32
    %dma_wait3A_203 = tpu.memref_slice %arg15[%dma_wait3A_200, %dma_wait3A_201, %dma_wait3A_202] : memref<2x128x128xf32, #tpu.memory_space<vmem>> -> memref<1x128x128xf32, #tpu.memory_space<vmem>>
    %dma_wait3A_204 = tpu.memref_squeeze %dma_wait3A_203 : memref<1x128x128xf32, #tpu.memory_space<vmem>> -> memref<128x128xf32, #tpu.memory_space<vmem>>
    %dma_wait3A_205 = arith.constant 0 : i32
    %dma_wait3A_206 = arith.constant 0 : i32
    %dma_wait3A_207 = tpu.memref_slice %arg2[%dma_wait3A_205, %dma_wait3A_206] : memref<10240x128xf32, #tpu.memory_space<hbm>> -> memref<10240x128xf32, #tpu.memory_space<hbm>>
    tpu.wait_indirect_dma semaphore(%arg16 : memref<!tpu.dma_semaphore, #tpu.memory_space<semaphore_mem>>) src(%dma_wait3A_207 : memref<10240x128xf32, #tpu.memory_space<hbm>>) dst(%dma_wait3A_204 : memref<128x128xf32, #tpu.memory_space<vmem>>)
    %run_scoped3A = arith.constant 0 : i32
    "tpu.region"() ({
      %run_scoped3A_312 = tpu.sem_alloc : memref<!tpu.dma_semaphore, #tpu.memory_space<semaphore_mem>>
      %dma_start3A_313 = arith.constant 0 : i32
      %dma_start3A_314 = arith.constant 0 : i32
      %dma_start3A_315 = tpu.memref_slice %arg15[%run_scoped3A, %dma_start3A_313, %dma_start3A_314] : memref<2x128x128xf32, #tpu.memory_space<vmem>> -> memref<1x128x128xf32, #tpu.memory_space<vmem>>
      %dma_start3A_316 = tpu.memref_squeeze %dma_start3A_315 : memref<1x128x128xf32, #tpu.memory_space<vmem>> -> memref<128x128xf32, #tpu.memory_space<vmem>>
      %dma_start3A_317 = arith.constant 0 : i32
      %dma_start3A_318 = arith.constant 0 : i32
      %dma_start3A_319 = tpu.memref_slice %arg6[%dma_start3A_317, %dma_start3A_318] : memref<10240x128xf32, #tpu.memory_space<vmem_shared>> -> memref<10240x128xf32, #tpu.memory_space<vmem_shared>>
      tpu.enqueue_indirect_dma source(%dma_start3A_316 : memref<128x128xf32, #tpu.memory_space<vmem>>) target(%dma_start3A_319 : memref<10240x128xf32, #tpu.memory_space<vmem_shared>>) offsets(%arg11 : memref<128xi32, #tpu.memory_space<vmem>>) semaphore(%run_scoped3A_312 : memref<!tpu.dma_semaphore, #tpu.memory_space<semaphore_mem>>) {add = true}
      %dma_wait3A_320 = arith.constant 0 : i32
      %dma_wait3A_321 = arith.constant 0 : i32
      %dma_wait3A_322 = tpu.memref_slice %arg15[%run_scoped3A, %dma_wait3A_320, %dma_wait3A_321] : memref<2x128x128xf32, #tpu.memory_space<vmem>> -> memref<1x128x128xf32, #tpu.memory_space<vmem>>
      %dma_wait3A_323 = tpu.memref_squeeze %dma_wait3A_322 : memref<1x128x128xf32, #tpu.memory_space<vmem>> -> memref<128x128xf32, #tpu.memory_space<vmem>>
      %dma_wait3A_324 = arith.constant 0 : i32
      %dma_wait3A_325 = arith.constant 0 : i32
      %dma_wait3A_326 = tpu.memref_slice %arg6[%dma_wait3A_324, %dma_wait3A_325] : memref<10240x128xf32, #tpu.memory_space<vmem_shared>> -> memref<10240x128xf32, #tpu.memory_space<vmem_shared>>
      tpu.wait_indirect_dma semaphore(%run_scoped3A_312 : memref<!tpu.dma_semaphore, #tpu.memory_space<semaphore_mem>>) src(%dma_wait3A_323 : memref<128x128xf32, #tpu.memory_space<vmem>>) dst(%dma_wait3A_326 : memref<10240x128xf32, #tpu.memory_space<vmem_shared>>)
      tpu.yield
    }) : () -> ()
    %dma_wait3A_208 = arith.constant 0 : i32
    %dma_wait3A_209 = arith.constant 0 : i32
    %dma_wait3A_210 = arith.constant 0 : i32
    %dma_wait3A_211 = tpu.memref_slice %arg3[%arg0, %arg1, %dma_wait3A_209, %dma_wait3A_210] : memref<2x16x84x128xi32, #tpu.memory_space<hbm>> -> memref<1x1x84x128xi32, #tpu.memory_space<hbm>>
    %dma_wait3A_212 = tpu.memref_squeeze %dma_wait3A_211 : memref<1x1x84x128xi32, #tpu.memory_space<hbm>> -> memref<84x128xi32, #tpu.memory_space<hbm>>
    %dma_wait3A_213 = arith.constant 0 : i32
    %dma_wait3A_214 = tpu.memref_slice %dma_wait3A_212[%dma_wait3A_208, %dma_wait3A_213] : memref<84x128xi32, #tpu.memory_space<hbm>> -> memref<1x128xi32, #tpu.memory_space<hbm>>
    %dma_wait3A_215 = tpu.memref_squeeze %dma_wait3A_214 : memref<1x128xi32, #tpu.memory_space<hbm>> -> memref<128xi32, #tpu.memory_space<hbm>>
    %dma_wait3A_216 = arith.constant 0 : i32
    %dma_wait3A_217 = arith.constant 0 : i32
    %dma_wait3A_218 = tpu.memref_slice %arg3[%arg0, %arg1, %dma_wait3A_216, %dma_wait3A_217] : memref<2x16x84x128xi32, #tpu.memory_space<hbm>> -> memref<1x1x84x128xi32, #tpu.memory_space<hbm>>
    %dma_wait3A_219 = tpu.memref_squeeze %dma_wait3A_218 : memref<1x1x84x128xi32, #tpu.memory_space<hbm>> -> memref<84x128xi32, #tpu.memory_space<hbm>>
    %dma_wait3A_220 = arith.constant 0 : i32
    %dma_wait3A_221 = tpu.memref_slice %dma_wait3A_219[%dma_wait3A_208, %dma_wait3A_220] : memref<84x128xi32, #tpu.memory_space<hbm>> -> memref<1x128xi32, #tpu.memory_space<hbm>>
    %dma_wait3A_222 = tpu.memref_squeeze %dma_wait3A_221 : memref<1x128xi32, #tpu.memory_space<hbm>> -> memref<128xi32, #tpu.memory_space<hbm>>
    tpu.wait_dma2 semaphore(%arg20 : memref<!tpu.dma_semaphore, #tpu.memory_space<semaphore_mem>>) src(%dma_wait3A_222 : memref<128xi32, #tpu.memory_space<hbm>>) dst(%arg9 : memref<128xi32, #tpu.memory_space<vmem>>)
    %dma_wait3A_223 = arith.constant 0 : i32
    %dma_wait3A_224 = arith.constant 0 : i32
    %dma_wait3A_225 = arith.constant 0 : i32
    %dma_wait3A_226 = tpu.memref_slice %arg4[%arg0, %arg1, %dma_wait3A_224, %dma_wait3A_225] : memref<2x16x84x128xi32, #tpu.memory_space<hbm>> -> memref<1x1x84x128xi32, #tpu.memory_space<hbm>>
    %dma_wait3A_227 = tpu.memref_squeeze %dma_wait3A_226 : memref<1x1x84x128xi32, #tpu.memory_space<hbm>> -> memref<84x128xi32, #tpu.memory_space<hbm>>
    %dma_wait3A_228 = arith.constant 0 : i32
    %dma_wait3A_229 = tpu.memref_slice %dma_wait3A_227[%dma_wait3A_223, %dma_wait3A_228] : memref<84x128xi32, #tpu.memory_space<hbm>> -> memref<1x128xi32, #tpu.memory_space<hbm>>
    %dma_wait3A_230 = tpu.memref_squeeze %dma_wait3A_229 : memref<1x128xi32, #tpu.memory_space<hbm>> -> memref<128xi32, #tpu.memory_space<hbm>>
    %dma_wait3A_231 = arith.constant 0 : i32
    %dma_wait3A_232 = arith.constant 0 : i32
    %dma_wait3A_233 = tpu.memref_slice %arg4[%arg0, %arg1, %dma_wait3A_231, %dma_wait3A_232] : memref<2x16x84x128xi32, #tpu.memory_space<hbm>> -> memref<1x1x84x128xi32, #tpu.memory_space<hbm>>
    %dma_wait3A_234 = tpu.memref_squeeze %dma_wait3A_233 : memref<1x1x84x128xi32, #tpu.memory_space<hbm>> -> memref<84x128xi32, #tpu.memory_space<hbm>>
    %dma_wait3A_235 = arith.constant 0 : i32
    %dma_wait3A_236 = tpu.memref_slice %dma_wait3A_234[%dma_wait3A_223, %dma_wait3A_235] : memref<84x128xi32, #tpu.memory_space<hbm>> -> memref<1x128xi32, #tpu.memory_space<hbm>>
    %dma_wait3A_237 = tpu.memref_squeeze %dma_wait3A_236 : memref<1x128xi32, #tpu.memory_space<hbm>> -> memref<128xi32, #tpu.memory_space<hbm>>
    tpu.wait_dma2 semaphore(%arg20 : memref<!tpu.dma_semaphore, #tpu.memory_space<semaphore_mem>>) src(%dma_wait3A_237 : memref<128xi32, #tpu.memory_space<hbm>>) dst(%arg13 : memref<128xi32, #tpu.memory_space<vmem>>)
    %dma_start3A_238 = arith.constant 0 : i32
    %dma_start3A_239 = arith.constant 0 : i32
    %dma_start3A_240 = arith.constant 0 : i32
    %dma_start3A_241 = tpu.memref_slice %arg15[%dma_start3A_238, %dma_start3A_239, %dma_start3A_240] : memref<2x128x128xf32, #tpu.memory_space<vmem>> -> memref<1x128x128xf32, #tpu.memory_space<vmem>>
    %dma_start3A_242 = tpu.memref_squeeze %dma_start3A_241 : memref<1x128x128xf32, #tpu.memory_space<vmem>> -> memref<128x128xf32, #tpu.memory_space<vmem>>
    %dma_start3A_243 = arith.constant 0 : i32
    %dma_start3A_244 = arith.constant 0 : i32
    %dma_start3A_245 = tpu.memref_slice %arg2[%dma_start3A_243, %dma_start3A_244] : memref<10240x128xf32, #tpu.memory_space<hbm>> -> memref<10240x128xf32, #tpu.memory_space<hbm>>
    tpu.enqueue_indirect_dma source(%dma_start3A_245 : memref<10240x128xf32, #tpu.memory_space<hbm>>) target(%dma_start3A_242 : memref<128x128xf32, #tpu.memory_space<vmem>>) offsets(%arg9 : memref<128xi32, #tpu.memory_space<vmem>>) semaphore(%arg16 : memref<!tpu.dma_semaphore, #tpu.memory_space<semaphore_mem>>)
    %dma_wait3A_246 = arith.constant 1 : i32
    %dma_wait3A_247 = arith.constant 0 : i32
    %dma_wait3A_248 = arith.constant 0 : i32
    %dma_wait3A_249 = tpu.memref_slice %arg15[%dma_wait3A_246, %dma_wait3A_247, %dma_wait3A_248] : memref<2x128x128xf32, #tpu.memory_space<vmem>> -> memref<1x128x128xf32, #tpu.memory_space<vmem>>
    %dma_wait3A_250 = tpu.memref_squeeze %dma_wait3A_249 : memref<1x128x128xf32, #tpu.memory_space<vmem>> -> memref<128x128xf32, #tpu.memory_space<vmem>>
    %dma_wait3A_251 = arith.constant 0 : i32
    %dma_wait3A_252 = arith.constant 0 : i32
    %dma_wait3A_253 = tpu.memref_slice %arg2[%dma_wait3A_251, %dma_wait3A_252] : memref<10240x128xf32, #tpu.memory_space<hbm>> -> memref<10240x128xf32, #tpu.memory_space<hbm>>
    tpu.wait_indirect_dma semaphore(%arg17 : memref<!tpu.dma_semaphore, #tpu.memory_space<semaphore_mem>>) src(%dma_wait3A_253 : memref<10240x128xf32, #tpu.memory_space<hbm>>) dst(%dma_wait3A_250 : memref<128x128xf32, #tpu.memory_space<vmem>>)
    %run_scoped3A_254 = arith.constant 1 : i32
    "tpu.region"() ({
      %run_scoped3A_312 = tpu.sem_alloc : memref<!tpu.dma_semaphore, #tpu.memory_space<semaphore_mem>>
      %dma_start3A_313 = arith.constant 0 : i32
      %dma_start3A_314 = arith.constant 0 : i32
      %dma_start3A_315 = tpu.memref_slice %arg15[%run_scoped3A_254, %dma_start3A_313, %dma_start3A_314] : memref<2x128x128xf32, #tpu.memory_space<vmem>> -> memref<1x128x128xf32, #tpu.memory_space<vmem>>
      %dma_start3A_316 = tpu.memref_squeeze %dma_start3A_315 : memref<1x128x128xf32, #tpu.memory_space<vmem>> -> memref<128x128xf32, #tpu.memory_space<vmem>>
      %dma_start3A_317 = arith.constant 0 : i32
      %dma_start3A_318 = arith.constant 0 : i32
      %dma_start3A_319 = tpu.memref_slice %arg6[%dma_start3A_317, %dma_start3A_318] : memref<10240x128xf32, #tpu.memory_space<vmem_shared>> -> memref<10240x128xf32, #tpu.memory_space<vmem_shared>>
      tpu.enqueue_indirect_dma source(%dma_start3A_316 : memref<128x128xf32, #tpu.memory_space<vmem>>) target(%dma_start3A_319 : memref<10240x128xf32, #tpu.memory_space<vmem_shared>>) offsets(%arg12 : memref<128xi32, #tpu.memory_space<vmem>>) semaphore(%run_scoped3A_312 : memref<!tpu.dma_semaphore, #tpu.memory_space<semaphore_mem>>) {add = true}
      %dma_wait3A_320 = arith.constant 0 : i32
      %dma_wait3A_321 = arith.constant 0 : i32
      %dma_wait3A_322 = tpu.memref_slice %arg15[%run_scoped3A_254, %dma_wait3A_320, %dma_wait3A_321] : memref<2x128x128xf32, #tpu.memory_space<vmem>> -> memref<1x128x128xf32, #tpu.memory_space<vmem>>
      %dma_wait3A_323 = tpu.memref_squeeze %dma_wait3A_322 : memref<1x128x128xf32, #tpu.memory_space<vmem>> -> memref<128x128xf32, #tpu.memory_space<vmem>>
      %dma_wait3A_324 = arith.constant 0 : i32
      %dma_wait3A_325 = arith.constant 0 : i32
      %dma_wait3A_326 = tpu.memref_slice %arg6[%dma_wait3A_324, %dma_wait3A_325] : memref<10240x128xf32, #tpu.memory_space<vmem_shared>> -> memref<10240x128xf32, #tpu.memory_space<vmem_shared>>
      tpu.wait_indirect_dma semaphore(%run_scoped3A_312 : memref<!tpu.dma_semaphore, #tpu.memory_space<semaphore_mem>>) src(%dma_wait3A_323 : memref<128x128xf32, #tpu.memory_space<vmem>>) dst(%dma_wait3A_326 : memref<10240x128xf32, #tpu.memory_space<vmem_shared>>)
      tpu.yield
    }) : () -> ()
    %dma_wait3A_255 = arith.constant 0 : i32
    %dma_wait3A_256 = arith.constant 0 : i32
    %dma_wait3A_257 = arith.constant 0 : i32
    %dma_wait3A_258 = tpu.memref_slice %arg3[%arg0, %arg1, %dma_wait3A_256, %dma_wait3A_257] : memref<2x16x84x128xi32, #tpu.memory_space<hbm>> -> memref<1x1x84x128xi32, #tpu.memory_space<hbm>>
    %dma_wait3A_259 = tpu.memref_squeeze %dma_wait3A_258 : memref<1x1x84x128xi32, #tpu.memory_space<hbm>> -> memref<84x128xi32, #tpu.memory_space<hbm>>
    %dma_wait3A_260 = arith.constant 0 : i32
    %dma_wait3A_261 = tpu.memref_slice %dma_wait3A_259[%dma_wait3A_255, %dma_wait3A_260] : memref<84x128xi32, #tpu.memory_space<hbm>> -> memref<1x128xi32, #tpu.memory_space<hbm>>
    %dma_wait3A_262 = tpu.memref_squeeze %dma_wait3A_261 : memref<1x128xi32, #tpu.memory_space<hbm>> -> memref<128xi32, #tpu.memory_space<hbm>>
    %dma_wait3A_263 = arith.constant 0 : i32
    %dma_wait3A_264 = arith.constant 0 : i32
    %dma_wait3A_265 = tpu.memref_slice %arg3[%arg0, %arg1, %dma_wait3A_263, %dma_wait3A_264] : memref<2x16x84x128xi32, #tpu.memory_space<hbm>> -> memref<1x1x84x128xi32, #tpu.memory_space<hbm>>
    %dma_wait3A_266 = tpu.memref_squeeze %dma_wait3A_265 : memref<1x1x84x128xi32, #tpu.memory_space<hbm>> -> memref<84x128xi32, #tpu.memory_space<hbm>>
    %dma_wait3A_267 = arith.constant 0 : i32
    %dma_wait3A_268 = tpu.memref_slice %dma_wait3A_266[%dma_wait3A_255, %dma_wait3A_267] : memref<84x128xi32, #tpu.memory_space<hbm>> -> memref<1x128xi32, #tpu.memory_space<hbm>>
    %dma_wait3A_269 = tpu.memref_squeeze %dma_wait3A_268 : memref<1x128xi32, #tpu.memory_space<hbm>> -> memref<128xi32, #tpu.memory_space<hbm>>
    tpu.wait_dma2 semaphore(%arg21 : memref<!tpu.dma_semaphore, #tpu.memory_space<semaphore_mem>>) src(%dma_wait3A_269 : memref<128xi32, #tpu.memory_space<hbm>>) dst(%arg10 : memref<128xi32, #tpu.memory_space<vmem>>)
    %dma_wait3A_270 = arith.constant 0 : i32
    %dma_wait3A_271 = arith.constant 0 : i32
    %dma_wait3A_272 = arith.constant 0 : i32
    %dma_wait3A_273 = tpu.memref_slice %arg4[%arg0, %arg1, %dma_wait3A_271, %dma_wait3A_272] : memref<2x16x84x128xi32, #tpu.memory_space<hbm>> -> memref<1x1x84x128xi32, #tpu.memory_space<hbm>>
    %dma_wait3A_274 = tpu.memref_squeeze %dma_wait3A_273 : memref<1x1x84x128xi32, #tpu.memory_space<hbm>> -> memref<84x128xi32, #tpu.memory_space<hbm>>
    %dma_wait3A_275 = arith.constant 0 : i32
    %dma_wait3A_276 = tpu.memref_slice %dma_wait3A_274[%dma_wait3A_270, %dma_wait3A_275] : memref<84x128xi32, #tpu.memory_space<hbm>> -> memref<1x128xi32, #tpu.memory_space<hbm>>
    %dma_wait3A_277 = tpu.memref_squeeze %dma_wait3A_276 : memref<1x128xi32, #tpu.memory_space<hbm>> -> memref<128xi32, #tpu.memory_space<hbm>>
    %dma_wait3A_278 = arith.constant 0 : i32
    %dma_wait3A_279 = arith.constant 0 : i32
    %dma_wait3A_280 = tpu.memref_slice %arg4[%arg0, %arg1, %dma_wait3A_278, %dma_wait3A_279] : memref<2x16x84x128xi32, #tpu.memory_space<hbm>> -> memref<1x1x84x128xi32, #tpu.memory_space<hbm>>
    %dma_wait3A_281 = tpu.memref_squeeze %dma_wait3A_280 : memref<1x1x84x128xi32, #tpu.memory_space<hbm>> -> memref<84x128xi32, #tpu.memory_space<hbm>>
    %dma_wait3A_282 = arith.constant 0 : i32
    %dma_wait3A_283 = tpu.memref_slice %dma_wait3A_281[%dma_wait3A_270, %dma_wait3A_282] : memref<84x128xi32, #tpu.memory_space<hbm>> -> memref<1x128xi32, #tpu.memory_space<hbm>>
    %dma_wait3A_284 = tpu.memref_squeeze %dma_wait3A_283 : memref<1x128xi32, #tpu.memory_space<hbm>> -> memref<128xi32, #tpu.memory_space<hbm>>
    tpu.wait_dma2 semaphore(%arg21 : memref<!tpu.dma_semaphore, #tpu.memory_space<semaphore_mem>>) src(%dma_wait3A_284 : memref<128xi32, #tpu.memory_space<hbm>>) dst(%arg14 : memref<128xi32, #tpu.memory_space<vmem>>)
    %dma_start3A_285 = arith.constant 1 : i32
    %dma_start3A_286 = arith.constant 0 : i32
    %dma_start3A_287 = arith.constant 0 : i32
    %dma_start3A_288 = tpu.memref_slice %arg15[%dma_start3A_285, %dma_start3A_286, %dma_start3A_287] : memref<2x128x128xf32, #tpu.memory_space<vmem>> -> memref<1x128x128xf32, #tpu.memory_space<vmem>>
    %dma_start3A_289 = tpu.memref_squeeze %dma_start3A_288 : memref<1x128x128xf32, #tpu.memory_space<vmem>> -> memref<128x128xf32, #tpu.memory_space<vmem>>
    %dma_start3A_290 = arith.constant 0 : i32
    %dma_start3A_291 = arith.constant 0 : i32
    %dma_start3A_292 = tpu.memref_slice %arg2[%dma_start3A_290, %dma_start3A_291] : memref<10240x128xf32, #tpu.memory_space<hbm>> -> memref<10240x128xf32, #tpu.memory_space<hbm>>
    tpu.enqueue_indirect_dma source(%dma_start3A_292 : memref<10240x128xf32, #tpu.memory_space<hbm>>) target(%dma_start3A_289 : memref<128x128xf32, #tpu.memory_space<vmem>>) offsets(%arg10 : memref<128xi32, #tpu.memory_space<vmem>>) semaphore(%arg17 : memref<!tpu.dma_semaphore, #tpu.memory_space<semaphore_mem>>)
    %dma_wait3A_293 = arith.constant 0 : i32
    %dma_wait3A_294 = arith.constant 0 : i32
    %dma_wait3A_295 = arith.constant 0 : i32
    %dma_wait3A_296 = tpu.memref_slice %arg15[%dma_wait3A_293, %dma_wait3A_294, %dma_wait3A_295] : memref<2x128x128xf32, #tpu.memory_space<vmem>> -> memref<1x128x128xf32, #tpu.memory_space<vmem>>
    %dma_wait3A_297 = tpu.memref_squeeze %dma_wait3A_296 : memref<1x128x128xf32, #tpu.memory_space<vmem>> -> memref<128x128xf32, #tpu.memory_space<vmem>>
    %dma_wait3A_298 = arith.constant 0 : i32
    %dma_wait3A_299 = arith.constant 0 : i32
    %dma_wait3A_300 = tpu.memref_slice %arg2[%dma_wait3A_298, %dma_wait3A_299] : memref<10240x128xf32, #tpu.memory_space<hbm>> -> memref<10240x128xf32, #tpu.memory_space<hbm>>
    tpu.wait_indirect_dma semaphore(%arg16 : memref<!tpu.dma_semaphore, #tpu.memory_space<semaphore_mem>>) src(%dma_wait3A_300 : memref<10240x128xf32, #tpu.memory_space<hbm>>) dst(%dma_wait3A_297 : memref<128x128xf32, #tpu.memory_space<vmem>>)
    %run_scoped3A_301 = arith.constant 0 : i32
    "tpu.region"() ({
      %run_scoped3A_312 = tpu.sem_alloc : memref<!tpu.dma_semaphore, #tpu.memory_space<semaphore_mem>>
      %dma_start3A_313 = arith.constant 0 : i32
      %dma_start3A_314 = arith.constant 0 : i32
      %dma_start3A_315 = tpu.memref_slice %arg15[%run_scoped3A_301, %dma_start3A_313, %dma_start3A_314] : memref<2x128x128xf32, #tpu.memory_space<vmem>> -> memref<1x128x128xf32, #tpu.memory_space<vmem>>
      %dma_start3A_316 = tpu.memref_squeeze %dma_start3A_315 : memref<1x128x128xf32, #tpu.memory_space<vmem>> -> memref<128x128xf32, #tpu.memory_space<vmem>>
      %dma_start3A_317 = arith.constant 0 : i32
      %dma_start3A_318 = arith.constant 0 : i32
      %dma_start3A_319 = tpu.memref_slice %arg6[%dma_start3A_317, %dma_start3A_318] : memref<10240x128xf32, #tpu.memory_space<vmem_shared>> -> memref<10240x128xf32, #tpu.memory_space<vmem_shared>>
      tpu.enqueue_indirect_dma source(%dma_start3A_316 : memref<128x128xf32, #tpu.memory_space<vmem>>) target(%dma_start3A_319 : memref<10240x128xf32, #tpu.memory_space<vmem_shared>>) offsets(%arg13 : memref<128xi32, #tpu.memory_space<vmem>>) semaphore(%run_scoped3A_312 : memref<!tpu.dma_semaphore, #tpu.memory_space<semaphore_mem>>) {add = true}
      %dma_wait3A_320 = arith.constant 0 : i32
      %dma_wait3A_321 = arith.constant 0 : i32
      %dma_wait3A_322 = tpu.memref_slice %arg15[%run_scoped3A_301, %dma_wait3A_320, %dma_wait3A_321] : memref<2x128x128xf32, #tpu.memory_space<vmem>> -> memref<1x128x128xf32, #tpu.memory_space<vmem>>
      %dma_wait3A_323 = tpu.memref_squeeze %dma_wait3A_322 : memref<1x128x128xf32, #tpu.memory_space<vmem>> -> memref<128x128xf32, #tpu.memory_space<vmem>>
      %dma_wait3A_324 = arith.constant 0 : i32
      %dma_wait3A_325 = arith.constant 0 : i32
      %dma_wait3A_326 = tpu.memref_slice %arg6[%dma_wait3A_324, %dma_wait3A_325] : memref<10240x128xf32, #tpu.memory_space<vmem_shared>> -> memref<10240x128xf32, #tpu.memory_space<vmem_shared>>
      tpu.wait_indirect_dma semaphore(%run_scoped3A_312 : memref<!tpu.dma_semaphore, #tpu.memory_space<semaphore_mem>>) src(%dma_wait3A_323 : memref<128x128xf32, #tpu.memory_space<vmem>>) dst(%dma_wait3A_326 : memref<10240x128xf32, #tpu.memory_space<vmem_shared>>)
      tpu.yield
    }) : () -> ()
    %dma_wait3A_302 = arith.constant 1 : i32
    %dma_wait3A_303 = arith.constant 0 : i32
    %dma_wait3A_304 = arith.constant 0 : i32
    %dma_wait3A_305 = tpu.memref_slice %arg15[%dma_wait3A_302, %dma_wait3A_303, %dma_wait3A_304] : memref<2x128x128xf32, #tpu.memory_space<vmem>> -> memref<1x128x128xf32, #tpu.memory_space<vmem>>
    %dma_wait3A_306 = tpu.memref_squeeze %dma_wait3A_305 : memref<1x128x128xf32, #tpu.memory_space<vmem>> -> memref<128x128xf32, #tpu.memory_space<vmem>>
    %dma_wait3A_307 = arith.constant 0 : i32
    %dma_wait3A_308 = arith.constant 0 : i32
    %dma_wait3A_309 = tpu.memref_slice %arg2[%dma_wait3A_307, %dma_wait3A_308] : memref<10240x128xf32, #tpu.memory_space<hbm>> -> memref<10240x128xf32, #tpu.memory_space<hbm>>
    tpu.wait_indirect_dma semaphore(%arg17 : memref<!tpu.dma_semaphore, #tpu.memory_space<semaphore_mem>>) src(%dma_wait3A_309 : memref<10240x128xf32, #tpu.memory_space<hbm>>) dst(%dma_wait3A_306 : memref<128x128xf32, #tpu.memory_space<vmem>>)
    %run_scoped3A_310 = arith.constant 1 : i32
    "tpu.region"() ({
      %run_scoped3A_312 = tpu.sem_alloc : memref<!tpu.dma_semaphore, #tpu.memory_space<semaphore_mem>>
      %dma_start3A_313 = arith.constant 0 : i32
      %dma_start3A_314 = arith.constant 0 : i32
      %dma_start3A_315 = tpu.memref_slice %arg15[%run_scoped3A_310, %dma_start3A_313, %dma_start3A_314] : memref<2x128x128xf32, #tpu.memory_space<vmem>> -> memref<1x128x128xf32, #tpu.memory_space<vmem>>
      %dma_start3A_316 = tpu.memref_squeeze %dma_start3A_315 : memref<1x128x128xf32, #tpu.memory_space<vmem>> -> memref<128x128xf32, #tpu.memory_space<vmem>>
      %dma_start3A_317 = arith.constant 0 : i32
      %dma_start3A_318 = arith.constant 0 : i32
      %dma_start3A_319 = tpu.memref_slice %arg6[%dma_start3A_317, %dma_start3A_318] : memref<10240x128xf32, #tpu.memory_space<vmem_shared>> -> memref<10240x128xf32, #tpu.memory_space<vmem_shared>>
      tpu.enqueue_indirect_dma source(%dma_start3A_316 : memref<128x128xf32, #tpu.memory_space<vmem>>) target(%dma_start3A_319 : memref<10240x128xf32, #tpu.memory_space<vmem_shared>>) offsets(%arg14 : memref<128xi32, #tpu.memory_space<vmem>>) semaphore(%run_scoped3A_312 : memref<!tpu.dma_semaphore, #tpu.memory_space<semaphore_mem>>) {add = true}
      %dma_wait3A_320 = arith.constant 0 : i32
      %dma_wait3A_321 = arith.constant 0 : i32
      %dma_wait3A_322 = tpu.memref_slice %arg15[%run_scoped3A_310, %dma_wait3A_320, %dma_wait3A_321] : memref<2x128x128xf32, #tpu.memory_space<vmem>> -> memref<1x128x128xf32, #tpu.memory_space<vmem>>
      %dma_wait3A_323 = tpu.memref_squeeze %dma_wait3A_322 : memref<1x128x128xf32, #tpu.memory_space<vmem>> -> memref<128x128xf32, #tpu.memory_space<vmem>>
      %dma_wait3A_324 = arith.constant 0 : i32
      %dma_wait3A_325 = arith.constant 0 : i32
      %dma_wait3A_326 = tpu.memref_slice %arg6[%dma_wait3A_324, %dma_wait3A_325] : memref<10240x128xf32, #tpu.memory_space<vmem_shared>> -> memref<10240x128xf32, #tpu.memory_space<vmem_shared>>
      tpu.wait_indirect_dma semaphore(%run_scoped3A_312 : memref<!tpu.dma_semaphore, #tpu.memory_space<semaphore_mem>>) src(%dma_wait3A_323 : memref<128x128xf32, #tpu.memory_space<vmem>>) dst(%dma_wait3A_326 : memref<10240x128xf32, #tpu.memory_space<vmem_shared>>)
      tpu.yield
    }) : () -> ()
    %barrier3A_311 = arith.constant 0 : index
    tpu.barrier barrier_id(%barrier3A_311)
    "tpu.region"() ({
      %run_scoped3A_312 = tpu.sem_alloc : memref<!tpu.dma_semaphore, #tpu.memory_space<semaphore_mem>>
      %dma_start3A_313 = arith.constant 0 : i32
      %dma_start3A_314 = tpu.memref_slice %arg5[%arg0, %mul3A_0, %dma_start3A_313] : memref<2x10240x128xf32, #tpu.memory_space<hbm>> -> memref<1x640x128xf32, #tpu.memory_space<hbm>>
      %dma_start3A_315 = tpu.memref_squeeze %dma_start3A_314 : memref<1x640x128xf32, #tpu.memory_space<hbm>> -> memref<640x128xf32, #tpu.memory_space<hbm>>
      %dma_start3A_316 = arith.constant 0 : i32
      %dma_start3A_317 = tpu.memref_slice %arg6[%mul3A_0, %dma_start3A_316] : memref<10240x128xf32, #tpu.memory_space<vmem_shared>> -> memref<640x128xf32, #tpu.memory_space<vmem_shared>>
      tpu.enqueue_dma source(%dma_start3A_317 : memref<640x128xf32, #tpu.memory_space<vmem_shared>>) target(%dma_start3A_315 : memref<640x128xf32, #tpu.memory_space<hbm>>) target_semaphore(%run_scoped3A_312 : memref<!tpu.dma_semaphore, #tpu.memory_space<semaphore_mem>>)
      %dma_wait3A_318 = arith.constant 0 : i32
      %dma_wait3A_319 = tpu.memref_slice %arg5[%arg0, %mul3A_0, %dma_wait3A_318] : memref<2x10240x128xf32, #tpu.memory_space<hbm>> -> memref<1x640x128xf32, #tpu.memory_space<hbm>>
      %dma_wait3A_320 = tpu.memref_squeeze %dma_wait3A_319 : memref<1x640x128xf32, #tpu.memory_space<hbm>> -> memref<640x128xf32, #tpu.memory_space<hbm>>
      %dma_wait3A_321 = arith.constant 0 : i32
      %dma_wait3A_322 = tpu.memref_slice %arg6[%mul3A_0, %dma_wait3A_321] : memref<10240x128xf32, #tpu.memory_space<vmem_shared>> -> memref<640x128xf32, #tpu.memory_space<vmem_shared>>
      tpu.wait_dma2 semaphore(%run_scoped3A_312 : memref<!tpu.dma_semaphore, #tpu.memory_space<semaphore_mem>>) src(%dma_wait3A_322 : memref<640x128xf32, #tpu.memory_space<vmem_shared>>) dst(%dma_wait3A_320 : memref<640x128xf32, #tpu.memory_space<hbm>>)
      tpu.yield
    }) : () -> ()
    return
  }
}

module attributes {stable_mosaic.version = 14 : i64} {
  func.func @body(%arg0: i32, %arg1: memref<256x128xf32, #tpu.memory_space<vmem>>, %arg2: memref<128x256xf32, #tpu.memory_space<vmem>>, %arg3: memref<2x256x128xf32, #tpu.memory_space<vmem>>, %arg4: memref<2x256x128xf32, #tpu.memory_space<vmem>>, %arg5: memref<256x128xf32, #tpu.memory_space<vmem>>) attributes {dimension_semantics = [#tpu.dimension_semantics<arbitrary>], iteration_bounds = array<i64: 40>, scalar_prefetch = 0 : i64, scratch_operands = 0 : i64, tpu.core_type = #tpu.core_type<tc>, window_params = [{transform_indices = @transform_0, window_bounds = array<i64: 256, 128>}, {pipeline_mode = #tpu.pipeline_mode<synchronous>, transform_indices = @transform_1, window_bounds = array<i64: 128, 256>}, {transform_indices = @transform_2, window_bounds = array<i64: 2, 256, 128>}, {transform_indices = @transform_3, window_bounds = array<i64: 2, 256, 128>}, {transform_indices = @transform_4, window_bounds = array<i64: 256, 128>}]} {
    %get3A = arith.constant 0 : index
    %get3A_0 = arith.constant 0 : index
    %get3A_1 = arith.constant 0 : index
    %get3A_2 = vector.load %arg3[%get3A, %get3A_0, %get3A_1] : memref<2x256x128xf32, #tpu.memory_space<vmem>>, vector<1x256x128xf32>
    %get3A_3 = vector.shape_cast %get3A_2 : vector<1x256x128xf32> to vector<256x128xf32>
    %get3A_4 = arith.constant 1 : index
    %get3A_5 = arith.constant 0 : index
    %get3A_6 = arith.constant 0 : index
    %get3A_7 = vector.load %arg3[%get3A_4, %get3A_5, %get3A_6] : memref<2x256x128xf32, #tpu.memory_space<vmem>>, vector<1x256x128xf32>
    %get3A_8 = vector.shape_cast %get3A_7 : vector<1x256x128xf32> to vector<256x128xf32>
    %add3A = arith.addf %get3A_3, %get3A_8 : vector<256x128xf32>
    %add3A_9 = arith.constant 1.000000e+00 : f32
    %add3A_10 = vector.broadcast %add3A_9 : f32 to vector<256x128xf32>
    %add3A_11 = arith.addf %add3A, %add3A_10 : vector<256x128xf32>
    %rsqrt3A = math.rsqrt %add3A_11 : vector<256x128xf32>
    %get3A_12 = arith.constant 0 : index
    %get3A_13 = arith.constant 0 : index
    %get3A_14 = vector.load %arg1[%get3A_12, %get3A_13] : memref<256x128xf32, #tpu.memory_space<vmem>>, vector<256x128xf32>
    %get3A_15 = arith.constant 0 : index
    %get3A_16 = arith.constant 0 : index
    %get3A_17 = vector.load %arg2[%get3A_15, %get3A_16] : memref<128x256xf32, #tpu.memory_space<vmem>>, vector<128x256xf32>
    %dot_general3A = arith.constant dense<0.000000e+00> : vector<256x256xf32>
    %dot_general3A_18 = tpu.matmul %get3A_14, %get3A_17, %dot_general3A {dimension_numbers = #tpu.dot_dimension_numbers<[1], [0], [0], [1], [0, 0, 1, 1], [], []>, transpose_lhs_hint = false} : vector<256x128xf32>, vector<128x256xf32>, vector<256x256xf32> -> vector<256x256xf32>
    %slice3A = vector.extract_strided_slice %dot_general3A_18 {offsets = [0, 0], sizes = [256, 128], strides = [1, 1]} : vector<256x256xf32> to vector<256x128xf32>
    %mul3A = arith.mulf %slice3A, %rsqrt3A : vector<256x128xf32>
    %swap3A = arith.constant 0 : index
    %swap3A_19 = arith.constant 0 : index
    %swap3A_20 = arith.constant 0 : index
    %swap3A_21 = vector.load %arg4[%swap3A, %swap3A_19, %swap3A_20] : memref<2x256x128xf32, #tpu.memory_space<vmem>>, vector<1x256x128xf32>
    %swap3A_22 = vector.shape_cast %swap3A_21 : vector<1x256x128xf32> to vector<256x128xf32>
    %swap3A_23 = vector.shape_cast %mul3A : vector<256x128xf32> to vector<1x256x128xf32>
    tpu.vector_store %arg4[%swap3A, %swap3A_19, %swap3A_20], %swap3A_23 {strides = array<i32>} : memref<2x256x128xf32, #tpu.memory_space<vmem>>, vector<1x256x128xf32>,
    %slice3A_24 = vector.extract_strided_slice %dot_general3A_18 {offsets = [0, 128], sizes = [256, 128], strides = [1, 1]} : vector<256x256xf32> to vector<256x128xf32>
    %mul3A_25 = arith.mulf %slice3A_24, %rsqrt3A : vector<256x128xf32>
    %swap3A_26 = arith.constant 1 : index
    %swap3A_27 = arith.constant 0 : index
    %swap3A_28 = arith.constant 0 : index
    %swap3A_29 = vector.load %arg4[%swap3A_26, %swap3A_27, %swap3A_28] : memref<2x256x128xf32, #tpu.memory_space<vmem>>, vector<1x256x128xf32>
    %swap3A_30 = vector.shape_cast %swap3A_29 : vector<1x256x128xf32> to vector<256x128xf32>
    %swap3A_31 = vector.shape_cast %mul3A_25 : vector<256x128xf32> to vector<1x256x128xf32>
    tpu.vector_store %arg4[%swap3A_26, %swap3A_27, %swap3A_28], %swap3A_31 {strides = array<i32>} : memref<2x256x128xf32, #tpu.memory_space<vmem>>, vector<1x256x128xf32>,
    %swap3A_32 = arith.constant 0 : index
    %swap3A_33 = arith.constant 0 : index
    %swap3A_34 = vector.load %arg5[%swap3A_32, %swap3A_33] : memref<256x128xf32, #tpu.memory_space<vmem>>, vector<256x128xf32>
    tpu.vector_store %arg5[%swap3A_32, %swap3A_33], %rsqrt3A {strides = array<i32>} : memref<256x128xf32, #tpu.memory_space<vmem>>, vector<256x128xf32>,
    return
  }
  func.func @transform_0(%arg0: i32) -> (i32, i32) {
    %c0_i32 = arith.constant 0 : i32
    %c0_i32_0 = arith.constant 0 : i32
    return %arg0, %c0_i32 : i32, i32
  }
  func.func @transform_1(%arg0: i32) -> (i32, i32) {
    %c0_i32 = arith.constant 0 : i32
    %c0_i32_0 = arith.constant 0 : i32
    %c0_i32_1 = arith.constant 0 : i32
    return %c0_i32, %c0_i32_0 : i32, i32
  }
  func.func @transform_2(%arg0: i32) -> (i32, i32, i32) {
    %c0_i32 = arith.constant 0 : i32
    %c0_i32_0 = arith.constant 0 : i32
    %c0_i32_1 = arith.constant 0 : i32
    return %c0_i32, %arg0, %c0_i32_0 : i32, i32, i32
  }
  func.func @transform_3(%arg0: i32) -> (i32, i32, i32) {
    %c0_i32 = arith.constant 0 : i32
    %c0_i32_0 = arith.constant 0 : i32
    %c0_i32_1 = arith.constant 0 : i32
    return %c0_i32, %arg0, %c0_i32_0 : i32, i32, i32
  }
  func.func @transform_4(%arg0: i32) -> (i32, i32) {
    %c0_i32 = arith.constant 0 : i32
    %c0_i32_0 = arith.constant 0 : i32
    return %arg0, %c0_i32 : i32, i32
  }
}

module attributes {stable_mosaic.version = 14 : i64} {
  func.func @body(%arg0: i32, %arg1: memref<2x256x128xf32, #tpu.memory_space<vmem>>, %arg2: memref<256x128xf32, #tpu.memory_space<vmem>>, %arg3: memref<8x256xf32, #tpu.memory_space<vmem>>, %arg4: memref<2x128x128xf32, #tpu.memory_space<vmem>>, %arg5: memref<256x128xf32, #tpu.memory_space<vmem>>) attributes {dimension_semantics = [#tpu.dimension_semantics<arbitrary>], iteration_bounds = array<i64: 40>, scalar_prefetch = 0 : i64, scratch_operands = 0 : i64, tpu.core_type = #tpu.core_type<tc>, window_params = [{transform_indices = @transform_0, window_bounds = array<i64: 2, 256, 128>}, {transform_indices = @transform_1, window_bounds = array<i64: 256, 128>}, {pipeline_mode = #tpu.pipeline_mode<synchronous>, transform_indices = @transform_2, window_bounds = array<i64: 8, 256>}, {pipeline_mode = #tpu.pipeline_mode<synchronous>, transform_indices = @transform_3, window_bounds = array<i64: 2, 128, 128>}, {transform_indices = @transform_4, window_bounds = array<i64: 256, 128>}]} {
    %get3A = arith.constant 0 : index
    %get3A_0 = arith.constant 0 : index
    %get3A_1 = vector.load %arg2[%get3A, %get3A_0] : memref<256x128xf32, #tpu.memory_space<vmem>>, vector<256x128xf32>
    %get3A_2 = arith.constant 0 : index
    %get3A_3 = arith.constant 0 : index
    %get3A_4 = arith.constant 0 : index
    %get3A_5 = vector.load %arg1[%get3A_2, %get3A_3, %get3A_4] : memref<2x256x128xf32, #tpu.memory_space<vmem>>, vector<1x256x128xf32>
    %get3A_6 = vector.shape_cast %get3A_5 : vector<1x256x128xf32> to vector<256x128xf32>
    %mul3A = arith.mulf %get3A_6, %get3A_1 : vector<256x128xf32>
    %get3A_7 = arith.constant 0 : index
    %get3A_8 = arith.constant 0 : index
    %get3A_9 = vector.load %arg3[%get3A_7, %get3A_8] : memref<8x256xf32, #tpu.memory_space<vmem>>, vector<1x128xf32>
    %add3A = vector.broadcast %get3A_9 : vector<1x128xf32> to vector<256x128xf32>
    %add3A_10 = arith.addf %mul3A, %add3A : vector<256x128xf32>
    %max3A = arith.constant 0.000000e+00 : f32
    %max3A_11 = vector.broadcast %max3A : f32 to vector<256x128xf32>
    %max3A_12 = arith.maximumf %add3A_10, %max3A_11 : vector<256x128xf32>
    %get3A_13 = arith.constant 1 : index
    %get3A_14 = arith.constant 0 : index
    %get3A_15 = arith.constant 0 : index
    %get3A_16 = vector.load %arg1[%get3A_13, %get3A_14, %get3A_15] : memref<2x256x128xf32, #tpu.memory_space<vmem>>, vector<1x256x128xf32>
    %get3A_17 = vector.shape_cast %get3A_16 : vector<1x256x128xf32> to vector<256x128xf32>
    %mul3A_18 = arith.mulf %get3A_17, %get3A_1 : vector<256x128xf32>
    %get3A_19 = arith.constant 0 : index
    %get3A_20 = arith.constant 128 : index
    %get3A_21 = vector.load %arg3[%get3A_19, %get3A_20] : memref<8x256xf32, #tpu.memory_space<vmem>>, vector<1x128xf32>
    %add3A_22 = vector.broadcast %get3A_21 : vector<1x128xf32> to vector<256x128xf32>
    %add3A_23 = arith.addf %mul3A_18, %add3A_22 : vector<256x128xf32>
    %max3A_24 = arith.constant 0.000000e+00 : f32
    %max3A_25 = vector.broadcast %max3A_24 : f32 to vector<256x128xf32>
    %max3A_26 = arith.maximumf %add3A_23, %max3A_25 : vector<256x128xf32>
    %mul3A_27 = arith.mulf %max3A_12, %get3A_1 : vector<256x128xf32>
    %get3A_28 = arith.constant 0 : index
    %get3A_29 = arith.constant 0 : index
    %get3A_30 = arith.constant 0 : index
    %get3A_31 = vector.load %arg4[%get3A_28, %get3A_29, %get3A_30] : memref<2x128x128xf32, #tpu.memory_space<vmem>>, vector<1x128x128xf32>
    %get3A_32 = vector.shape_cast %get3A_31 : vector<1x128x128xf32> to vector<128x128xf32>
    %dot_general3A = arith.constant dense<0.000000e+00> : vector<256x128xf32>
    %dot_general3A_33 = tpu.matmul %mul3A_27, %get3A_32, %dot_general3A {dimension_numbers = #tpu.dot_dimension_numbers<[1], [0], [0], [1], [0, 0, 1, 1], [], []>, transpose_lhs_hint = false} : vector<256x128xf32>, vector<128x128xf32>, vector<256x128xf32> -> vector<256x128xf32>
    %mul3A_34 = arith.mulf %max3A_26, %get3A_1 : vector<256x128xf32>
    %get3A_35 = arith.constant 1 : index
    %get3A_36 = arith.constant 0 : index
    %get3A_37 = arith.constant 0 : index
    %get3A_38 = vector.load %arg4[%get3A_35, %get3A_36, %get3A_37] : memref<2x128x128xf32, #tpu.memory_space<vmem>>, vector<1x128x128xf32>
    %get3A_39 = vector.shape_cast %get3A_38 : vector<1x128x128xf32> to vector<128x128xf32>
    %dot_general3A_40 = arith.constant dense<0.000000e+00> : vector<256x128xf32>
    %dot_general3A_41 = tpu.matmul %mul3A_34, %get3A_39, %dot_general3A_40 {dimension_numbers = #tpu.dot_dimension_numbers<[1], [0], [0], [1], [0, 0, 1, 1], [], []>, transpose_lhs_hint = false} : vector<256x128xf32>, vector<128x128xf32>, vector<256x128xf32> -> vector<256x128xf32>
    %add3A_42 = arith.addf %dot_general3A_33, %dot_general3A_41 : vector<256x128xf32>
    %swap3A = arith.constant 0 : index
    %swap3A_43 = arith.constant 0 : index
    %swap3A_44 = vector.load %arg5[%swap3A, %swap3A_43] : memref<256x128xf32, #tpu.memory_space<vmem>>, vector<256x128xf32>
    tpu.vector_store %arg5[%swap3A, %swap3A_43], %add3A_42 {strides = array<i32>} : memref<256x128xf32, #tpu.memory_space<vmem>>, vector<256x128xf32>,
    return
  }
  func.func @transform_0(%arg0: i32) -> (i32, i32, i32) {
    %c0_i32 = arith.constant 0 : i32
    %c0_i32_0 = arith.constant 0 : i32
    %c0_i32_1 = arith.constant 0 : i32
    return %c0_i32, %arg0, %c0_i32_0 : i32, i32, i32
  }
  func.func @transform_1(%arg0: i32) -> (i32, i32) {
    %c0_i32 = arith.constant 0 : i32
    %c0_i32_0 = arith.constant 0 : i32
    return %arg0, %c0_i32 : i32, i32
  }
  func.func @transform_2(%arg0: i32) -> (i32, i32) {
    %c0_i32 = arith.constant 0 : i32
    %c0_i32_0 = arith.constant 0 : i32
    %c0_i32_1 = arith.constant 0 : i32
    return %c0_i32, %c0_i32_0 : i32, i32
  }
  func.func @transform_3(%arg0: i32) -> (i32, i32, i32) {
    %c0_i32 = arith.constant 0 : i32
    %c0_i32_0 = arith.constant 0 : i32
    %c0_i32_1 = arith.constant 0 : i32
    %c0_i32_2 = arith.constant 0 : i32
    return %c0_i32, %c0_i32_0, %c0_i32_1 : i32, i32, i32
  }
  func.func @transform_4(%arg0: i32) -> (i32, i32) {
    %c0_i32 = arith.constant 0 : i32
    %c0_i32_0 = arith.constant 0 : i32
    return %arg0, %c0_i32 : i32, i32
  }
}

module attributes {stable_mosaic.version = 14 : i64} {
  func.func @body(%arg0: i32, %arg1: memref<2x256x128xf32, #tpu.memory_space<vmem>>, %arg2: memref<256x128xf32, #tpu.memory_space<vmem>>, %arg3: memref<256x128xf32, #tpu.memory_space<vmem>>, %arg4: memref<8x128xf32, #tpu.memory_space<vmem>>, %arg5: memref<256x128xf32, #tpu.memory_space<vmem>>) attributes {dimension_semantics = [#tpu.dimension_semantics<arbitrary>], iteration_bounds = array<i64: 40>, scalar_prefetch = 0 : i64, scratch_operands = 0 : i64, tpu.core_type = #tpu.core_type<tc>, window_params = [{transform_indices = @transform_0, window_bounds = array<i64: 2, 256, 128>}, {transform_indices = @transform_1, window_bounds = array<i64: 256, 128>}, {transform_indices = @transform_2, window_bounds = array<i64: 256, 128>}, {pipeline_mode = #tpu.pipeline_mode<synchronous>, transform_indices = @transform_3, window_bounds = array<i64: 8, 128>}, {transform_indices = @transform_4, window_bounds = array<i64: 256, 128>}]} {
    %get3A = arith.constant 0 : index
    %get3A_0 = arith.constant 0 : index
    %get3A_1 = arith.constant 0 : index
    %get3A_2 = vector.load %arg1[%get3A, %get3A_0, %get3A_1] : memref<2x256x128xf32, #tpu.memory_space<vmem>>, vector<1x256x128xf32>
    %get3A_3 = vector.shape_cast %get3A_2 : vector<1x256x128xf32> to vector<256x128xf32>
    %get3A_4 = arith.constant 1 : index
    %get3A_5 = arith.constant 0 : index
    %get3A_6 = arith.constant 0 : index
    %get3A_7 = vector.load %arg1[%get3A_4, %get3A_5, %get3A_6] : memref<2x256x128xf32, #tpu.memory_space<vmem>>, vector<1x256x128xf32>
    %get3A_8 = vector.shape_cast %get3A_7 : vector<1x256x128xf32> to vector<256x128xf32>
    %add3A = arith.addf %get3A_3, %get3A_8 : vector<256x128xf32>
    %get3A_9 = arith.constant 0 : index
    %get3A_10 = arith.constant 0 : index
    %get3A_11 = vector.load %arg2[%get3A_9, %get3A_10] : memref<256x128xf32, #tpu.memory_space<vmem>>, vector<256x128xf32>
    %sub3A = arith.subf %add3A, %get3A_11 : vector<256x128xf32>
    %get3A_12 = arith.constant 0 : index
    %get3A_13 = arith.constant 0 : index
    %get3A_14 = vector.load %arg3[%get3A_12, %get3A_13] : memref<256x128xf32, #tpu.memory_space<vmem>>, vector<256x128xf32>
    %mul3A = arith.mulf %sub3A, %get3A_14 : vector<256x128xf32>
    %get3A_15 = arith.constant 0 : index
    %get3A_16 = arith.constant 0 : index
    %get3A_17 = vector.load %arg4[%get3A_15, %get3A_16] : memref<8x128xf32, #tpu.memory_space<vmem>>, vector<1x128xf32>
    %add3A_18 = vector.broadcast %get3A_17 : vector<1x128xf32> to vector<256x128xf32>
    %add3A_19 = arith.addf %mul3A, %add3A_18 : vector<256x128xf32>
    %mul3A_20 = arith.mulf %add3A_19, %add3A_19 : vector<256x128xf32>
    %reduce_sum3A = arith.constant dense<0.000000e+00> : vector<256xf32>
    %reduce_sum3A_21 = vector.multi_reduction <add>, %mul3A_20, %reduce_sum3A [1] : vector<256x128xf32> to vector<256xf32>
    %broadcast_in_dim3A = vector.shape_cast %reduce_sum3A_21 : vector<256xf32> to vector<256x1xf32>
    %sqrt3A = math.sqrt %broadcast_in_dim3A : vector<256x1xf32>
    %max3A = arith.constant 9.99999996E-13 : f32
    %max3A_22 = vector.broadcast %max3A : f32 to vector<256x1xf32>
    %max3A_23 = arith.maximumf %sqrt3A, %max3A_22 : vector<256x1xf32>
    %div3A = vector.broadcast %max3A_23 : vector<256x1xf32> to vector<256x128xf32>
    %div3A_24 = arith.divf %add3A_19, %div3A : vector<256x128xf32>
    %swap3A = arith.constant 0 : index
    %swap3A_25 = arith.constant 0 : index
    %swap3A_26 = vector.load %arg5[%swap3A, %swap3A_25] : memref<256x128xf32, #tpu.memory_space<vmem>>, vector<256x128xf32>
    tpu.vector_store %arg5[%swap3A, %swap3A_25], %div3A_24 {strides = array<i32>} : memref<256x128xf32, #tpu.memory_space<vmem>>, vector<256x128xf32>,
    return
  }
  func.func @transform_0(%arg0: i32) -> (i32, i32, i32) {
    %c0_i32 = arith.constant 0 : i32
    %c0_i32_0 = arith.constant 0 : i32
    %c0_i32_1 = arith.constant 0 : i32
    return %c0_i32, %arg0, %c0_i32_0 : i32, i32, i32
  }
  func.func @transform_1(%arg0: i32) -> (i32, i32) {
    %c0_i32 = arith.constant 0 : i32
    %c0_i32_0 = arith.constant 0 : i32
    return %arg0, %c0_i32 : i32, i32
  }
  func.func @transform_2(%arg0: i32) -> (i32, i32) {
    %c0_i32 = arith.constant 0 : i32
    %c0_i32_0 = arith.constant 0 : i32
    return %arg0, %c0_i32 : i32, i32
  }
  func.func @transform_3(%arg0: i32) -> (i32, i32) {
    %c0_i32 = arith.constant 0 : i32
    %c0_i32_0 = arith.constant 0 : i32
    %c0_i32_1 = arith.constant 0 : i32
    return %c0_i32, %c0_i32_0 : i32, i32
  }
  func.func @transform_4(%arg0: i32) -> (i32, i32) {
    %c0_i32 = arith.constant 0 : i32
    %c0_i32_0 = arith.constant 0 : i32
    return %arg0, %c0_i32 : i32, i32
  }
}

</mosaic_0001>

<sc_bundles>
// kernel: kernel.11.cloned.1.call-start
scs
__scs_entry_jumppad:
0x0: {  	(pc) =	sbr.rel $0x88, $3  }
0x1: {  	(tag) =	ssettag $0x0;
	lr =	simm.s32 $0x1  }
0x2: {  	[smem:$0x3F9B] =	sst lr;
	_ =	strace $0xD0000000  }
0x3: {  	_ = 	snop  }
0x4: {  	_ = 	snop  }
0x5: {  	_ = 	snop  }
0x6: {  	_ = 	snop  }
0x7: {  	_ = 	snop  }
__scs_overlays_trampoline_lowered:
0x8: {  	[smem:$0x3FAA] =	sst s0  }
0x9: {  	[smem:$0x3FAB] =	sst s1  }
0xa: {  	[smem:$0x3FAC] =	sst s2  }
0xb: {  	[smem:$0x3FAD] =	sst s3  }
0xc: {  	[smem:$0x3FAE] =	sst s4  }
0xd: {  	[smem:$0x3FAF] =	sst s5  }
0xe: {  	[smem:$0x3FB0] =	sst s6  }
0xf: {  	[smem:$0x3FB1] =	sst s7  }
0x10: {  	[smem:$0x3FB2] =	sst s8  }
0x11: {  	[smem:$0x3FB3] =	sst s9;
	s0 =	simm.s32 @!p0 $0x0  }
0x12: {  	s1 =	sld [smem:$0x3F99];
	s0 =	simm.s32 @p0 $0x1  }
0x13: {  	[smem:$0x3FB4] =	sst s0;
	s0 =	simm.s32 @!p1 $0x0  }
0x14: {  	s2 =	sld [smem:$0x3F98];
	s0 =	simm.s32 @p1 $0x1  }
0x15: {  	[smem:$0x3FB5] =	sst s0;
	s0 =	simm.s32 @!p2 $0x0  }
0x16: {  	s3 =	sld [smem:$0x3FDB];
	s0 =	simm.s32 @p2 $0x1  }
0x17: {  	s4 =	simm.s32 $0x1BF5;
	[smem:$0x3FB7] =	sst s0  }
0x18: {  	s0 =	sld [smem:$0x3F9A];
	_ =	swait.ge [sflag:s4], $0x0  }
0x19: {  	s7 =	sld [smem:$0x3F9B]  }
0x1a: {  	s8 =	sadd.s32 $0xFFFFE003, lr  }
0x1b: {  	s9 =	sadd.s32 $0xFFFFFEF7, lr;
	s5 =	simm.s32 $0xFFFFFFFF;
	p2 =	slt.u32 s8, $0xFFFFF086  }
0x1c: {  	p1 =	slt.u32 s9, $0xF7A;
	s5 =	simm.s32 @!p2 $0x0  }
0x1d: {  	s5 =	simm.s32 @p1 $0x1;
	p0 =	seq.s32 s7, s2  }
0x1e: {  	s7 =	smul.u32 @!p0 $0xF7A, s2;
	p2 =	seq.s32 @!p0 s5, $0x0  }
0x1f: {  	s9 =	smul.u32 $0xF7A, s1;
	s8 =	simm.s32 @!p0 $0x1BF5;
	p2 =	por !p2, p0  }
0x20: {  	[sflag:s8] =	ssyncset.s32 @!p0 $0xFFFFF086;
	s6 =	sadd.s32 @!p0 s3, s7;
	s7 =	simm.s32 @!p0 $0x108  }
0x21: {  	s3 =	sadd.s32 s3, s9;
	s6 =	sadd.s32 @!p0 $0x88, s6;
	s7 =	simm.s32 @p2 $0x1082  }
0x22: {  	[simem:s7], [sflag:s8] =	dma.local @!p0 [hbm:s6], $0xF7A  }
0x23: {  	s9 =	sor.u32 $0xD0000000, s2;
	s6 =	simm.s32 $0x108;
	_ =	swait.ge @!p0 [sflag:s8], $0x0  }
0x24: {  	s3 =	sadd.s32 $0x88, s3;
	s6 =	simm.s32 @!p1 $0x1082;
	[sflag:s4] =	ssyncset.s32 $0xFFFFF086  }
0x25: {  	[simem:s6], [sflag:s4] =	dma.local [hbm:s3], $0xF7A  }
0x26: {  	[smem:$0x3F9B] =	sst s1;
	(tag) =	ssettag s2;
	_ =	strace s9  }
0x27: {  	s1 =	sld [smem:$0x3FAB]  }
0x28: {  	s2 =	sld [smem:$0x3FAC]  }
0x29: {  	s4 =	sld [smem:$0x3FAE]  }
0x2a: {  	p0 =	seq.s32 s5, $0x0;
	s5 =	sld [smem:$0x3FAF]  }
0x2b: {  	s6 =	sld [smem:$0x3FB0]  }
0x2c: {  	s7 =	sld [smem:$0x3FB1]  }
0x2d: {  	s3 =	simm.s32 $0x108;
	s8 =	sld [smem:$0x3FB2]  }
0x2e: {  	s3 =	simm.s32 @!p0 $0x1082;
	s9 =	sld [smem:$0x3FB3]  }
0x2f: {  	lr =	sadd.s32 s0, s3;
	s0 =	sld [smem:$0x3FAA]  }
0x30: {  	s3 =	sld [smem:$0x3FAD]  }
0x31: {  	[smem:$0x3FB6] =	sst s10  }
0x32: {  	s10 =	sld [smem:$0x3FB4];
	_ =	sdelay $0x3  }
0x33: {  	p0 =	seq.s32 s10, $0x1;
	s10 =	sld [smem:$0x3FB6];
	_ =	sdelay $0x3  }
0x34: {  	[smem:$0x3FB6] =	sst s10  }
0x35: {  	s10 =	sld [smem:$0x3FB5];
	_ =	sdelay $0x3  }
0x36: {  	p1 =	seq.s32 s10, $0x1;
	s10 =	sld [smem:$0x3FB6];
	_ =	sdelay $0x3  }
0x37: {  	[smem:$0x3FB6] =	sst s10  }
0x38: {  	s10 =	sld [smem:$0x3FB7]  }
0x39: {  	_ = 	snop;
	(pc) =	sbr.ind lr, $3  }
0x3a: {  	_ = 	snop  }
0x3b: {  	_ = 	snop  }
0x3c: {  	p2 =	seq.s32 s10, $0x1;
	s10 =	sld [smem:$0x3FB6]  }
0x3d: {  	_ =	shalt  }
0x3e: {  	_ =	shalt  }
0x3f: {  	_ =	shalt  }
0x40: {  	_ =	shalt  }
0x41: {  	_ =	shalt  }
0x42: {  	_ =	shalt  }
0x43: {  	_ =	shalt  }
0x44: {  	_ =	shalt  }
0x45: {  	_ =	shalt  }
0x46: {  	_ =	shalt  }
0x47: {  	_ =	shalt  }
0x48: {  	_ =	shalt  }
0x49: {  	_ =	shalt  }
0x4a: {  	_ =	shalt  }
0x4b: {  	_ =	shalt  }
0x4c: {  	_ =	shalt  }
0x4d: {  	_ =	shalt  }
0x4e: {  	_ =	shalt  }
0x4f: {  	_ =	shalt  }
0x50: {  	_ =	shalt  }
0x51: {  	_ =	shalt  }
0x52: {  	_ =	shalt  }
0x53: {  	_ =	shalt  }
0x54: {  	_ =	shalt  }
0x55: {  	_ =	shalt  }
0x56: {  	_ =	shalt  }
0x57: {  	_ =	shalt  }
0x58: {  	_ =	shalt  }
0x59: {  	_ =	shalt  }
0x5a: {  	_ =	shalt  }
0x5b: {  	_ =	shalt  }
0x5c: {  	_ =	shalt  }
0x5d: {  	_ =	shalt  }
0x5e: {  	_ =	shalt  }
0x5f: {  	_ =	shalt  }
0x60: {  	_ =	shalt  }
0x61: {  	_ =	shalt  }
0x62: {  	_ =	shalt  }
0x63: {  	_ =	shalt  }
0x64: {  	_ =	shalt  }
0x65: {  	_ =	shalt  }
0x66: {  	_ =	shalt  }
0x67: {  	_ =	shalt  }
0x68: {  	_ =	shalt  }
0x69: {  	_ =	shalt  }
0x6a: {  	_ =	shalt  }
0x6b: {  	_ =	shalt  }
0x6c: {  	_ =	shalt  }
0x6d: {  	_ =	shalt  }
0x6e: {  	_ =	shalt  }
0x6f: {  	_ =	shalt  }
0x70: {  	_ =	shalt  }
0x71: {  	_ =	shalt  }
0x72: {  	_ =	shalt  }
0x73: {  	_ =	shalt  }
0x74: {  	_ =	shalt  }
0x75: {  	_ =	shalt  }
0x76: {  	_ =	shalt  }
0x77: {  	_ =	shalt  }
0x78: {  	_ =	shalt  }
0x79: {  	_ =	shalt  }
0x7a: {  	_ =	shalt  }
0x7b: {  	_ =	shalt  }
0x7c: {  	_ =	shalt  }
0x7d: {  	_ =	shalt  }
0x7e: {  	_ =	shalt  }
0x7f: {  	_ =	shalt  }
0x80: {  	_ =	shalt  }
0x81: {  	_ =	shalt  }
0x82: {  	_ =	shalt  }
0x83: {  	_ =	shalt  }
0x84: {  	_ =	shalt  }
0x85: {  	_ =	shalt  }
0x86: {  	_ =	shalt  }
0x87: {  	_ =	shalt  }
.Lfunc_end0:
.L_simem_size_0:
called_computation.1_lowered:
.L_overlay_start_0:
0x88: {  	s2 =	sld [smem:$0x3FD9]  }
0x89: {  	s3 =	sld [smem:$0x3FFE];
	_ =	sdelay $0x1  }
0x8a: {  	s1 =	srdreg.scid  }
0x8b: {  	s0 =	sand.u32 $0x1, s1  }
0x8c: {  	s16 =	sshll.u32 s0, $0xA;
	s2 =	sadd.s32 s3, s2  }
0x8d: {  	s2 =	sadd.s32 s2, s16  }
0x8e: {  	[smem:$0x3FC2] =	sst s2  }
0x8f: {  	_ = 	snop  }
0x90: {  	(tm) =	ssettm $0x1  }
0x91: {  	s17 =	sld [smem:$0x3FFB];
	_ =	sdelay $0x3  }
0x92: {  	_ =	strace s17  }
0x93: {  	s2 =	sld [smem:$0x3FFC];
	_ =	sdelay $0x3  }
0x94: {  	_ =	strace s2  }
0x95: {  	s2 =	sld [smem:$0x3FFD];
	_ =	sdelay $0x3  }
0x96: {  	_ =	strace s2  }
0x97: {  	_ =	strace $0x8FFFFFFF  }
0x98: {  	s18 =	sld [smem:$0x3FDB];
	_ =	sdelay $0x1  }
0x99: {  	s19 =	simm.s32 $_scs_section_size  }
0x9a: {  	s4 =	simm.s32 $_size__tile_overlayer_lowered;
	s5 =	simm.s32 $_tile_overlayer_lowered  }
0x9b: {  	s22 =	simm.s32 $0x1BFF;
	s21 =	sshll.u32 s5, $0x1;
	s2 =	sadd.s32 s19, s18  }
0x9c: {  	s6 =	simm.s32 $0x0;
	s20 =	sshll.u32 s4, $0x1;
	s4 =	sadd.s32 s21, s2  }
0x9d: {  	[timem:s6], [sflag:s22] =	dma.local [hbm:s4], s20  }
0x9e: {  	_ =	swait.ge [sflag:s22], s20  }
0x9f: {  	s3 =	ssub.s32 $0x0, s20;
	[sflag:s22] =	ssyncset.done $0x0  }
0xa0: {  	[sflag:s22] =	ssyncadd.s32 s3;
	_ =	sdelay $0x1  }
0xa1: {  	s23 =	simm.s32 $0x1B8B  }
0xa2: {  	_ =	swait.ge [sflag:s23], $0x1  }
0xa3: {  	[sflag:s23] =	ssyncset.done $0x0  }
0xa4: {  	s25 =	simm.s32 $0x1B8E;
	s24 =	sld [smem:$0x3FFE];
	[sflag:s23] =	ssyncadd.s32 $0xFFFFFFFF  }
0xa5: {  	s26 =	simm.s32 $execute0_lowered;
	[smem:$0x3FD2] =	sst s25  }
0xa6: {  	s4 =	sshll.u32 s26, $0x1;
	_ =	strace $0x80000049;
	[dreg:$0x1] =	wrdreg $0xFFFFFFFF  }
0xa7: {  	s28 =	simm.s32 $_size_execute0_lowered;
	s2 =	sadd.s32 s2, s4;
	[dreg:$0x0] =	wrdreg $0x0  }
0xa8: {  	s4 =	sshll.u32 s28, $0x1;
	[dreg:$0x2] =	wrdreg s2  }
0xa9: {  	[dreg:$0x3] =	wrdreg s4  }
0xaa: {  	[dreg:$0x4] =	wrdreg $0xC0  }
0xab: {  	_ =	task [dreg:s6], $0x5FFFF  }
0xac: {  	[dreg:$0x1] =	wrdreg $0xFFFFFFFF  }
0xad: {  	[dreg:$0x0] =	wrdreg $0x60  }
0xae: {  	[dreg:$0x2] =	wrdreg s24  }
0xaf: {  	[dreg:$0x3] =	wrdreg $0x0  }
0xb0: {  	[dreg:$0x4] =	wrdreg $0x9  }
0xb1: {  	_ =	task.clear_ibuf [dreg:s6], $0x5FFFF;
	_ =	strace $0x90000049  }
0xb2: {  	s29 =	simm.s32 $0x9;
	_ =	strace $0x8000004B  }
0xb3: {  	_ =	swait.ge [sflag:s29], $0x1  }
0xb4: {  	[sflag:s29] =	ssyncadd.s32 $0xFFFFFFFF  }
0xb5: {  	_ =	strace $0x9000004B  }
0xb6: {  	_ =	sfence  }
0xb7: {  	s30 =	sld [smem:$0x0];
	_ =	sdelay $0x2  }
0xb8: {  	s31 =	sshll.u32 s1, $0xD;
	s1 =	sshrl.u32 s1, $0x2  }
0xb9: {  	s3 =	sand.u32 $0x4000, s31;
	s1 =	sadd.s32 s1, s30  }
0xba: {  	s0 =	sor.u32 s3, s0;
	s1 =	sshll.u32 s1, $0x11  }
0xbb: {  	s0 =	sor.u32 s1, s0  }
0xbc: {  	s0 =	sadd.s32 $0x8F2B, s0  }
0xbd: {  	[sflag:s0] =	ssyncadd.remote.s32 $0x1  }
0xbe: {  	_ =	sfence.sel $0xFFFF  }
0xbf: {  	[dreg:$0x0] =	wrdreg $0xFFFFFFFF;
	(pc) =	sbr.abs _section_cstart, $3  }
0xc0: {  	[dreg:$0x1] =	wrdreg $0xFFFFFFFF  }
0xc1: {  	_ =	task.clear_ibuf [dreg:s6], $0x2FFFF;
	_ =	strace $0x9FFFFFFF  }
0xc2: {  	(tm) =	ssettm $0x7FFFFFFF  }
0xc3: {  	_ =	shalt  }
tec
execute0_lowered:
.L_overlay_start_1:
0x0: {  	(tag) =	ssettag $0x1  }
0x1: {  	s0 =	rddreg [dreg:$0x0]  }
0x2: {  	s1 =	rddreg [dreg:$0x1]  }
0x3: {  	s2 =	srdreg.scid;
	s3 =	simm.s32 $0x0;
	s11 =	stileid.u32  }
0x4: {  	s18 =	simm.s32 $0x14000;
	s19 =	simm.s32 $0x14200;
	s28 =	simm.s32 $0x3  }
0x5: {  	s29 =	simm.s32 $0x80;
	s30 =	simm.s32 $0x14400;
	s4 =	smul.u32 $0x14000, s11  }
0x6: {  	s31 =	simm.s32 $0x4;
	s2 =	sand.u32 $0x1, s2;
	s5 =	smul.u32 $0xA80, s11  }
0x7: {  	[smem:$0x7FF] =	sst s3;
	s7 =	sadd.s32 $0x2400, s0;
	s21 =	smul.u32 $0x50000, s11  }
0x8: {  	s26 =	sshll.u32 s11, $0x6;
	s6 =	smul.u32 $0x140000, s2;
	_ =	strace $0x8000004A  }
0x9: {  	s2 =	ssub.s32 $0x2, s2;
	s14 =	sor.u32 $0x1C07, s26;
	s26 =	simm.s32 $0x7  }
0xa: {  	s8 =	sadd.s32 s5, s0;
	s20 =	sshrl.u32 s2, $0x1;
	s25 =	sshrl.u32 s21, $0x2  }
0xb: {  	s21 =	simm.s32 $0x14280;
	s4 =	sadd.s32 s4, s6;
	s10 =	sadd.s32 $0x7AC10, s8  }
0xc: {  	s2 =	ssub.s32 s2, s20;
	s12 =	sadd.s32 $0x85410, s8;
	[dreg:$0x3] =	wrdreg s10  }
0xd: {  	s5 =	sadd.s32 $0x85400, s8;
	s22 =	sadd.s32 $0x7AC20, s8;
	[dreg:$0x4] =	wrdreg s12  }
0xe: {  	s23 =	sadd.s32 $0x85420, s8;
	s24 =	sadd.s32 $0x7AC30, s8;
	[dreg:$0x5] =	wrdreg s22  }
0xf: {  	s6 =	sshrl.u32 s6, $0x3;
	s20 =	simm.s32 $0x14080;
	[dreg:$0x6] =	wrdreg s23  }
0x10: {  	s9 =	sshrl.u32 s4, $0x3;
	s4 =	sadd.s32 $0x7AC00, s8;
	[dreg:$0x7] =	wrdreg s24  }
0x11: {  	s8 =	sadd.s32 $0x85430, s8;
	s15 =	sadd.s32 s7, s6;
	s17 =	smax.u32 s2, $0x1  }
0x12: {  	s22 =	simm.s32 $0x14100;
	s23 =	simm.s32 $0x14300;
	s24 =	simm.s32 $0x14180  }
0x13: {  	s2 =	simm.s32 $0x1;
	s6 =	simm.s32 $0x5;
	s0 =	sadd.s32 s9, s0  }
0x14: {  	[dreg:$0x8] =	wrdreg s8;
	s8 =	sadd.s32 s25, s1;
	s9 =	sadd.s32 s7, s9  }
0x15: {  	s25 =	simm.s32 $0x14380;
	s7 =	simm.s32 $0x2;
	[dreg:$0x9] =	wrdreg s8  }
0x16: {  	[dreg:$0xa] =	wrdreg s9;
	s0 =	sadd.s32 $0x8FC00, s0;
	s8 =	simm.s32 $0x6  }
0x17: {  	s9 =	simm.s32 $0x0;
	[dreg:$0xb] =	wrdreg s0;
	s0 =	simm.s32 $0x18400  }
.LBB2_1:
0x18: {  	[tilespmem:s18], [sflag:$0x3] =	stream.linear.gather [hbm4b:s4+s3], $0x80, $0x38;
	[tilespmem:$0x1C400] =	vst v63  }
0x19: {  	s10 =	rddreg [dreg:$0x3]  }
0x1a: {  	s12 =	rddreg [dreg:$0x4]  }
0x1b: {  	[tilespmem:s19], [sflag:$0x3] =	stream.linear.gather [hbm4b:s5+s3], $0x80, $0x38;
	[tilespmem:$0x1C400] =	vst v63  }
0x1c: {  	s13 =	rddreg [dreg:$0x5]  }
0x1d: {  	[tilespmem:s20], [sflag:$0x4] =	stream.linear.gather [hbm4b:s10+s3], $0x80, $0x38;
	[tilespmem:$0x1C400] =	vst v63  }
0x1e: {  	s16 =	rddreg [dreg:$0x6]  }
0x1f: {  	[tilespmem:s21], [sflag:$0x4] =	stream.linear.gather [hbm4b:s12+s3], $0x80, $0x38;
	[tilespmem:$0x1C400] =	vst v63  }
0x20: {  	s11 =	rddreg [dreg:$0x7]  }
0x21: {  	[tilespmem:s22], [sflag:$0x5] =	stream.linear.gather [hbm4b:s13+s3], $0x80, $0x38;
	[tilespmem:$0x1C400] =	vst v63  }
0x22: {  	s12 =	rddreg [dreg:$0x8]  }
0x23: {  	[tilespmem:s23], [sflag:$0x5] =	stream.linear.gather [hbm4b:s16+s3], $0x80, $0x38;
	[tilespmem:$0x1C400] =	vst v63  }
0x24: {  	s13 =	rddreg [dreg:$0x9]  }
0x25: {  	[tilespmem:s24], [sflag:$0x6] =	stream.linear.gather [hbm4b:s11+s3], $0x80, $0x38;
	[tilespmem:$0x1C400] =	vst v63  }
0x26: {  	s10 =	sshrl.u32 s13, $0x3;
	s11 =	rddreg [dreg:$0xa]  }
0x27: {  	[tilespmem:s25], [sflag:$0x6] =	stream.linear.gather [hbm4b:s12+s3], $0x80, $0x38;
	[tilespmem:$0x1C400] =	vst v63  }
0x28: {  	[spmem:s10], [sflag:s14] =	dma.local [hbm:s11], $0x2800  }
0x29: {  	_ =	swait.ge [sflag:s26], $0x2800  }
0x2a: {  	[sflag:s26] =	ssyncset.done $0x0  }
0x2b: {  	[sflag:s26] =	ssyncadd.s32 $0xFFFFD800  }
0x2c: {  	[bflag:$0x0] =	sbarrier.arrive $0xFFFF  }
0x2d: {  	_ =	swait.ge [sflag:s28], $0x80  }
0x2e: {  	[sflag:s28] =	ssyncset.done $0x0  }
0x2f: {  	[sflag:s28] =	ssyncadd.s32 $0xFFFFFF80  }
0x30: {  	_ =	swait.ge [sflag:s28], $0x80  }
0x31: {  	[sflag:s28] =	ssyncset.done $0x0  }
0x32: {  	[sflag:s28] =	ssyncadd.s32 $0xFFFFFF80  }
0x33: {  	[tilespmem:s30], [sflag:$0x1] =	stream.indirect.gather [hbm4b:s15+s29], $0x80, s18, s29, $0xb8;
	[tilespmem:$0x1C400] =	vst v63  }
0x34: {  	_ =	swait.ge [sflag:s31], $0x80  }
0x35: {  	[sflag:s31] =	ssyncset.done $0x0  }
0x36: {  	[sflag:s31] =	ssyncadd.s32 $0xFFFFFF80  }
0x37: {  	_ =	swait.ge [sflag:s31], $0x80  }
0x38: {  	[sflag:s31] =	ssyncset.done $0x0  }
0x39: {  	[sflag:s31] =	ssyncadd.s32 $0xFFFFFF80  }
0x3a: {  	[tilespmem:s0], [sflag:$0x2] =	stream.indirect.gather [hbm4b:s15+s29], $0x80, s20, s29, $0xb8;
	[tilespmem:$0x1C400] =	vst v63  }
0x3b: {  	_ =	swait.ge [sflag:s2], $0x4000  }
0x3c: {  	[sflag:s2] =	ssyncset.done $0x0  }
0x3d: {  	[sflag:s2] =	ssyncadd.s32 $0xFFFFC000  }
0x3e: {  	[spmem:s1] =	stream.indirect.scatter.add.f32 [tilespmem:s30], [sflag:$0x7], $0x80, s19, s29, $0xb8;
	[tilespmem:$0x1C400] =	vst v63  }
0x3f: {  	_ =	swait.ge [sflag:s26], $0x4000  }
0x40: {  	s11 =	sadd.s32 $0x0, s4;
	[sflag:s26] =	ssyncset.done $0x0  }
0x41: {  	s13 =	sadd.s32 $0x0, s5;
	s12 =	sadd.s32 $0x40, s11;
	[sflag:s26] =	ssyncadd.s32 $0xFFFFC000  }
0x42: {  	[tilespmem:s18], [sflag:$0x3] =	stream.linear.gather [hbm4b:s12+s3], $0x80, $0x38;
	[tilespmem:$0x1C400] =	vst v63  }
0x43: {  	s16 =	sadd.s32 $0x40, s13  }
0x44: {  	[tilespmem:s19], [sflag:$0x3] =	stream.linear.gather [hbm4b:s16+s3], $0x80, $0x38;
	[tilespmem:$0x1C400] =	vst v63  }
0x45: {  	_ =	swait.ge [sflag:s6], $0x80  }
0x46: {  	[sflag:s6] =	ssyncset.done $0x0  }
0x47: {  	[sflag:s6] =	ssyncadd.s32 $0xFFFFFF80  }
0x48: {  	_ =	swait.ge [sflag:s6], $0x80  }
0x49: {  	[sflag:s6] =	ssyncset.done $0x0  }
0x4a: {  	[sflag:s6] =	ssyncadd.s32 $0xFFFFFF80  }
0x4b: {  	[tilespmem:s30], [sflag:$0x1] =	stream.indirect.gather [hbm4b:s15+s29], $0x80, s22, s29, $0xb8;
	[tilespmem:$0x1C400] =	vst v63  }
0x4c: {  	_ =	swait.ge [sflag:s7], $0x4000  }
0x4d: {  	[sflag:s7] =	ssyncset.done $0x0  }
0x4e: {  	[sflag:s7] =	ssyncadd.s32 $0xFFFFC000  }
0x4f: {  	[spmem:s1] =	stream.indirect.scatter.add.f32 [tilespmem:s0], [sflag:$0x7], $0x80, s21, s29, $0xb8;
	[tilespmem:$0x1C400] =	vst v63  }
0x50: {  	_ =	swait.ge [sflag:s26], $0x4000  }
0x51: {  	[sflag:s26] =	ssyncset.done $0x0  }
0x52: {  	s16 =	sadd.s32 $0x50, s11;
	[sflag:s26] =	ssyncadd.s32 $0xFFFFC000  }
0x53: {  	[tilespmem:s20], [sflag:$0x4] =	stream.linear.gather [hbm4b:s16+s3], $0x80, $0x38;
	[tilespmem:$0x1C400] =	vst v63  }
0x54: {  	s16 =	sadd.s32 $0x50, s13  }
0x55: {  	[tilespmem:s21], [sflag:$0x4] =	stream.linear.gather [hbm4b:s16+s3], $0x80, $0x38;
	[tilespmem:$0x1C400] =	vst v63  }
0x56: {  	_ =	swait.ge [sflag:s8], $0x80  }
0x57: {  	[sflag:s8] =	ssyncset.done $0x0  }
0x58: {  	[sflag:s8] =	ssyncadd.s32 $0xFFFFFF80  }
0x59: {  	_ =	swait.ge [sflag:s8], $0x80  }
0x5a: {  	[sflag:s8] =	ssyncset.done $0x0  }
0x5b: {  	[sflag:s8] =	ssyncadd.s32 $0xFFFFFF80  }
0x5c: {  	[tilespmem:s0], [sflag:$0x2] =	stream.indirect.gather [hbm4b:s15+s29], $0x80, s24, s29, $0xb8;
	[tilespmem:$0x1C400] =	vst v63  }
0x5d: {  	_ =	swait.ge [sflag:s2], $0x4000  }
0x5e: {  	[sflag:s2] =	ssyncset.done $0x0  }
0x5f: {  	[sflag:s2] =	ssyncadd.s32 $0xFFFFC000  }
0x60: {  	[spmem:s1] =	stream.indirect.scatter.add.f32 [tilespmem:s30], [sflag:$0x7], $0x80, s23, s29, $0xb8;
	[tilespmem:$0x1C400] =	vst v63  }
0x61: {  	_ =	swait.ge [sflag:s26], $0x4000  }
0x62: {  	[sflag:s26] =	ssyncset.done $0x0  }
0x63: {  	s16 =	sadd.s32 $0x60, s11;
	[sflag:s26] =	ssyncadd.s32 $0xFFFFC000  }
0x64: {  	[tilespmem:s22], [sflag:$0x5] =	stream.linear.gather [hbm4b:s16+s3], $0x80, $0x38;
	[tilespmem:$0x1C400] =	vst v63  }
0x65: {  	s16 =	sadd.s32 $0x60, s13  }
0x66: {  	[tilespmem:s23], [sflag:$0x5] =	stream.linear.gather [hbm4b:s16+s3], $0x80, $0x38;
	[tilespmem:$0x1C400] =	vst v63  }
0x67: {  	_ =	swait.ge [sflag:s28], $0x80  }
0x68: {  	[sflag:s28] =	ssyncset.done $0x0  }
0x69: {  	[sflag:s28] =	ssyncadd.s32 $0xFFFFFF80  }
0x6a: {  	_ =	swait.ge [sflag:s28], $0x80  }
0x6b: {  	[sflag:s28] =	ssyncset.done $0x0  }
0x6c: {  	[sflag:s28] =	ssyncadd.s32 $0xFFFFFF80  }
0x6d: {  	[tilespmem:s30], [sflag:$0x1] =	stream.indirect.gather [hbm4b:s15+s29], $0x80, s18, s29, $0xb8;
	[tilespmem:$0x1C400] =	vst v63  }
0x6e: {  	_ =	swait.ge [sflag:s7], $0x4000  }
0x6f: {  	[sflag:s7] =	ssyncset.done $0x0  }
0x70: {  	[sflag:s7] =	ssyncadd.s32 $0xFFFFC000  }
0x71: {  	[spmem:s1] =	stream.indirect.scatter.add.f32 [tilespmem:s0], [sflag:$0x7], $0x80, s25, s29, $0xb8;
	[tilespmem:$0x1C400] =	vst v63  }
0x72: {  	_ =	swait.ge [sflag:s26], $0x4000  }
0x73: {  	[sflag:s26] =	ssyncset.done $0x0  }
0x74: {  	s11 =	sadd.s32 $0x70, s11;
	[sflag:s26] =	ssyncadd.s32 $0xFFFFC000  }
0x75: {  	[tilespmem:s24], [sflag:$0x6] =	stream.linear.gather [hbm4b:s11+s3], $0x80, $0x38;
	[tilespmem:$0x1C400] =	vst v63  }
0x76: {  	s16 =	sadd.s32 $0x70, s13  }
0x77: {  	[tilespmem:s25], [sflag:$0x6] =	stream.linear.gather [hbm4b:s16+s3], $0x80, $0x38;
	[tilespmem:$0x1C400] =	vst v63  }
0x78: {  	_ =	swait.ge [sflag:s31], $0x80  }
0x79: {  	[sflag:s31] =	ssyncset.done $0x0  }
0x7a: {  	[sflag:s31] =	ssyncadd.s32 $0xFFFFFF80  }
0x7b: {  	_ =	swait.ge [sflag:s31], $0x80  }
0x7c: {  	[sflag:s31] =	ssyncset.done $0x0  }
0x7d: {  	s11 =	simm.s32 $0x40;
	[sflag:s31] =	ssyncadd.s32 $0xFFFFFF80  }
.LBB2_2:
0x7e: {  	[tilespmem:s0], [sflag:$0x2] =	stream.indirect.gather [hbm4b:s15+s29], $0x80, s20, s29, $0xb8;
	[tilespmem:$0x1C400] =	vst v63  }
0x7f: {  	s13 =	smov.u32 s11  }
0x80: {  	p0 =	sne.s32 s11, $0x980;
	s11 =	sadd.s32 $0x40, s11;
	_ =	swait.ge [sflag:s2], $0x4000  }
0x81: {  	[sflag:s2] =	ssyncset.done $0x0  }
0x82: {  	[sflag:s2] =	ssyncadd.s32 $0xFFFFC000  }
0x83: {  	[spmem:s1] =	stream.indirect.scatter.add.f32 [tilespmem:s30], [sflag:$0x7], $0x80, s19, s29, $0xb8;
	[tilespmem:$0x1C400] =	vst v63  }
0x84: {  	_ =	swait.ge [sflag:s26], $0x4000  }
0x85: {  	s12 =	sadd.s32 s13, s4;
	[sflag:s26] =	ssyncset.done $0x0  }
0x86: {  	s13 =	sadd.s32 s13, s5;
	s16 =	sadd.s32 $0x40, s12;
	[sflag:s26] =	ssyncadd.s32 $0xFFFFC000  }
0x87: {  	[tilespmem:s18], [sflag:$0x3] =	stream.linear.gather [hbm4b:s16+s3], $0x80, $0x38;
	[tilespmem:$0x1C400] =	vst v63  }
0x88: {  	s16 =	sadd.s32 $0x40, s13  }
0x89: {  	[tilespmem:s19], [sflag:$0x3] =	stream.linear.gather [hbm4b:s16+s3], $0x80, $0x38;
	[tilespmem:$0x1C400] =	vst v63  }
0x8a: {  	_ =	swait.ge [sflag:s6], $0x80  }
0x8b: {  	[sflag:s6] =	ssyncset.done $0x0  }
0x8c: {  	[sflag:s6] =	ssyncadd.s32 $0xFFFFFF80  }
0x8d: {  	_ =	swait.ge [sflag:s6], $0x80  }
0x8e: {  	[sflag:s6] =	ssyncset.done $0x0  }
0x8f: {  	[sflag:s6] =	ssyncadd.s32 $0xFFFFFF80  }
0x90: {  	[tilespmem:s30], [sflag:$0x1] =	stream.indirect.gather [hbm4b:s15+s29], $0x80, s22, s29, $0xb8;
	[tilespmem:$0x1C400] =	vst v63  }
0x91: {  	_ =	swait.ge [sflag:s7], $0x4000  }
0x92: {  	[sflag:s7] =	ssyncset.done $0x0  }
0x93: {  	[sflag:s7] =	ssyncadd.s32 $0xFFFFC000  }
0x94: {  	[spmem:s1] =	stream.indirect.scatter.add.f32 [tilespmem:s0], [sflag:$0x7], $0x80, s21, s29, $0xb8;
	[tilespmem:$0x1C400] =	vst v63  }
0x95: {  	_ =	swait.ge [sflag:s26], $0x4000  }
0x96: {  	[sflag:s26] =	ssyncset.done $0x0  }
0x97: {  	s16 =	sadd.s32 $0x50, s12;
	[sflag:s26] =	ssyncadd.s32 $0xFFFFC000  }
0x98: {  	[tilespmem:s20], [sflag:$0x4] =	stream.linear.gather [hbm4b:s16+s3], $0x80, $0x38;
	[tilespmem:$0x1C400] =	vst v63  }
0x99: {  	s16 =	sadd.s32 $0x50, s13  }
0x9a: {  	[tilespmem:s21], [sflag:$0x4] =	stream.linear.gather [hbm4b:s16+s3], $0x80, $0x38;
	[tilespmem:$0x1C400] =	vst v63  }
0x9b: {  	_ =	swait.ge [sflag:s8], $0x80  }
0x9c: {  	[sflag:s8] =	ssyncset.done $0x0  }
0x9d: {  	[sflag:s8] =	ssyncadd.s32 $0xFFFFFF80  }
0x9e: {  	_ =	swait.ge [sflag:s8], $0x80  }
0x9f: {  	[sflag:s8] =	ssyncset.done $0x0  }
0xa0: {  	[sflag:s8] =	ssyncadd.s32 $0xFFFFFF80  }
0xa1: {  	[tilespmem:s0], [sflag:$0x2] =	stream.indirect.gather [hbm4b:s15+s29], $0x80, s24, s29, $0xb8;
	[tilespmem:$0x1C400] =	vst v63  }
0xa2: {  	_ =	swait.ge [sflag:s2], $0x4000  }
0xa3: {  	[sflag:s2] =	ssyncset.done $0x0  }
0xa4: {  	[sflag:s2] =	ssyncadd.s32 $0xFFFFC000  }
0xa5: {  	[spmem:s1] =	stream.indirect.scatter.add.f32 [tilespmem:s30], [sflag:$0x7], $0x80, s23, s29, $0xb8;
	[tilespmem:$0x1C400] =	vst v63  }
0xa6: {  	_ =	swait.ge [sflag:s26], $0x4000  }
0xa7: {  	[sflag:s26] =	ssyncset.done $0x0  }
0xa8: {  	s16 =	sadd.s32 $0x60, s12;
	[sflag:s26] =	ssyncadd.s32 $0xFFFFC000  }
0xa9: {  	[tilespmem:s22], [sflag:$0x5] =	stream.linear.gather [hbm4b:s16+s3], $0x80, $0x38;
	[tilespmem:$0x1C400] =	vst v63  }
0xaa: {  	s16 =	sadd.s32 $0x60, s13  }
0xab: {  	[tilespmem:s23], [sflag:$0x5] =	stream.linear.gather [hbm4b:s16+s3], $0x80, $0x38;
	[tilespmem:$0x1C400] =	vst v63  }
0xac: {  	_ =	swait.ge [sflag:s28], $0x80  }
0xad: {  	[sflag:s28] =	ssyncset.done $0x0  }
0xae: {  	[sflag:s28] =	ssyncadd.s32 $0xFFFFFF80  }
0xaf: {  	_ =	swait.ge [sflag:s28], $0x80  }
0xb0: {  	[sflag:s28] =	ssyncset.done $0x0  }
0xb1: {  	[sflag:s28] =	ssyncadd.s32 $0xFFFFFF80  }
0xb2: {  	[tilespmem:s30], [sflag:$0x1] =	stream.indirect.gather [hbm4b:s15+s29], $0x80, s18, s29, $0xb8;
	[tilespmem:$0x1C400] =	vst v63  }
0xb3: {  	_ =	swait.ge [sflag:s7], $0x4000  }
0xb4: {  	[sflag:s7] =	ssyncset.done $0x0  }
0xb5: {  	[sflag:s7] =	ssyncadd.s32 $0xFFFFC000  }
0xb6: {  	[spmem:s1] =	stream.indirect.scatter.add.f32 [tilespmem:s0], [sflag:$0x7], $0x80, s25, s29, $0xb8;
	[tilespmem:$0x1C400] =	vst v63  }
0xb7: {  	_ =	swait.ge [sflag:s26], $0x4000  }
0xb8: {  	[sflag:s26] =	ssyncset.done $0x0  }
0xb9: {  	s12 =	sadd.s32 $0x70, s12;
	[sflag:s26] =	ssyncadd.s32 $0xFFFFC000  }
0xba: {  	[tilespmem:s24], [sflag:$0x6] =	stream.linear.gather [hbm4b:s12+s3], $0x80, $0x38;
	[tilespmem:$0x1C400] =	vst v63  }
0xbb: {  	s12 =	sadd.s32 $0x70, s13  }
0xbc: {  	[tilespmem:s25], [sflag:$0x6] =	stream.linear.gather [hbm4b:s12+s3], $0x80, $0x38;
	[tilespmem:$0x1C400] =	vst v63  }
0xbd: {  	_ =	swait.ge [sflag:s31], $0x80  }
.Ltmp0:
0xbe: {  	[sflag:s31] =	ssyncset.done $0x0;
	(pc) =	sbr.rel @p0 .LBB2_2-.Ltmp0, $4  }
0xbf: {  	[sflag:s31] =	ssyncadd.s32 $0xFFFFFF80  }
0xc0: {  	_ =	swait.ge [sflag:s31], $0x80  }
0xc1: {  	[sflag:s31] =	ssyncset.done $0x0  }
0xc2: {  	[sflag:s31] =	ssyncadd.s32 $0xFFFFFF80  }
0xc3: {  	[tilespmem:s0], [sflag:$0x2] =	stream.indirect.gather [hbm4b:s15+s29], $0x80, s20, s29, $0xb8;
	[tilespmem:$0x1C400] =	vst v63  }
0xc4: {  	_ =	swait.ge [sflag:s2], $0x4000  }
0xc5: {  	[sflag:s2] =	ssyncset.done $0x0  }
0xc6: {  	[sflag:s2] =	ssyncadd.s32 $0xFFFFC000  }
0xc7: {  	[spmem:s1] =	stream.indirect.scatter.add.f32 [tilespmem:s30], [sflag:$0x7], $0x80, s19, s29, $0xb8;
	[tilespmem:$0x1C400] =	vst v63  }
0xc8: {  	_ =	swait.ge [sflag:s26], $0x4000  }
0xc9: {  	[sflag:s26] =	ssyncset.done $0x0  }
0xca: {  	[sflag:s26] =	ssyncadd.s32 $0xFFFFC000  }
0xcb: {  	_ =	swait.ge [sflag:s6], $0x80  }
0xcc: {  	[sflag:s6] =	ssyncset.done $0x0  }
0xcd: {  	[sflag:s6] =	ssyncadd.s32 $0xFFFFFF80  }
0xce: {  	_ =	swait.ge [sflag:s6], $0x80  }
0xcf: {  	[sflag:s6] =	ssyncset.done $0x0  }
0xd0: {  	[sflag:s6] =	ssyncadd.s32 $0xFFFFFF80  }
0xd1: {  	[tilespmem:s30], [sflag:$0x1] =	stream.indirect.gather [hbm4b:s15+s29], $0x80, s22, s29, $0xb8;
	[tilespmem:$0x1C400] =	vst v63  }
0xd2: {  	_ =	swait.ge [sflag:s7], $0x4000  }
0xd3: {  	[sflag:s7] =	ssyncset.done $0x0  }
0xd4: {  	[sflag:s7] =	ssyncadd.s32 $0xFFFFC000  }
0xd5: {  	[spmem:s1] =	stream.indirect.scatter.add.f32 [tilespmem:s0], [sflag:$0x7], $0x80, s21, s29, $0xb8;
	[tilespmem:$0x1C400] =	vst v63  }
0xd6: {  	_ =	swait.ge [sflag:s26], $0x4000  }
0xd7: {  	[sflag:s26] =	ssyncset.done $0x0  }
0xd8: {  	[sflag:s26] =	ssyncadd.s32 $0xFFFFC000  }
0xd9: {  	_ =	swait.ge [sflag:s8], $0x80  }
0xda: {  	[sflag:s8] =	ssyncset.done $0x0  }
0xdb: {  	[sflag:s8] =	ssyncadd.s32 $0xFFFFFF80  }
0xdc: {  	_ =	swait.ge [sflag:s8], $0x80  }
0xdd: {  	[sflag:s8] =	ssyncset.done $0x0  }
0xde: {  	[sflag:s8] =	ssyncadd.s32 $0xFFFFFF80  }
0xdf: {  	[tilespmem:s0], [sflag:$0x2] =	stream.indirect.gather [hbm4b:s15+s29], $0x80, s24, s29, $0xb8;
	[tilespmem:$0x1C400] =	vst v63  }
0xe0: {  	_ =	swait.ge [sflag:s2], $0x4000  }
0xe1: {  	[sflag:s2] =	ssyncset.done $0x0  }
0xe2: {  	[sflag:s2] =	ssyncadd.s32 $0xFFFFC000  }
0xe3: {  	[spmem:s1] =	stream.indirect.scatter.add.f32 [tilespmem:s30], [sflag:$0x7], $0x80, s23, s29, $0xb8;
	[tilespmem:$0x1C400] =	vst v63  }
0xe4: {  	_ =	swait.ge [sflag:s26], $0x4000  }
0xe5: {  	[sflag:s26] =	ssyncset.done $0x0  }
0xe6: {  	[sflag:s26] =	ssyncadd.s32 $0xFFFFC000  }
0xe7: {  	_ =	swait.ge [sflag:s7], $0x4000  }
0xe8: {  	[sflag:s7] =	ssyncset.done $0x0  }
0xe9: {  	[sflag:s7] =	ssyncadd.s32 $0xFFFFC000  }
0xea: {  	[spmem:s1] =	stream.indirect.scatter.add.f32 [tilespmem:s0], [sflag:$0x7], $0x80, s25, s29, $0xb8;
	[tilespmem:$0x1C400] =	vst v63  }
0xeb: {  	_ =	swait.ge [sflag:s26], $0x4000  }
0xec: {  	[sflag:s26] =	ssyncset.done $0x0  }
0xed: {  	s9 =	sadd.s32 $0x1, s9;
	[sflag:s26] =	ssyncadd.s32 $0xFFFFC000  }
0xee: {  	p0 =	sne.s32 s9, s17;
	[bflag:$0x0] =	sbarrier.arrive $0xFFFF  }
.Ltmp1:
0xef: {  	s11 =	rddreg [dreg:$0xb];
	(pc) =	sbr.rel @p0 .LBB2_1-.Ltmp1, $4  }
0xf0: {  	[hbm:s11], [sflag:s14] =	dma.local [spmem:s10], $0x2800  }
0xf1: {  	_ =	swait.ge [sflag:s26], $0x2800  }
0xf2: {  	[sflag:s26] =	ssyncset.done $0x0  }
0xf3: {  	[sflag:s26] =	ssyncadd.s32 $0xFFFFD800  }
0xf4: {  	_ =	sfence.sel $0x180000  }
0xf5: {  	[bflag:$0x0] =	sbarrier.arrive $0xFFFF  }
0xf6: {  	_ =	strace $0x9000004A  }
0xf7: {  	s0 =	stileid.u32;
	[bflag:$0x2] =	sbarrier.arrive $0xFFFF  }
0xf8: {  	p0 =	sne.s32 s0, $0x0;
	s0 =	rddreg [dreg:$0x2]  }
0xf9: {  	s0 =	sadd.s32 @!p0 $0x100000, s0  }
0xfa: {  	[sflag:s0] =	ssyncadd.tile.s32 @!p0 $0x1;
	_ =	shalt  }
.Lfunc_end2:
_tile_overlayer_lowered:
.L_overlay_start_2:
0xfb: {  	(tag) =	ssettag $0x2  }
0xfc: {  	s0 =	rddreg [dreg:$0x0];
	s2 =	stileid.u32  }
0xfd: {  	s1 =	rddreg [dreg:$0x1];
	p0 =	sne.s32 s2, $0x0  }
0xfe: {  	s3 =	rddreg [dreg:$0x2];
	[bflag:$0x3] =	sbarrier.arrive $0xFFFF;
	s2 =	simm.s32 @!p0 $0x1C07  }
0xff: {  	[timem:s3], [sflag:s2] =	dma.local @!p0 [hbm:s0], s1  }
0x100: {  	s0 =	simm.s32 @!p0 $0x7  }
0x101: {  	_ =	swait.ge @!p0 [sflag:s0], s1  }
0x102: {  	s1 =	ssub.s32 @!p0 $0x0, s1;
	[sflag:s0] =	ssyncset.done @!p0 $0x0  }
0x103: {  	[sflag:s0] =	ssyncadd.s32 @!p0 s1  }
0x104: {  	[bflag:$0x3] =	sbarrier.arrive $0xFFFF  }
0x105: {  	_ =	shalt  }

// kernel: kernel.14.cloned.1.call-start
scs
__scs_entry_jumppad:
0x0: {  	(pc) =	sbr.rel $0x88, $3  }
0x1: {  	(tag) =	ssettag $0x0;
	lr =	simm.s32 $0x1  }
0x2: {  	[smem:$0x3F9B] =	sst lr;
	_ =	strace $0xD0000000  }
0x3: {  	_ = 	snop  }
0x4: {  	_ = 	snop  }
0x5: {  	_ = 	snop  }
0x6: {  	_ = 	snop  }
0x7: {  	_ = 	snop  }
__scs_overlays_trampoline_lowered:
0x8: {  	[smem:$0x3FAA] =	sst s0  }
0x9: {  	[smem:$0x3FAB] =	sst s1  }
0xa: {  	[smem:$0x3FAC] =	sst s2  }
0xb: {  	[smem:$0x3FAD] =	sst s3  }
0xc: {  	[smem:$0x3FAE] =	sst s4  }
0xd: {  	[smem:$0x3FAF] =	sst s5  }
0xe: {  	[smem:$0x3FB0] =	sst s6  }
0xf: {  	[smem:$0x3FB1] =	sst s7  }
0x10: {  	[smem:$0x3FB2] =	sst s8  }
0x11: {  	[smem:$0x3FB3] =	sst s9;
	s0 =	simm.s32 @!p0 $0x0  }
0x12: {  	s1 =	sld [smem:$0x3F99];
	s0 =	simm.s32 @p0 $0x1  }
0x13: {  	[smem:$0x3FB4] =	sst s0;
	s0 =	simm.s32 @!p1 $0x0  }
0x14: {  	s2 =	sld [smem:$0x3F98];
	s0 =	simm.s32 @p1 $0x1  }
0x15: {  	[smem:$0x3FB5] =	sst s0;
	s0 =	simm.s32 @!p2 $0x0  }
0x16: {  	s3 =	sld [smem:$0x3FDB];
	s0 =	simm.s32 @p2 $0x1  }
0x17: {  	s4 =	simm.s32 $0x1BF5;
	[smem:$0x3FB7] =	sst s0  }
0x18: {  	s0 =	sld [smem:$0x3F9A];
	_ =	swait.ge [sflag:s4], $0x0  }
0x19: {  	s7 =	sld [smem:$0x3F9B]  }
0x1a: {  	s8 =	sadd.s32 $0xFFFFE003, lr  }
0x1b: {  	s9 =	sadd.s32 $0xFFFFFEF7, lr;
	s5 =	simm.s32 $0xFFFFFFFF;
	p2 =	slt.u32 s8, $0xFFFFF086  }
0x1c: {  	p1 =	slt.u32 s9, $0xF7A;
	s5 =	simm.s32 @!p2 $0x0  }
0x1d: {  	s5 =	simm.s32 @p1 $0x1;
	p0 =	seq.s32 s7, s2  }
0x1e: {  	s7 =	smul.u32 @!p0 $0xF7A, s2;
	p2 =	seq.s32 @!p0 s5, $0x0  }
0x1f: {  	s9 =	smul.u32 $0xF7A, s1;
	s8 =	simm.s32 @!p0 $0x1BF5;
	p2 =	por !p2, p0  }
0x20: {  	[sflag:s8] =	ssyncset.s32 @!p0 $0xFFFFF086;
	s6 =	sadd.s32 @!p0 s3, s7;
	s7 =	simm.s32 @!p0 $0x108  }
0x21: {  	s3 =	sadd.s32 s3, s9;
	s6 =	sadd.s32 @!p0 $0x88, s6;
	s7 =	simm.s32 @p2 $0x1082  }
0x22: {  	[simem:s7], [sflag:s8] =	dma.local @!p0 [hbm:s6], $0xF7A  }
0x23: {  	s9 =	sor.u32 $0xD0000000, s2;
	s6 =	simm.s32 $0x108;
	_ =	swait.ge @!p0 [sflag:s8], $0x0  }
0x24: {  	s3 =	sadd.s32 $0x88, s3;
	s6 =	simm.s32 @!p1 $0x1082;
	[sflag:s4] =	ssyncset.s32 $0xFFFFF086  }
0x25: {  	[simem:s6], [sflag:s4] =	dma.local [hbm:s3], $0xF7A  }
0x26: {  	[smem:$0x3F9B] =	sst s1;
	(tag) =	ssettag s2;
	_ =	strace s9  }
0x27: {  	s1 =	sld [smem:$0x3FAB]  }
0x28: {  	s2 =	sld [smem:$0x3FAC]  }
0x29: {  	s4 =	sld [smem:$0x3FAE]  }
0x2a: {  	p0 =	seq.s32 s5, $0x0;
	s5 =	sld [smem:$0x3FAF]  }
0x2b: {  	s6 =	sld [smem:$0x3FB0]  }
0x2c: {  	s7 =	sld [smem:$0x3FB1]  }
0x2d: {  	s3 =	simm.s32 $0x108;
	s8 =	sld [smem:$0x3FB2]  }
0x2e: {  	s3 =	simm.s32 @!p0 $0x1082;
	s9 =	sld [smem:$0x3FB3]  }
0x2f: {  	lr =	sadd.s32 s0, s3;
	s0 =	sld [smem:$0x3FAA]  }
0x30: {  	s3 =	sld [smem:$0x3FAD]  }
0x31: {  	[smem:$0x3FB6] =	sst s10  }
0x32: {  	s10 =	sld [smem:$0x3FB4];
	_ =	sdelay $0x3  }
0x33: {  	p0 =	seq.s32 s10, $0x1;
	s10 =	sld [smem:$0x3FB6];
	_ =	sdelay $0x3  }
0x34: {  	[smem:$0x3FB6] =	sst s10  }
0x35: {  	s10 =	sld [smem:$0x3FB5];
	_ =	sdelay $0x3  }
0x36: {  	p1 =	seq.s32 s10, $0x1;
	s10 =	sld [smem:$0x3FB6];
	_ =	sdelay $0x3  }
0x37: {  	[smem:$0x3FB6] =	sst s10  }
0x38: {  	s10 =	sld [smem:$0x3FB7]  }
0x39: {  	_ = 	snop;
	(pc) =	sbr.ind lr, $3  }
0x3a: {  	_ = 	snop  }
0x3b: {  	_ = 	snop  }
0x3c: {  	p2 =	seq.s32 s10, $0x1;
	s10 =	sld [smem:$0x3FB6]  }
0x3d: {  	_ =	shalt  }
0x3e: {  	_ =	shalt  }
0x3f: {  	_ =	shalt  }
0x40: {  	_ =	shalt  }
0x41: {  	_ =	shalt  }
0x42: {  	_ =	shalt  }
0x43: {  	_ =	shalt  }
0x44: {  	_ =	shalt  }
0x45: {  	_ =	shalt  }
0x46: {  	_ =	shalt  }
0x47: {  	_ =	shalt  }
0x48: {  	_ =	shalt  }
0x49: {  	_ =	shalt  }
0x4a: {  	_ =	shalt  }
0x4b: {  	_ =	shalt  }
0x4c: {  	_ =	shalt  }
0x4d: {  	_ =	shalt  }
0x4e: {  	_ =	shalt  }
0x4f: {  	_ =	shalt  }
0x50: {  	_ =	shalt  }
0x51: {  	_ =	shalt  }
0x52: {  	_ =	shalt  }
0x53: {  	_ =	shalt  }
0x54: {  	_ =	shalt  }
0x55: {  	_ =	shalt  }
0x56: {  	_ =	shalt  }
0x57: {  	_ =	shalt  }
0x58: {  	_ =	shalt  }
0x59: {  	_ =	shalt  }
0x5a: {  	_ =	shalt  }
0x5b: {  	_ =	shalt  }
0x5c: {  	_ =	shalt  }
0x5d: {  	_ =	shalt  }
0x5e: {  	_ =	shalt  }
0x5f: {  	_ =	shalt  }
0x60: {  	_ =	shalt  }
0x61: {  	_ =	shalt  }
0x62: {  	_ =	shalt  }
0x63: {  	_ =	shalt  }
0x64: {  	_ =	shalt  }
0x65: {  	_ =	shalt  }
0x66: {  	_ =	shalt  }
0x67: {  	_ =	shalt  }
0x68: {  	_ =	shalt  }
0x69: {  	_ =	shalt  }
0x6a: {  	_ =	shalt  }
0x6b: {  	_ =	shalt  }
0x6c: {  	_ =	shalt  }
0x6d: {  	_ =	shalt  }
0x6e: {  	_ =	shalt  }
0x6f: {  	_ =	shalt  }
0x70: {  	_ =	shalt  }
0x71: {  	_ =	shalt  }
0x72: {  	_ =	shalt  }
0x73: {  	_ =	shalt  }
0x74: {  	_ =	shalt  }
0x75: {  	_ =	shalt  }
0x76: {  	_ =	shalt  }
0x77: {  	_ =	shalt  }
0x78: {  	_ =	shalt  }
0x79: {  	_ =	shalt  }
0x7a: {  	_ =	shalt  }
0x7b: {  	_ =	shalt  }
0x7c: {  	_ =	shalt  }
0x7d: {  	_ =	shalt  }
0x7e: {  	_ =	shalt  }
0x7f: {  	_ =	shalt  }
0x80: {  	_ =	shalt  }
0x81: {  	_ =	shalt  }
0x82: {  	_ =	shalt  }
0x83: {  	_ =	shalt  }
0x84: {  	_ =	shalt  }
0x85: {  	_ =	shalt  }
0x86: {  	_ =	shalt  }
0x87: {  	_ =	shalt  }
.Lfunc_end0:
.L_simem_size_0:
called_computation.2_lowered:
.L_overlay_start_0:
0x88: {  	s2 =	sld [smem:$0x3FD9]  }
0x89: {  	s3 =	sld [smem:$0x3FFE];
	_ =	sdelay $0x1  }
0x8a: {  	s1 =	srdreg.scid  }
0x8b: {  	s0 =	sand.u32 $0x1, s1  }
0x8c: {  	s17 =	sshll.u32 s0, $0xA;
	s2 =	sadd.s32 s3, s2  }
0x8d: {  	s2 =	sadd.s32 s2, s17  }
0x8e: {  	[smem:$0x3FC2] =	sst s2  }
0x8f: {  	_ = 	snop  }
0x90: {  	s2 =	sld [smem:$0x3FD0];
	(tm) =	ssettm $0x1  }
0x91: {  	s18 =	sld [smem:$0x3FFB];
	_ =	sdelay $0x3  }
0x92: {  	_ =	strace s18  }
0x93: {  	s3 =	sld [smem:$0x3FFC];
	_ =	sdelay $0x3  }
0x94: {  	_ =	strace s3  }
0x95: {  	s3 =	sld [smem:$0x3FFD];
	_ =	sdelay $0x3  }
0x96: {  	_ =	strace s3  }
0x97: {  	_ =	strace $0x8FFFFFFF  }
0x98: {  	s19 =	sld [smem:$0x3FDB];
	_ =	sdelay $0x1  }
0x99: {  	s4 =	simm.s32 $_scs_section_size  }
0x9a: {  	s5 =	simm.s32 $_size__tile_overlayer_lowered;
	s6 =	simm.s32 $_tile_overlayer_lowered  }
0x9b: {  	s22 =	simm.s32 $0x1BFF;
	s21 =	sshll.u32 s6, $0x1;
	s3 =	sadd.s32 s4, s19  }
0x9c: {  	s7 =	simm.s32 $0x0;
	s20 =	sshll.u32 s5, $0x1;
	s5 =	sadd.s32 s21, s3  }
0x9d: {  	[timem:s7], [sflag:s22] =	dma.local [hbm:s5], s20  }
0x9e: {  	_ =	swait.ge [sflag:s22], s20  }
0x9f: {  	s4 =	ssub.s32 $0x0, s20;
	[sflag:s22] =	ssyncset.done $0x0  }
0xa0: {  	[sflag:s22] =	ssyncadd.s32 s4;
	_ =	sdelay $0x1  }
0xa1: {  	s23 =	simm.s32 $0x1B8B  }
0xa2: {  	_ =	swait.ge [sflag:s23], $0x1  }
0xa3: {  	[sflag:s23] =	ssyncset.done $0x0  }
0xa4: {  	s25 =	simm.s32 $0x1B8E;
	s24 =	sld [smem:$0x3FFE];
	[sflag:s23] =	ssyncadd.s32 $0xFFFFFFFF  }
0xa5: {  	s26 =	simm.s32 $execute0_lowered;
	[smem:$0x3FD2] =	sst s25  }
0xa6: {  	s5 =	sshll.u32 s26, $0x1;
	_ =	strace $0x8000004C;
	[dreg:$0x1] =	wrdreg $0xFFFFFFFF  }
0xa7: {  	s28 =	simm.s32 $_size_execute0_lowered;
	s3 =	sadd.s32 s3, s5;
	[dreg:$0x0] =	wrdreg $0x0  }
0xa8: {  	s5 =	sshll.u32 s28, $0x1;
	[dreg:$0x2] =	wrdreg s3  }
0xa9: {  	[dreg:$0x3] =	wrdreg s5  }
0xaa: {  	[dreg:$0x4] =	wrdreg $0xC0  }
0xab: {  	_ =	task [dreg:s7], $0x5FFFF  }
0xac: {  	[dreg:$0x1] =	wrdreg $0xFFFFFFFF  }
0xad: {  	[dreg:$0x0] =	wrdreg $0x60  }
0xae: {  	[dreg:$0x2] =	wrdreg s24  }
0xaf: {  	[dreg:$0x3] =	wrdreg s2  }
0xb0: {  	[dreg:$0x4] =	wrdreg $0x0  }
0xb1: {  	[dreg:$0x5] =	wrdreg $0x9  }
0xb2: {  	_ =	task.clear_ibuf [dreg:s7], $0x6FFFF;
	_ =	strace $0x9000004C  }
0xb3: {  	s29 =	simm.s32 $0x9;
	_ =	strace $0x8000004E  }
0xb4: {  	_ =	swait.ge [sflag:s29], $0x1  }
0xb5: {  	[sflag:s29] =	ssyncadd.s32 $0xFFFFFFFF  }
0xb6: {  	_ =	strace $0x9000004E  }
0xb7: {  	_ =	sfence  }
0xb8: {  	s30 =	sld [smem:$0x0];
	_ =	sdelay $0x2  }
0xb9: {  	s31 =	sshll.u32 s1, $0xD;
	s1 =	sshrl.u32 s1, $0x2  }
0xba: {  	s3 =	sand.u32 $0x4000, s31;
	s1 =	sadd.s32 s1, s30  }
0xbb: {  	s0 =	sor.u32 s3, s0;
	s1 =	sshll.u32 s1, $0x11  }
0xbc: {  	s0 =	sor.u32 s1, s0  }
0xbd: {  	s0 =	sadd.s32 $0x8F2B, s0  }
0xbe: {  	[sflag:s0] =	ssyncadd.remote.s32 $0x1  }
0xbf: {  	_ =	sfence.sel $0xFFFF  }
0xc0: {  	[dreg:$0x0] =	wrdreg $0xFFFFFFFF;
	(pc) =	sbr.abs _section_cstart, $3  }
0xc1: {  	[dreg:$0x1] =	wrdreg $0xFFFFFFFF  }
0xc2: {  	_ =	task.clear_ibuf [dreg:s7], $0x2FFFF;
	_ =	strace $0x9FFFFFFF  }
0xc3: {  	(tm) =	ssettm $0x7FFFFFFF  }
tec
execute0_lowered:
.L_overlay_start_1:
0x0: {  	(tag) =	ssettag $0x1  }
0x1: {  	s0 =	rddreg [dreg:$0x0]  }
0x2: {  	s1 =	srdreg.scid;
	s6 =	rddreg [dreg:$0x1]  }
0x3: {  	s11 =	stileid.u32;
	s2 =	rddreg [dreg:$0x2]  }
0x4: {  	s3 =	simm.s32 $0x0;
	s28 =	simm.s32 $0x3;
	s7 =	smul.u32 $0x2C00, s11  }
0x5: {  	s29 =	simm.s32 $0x80;
	s30 =	simm.s32 $0x14400;
	s8 =	smul.u32 $0x14000, s11  }
0x6: {  	s31 =	simm.s32 $0x4;
	s1 =	sand.u32 $0x1, s1;
	s22 =	smul.u32 $0x50000, s11  }
0x7: {  	[smem:$0x7FF] =	sst s3;
	s4 =	sadd.s32 $0x2400, s0;
	s5 =	smul.u32 $0x2C000, s1  }
0x8: {  	s25 =	sshll.u32 s11, $0x6;
	s9 =	smul.u32 $0x140000, s1;
	s1 =	ssub.s32 $0x2, s1  }
0x9: {  	_ =	strace $0x8000004D;
	s18 =	sshrl.u32 s1, $0x1;
	s5 =	sadd.s32 s7, s5  }
0xa: {  	s15 =	sadd.s32 s8, s9;
	s1 =	ssub.s32 s1, s18;
	s7 =	sshrl.u32 s22, $0x2  }
0xb: {  	s8 =	sshrl.u32 s8, $0x3;
	s18 =	simm.s32 $0x14000;
	s22 =	simm.s32 $0x14100  }
0xc: {  	s16 =	sshrl.u32 s5, $0x3;
	s17 =	sshrl.u32 s15, $0x3;
	s7 =	sadd.s32 s7, s2  }
0xd: {  	s26 =	sadd.s32 s4, s8;
	s15 =	sor.u32 $0x1C07, s25;
	s25 =	simm.s32 $0x14380  }
0xe: {  	s8 =	simm.s32 $0x2;
	s10 =	sadd.s32 s16, s0;
	[dreg:$0xa] =	wrdreg s7  }
0xf: {  	s6 =	sadd.s32 s6, s16;
	[dreg:$0xb] =	wrdreg s26;
	s19 =	sadd.s32 $0x52410, s10  }
0x10: {  	s0 =	sadd.s32 s17, s0;
	s20 =	sadd.s32 $0x10, s6;
	[dreg:$0x4] =	wrdreg s19  }
0x11: {  	s17 =	smax.u32 s1, $0x1;
	s21 =	sadd.s32 $0x52420, s10;
	[dreg:$0x5] =	wrdreg s20  }
0x12: {  	s26 =	simm.s32 $0x7;
	s9 =	sadd.s32 $0x20, s6;
	[dreg:$0x6] =	wrdreg s21  }
0x13: {  	s1 =	simm.s32 $0x18400;
	s23 =	sadd.s32 $0x52430, s10;
	[dreg:$0x7] =	wrdreg s9  }
0x14: {  	s7 =	simm.s32 $0x5;
	s24 =	sadd.s32 $0x30, s6;
	[dreg:$0x8] =	wrdreg s23  }
0x15: {  	s5 =	sadd.s32 $0x52400, s10;
	s0 =	sadd.s32 $0x5D400, s0;
	[dreg:$0x9] =	wrdreg s24  }
0x16: {  	s10 =	simm.s32 $0x0;
	[dreg:$0xc] =	wrdreg s0;
	s19 =	simm.s32 $0x14200  }
0x17: {  	s20 =	simm.s32 $0x14080;
	s21 =	simm.s32 $0x14280;
	s23 =	simm.s32 $0x14300  }
0x18: {  	s24 =	simm.s32 $0x14180;
	s0 =	simm.s32 $0x1;
	s9 =	simm.s32 $0x6  }
.LBB2_1:
0x19: {  	[tilespmem:s18], [sflag:$0x3] =	stream.linear.gather [hbm4b:s5+s3], $0x80, $0x38;
	[tilespmem:$0x1C400] =	vst v63  }
0x1a: {  	s11 =	rddreg [dreg:$0x4]  }
0x1b: {  	s13 =	rddreg [dreg:$0x5]  }
0x1c: {  	[tilespmem:s19], [sflag:$0x3] =	stream.linear.gather [hbm4b:s6+s3], $0x80, $0x38;
	[tilespmem:$0x1C400] =	vst v63  }
0x1d: {  	s14 =	rddreg [dreg:$0x6]  }
0x1e: {  	[tilespmem:s20], [sflag:$0x4] =	stream.linear.gather [hbm4b:s11+s3], $0x80, $0x38;
	[tilespmem:$0x1C400] =	vst v63  }
0x1f: {  	s16 =	rddreg [dreg:$0x7]  }
0x20: {  	[tilespmem:s21], [sflag:$0x4] =	stream.linear.gather [hbm4b:s13+s3], $0x80, $0x38;
	[tilespmem:$0x1C400] =	vst v63  }
0x21: {  	s12 =	rddreg [dreg:$0x8]  }
0x22: {  	[tilespmem:s22], [sflag:$0x5] =	stream.linear.gather [hbm4b:s14+s3], $0x80, $0x38;
	[tilespmem:$0x1C400] =	vst v63  }
0x23: {  	s13 =	rddreg [dreg:$0x9]  }
0x24: {  	[tilespmem:s23], [sflag:$0x5] =	stream.linear.gather [hbm4b:s16+s3], $0x80, $0x38;
	[tilespmem:$0x1C400] =	vst v63  }
0x25: {  	s14 =	rddreg [dreg:$0xa]  }
0x26: {  	[tilespmem:s24], [sflag:$0x6] =	stream.linear.gather [hbm4b:s12+s3], $0x80, $0x38;
	[tilespmem:$0x1C400] =	vst v63  }
0x27: {  	s11 =	sshrl.u32 s14, $0x3;
	s12 =	rddreg [dreg:$0xb]  }
0x28: {  	[tilespmem:s25], [sflag:$0x6] =	stream.linear.gather [hbm4b:s13+s3], $0x80, $0x38;
	[tilespmem:$0x1C400] =	vst v63  }
0x29: {  	[spmem:s11], [sflag:s15] =	dma.local [hbm:s12], $0x2800  }
0x2a: {  	_ =	swait.ge [sflag:s26], $0x2800  }
0x2b: {  	[sflag:s26] =	ssyncset.done $0x0  }
0x2c: {  	[sflag:s26] =	ssyncadd.s32 $0xFFFFD800  }
0x2d: {  	[bflag:$0x0] =	sbarrier.arrive $0xFFFF  }
0x2e: {  	_ =	swait.ge [sflag:s28], $0x80  }
0x2f: {  	[sflag:s28] =	ssyncset.done $0x0  }
0x30: {  	[sflag:s28] =	ssyncadd.s32 $0xFFFFFF80  }
0x31: {  	_ =	swait.ge [sflag:s28], $0x80  }
0x32: {  	[sflag:s28] =	ssyncset.done $0x0  }
0x33: {  	[sflag:s28] =	ssyncadd.s32 $0xFFFFFF80  }
0x34: {  	[tilespmem:s30], [sflag:$0x1] =	stream.indirect.gather [hbm4b:s4+s29], $0x80, s18, s29, $0xb8;
	[tilespmem:$0x1C400] =	vst v63  }
0x35: {  	_ =	swait.ge [sflag:s31], $0x80  }
0x36: {  	[sflag:s31] =	ssyncset.done $0x0  }
0x37: {  	[sflag:s31] =	ssyncadd.s32 $0xFFFFFF80  }
0x38: {  	_ =	swait.ge [sflag:s31], $0x80  }
0x39: {  	[sflag:s31] =	ssyncset.done $0x0  }
0x3a: {  	[sflag:s31] =	ssyncadd.s32 $0xFFFFFF80  }
0x3b: {  	[tilespmem:s1], [sflag:$0x2] =	stream.indirect.gather [hbm4b:s4+s29], $0x80, s20, s29, $0xb8;
	[tilespmem:$0x1C400] =	vst v63  }
0x3c: {  	_ =	swait.ge [sflag:s0], $0x4000  }
0x3d: {  	[sflag:s0] =	ssyncset.done $0x0  }
0x3e: {  	[sflag:s0] =	ssyncadd.s32 $0xFFFFC000  }
0x3f: {  	[spmem:s2] =	stream.indirect.scatter.add.f32 [tilespmem:s30], [sflag:$0x7], $0x80, s19, s29, $0xb8;
	[tilespmem:$0x1C400] =	vst v63  }
0x40: {  	_ =	swait.ge [sflag:s26], $0x4000  }
0x41: {  	s12 =	sadd.s32 $0x0, s5;
	[sflag:s26] =	ssyncset.done $0x0  }
0x42: {  	s14 =	sadd.s32 $0x0, s6;
	s13 =	sadd.s32 $0x40, s12;
	[sflag:s26] =	ssyncadd.s32 $0xFFFFC000  }
0x43: {  	[tilespmem:s18], [sflag:$0x3] =	stream.linear.gather [hbm4b:s13+s3], $0x80, $0x38;
	[tilespmem:$0x1C400] =	vst v63  }
0x44: {  	s16 =	sadd.s32 $0x40, s14  }
0x45: {  	[tilespmem:s19], [sflag:$0x3] =	stream.linear.gather [hbm4b:s16+s3], $0x80, $0x38;
	[tilespmem:$0x1C400] =	vst v63  }
0x46: {  	_ =	swait.ge [sflag:s7], $0x80  }
0x47: {  	[sflag:s7] =	ssyncset.done $0x0  }
0x48: {  	[sflag:s7] =	ssyncadd.s32 $0xFFFFFF80  }
0x49: {  	_ =	swait.ge [sflag:s7], $0x80  }
0x4a: {  	[sflag:s7] =	ssyncset.done $0x0  }
0x4b: {  	[sflag:s7] =	ssyncadd.s32 $0xFFFFFF80  }
0x4c: {  	[tilespmem:s30], [sflag:$0x1] =	stream.indirect.gather [hbm4b:s4+s29], $0x80, s22, s29, $0xb8;
	[tilespmem:$0x1C400] =	vst v63  }
0x4d: {  	_ =	swait.ge [sflag:s8], $0x4000  }
0x4e: {  	[sflag:s8] =	ssyncset.done $0x0  }
0x4f: {  	[sflag:s8] =	ssyncadd.s32 $0xFFFFC000  }
0x50: {  	[spmem:s2] =	stream.indirect.scatter.add.f32 [tilespmem:s1], [sflag:$0x7], $0x80, s21, s29, $0xb8;
	[tilespmem:$0x1C400] =	vst v63  }
0x51: {  	_ =	swait.ge [sflag:s26], $0x4000  }
0x52: {  	[sflag:s26] =	ssyncset.done $0x0  }
0x53: {  	s16 =	sadd.s32 $0x50, s12;
	[sflag:s26] =	ssyncadd.s32 $0xFFFFC000  }
0x54: {  	[tilespmem:s20], [sflag:$0x4] =	stream.linear.gather [hbm4b:s16+s3], $0x80, $0x38;
	[tilespmem:$0x1C400] =	vst v63  }
0x55: {  	s16 =	sadd.s32 $0x50, s14  }
0x56: {  	[tilespmem:s21], [sflag:$0x4] =	stream.linear.gather [hbm4b:s16+s3], $0x80, $0x38;
	[tilespmem:$0x1C400] =	vst v63  }
0x57: {  	_ =	swait.ge [sflag:s9], $0x80  }
0x58: {  	[sflag:s9] =	ssyncset.done $0x0  }
0x59: {  	[sflag:s9] =	ssyncadd.s32 $0xFFFFFF80  }
0x5a: {  	_ =	swait.ge [sflag:s9], $0x80  }
0x5b: {  	[sflag:s9] =	ssyncset.done $0x0  }
0x5c: {  	[sflag:s9] =	ssyncadd.s32 $0xFFFFFF80  }
0x5d: {  	[tilespmem:s1], [sflag:$0x2] =	stream.indirect.gather [hbm4b:s4+s29], $0x80, s24, s29, $0xb8;
	[tilespmem:$0x1C400] =	vst v63  }
0x5e: {  	_ =	swait.ge [sflag:s0], $0x4000  }
0x5f: {  	[sflag:s0] =	ssyncset.done $0x0  }
0x60: {  	[sflag:s0] =	ssyncadd.s32 $0xFFFFC000  }
0x61: {  	[spmem:s2] =	stream.indirect.scatter.add.f32 [tilespmem:s30], [sflag:$0x7], $0x80, s23, s29, $0xb8;
	[tilespmem:$0x1C400] =	vst v63  }
0x62: {  	_ =	swait.ge [sflag:s26], $0x4000  }
0x63: {  	[sflag:s26] =	ssyncset.done $0x0  }
0x64: {  	s16 =	sadd.s32 $0x60, s12;
	[sflag:s26] =	ssyncadd.s32 $0xFFFFC000  }
0x65: {  	[tilespmem:s22], [sflag:$0x5] =	stream.linear.gather [hbm4b:s16+s3], $0x80, $0x38;
	[tilespmem:$0x1C400] =	vst v63  }
0x66: {  	s16 =	sadd.s32 $0x60, s14  }
0x67: {  	[tilespmem:s23], [sflag:$0x5] =	stream.linear.gather [hbm4b:s16+s3], $0x80, $0x38;
	[tilespmem:$0x1C400] =	vst v63  }
0x68: {  	_ =	swait.ge [sflag:s28], $0x80  }
0x69: {  	[sflag:s28] =	ssyncset.done $0x0  }
0x6a: {  	[sflag:s28] =	ssyncadd.s32 $0xFFFFFF80  }
0x6b: {  	_ =	swait.ge [sflag:s28], $0x80  }
0x6c: {  	[sflag:s28] =	ssyncset.done $0x0  }
0x6d: {  	[sflag:s28] =	ssyncadd.s32 $0xFFFFFF80  }
0x6e: {  	[tilespmem:s30], [sflag:$0x1] =	stream.indirect.gather [hbm4b:s4+s29], $0x80, s18, s29, $0xb8;
	[tilespmem:$0x1C400] =	vst v63  }
0x6f: {  	_ =	swait.ge [sflag:s8], $0x4000  }
0x70: {  	[sflag:s8] =	ssyncset.done $0x0  }
0x71: {  	[sflag:s8] =	ssyncadd.s32 $0xFFFFC000  }
0x72: {  	[spmem:s2] =	stream.indirect.scatter.add.f32 [tilespmem:s1], [sflag:$0x7], $0x80, s25, s29, $0xb8;
	[tilespmem:$0x1C400] =	vst v63  }
0x73: {  	_ =	swait.ge [sflag:s26], $0x4000  }
0x74: {  	[sflag:s26] =	ssyncset.done $0x0  }
0x75: {  	s12 =	sadd.s32 $0x70, s12;
	[sflag:s26] =	ssyncadd.s32 $0xFFFFC000  }
0x76: {  	[tilespmem:s24], [sflag:$0x6] =	stream.linear.gather [hbm4b:s12+s3], $0x80, $0x38;
	[tilespmem:$0x1C400] =	vst v63  }
0x77: {  	s16 =	sadd.s32 $0x70, s14  }
0x78: {  	[tilespmem:s25], [sflag:$0x6] =	stream.linear.gather [hbm4b:s16+s3], $0x80, $0x38;
	[tilespmem:$0x1C400] =	vst v63  }
0x79: {  	_ =	swait.ge [sflag:s31], $0x80  }
0x7a: {  	[sflag:s31] =	ssyncset.done $0x0  }
0x7b: {  	[sflag:s31] =	ssyncadd.s32 $0xFFFFFF80  }
0x7c: {  	_ =	swait.ge [sflag:s31], $0x80  }
0x7d: {  	[sflag:s31] =	ssyncset.done $0x0  }
0x7e: {  	s12 =	simm.s32 $0x40;
	[sflag:s31] =	ssyncadd.s32 $0xFFFFFF80  }
.LBB2_2:
0x7f: {  	[tilespmem:s1], [sflag:$0x2] =	stream.indirect.gather [hbm4b:s4+s29], $0x80, s20, s29, $0xb8;
	[tilespmem:$0x1C400] =	vst v63  }
0x80: {  	s14 =	smov.u32 s12  }
0x81: {  	p0 =	sne.s32 s12, $0x480;
	s12 =	sadd.s32 $0x40, s12;
	_ =	swait.ge [sflag:s0], $0x4000  }
0x82: {  	[sflag:s0] =	ssyncset.done $0x0  }
0x83: {  	[sflag:s0] =	ssyncadd.s32 $0xFFFFC000  }
0x84: {  	[spmem:s2] =	stream.indirect.scatter.add.f32 [tilespmem:s30], [sflag:$0x7], $0x80, s19, s29, $0xb8;
	[tilespmem:$0x1C400] =	vst v63  }
0x85: {  	_ =	swait.ge [sflag:s26], $0x4000  }
0x86: {  	s13 =	sadd.s32 s14, s5;
	[sflag:s26] =	ssyncset.done $0x0  }
0x87: {  	s14 =	sadd.s32 s14, s6;
	s16 =	sadd.s32 $0x40, s13;
	[sflag:s26] =	ssyncadd.s32 $0xFFFFC000  }
0x88: {  	[tilespmem:s18], [sflag:$0x3] =	stream.linear.gather [hbm4b:s16+s3], $0x80, $0x38;
	[tilespmem:$0x1C400] =	vst v63  }
0x89: {  	s16 =	sadd.s32 $0x40, s14  }
0x8a: {  	[tilespmem:s19], [sflag:$0x3] =	stream.linear.gather [hbm4b:s16+s3], $0x80, $0x38;
	[tilespmem:$0x1C400] =	vst v63  }
0x8b: {  	_ =	swait.ge [sflag:s7], $0x80  }
0x8c: {  	[sflag:s7] =	ssyncset.done $0x0  }
0x8d: {  	[sflag:s7] =	ssyncadd.s32 $0xFFFFFF80  }
0x8e: {  	_ =	swait.ge [sflag:s7], $0x80  }
0x8f: {  	[sflag:s7] =	ssyncset.done $0x0  }
0x90: {  	[sflag:s7] =	ssyncadd.s32 $0xFFFFFF80  }
0x91: {  	[tilespmem:s30], [sflag:$0x1] =	stream.indirect.gather [hbm4b:s4+s29], $0x80, s22, s29, $0xb8;
	[tilespmem:$0x1C400] =	vst v63  }
0x92: {  	_ =	swait.ge [sflag:s8], $0x4000  }
0x93: {  	[sflag:s8] =	ssyncset.done $0x0  }
0x94: {  	[sflag:s8] =	ssyncadd.s32 $0xFFFFC000  }
0x95: {  	[spmem:s2] =	stream.indirect.scatter.add.f32 [tilespmem:s1], [sflag:$0x7], $0x80, s21, s29, $0xb8;
	[tilespmem:$0x1C400] =	vst v63  }
0x96: {  	_ =	swait.ge [sflag:s26], $0x4000  }
0x97: {  	[sflag:s26] =	ssyncset.done $0x0  }
0x98: {  	s16 =	sadd.s32 $0x50, s13;
	[sflag:s26] =	ssyncadd.s32 $0xFFFFC000  }
0x99: {  	[tilespmem:s20], [sflag:$0x4] =	stream.linear.gather [hbm4b:s16+s3], $0x80, $0x38;
	[tilespmem:$0x1C400] =	vst v63  }
0x9a: {  	s16 =	sadd.s32 $0x50, s14  }
0x9b: {  	[tilespmem:s21], [sflag:$0x4] =	stream.linear.gather [hbm4b:s16+s3], $0x80, $0x38;
	[tilespmem:$0x1C400] =	vst v63  }
0x9c: {  	_ =	swait.ge [sflag:s9], $0x80  }
0x9d: {  	[sflag:s9] =	ssyncset.done $0x0  }
0x9e: {  	[sflag:s9] =	ssyncadd.s32 $0xFFFFFF80  }
0x9f: {  	_ =	swait.ge [sflag:s9], $0x80  }
0xa0: {  	[sflag:s9] =	ssyncset.done $0x0  }
0xa1: {  	[sflag:s9] =	ssyncadd.s32 $0xFFFFFF80  }
0xa2: {  	[tilespmem:s1], [sflag:$0x2] =	stream.indirect.gather [hbm4b:s4+s29], $0x80, s24, s29, $0xb8;
	[tilespmem:$0x1C400] =	vst v63  }
0xa3: {  	_ =	swait.ge [sflag:s0], $0x4000  }
0xa4: {  	[sflag:s0] =	ssyncset.done $0x0  }
0xa5: {  	[sflag:s0] =	ssyncadd.s32 $0xFFFFC000  }
0xa6: {  	[spmem:s2] =	stream.indirect.scatter.add.f32 [tilespmem:s30], [sflag:$0x7], $0x80, s23, s29, $0xb8;
	[tilespmem:$0x1C400] =	vst v63  }
0xa7: {  	_ =	swait.ge [sflag:s26], $0x4000  }
0xa8: {  	[sflag:s26] =	ssyncset.done $0x0  }
0xa9: {  	s16 =	sadd.s32 $0x60, s13;
	[sflag:s26] =	ssyncadd.s32 $0xFFFFC000  }
0xaa: {  	[tilespmem:s22], [sflag:$0x5] =	stream.linear.gather [hbm4b:s16+s3], $0x80, $0x38;
	[tilespmem:$0x1C400] =	vst v63  }
0xab: {  	s16 =	sadd.s32 $0x60, s14  }
0xac: {  	[tilespmem:s23], [sflag:$0x5] =	stream.linear.gather [hbm4b:s16+s3], $0x80, $0x38;
	[tilespmem:$0x1C400] =	vst v63  }
0xad: {  	_ =	swait.ge [sflag:s28], $0x80  }
0xae: {  	[sflag:s28] =	ssyncset.done $0x0  }
0xaf: {  	[sflag:s28] =	ssyncadd.s32 $0xFFFFFF80  }
0xb0: {  	_ =	swait.ge [sflag:s28], $0x80  }
0xb1: {  	[sflag:s28] =	ssyncset.done $0x0  }
0xb2: {  	[sflag:s28] =	ssyncadd.s32 $0xFFFFFF80  }
0xb3: {  	[tilespmem:s30], [sflag:$0x1] =	stream.indirect.gather [hbm4b:s4+s29], $0x80, s18, s29, $0xb8;
	[tilespmem:$0x1C400] =	vst v63  }
0xb4: {  	_ =	swait.ge [sflag:s8], $0x4000  }
0xb5: {  	[sflag:s8] =	ssyncset.done $0x0  }
0xb6: {  	[sflag:s8] =	ssyncadd.s32 $0xFFFFC000  }
0xb7: {  	[spmem:s2] =	stream.indirect.scatter.add.f32 [tilespmem:s1], [sflag:$0x7], $0x80, s25, s29, $0xb8;
	[tilespmem:$0x1C400] =	vst v63  }
0xb8: {  	_ =	swait.ge [sflag:s26], $0x4000  }
0xb9: {  	[sflag:s26] =	ssyncset.done $0x0  }
0xba: {  	s13 =	sadd.s32 $0x70, s13;
	[sflag:s26] =	ssyncadd.s32 $0xFFFFC000  }
0xbb: {  	[tilespmem:s24], [sflag:$0x6] =	stream.linear.gather [hbm4b:s13+s3], $0x80, $0x38;
	[tilespmem:$0x1C400] =	vst v63  }
0xbc: {  	s13 =	sadd.s32 $0x70, s14  }
0xbd: {  	[tilespmem:s25], [sflag:$0x6] =	stream.linear.gather [hbm4b:s13+s3], $0x80, $0x38;
	[tilespmem:$0x1C400] =	vst v63  }
0xbe: {  	_ =	swait.ge [sflag:s31], $0x80  }
.Ltmp0:
0xbf: {  	[sflag:s31] =	ssyncset.done $0x0;
	(pc) =	sbr.rel @p0 .LBB2_2-.Ltmp0, $4  }
0xc0: {  	[sflag:s31] =	ssyncadd.s32 $0xFFFFFF80  }
0xc1: {  	_ =	swait.ge [sflag:s31], $0x80  }
0xc2: {  	[sflag:s31] =	ssyncset.done $0x0  }
0xc3: {  	[sflag:s31] =	ssyncadd.s32 $0xFFFFFF80  }
0xc4: {  	[tilespmem:s1], [sflag:$0x2] =	stream.indirect.gather [hbm4b:s4+s29], $0x80, s20, s29, $0xb8;
	[tilespmem:$0x1C400] =	vst v63  }
0xc5: {  	_ =	swait.ge [sflag:s0], $0x4000  }
0xc6: {  	[sflag:s0] =	ssyncset.done $0x0  }
0xc7: {  	[sflag:s0] =	ssyncadd.s32 $0xFFFFC000  }
0xc8: {  	[spmem:s2] =	stream.indirect.scatter.add.f32 [tilespmem:s30], [sflag:$0x7], $0x80, s19, s29, $0xb8;
	[tilespmem:$0x1C400] =	vst v63  }
0xc9: {  	_ =	swait.ge [sflag:s26], $0x4000  }
0xca: {  	[sflag:s26] =	ssyncset.done $0x0  }
0xcb: {  	[sflag:s26] =	ssyncadd.s32 $0xFFFFC000  }
0xcc: {  	_ =	swait.ge [sflag:s7], $0x80  }
0xcd: {  	[sflag:s7] =	ssyncset.done $0x0  }
0xce: {  	[sflag:s7] =	ssyncadd.s32 $0xFFFFFF80  }
0xcf: {  	_ =	swait.ge [sflag:s7], $0x80  }
0xd0: {  	[sflag:s7] =	ssyncset.done $0x0  }
0xd1: {  	[sflag:s7] =	ssyncadd.s32 $0xFFFFFF80  }
0xd2: {  	[tilespmem:s30], [sflag:$0x1] =	stream.indirect.gather [hbm4b:s4+s29], $0x80, s22, s29, $0xb8;
	[tilespmem:$0x1C400] =	vst v63  }
0xd3: {  	_ =	swait.ge [sflag:s8], $0x4000  }
0xd4: {  	[sflag:s8] =	ssyncset.done $0x0  }
0xd5: {  	[sflag:s8] =	ssyncadd.s32 $0xFFFFC000  }
0xd6: {  	[spmem:s2] =	stream.indirect.scatter.add.f32 [tilespmem:s1], [sflag:$0x7], $0x80, s21, s29, $0xb8;
	[tilespmem:$0x1C400] =	vst v63  }
0xd7: {  	_ =	swait.ge [sflag:s26], $0x4000  }
0xd8: {  	[sflag:s26] =	ssyncset.done $0x0  }
0xd9: {  	[sflag:s26] =	ssyncadd.s32 $0xFFFFC000  }
0xda: {  	_ =	swait.ge [sflag:s9], $0x80  }
0xdb: {  	[sflag:s9] =	ssyncset.done $0x0  }
0xdc: {  	[sflag:s9] =	ssyncadd.s32 $0xFFFFFF80  }
0xdd: {  	_ =	swait.ge [sflag:s9], $0x80  }
0xde: {  	[sflag:s9] =	ssyncset.done $0x0  }
0xdf: {  	[sflag:s9] =	ssyncadd.s32 $0xFFFFFF80  }
0xe0: {  	[tilespmem:s1], [sflag:$0x2] =	stream.indirect.gather [hbm4b:s4+s29], $0x80, s24, s29, $0xb8;
	[tilespmem:$0x1C400] =	vst v63  }
0xe1: {  	_ =	swait.ge [sflag:s0], $0x4000  }
0xe2: {  	[sflag:s0] =	ssyncset.done $0x0  }
0xe3: {  	[sflag:s0] =	ssyncadd.s32 $0xFFFFC000  }
0xe4: {  	[spmem:s2] =	stream.indirect.scatter.add.f32 [tilespmem:s30], [sflag:$0x7], $0x80, s23, s29, $0xb8;
	[tilespmem:$0x1C400] =	vst v63  }
0xe5: {  	_ =	swait.ge [sflag:s26], $0x4000  }
0xe6: {  	[sflag:s26] =	ssyncset.done $0x0  }
0xe7: {  	[sflag:s26] =	ssyncadd.s32 $0xFFFFC000  }
0xe8: {  	_ =	swait.ge [sflag:s8], $0x4000  }
0xe9: {  	[sflag:s8] =	ssyncset.done $0x0  }
0xea: {  	[sflag:s8] =	ssyncadd.s32 $0xFFFFC000  }
0xeb: {  	[spmem:s2] =	stream.indirect.scatter.add.f32 [tilespmem:s1], [sflag:$0x7], $0x80, s25, s29, $0xb8;
	[tilespmem:$0x1C400] =	vst v63  }
0xec: {  	_ =	swait.ge [sflag:s26], $0x4000  }
0xed: {  	[sflag:s26] =	ssyncset.done $0x0  }
0xee: {  	s10 =	sadd.s32 $0x1, s10;
	[sflag:s26] =	ssyncadd.s32 $0xFFFFC000  }
0xef: {  	p0 =	sne.s32 s10, s17;
	[bflag:$0x0] =	sbarrier.arrive $0xFFFF  }
.Ltmp1:
0xf0: {  	s12 =	rddreg [dreg:$0xc];
	(pc) =	sbr.rel @p0 .LBB2_1-.Ltmp1, $4  }
0xf1: {  	[hbm:s12], [sflag:s15] =	dma.local [spmem:s11], $0x2800  }
0xf2: {  	_ =	swait.ge [sflag:s26], $0x2800  }
0xf3: {  	[sflag:s26] =	ssyncset.done $0x0  }
0xf4: {  	[sflag:s26] =	ssyncadd.s32 $0xFFFFD800  }
0xf5: {  	_ =	sfence.sel $0x180000  }
0xf6: {  	[bflag:$0x0] =	sbarrier.arrive $0xFFFF  }
0xf7: {  	_ =	strace $0x9000004D  }
0xf8: {  	s0 =	stileid.u32;
	[bflag:$0x2] =	sbarrier.arrive $0xFFFF  }
0xf9: {  	p0 =	sne.s32 s0, $0x0;
	s0 =	rddreg [dreg:$0x3]  }
0xfa: {  	s0 =	sadd.s32 @!p0 $0x100000, s0  }
0xfb: {  	[sflag:s0] =	ssyncadd.tile.s32 @!p0 $0x1;
	_ =	shalt  }
.Lfunc_end2:
_tile_overlayer_lowered:
.L_overlay_start_2:
0xfc: {  	(tag) =	ssettag $0x2  }
0xfd: {  	s0 =	rddreg [dreg:$0x0];
	s2 =	stileid.u32  }
0xfe: {  	s1 =	rddreg [dreg:$0x1];
	p0 =	sne.s32 s2, $0x0  }
0xff: {  	s3 =	rddreg [dreg:$0x2];
	[bflag:$0x3] =	sbarrier.arrive $0xFFFF;
	s2 =	simm.s32 @!p0 $0x1C07  }
0x100: {  	[timem:s3], [sflag:s2] =	dma.local @!p0 [hbm:s0], s1  }
0x101: {  	s0 =	simm.s32 @!p0 $0x7  }
0x102: {  	_ =	swait.ge @!p0 [sflag:s0], s1  }
0x103: {  	s1 =	ssub.s32 @!p0 $0x0, s1;
	[sflag:s0] =	ssyncset.done @!p0 $0x0  }
0x104: {  	[sflag:s0] =	ssyncadd.s32 @!p0 s1  }
0x105: {  	[bflag:$0x3] =	sbarrier.arrive $0xFFFF  }
0x106: {  	_ =	shalt  }

// kernel: kernel.8.cloned.1.call-start
scs
__scs_entry_jumppad:
0x0: {  	(pc) =	sbr.rel $0x88, $3  }
0x1: {  	(tag) =	ssettag $0x0;
	lr =	simm.s32 $0x1  }
0x2: {  	[smem:$0x3F9B] =	sst lr;
	_ =	strace $0xD0000000  }
0x3: {  	_ = 	snop  }
0x4: {  	_ = 	snop  }
0x5: {  	_ = 	snop  }
0x6: {  	_ = 	snop  }
0x7: {  	_ = 	snop  }
__scs_overlays_trampoline_lowered:
0x8: {  	[smem:$0x3FAA] =	sst s0  }
0x9: {  	[smem:$0x3FAB] =	sst s1  }
0xa: {  	[smem:$0x3FAC] =	sst s2  }
0xb: {  	[smem:$0x3FAD] =	sst s3  }
0xc: {  	[smem:$0x3FAE] =	sst s4  }
0xd: {  	[smem:$0x3FAF] =	sst s5  }
0xe: {  	[smem:$0x3FB0] =	sst s6  }
0xf: {  	[smem:$0x3FB1] =	sst s7  }
0x10: {  	[smem:$0x3FB2] =	sst s8  }
0x11: {  	[smem:$0x3FB3] =	sst s9;
	s0 =	simm.s32 @!p0 $0x0  }
0x12: {  	s1 =	sld [smem:$0x3F99];
	s0 =	simm.s32 @p0 $0x1  }
0x13: {  	[smem:$0x3FB4] =	sst s0;
	s0 =	simm.s32 @!p1 $0x0  }
0x14: {  	s2 =	sld [smem:$0x3F98];
	s0 =	simm.s32 @p1 $0x1  }
0x15: {  	[smem:$0x3FB5] =	sst s0;
	s0 =	simm.s32 @!p2 $0x0  }
0x16: {  	s3 =	sld [smem:$0x3FDB];
	s0 =	simm.s32 @p2 $0x1  }
0x17: {  	s4 =	simm.s32 $0x1BF5;
	[smem:$0x3FB7] =	sst s0  }
0x18: {  	s0 =	sld [smem:$0x3F9A];
	_ =	swait.ge [sflag:s4], $0x0  }
0x19: {  	s7 =	sld [smem:$0x3F9B]  }
0x1a: {  	s8 =	sadd.s32 $0xFFFFE003, lr  }
0x1b: {  	s9 =	sadd.s32 $0xFFFFFEF7, lr;
	s5 =	simm.s32 $0xFFFFFFFF;
	p2 =	slt.u32 s8, $0xFFFFF086  }
0x1c: {  	p1 =	slt.u32 s9, $0xF7A;
	s5 =	simm.s32 @!p2 $0x0  }
0x1d: {  	s5 =	simm.s32 @p1 $0x1;
	p0 =	seq.s32 s7, s2  }
0x1e: {  	s7 =	smul.u32 @!p0 $0xF7A, s2;
	p2 =	seq.s32 @!p0 s5, $0x0  }
0x1f: {  	s9 =	smul.u32 $0xF7A, s1;
	s8 =	simm.s32 @!p0 $0x1BF5;
	p2 =	por !p2, p0  }
0x20: {  	[sflag:s8] =	ssyncset.s32 @!p0 $0xFFFFF086;
	s6 =	sadd.s32 @!p0 s3, s7;
	s7 =	simm.s32 @!p0 $0x108  }
0x21: {  	s3 =	sadd.s32 s3, s9;
	s6 =	sadd.s32 @!p0 $0x88, s6;
	s7 =	simm.s32 @p2 $0x1082  }
0x22: {  	[simem:s7], [sflag:s8] =	dma.local @!p0 [hbm:s6], $0xF7A  }
0x23: {  	s9 =	sor.u32 $0xD0000000, s2;
	s6 =	simm.s32 $0x108;
	_ =	swait.ge @!p0 [sflag:s8], $0x0  }
0x24: {  	s3 =	sadd.s32 $0x88, s3;
	s6 =	simm.s32 @!p1 $0x1082;
	[sflag:s4] =	ssyncset.s32 $0xFFFFF086  }
0x25: {  	[simem:s6], [sflag:s4] =	dma.local [hbm:s3], $0xF7A  }
0x26: {  	[smem:$0x3F9B] =	sst s1;
	(tag) =	ssettag s2;
	_ =	strace s9  }
0x27: {  	s1 =	sld [smem:$0x3FAB]  }
0x28: {  	s2 =	sld [smem:$0x3FAC]  }
0x29: {  	s4 =	sld [smem:$0x3FAE]  }
0x2a: {  	p0 =	seq.s32 s5, $0x0;
	s5 =	sld [smem:$0x3FAF]  }
0x2b: {  	s6 =	sld [smem:$0x3FB0]  }
0x2c: {  	s7 =	sld [smem:$0x3FB1]  }
0x2d: {  	s3 =	simm.s32 $0x108;
	s8 =	sld [smem:$0x3FB2]  }
0x2e: {  	s3 =	simm.s32 @!p0 $0x1082;
	s9 =	sld [smem:$0x3FB3]  }
0x2f: {  	lr =	sadd.s32 s0, s3;
	s0 =	sld [smem:$0x3FAA]  }
0x30: {  	s3 =	sld [smem:$0x3FAD]  }
0x31: {  	[smem:$0x3FB6] =	sst s10  }
0x32: {  	s10 =	sld [smem:$0x3FB4];
	_ =	sdelay $0x3  }
0x33: {  	p0 =	seq.s32 s10, $0x1;
	s10 =	sld [smem:$0x3FB6];
	_ =	sdelay $0x3  }
0x34: {  	[smem:$0x3FB6] =	sst s10  }
0x35: {  	s10 =	sld [smem:$0x3FB5];
	_ =	sdelay $0x3  }
0x36: {  	p1 =	seq.s32 s10, $0x1;
	s10 =	sld [smem:$0x3FB6];
	_ =	sdelay $0x3  }
0x37: {  	[smem:$0x3FB6] =	sst s10  }
0x38: {  	s10 =	sld [smem:$0x3FB7]  }
0x39: {  	_ = 	snop;
	(pc) =	sbr.ind lr, $3  }
0x3a: {  	_ = 	snop  }
0x3b: {  	_ = 	snop  }
0x3c: {  	p2 =	seq.s32 s10, $0x1;
	s10 =	sld [smem:$0x3FB6]  }
0x3d: {  	_ =	shalt  }
0x3e: {  	_ =	shalt  }
0x3f: {  	_ =	shalt  }
0x40: {  	_ =	shalt  }
0x41: {  	_ =	shalt  }
0x42: {  	_ =	shalt  }
0x43: {  	_ =	shalt  }
0x44: {  	_ =	shalt  }
0x45: {  	_ =	shalt  }
0x46: {  	_ =	shalt  }
0x47: {  	_ =	shalt  }
0x48: {  	_ =	shalt  }
0x49: {  	_ =	shalt  }
0x4a: {  	_ =	shalt  }
0x4b: {  	_ =	shalt  }
0x4c: {  	_ =	shalt  }
0x4d: {  	_ =	shalt  }
0x4e: {  	_ =	shalt  }
0x4f: {  	_ =	shalt  }
0x50: {  	_ =	shalt  }
0x51: {  	_ =	shalt  }
0x52: {  	_ =	shalt  }
0x53: {  	_ =	shalt  }
0x54: {  	_ =	shalt  }
0x55: {  	_ =	shalt  }
0x56: {  	_ =	shalt  }
0x57: {  	_ =	shalt  }
0x58: {  	_ =	shalt  }
0x59: {  	_ =	shalt  }
0x5a: {  	_ =	shalt  }
0x5b: {  	_ =	shalt  }
0x5c: {  	_ =	shalt  }
0x5d: {  	_ =	shalt  }
0x5e: {  	_ =	shalt  }
0x5f: {  	_ =	shalt  }
0x60: {  	_ =	shalt  }
0x61: {  	_ =	shalt  }
0x62: {  	_ =	shalt  }
0x63: {  	_ =	shalt  }
0x64: {  	_ =	shalt  }
0x65: {  	_ =	shalt  }
0x66: {  	_ =	shalt  }
0x67: {  	_ =	shalt  }
0x68: {  	_ =	shalt  }
0x69: {  	_ =	shalt  }
0x6a: {  	_ =	shalt  }
0x6b: {  	_ =	shalt  }
0x6c: {  	_ =	shalt  }
0x6d: {  	_ =	shalt  }
0x6e: {  	_ =	shalt  }
0x6f: {  	_ =	shalt  }
0x70: {  	_ =	shalt  }
0x71: {  	_ =	shalt  }
0x72: {  	_ =	shalt  }
0x73: {  	_ =	shalt  }
0x74: {  	_ =	shalt  }
0x75: {  	_ =	shalt  }
0x76: {  	_ =	shalt  }
0x77: {  	_ =	shalt  }
0x78: {  	_ =	shalt  }
0x79: {  	_ =	shalt  }
0x7a: {  	_ =	shalt  }
0x7b: {  	_ =	shalt  }
0x7c: {  	_ =	shalt  }
0x7d: {  	_ =	shalt  }
0x7e: {  	_ =	shalt  }
0x7f: {  	_ =	shalt  }
0x80: {  	_ =	shalt  }
0x81: {  	_ =	shalt  }
0x82: {  	_ =	shalt  }
0x83: {  	_ =	shalt  }
0x84: {  	_ =	shalt  }
0x85: {  	_ =	shalt  }
0x86: {  	_ =	shalt  }
0x87: {  	_ =	shalt  }
.Lfunc_end0:
.L_simem_size_0:
called_computation_lowered:
.L_overlay_start_0:
0x88: {  	s2 =	sld [smem:$0x3FD9]  }
0x89: {  	s3 =	sld [smem:$0x3FFE];
	_ =	sdelay $0x1  }
0x8a: {  	s1 =	srdreg.scid  }
0x8b: {  	s0 =	sand.u32 $0x1, s1  }
0x8c: {  	s17 =	sshll.u32 s0, $0xA;
	s2 =	sadd.s32 s3, s2  }
0x8d: {  	s2 =	sadd.s32 s2, s17  }
0x8e: {  	[smem:$0x3FC2] =	sst s2  }
0x8f: {  	_ = 	snop  }
0x90: {  	s2 =	sld [smem:$0x3FD0];
	(tm) =	ssettm $0x1  }
0x91: {  	s18 =	sld [smem:$0x3FFB];
	_ =	sdelay $0x3  }
0x92: {  	_ =	strace s18  }
0x93: {  	s3 =	sld [smem:$0x3FFC];
	_ =	sdelay $0x3  }
0x94: {  	_ =	strace s3  }
0x95: {  	s3 =	sld [smem:$0x3FFD];
	_ =	sdelay $0x3  }
0x96: {  	_ =	strace s3  }
0x97: {  	_ =	strace $0x8FFFFFFF  }
0x98: {  	s19 =	sld [smem:$0x3FDB];
	_ =	sdelay $0x1  }
0x99: {  	s4 =	simm.s32 $_scs_section_size  }
0x9a: {  	s5 =	simm.s32 $_size__tile_overlayer_lowered;
	s6 =	simm.s32 $_tile_overlayer_lowered  }
0x9b: {  	s22 =	simm.s32 $0x1BFF;
	s21 =	sshll.u32 s6, $0x1;
	s3 =	sadd.s32 s4, s19  }
0x9c: {  	s7 =	simm.s32 $0x0;
	s20 =	sshll.u32 s5, $0x1;
	s5 =	sadd.s32 s21, s3  }
0x9d: {  	[timem:s7], [sflag:s22] =	dma.local [hbm:s5], s20  }
0x9e: {  	_ =	swait.ge [sflag:s22], s20  }
0x9f: {  	s4 =	ssub.s32 $0x0, s20;
	[sflag:s22] =	ssyncset.done $0x0  }
0xa0: {  	[sflag:s22] =	ssyncadd.s32 s4;
	_ =	sdelay $0x1  }
0xa1: {  	s23 =	simm.s32 $0x1B8B  }
0xa2: {  	_ =	swait.ge [sflag:s23], $0x1  }
0xa3: {  	[sflag:s23] =	ssyncset.done $0x0  }
0xa4: {  	s25 =	simm.s32 $0x1B8E;
	s24 =	sld [smem:$0x3FFE];
	[sflag:s23] =	ssyncadd.s32 $0xFFFFFFFF  }
0xa5: {  	s26 =	simm.s32 $execute0_lowered;
	[smem:$0x3FD2] =	sst s25  }
0xa6: {  	s5 =	sshll.u32 s26, $0x1;
	_ =	strace $0x80000046;
	[dreg:$0x1] =	wrdreg $0xFFFFFFFF  }
0xa7: {  	s28 =	simm.s32 $_size_execute0_lowered;
	s3 =	sadd.s32 s3, s5;
	[dreg:$0x0] =	wrdreg $0x0  }
0xa8: {  	s5 =	sshll.u32 s28, $0x1;
	[dreg:$0x2] =	wrdreg s3  }
0xa9: {  	[dreg:$0x3] =	wrdreg s5  }
0xaa: {  	[dreg:$0x4] =	wrdreg $0xC0  }
0xab: {  	_ =	task [dreg:s7], $0x5FFFF  }
0xac: {  	[dreg:$0x1] =	wrdreg $0xFFFFFFFF  }
0xad: {  	[dreg:$0x0] =	wrdreg $0x60  }
0xae: {  	[dreg:$0x2] =	wrdreg s2  }
0xaf: {  	[dreg:$0x3] =	wrdreg s24  }
0xb0: {  	[dreg:$0x4] =	wrdreg $0x0  }
0xb1: {  	[dreg:$0x5] =	wrdreg $0x9  }
0xb2: {  	_ =	task.clear_ibuf [dreg:s7], $0x6FFFF;
	_ =	strace $0x90000046  }
0xb3: {  	s29 =	simm.s32 $0x9;
	_ =	strace $0x80000048  }
0xb4: {  	_ =	swait.ge [sflag:s29], $0x1  }
0xb5: {  	[sflag:s29] =	ssyncadd.s32 $0xFFFFFFFF  }
0xb6: {  	_ =	strace $0x90000048  }
0xb7: {  	_ =	sfence  }
0xb8: {  	s30 =	sld [smem:$0x0];
	_ =	sdelay $0x2  }
0xb9: {  	s31 =	sshll.u32 s1, $0xD;
	s1 =	sshrl.u32 s1, $0x2  }
0xba: {  	s3 =	sand.u32 $0x4000, s31;
	s1 =	sadd.s32 s1, s30  }
0xbb: {  	s0 =	sor.u32 s3, s0;
	s1 =	sshll.u32 s1, $0x11  }
0xbc: {  	s0 =	sor.u32 s1, s0  }
0xbd: {  	s0 =	sadd.s32 $0x8F2B, s0  }
0xbe: {  	[sflag:s0] =	ssyncadd.remote.s32 $0x1  }
0xbf: {  	_ =	sfence.sel $0xFFFF  }
0xc0: {  	[dreg:$0x0] =	wrdreg $0xFFFFFFFF;
	(pc) =	sbr.abs _section_cstart, $3  }
0xc1: {  	[dreg:$0x1] =	wrdreg $0xFFFFFFFF  }
0xc2: {  	_ =	task.clear_ibuf [dreg:s7], $0x2FFFF;
	_ =	strace $0x9FFFFFFF  }
0xc3: {  	(tm) =	ssettm $0x7FFFFFFF  }
tec
execute0_lowered:
.L_overlay_start_1:
0x0: {  	(tag) =	ssettag $0x1  }
0x1: {  	s5 =	rddreg [dreg:$0x0]  }
0x2: {  	s0 =	stileid.u32;
	s6 =	rddreg [dreg:$0x1]  }
0x3: {  	s1 =	srdreg.scid;
	s2 =	rddreg [dreg:$0x2]  }
0x4: {  	s3 =	simm.s32 $0x0;
	s14 =	simm.s32 $0x14080;
	s15 =	simm.s32 $0x14100  }
0x5: {  	s16 =	simm.s32 $0x14180;
	s18 =	simm.s32 $0x5;
	s19 =	simm.s32 $0x14200  }
0x6: {  	s20 =	simm.s32 $0x1;
	s21 =	simm.s32 $0x80;
	s4 =	smul.u32 $0x14000, s0  }
0x7: {  	s22 =	simm.s32 $0x2;
	s23 =	simm.s32 $0x3;
	s11 =	smul.u32 $0x2C00, s0  }
0x8: {  	s24 =	simm.s32 $0x4;
	s7 =	sand.u32 $0x1, s1;
	s31 =	smul.u32 $0x50000, s0  }
0x9: {  	s25 =	simm.s32 $0x0;
	s1 =	rddreg [dreg:$0x3];
	s8 =	smul.u32 $0x140000, s7  }
0xa: {  	[smem:$0x7FF] =	sst s3;
	s13 =	sshll.u32 s0, $0x6;
	s9 =	smul.u32 $0x2C000, s7  }
0xb: {  	_ =	strace $0x80000047;
	s28 =	ssub.s32 $0x2, s7;
	s10 =	sshrl.u32 s4, $0x3  }
0xc: {  	s30 =	sshrl.u32 s28, $0x1;
	s10 =	sadd.s32 s10, s6;
	s8 =	sadd.s32 s4, s8  }
0xd: {  	s4 =	sadd.s32 $0x2A400, s6;
	s9 =	sadd.s32 s11, s9;
	s12 =	ssub.s32 s28, s30  }
0xe: {  	s8 =	sshrl.u32 s8, $0x3;
	s29 =	sshrl.u32 s9, $0x3;
	s9 =	sshrl.u32 s31, $0x2  }
0xf: {  	s12 =	smax.u32 s12, $0x1;
	s26 =	sadd.s32 s8, s6;
	s5 =	sadd.s32 s5, s29  }
0x10: {  	s17 =	sadd.s32 s9, s2;
	s9 =	sadd.s32 $0x2400, s10;
	s10 =	sor.u32 $0x1C05, s13  }
0x11: {  	s13 =	simm.s32 $0x14000;
	s6 =	sadd.s32 $0x10, s5;
	s7 =	sadd.s32 $0x20, s5  }
0x12: {  	s8 =	sadd.s32 $0x30, s5;
	s11 =	sadd.s32 $0x2AC00, s26;
	s17 =	sshrl.u32 s17, $0x3  }
.LBB2_1:
0x13: {  	[tilespmem:s13], [sflag:$0x1] =	stream.linear.gather [hbm4b:s5+s3], $0x80, $0x38;
	[tilespmem:$0x18200] =	vst v63  }
0x14: {  	_ = 	snop  }
0x15: {  	[tilespmem:s14], [sflag:$0x2] =	stream.linear.gather [hbm4b:s6+s3], $0x80, $0x38;
	[tilespmem:$0x18200] =	vst v63  }
0x16: {  	_ = 	snop  }
0x17: {  	[tilespmem:s15], [sflag:$0x3] =	stream.linear.gather [hbm4b:s7+s3], $0x80, $0x38;
	[tilespmem:$0x18200] =	vst v63  }
0x18: {  	_ = 	snop  }
0x19: {  	[tilespmem:s16], [sflag:$0x4] =	stream.linear.gather [hbm4b:s8+s3], $0x80, $0x38;
	[tilespmem:$0x18200] =	vst v63  }
0x1a: {  	[spmem:s17], [sflag:s10] =	dma.local [hbm:s9], $0x2800  }
0x1b: {  	_ =	swait.ge [sflag:s18], $0x2800  }
0x1c: {  	[sflag:s18] =	ssyncset.done $0x0  }
0x1d: {  	[sflag:s18] =	ssyncadd.s32 $0xFFFFD800  }
0x1e: {  	[tilespmem:s19], [sflag:$0x5] =	stream.linear.gather [hbm4b:s4+s3], $0x4000, $0x38;
	[tilespmem:$0x18200] =	vst v63  }
0x1f: {  	_ =	swait.ge [sflag:s18], $0x4000  }
0x20: {  	[sflag:s18] =	ssyncset.done $0x0  }
0x21: {  	[sflag:s18] =	ssyncadd.s32 $0xFFFFC000  }
0x22: {  	[bflag:$0x0] =	sbarrier.arrive $0xFFFF  }
0x23: {  	_ =	swait.ge [sflag:s20], $0x80  }
0x24: {  	[sflag:s20] =	ssyncset.done $0x0  }
0x25: {  	[sflag:s20] =	ssyncadd.s32 $0xFFFFFF80  }
0x26: {  	[spmem:s2] =	stream.indirect.scatter.add.f32 [tilespmem:s19], [sflag:$0x5], $0x80, s13, s21, $0xb8;
	[tilespmem:$0x18200] =	vst v63  }
0x27: {  	_ =	swait.ge [sflag:s18], $0x4000  }
0x28: {  	s28 =	sadd.s32 $0xFFFFFB00, s5;
	[sflag:s18] =	ssyncset.done $0x0  }
0x29: {  	s26 =	sadd.s32 $0x540, s28;
	[sflag:s18] =	ssyncadd.s32 $0xFFFFC000  }
0x2a: {  	[tilespmem:s13], [sflag:$0x1] =	stream.linear.gather [hbm4b:s26+s3], $0x80, $0x38;
	[tilespmem:$0x18200] =	vst v63  }
0x2b: {  	_ =	swait.ge [sflag:s22], $0x80  }
0x2c: {  	[sflag:s22] =	ssyncset.done $0x0  }
0x2d: {  	[sflag:s22] =	ssyncadd.s32 $0xFFFFFF80  }
0x2e: {  	[spmem:s2] =	stream.indirect.scatter.add.f32 [tilespmem:s19], [sflag:$0x5], $0x80, s14, s21, $0xb8;
	[tilespmem:$0x18200] =	vst v63  }
0x2f: {  	_ =	swait.ge [sflag:s18], $0x4000  }
0x30: {  	[sflag:s18] =	ssyncset.done $0x0  }
0x31: {  	s30 =	sadd.s32 $0x550, s28;
	[sflag:s18] =	ssyncadd.s32 $0xFFFFC000  }
0x32: {  	[tilespmem:s14], [sflag:$0x2] =	stream.linear.gather [hbm4b:s30+s3], $0x80, $0x38;
	[tilespmem:$0x18200] =	vst v63  }
0x33: {  	_ =	swait.ge [sflag:s23], $0x80  }
0x34: {  	[sflag:s23] =	ssyncset.done $0x0  }
0x35: {  	[sflag:s23] =	ssyncadd.s32 $0xFFFFFF80  }
0x36: {  	[spmem:s2] =	stream.indirect.scatter.add.f32 [tilespmem:s19], [sflag:$0x5], $0x80, s15, s21, $0xb8;
	[tilespmem:$0x18200] =	vst v63  }
0x37: {  	_ =	swait.ge [sflag:s18], $0x4000  }
0x38: {  	[sflag:s18] =	ssyncset.done $0x0  }
0x39: {  	s31 =	sadd.s32 $0x560, s28;
	[sflag:s18] =	ssyncadd.s32 $0xFFFFC000  }
0x3a: {  	[tilespmem:s15], [sflag:$0x3] =	stream.linear.gather [hbm4b:s31+s3], $0x80, $0x38;
	[tilespmem:$0x18200] =	vst v63  }
0x3b: {  	_ =	swait.ge [sflag:s24], $0x80  }
0x3c: {  	[sflag:s24] =	ssyncset.done $0x0  }
0x3d: {  	[sflag:s24] =	ssyncadd.s32 $0xFFFFFF80  }
0x3e: {  	[spmem:s2] =	stream.indirect.scatter.add.f32 [tilespmem:s19], [sflag:$0x5], $0x80, s16, s21, $0xb8;
	[tilespmem:$0x18200] =	vst v63  }
0x3f: {  	_ =	swait.ge [sflag:s18], $0x4000  }
0x40: {  	[sflag:s18] =	ssyncset.done $0x0  }
0x41: {  	s28 =	sadd.s32 $0x570, s28;
	s26 =	simm.s32 $0xFFFFFB40;
	[sflag:s18] =	ssyncadd.s32 $0xFFFFC000  }
.LBB2_2:
0x42: {  	[tilespmem:s16], [sflag:$0x4] =	stream.linear.gather [hbm4b:s28+s3], $0x80, $0x38;
	[tilespmem:$0x18200] =	vst v63  }
0x43: {  	s28 =	smov.u32 s26  }
0x44: {  	p0 =	sne.s32 s26, $0xFFFFFFC0;
	s26 =	sadd.s32 $0x40, s26;
	_ =	swait.ge [sflag:s20], $0x80  }
0x45: {  	[sflag:s20] =	ssyncset.done $0x0  }
0x46: {  	[sflag:s20] =	ssyncadd.s32 $0xFFFFFF80  }
0x47: {  	[spmem:s2] =	stream.indirect.scatter.add.f32 [tilespmem:s19], [sflag:$0x5], $0x80, s13, s21, $0xb8;
	[tilespmem:$0x18200] =	vst v63  }
0x48: {  	_ =	swait.ge [sflag:s18], $0x4000  }
0x49: {  	s28 =	sadd.s32 s28, s5;
	[sflag:s18] =	ssyncset.done $0x0  }
0x4a: {  	s29 =	sadd.s32 $0x540, s28;
	[sflag:s18] =	ssyncadd.s32 $0xFFFFC000  }
0x4b: {  	[tilespmem:s13], [sflag:$0x1] =	stream.linear.gather [hbm4b:s29+s3], $0x80, $0x38;
	[tilespmem:$0x18200] =	vst v63  }
0x4c: {  	_ =	swait.ge [sflag:s22], $0x80  }
0x4d: {  	[sflag:s22] =	ssyncset.done $0x0  }
0x4e: {  	[sflag:s22] =	ssyncadd.s32 $0xFFFFFF80  }
0x4f: {  	[spmem:s2] =	stream.indirect.scatter.add.f32 [tilespmem:s19], [sflag:$0x5], $0x80, s14, s21, $0xb8;
	[tilespmem:$0x18200] =	vst v63  }
0x50: {  	_ =	swait.ge [sflag:s18], $0x4000  }
0x51: {  	[sflag:s18] =	ssyncset.done $0x0  }
0x52: {  	s29 =	sadd.s32 $0x550, s28;
	[sflag:s18] =	ssyncadd.s32 $0xFFFFC000  }
0x53: {  	[tilespmem:s14], [sflag:$0x2] =	stream.linear.gather [hbm4b:s29+s3], $0x80, $0x38;
	[tilespmem:$0x18200] =	vst v63  }
0x54: {  	_ =	swait.ge [sflag:s23], $0x80  }
0x55: {  	[sflag:s23] =	ssyncset.done $0x0  }
0x56: {  	[sflag:s23] =	ssyncadd.s32 $0xFFFFFF80  }
0x57: {  	[spmem:s2] =	stream.indirect.scatter.add.f32 [tilespmem:s19], [sflag:$0x5], $0x80, s15, s21, $0xb8;
	[tilespmem:$0x18200] =	vst v63  }
0x58: {  	_ =	swait.ge [sflag:s18], $0x4000  }
0x59: {  	[sflag:s18] =	ssyncset.done $0x0  }
0x5a: {  	s29 =	sadd.s32 $0x560, s28;
	[sflag:s18] =	ssyncadd.s32 $0xFFFFC000  }
0x5b: {  	[tilespmem:s15], [sflag:$0x3] =	stream.linear.gather [hbm4b:s29+s3], $0x80, $0x38;
	[tilespmem:$0x18200] =	vst v63  }
0x5c: {  	_ =	swait.ge [sflag:s24], $0x80  }
0x5d: {  	[sflag:s24] =	ssyncset.done $0x0  }
.Ltmp0:
0x5e: {  	[sflag:s24] =	ssyncadd.s32 $0xFFFFFF80;
	(pc) =	sbr.rel @p0 .LBB2_2-.Ltmp0, $4  }
0x5f: {  	[spmem:s2] =	stream.indirect.scatter.add.f32 [tilespmem:s19], [sflag:$0x5], $0x80, s16, s21, $0xb8;
	[tilespmem:$0x18200] =	vst v63  }
0x60: {  	_ =	swait.ge [sflag:s18], $0x4000  }
0x61: {  	[sflag:s18] =	ssyncset.done $0x0  }
0x62: {  	s28 =	sadd.s32 $0x570, s28;
	[sflag:s18] =	ssyncadd.s32 $0xFFFFC000  }
0x63: {  	[tilespmem:s16], [sflag:$0x4] =	stream.linear.gather [hbm4b:s28+s3], $0x80, $0x38;
	[tilespmem:$0x18200] =	vst v63  }
0x64: {  	_ =	swait.ge [sflag:s20], $0x80  }
0x65: {  	[sflag:s20] =	ssyncset.done $0x0  }
0x66: {  	[sflag:s20] =	ssyncadd.s32 $0xFFFFFF80  }
0x67: {  	_ =	swait.ge [sflag:s22], $0x80  }
0x68: {  	[sflag:s22] =	ssyncset.done $0x0  }
0x69: {  	[sflag:s22] =	ssyncadd.s32 $0xFFFFFF80  }
0x6a: {  	_ =	swait.ge [sflag:s23], $0x80  }
0x6b: {  	[sflag:s23] =	ssyncset.done $0x0  }
0x6c: {  	[sflag:s23] =	ssyncadd.s32 $0xFFFFFF80  }
0x6d: {  	_ =	swait.ge [sflag:s24], $0x80  }
0x6e: {  	s25 =	sadd.s32 $0x1, s25;
	[sflag:s24] =	ssyncset.done $0x0  }
0x6f: {  	p0 =	sne.s32 s25, s12;
	[sflag:s24] =	ssyncadd.s32 $0xFFFFFF80  }
.Ltmp1:
0x70: {  	[bflag:$0x0] =	sbarrier.arrive $0xFFFF;
	(pc) =	sbr.rel @p0 .LBB2_1-.Ltmp1, $4  }
0x71: {  	[hbm:s11], [sflag:s10] =	dma.local [spmem:s17], $0x2800  }
0x72: {  	_ =	swait.ge [sflag:s18], $0x2800  }
0x73: {  	[sflag:s18] =	ssyncset.done $0x0  }
0x74: {  	[sflag:s18] =	ssyncadd.s32 $0xFFFFD800  }
0x75: {  	_ =	sfence.sel $0x180000  }
0x76: {  	[bflag:$0x0] =	sbarrier.arrive $0xFFFF  }
0x77: {  	p0 =	sne.s32 s0, $0x0;
	_ =	strace $0x90000047  }
0x78: {  	s0 =	sadd.s32 @!p0 $0x100000, s1;
	[bflag:$0x2] =	sbarrier.arrive $0xFFFF  }
0x79: {  	[sflag:s0] =	ssyncadd.tile.s32 @!p0 $0x1;
	_ =	shalt  }
.Lfunc_end2:
_tile_overlayer_lowered:
.L_overlay_start_2:
0x7a: {  	(tag) =	ssettag $0x2  }
0x7b: {  	s0 =	rddreg [dreg:$0x0];
	s2 =	stileid.u32  }
0x7c: {  	s1 =	rddreg [dreg:$0x1];
	p0 =	sne.s32 s2, $0x0  }
0x7d: {  	s3 =	rddreg [dreg:$0x2];
	[bflag:$0x3] =	sbarrier.arrive $0xFFFF;
	s2 =	simm.s32 @!p0 $0x1C05  }
0x7e: {  	[timem:s3], [sflag:s2] =	dma.local @!p0 [hbm:s0], s1  }
0x7f: {  	s0 =	simm.s32 @!p0 $0x5  }
0x80: {  	_ =	swait.ge @!p0 [sflag:s0], s1  }
0x81: {  	s1 =	ssub.s32 @!p0 $0x0, s1;
	[sflag:s0] =	ssyncset.done @!p0 $0x0  }
0x82: {  	[sflag:s0] =	ssyncadd.s32 @!p0 s1  }
0x83: {  	[bflag:$0x3] =	sbarrier.arrive $0xFFFF  }
0x84: {  	_ =	shalt  }

</sc_bundles>
